<compile_context>
chip_gen: v7x
topology: tpu7x:2x2x1
jax: 0.10.2.dev20260603
libtpu: 0.0.44.dev20260713+nightly
codegen_flags: <defaults>
</compile_context>

<pallas_src>
import functools

import jax
import jax.numpy as jnp
from jax import lax
from jax.experimental import pallas as pl
from jax.experimental.pallas import tpu as pltpu
from jax.experimental.pallas import tpu_sc as plsc

B = 16384
D = 64



def _make_sc_gather_one():
    info = plsc.get_sparse_core_info()
    nc, ns = info.num_cores, info.num_subcores
    nw = nc * ns
    bpw = B // nw
    mesh = plsc.VectorSubcoreMesh(core_axis_name="c", subcore_axis_name="s")

    chunk = 16
    nchunks = bpw // chunk

    @functools.partial(
        pl.kernel,
        mesh=mesh,
        out_type=jax.ShapeDtypeStruct((B, D), jnp.float32),
        scratch_types=(
            [pltpu.VMEM((bpw,), jnp.int32)]
            + [pltpu.VMEM((2, chunk, 8, D), jnp.float32)]
            + [pltpu.VMEM((bpw, D), jnp.float32)]
            + [pltpu.SemaphoreType.DMA] * 2
        ),
        compiler_params=pltpu.CompilerParams(needs_layout_passes=False),
    )
    def sc_gather(eh, ih, oh, ivr, tiles, rows, s0, s1):
        wid = lax.axis_index("s") * nc + lax.axis_index("c")
        base = wid * bpw
        lanes = lax.broadcasted_iota(jnp.int32, (16,), 0)
        pltpu.sync_copy(ih.at[pl.ds(base, bpw)], ivr)

        def table(eh, ivr, ohr):
            et = eh.reshape(eh.shape[0] // 8, 8, D)

            def issue(c, buf, sem):
                v = ivr[pl.ds(c * chunk, 16)]

                def row(l, _):
                    g = jnp.max(jnp.where(lanes == l,
                                          lax.shift_right_logical(v, 3), 0))
                    pltpu.async_copy(et.at[pl.ds(g, 1)],
                                     tiles.at[buf, pl.ds(l, 1)], sem)
                    return _
                lax.fori_loop(0, chunk, row, None, unroll=2)

            def drain(sem):
                pltpu.make_async_copy(et.at[pl.ds(0, chunk)],
                                      tiles.at[0], sem).wait()

            def extract(c, buf):
                v = ivr[pl.ds(c * chunk, 16)]

                def row(l, _):
                    sub = jnp.max(jnp.where(lanes == l,
                                            jnp.bitwise_and(v, 7), 0))
                    for j in range(D // 16):
                        rows[c * chunk + l, pl.ds(16 * j, 16)] = (
                            tiles[buf, l, sub, pl.ds(16 * j, 16)])
                    return _
                lax.fori_loop(0, chunk, row, None, unroll=2)

            def pair(c2, _):
                c = 2 * c2
                issue(c, 0, s0)

                @pl.when(c2 > 0)
                def _finish_prev_odd():
                    drain(s1)
                    extract(c - 1, 1)

                issue(c + 1, 1, s1)
                drain(s0)
                extract(c, 0)
                return _

            lax.fori_loop(0, nchunks // 2, pair, None)
            drain(s1)
            extract(nchunks - 1, 1)
            pltpu.sync_copy(rows, ohr.at[pl.ds(base, bpw)])

        table(eh, ivr, oh)

    return sc_gather


_sc_gather_one = _make_sc_gather_one()



_BLK = 512


def _tc_body(x_ref, e1_ref, e2_ref, e3_ref,
             w1, b1, w2, b2, w3, b3,
             t1a, t1b, tb1, t2, tb2, t3, tb3,
             out_ref):
    f32 = jnp.float32
    x = x_ref[...]
    h = jnp.maximum(jnp.dot(x, w1[...], preferred_element_type=f32) + b1[...], 0.0)
    h = jnp.maximum(jnp.dot(h, w2[...], preferred_element_type=f32) + b2[...], 0.0)
    xd = jnp.dot(h, w3[...], preferred_element_type=f32) + b3[...]

    e1 = e1_ref[...]
    e2 = e2_ref[...]
    e3 = e3_ref[...]
    s01 = jnp.sum(xd * e1, axis=1, keepdims=True)
    s02 = jnp.sum(xd * e2, axis=1, keepdims=True)
    s03 = jnp.sum(xd * e3, axis=1, keepdims=True)
    s12 = jnp.sum(e1 * e2, axis=1, keepdims=True)
    s13 = jnp.sum(e1 * e3, axis=1, keepdims=True)
    s23 = jnp.sum(e2 * e3, axis=1, keepdims=True)

    t1bm = t1b[...]
    z = jnp.dot(xd, t1a[...], preferred_element_type=f32) + tb1[...]
    z = (z + s01 * t1bm[0:1, :] + s02 * t1bm[1:2, :] + s03 * t1bm[2:3, :]
         + s12 * t1bm[3:4, :] + s13 * t1bm[4:5, :] + s23 * t1bm[5:6, :])
    z = jnp.maximum(z, 0.0)
    z = jnp.maximum(jnp.dot(z, t2[...], preferred_element_type=f32) + tb2[...], 0.0)
    out = jnp.dot(z, t3[...], preferred_element_type=f32) + tb3[...]
    out_ref[...] = jax.nn.sigmoid(out)


def _full(shape):
    return pl.BlockSpec(shape, lambda i: (0,) * len(shape))


def _tc_fused(dense_x, e1, e2, e3, W1, b1, W2, b2, W3, b3,
              T1a, T1b, tb1, T2, tb2, T3, tb3):
    grid = (B // _BLK,)
    bspec = lambda w: pl.BlockSpec((_BLK, w), lambda i: (i, 0))
    return pl.pallas_call(
        _tc_body,
        grid=grid,
        in_specs=[
            bspec(13), bspec(D), bspec(D), bspec(D),
            _full(W1.shape), _full(b1.shape), _full(W2.shape), _full(b2.shape),
            _full(W3.shape), _full(b3.shape),
            _full(T1a.shape), _full(T1b.shape), _full(tb1.shape),
            _full(T2.shape), _full(tb2.shape), _full(T3.shape), _full(tb3.shape),
        ],
        out_specs=pl.BlockSpec((_BLK, 1), lambda i: (i, 0)),
        out_shape=jax.ShapeDtypeStruct((B, 1), jnp.float32),
        compiler_params=pltpu.CompilerParams(
            dimension_semantics=("parallel",)),
    )(dense_x, e1, e2, e3, W1, b1, W2, b2, W3, b3,
      T1a, T1b, tb1, T2, tb2, T3, tb3)


def kernel(dense_x, idx1, off1, idx2, off2, idx3, off3,
           W1, b1, W2, b2, W3, b3, E1, E2, E3, T1, tb1, T2, tb2, T3, tb3):
    del off1, off2, off3
    i1 = idx1.astype(jnp.int32)
    i2 = idx2.astype(jnp.int32)
    i3 = idx3.astype(jnp.int32)
    e3 = _sc_gather_one(E3, i3)
    e1 = _sc_gather_one(E1, i1)
    e2 = _sc_gather_one(E2, i2)
    return _tc_fused(
        dense_x, e1, e2, e3,
        W1, b1.reshape(1, -1), W2, b2.reshape(1, -1), W3, b3.reshape(1, -1),
        T1[:D], T1[D:], tb1.reshape(1, -1), T2, tb2.reshape(1, -1),
        T3, tb3.reshape(1, -1))

# --- scband reference (transcript-rebuilt; emitter-appended) ---
"""Pipeline reference for scband-dlrm-12077448036626 (READ-ONLY COPY).

The authoritative reference and input builder live on the scoring server;
editing this copy changes nothing except your own understanding.
"""

import jax, jax.numpy as jnp
import numpy as np

B = 16384
DENSE = 13
D = 64
V1 = 1000000
V2 = 1000000
V3 = 100000


def _lin_init(key, fan_in, fan_out):
    k1, k2 = jax.random.split(key)
    bound = 1.0 / np.sqrt(fan_in)
    W = jax.random.uniform(k1, (fan_in, fan_out), minval=-bound, maxval=bound, dtype=jnp.float32)
    b = jax.random.uniform(k2, (fan_out,), minval=-bound, maxval=bound, dtype=jnp.float32)
    return W, b


def setup_inputs(seed: int = 0):
    key = jax.random.key(seed)
    ks = jax.random.split(key, 16)
    inp = {}
    inp['dense_x'] = jax.random.normal(ks[0], (B, DENSE), dtype=jnp.float32)
    inp['idx1'] = jax.random.randint(ks[1], (B,), 0, V1, dtype=jnp.int64) if jax.config.jax_enable_x64 else jax.random.randint(ks[1], (B,), 0, V1).astype(jnp.int32)
    inp['off1'] = jnp.arange(B, dtype=jnp.int32)
    inp['idx2'] = jax.random.randint(ks[2], (B,), 0, V2).astype(jnp.int32)
    inp['off2'] = jnp.arange(B, dtype=jnp.int32)
    inp['idx3'] = jax.random.randint(ks[3], (B,), 0, V3).astype(jnp.int32)
    inp['off3'] = jnp.arange(B, dtype=jnp.int32)
    # bottom MLP params
    inp['W1'], inp['b1'] = _lin_init(ks[4], DENSE, 512)
    inp['W2'], inp['b2'] = _lin_init(ks[5], 512, 256)
    inp['W3'], inp['b3'] = _lin_init(ks[6], 256, D)
    # embedding tables
    inp['E1'] = jax.random.normal(ks[7], (V1, D), dtype=jnp.float32) * 0.01
    inp['E2'] = jax.random.normal(ks[8], (V2, D), dtype=jnp.float32) * 0.01
    inp['E3'] = jax.random.normal(ks[9], (V3, D), dtype=jnp.float32) * 0.01
    # top MLP params (input dim D + 6)
    inp['T1'], inp['tb1'] = _lin_init(ks[10], D + 6, 512)
    inp['T2'], inp['tb2'] = _lin_init(ks[11], 512, 256)
    inp['T3'], inp['tb3'] = _lin_init(ks[12], 256, 1)
    return inp


def _embedding_bag_sum(table, idx, off, batch):
    # segment id for each index position: number of offsets <= i, minus 1
    n = idx.shape[0]
    seg = jnp.searchsorted(off, jnp.arange(n), side='right') - 1
    gathered = jnp.take(table, idx, axis=0)
    return jax.ops.segment_sum(gathered, seg, num_segments=batch)


def reference(dense_x, idx1, off1, idx2, off2, idx3, off3,
              W1, b1, W2, b2, W3, b3, E1, E2, E3, T1, tb1, T2, tb2, T3, tb3):
    # bottom MLP
    h = jax.nn.relu(dense_x @ W1 + b1)
    h = jax.nn.relu(h @ W2 + b2)
    x = h @ W3 + b3  # (B, D)
    # embedding bags (sum mode)
    e1 = _embedding_bag_sum(E1, idx1, off1, dense_x.shape[0])
    e2 = _embedding_bag_sum(E2, idx2, off2, dense_x.shape[0])
    e3 = _embedding_bag_sum(E3, idx3, off3, dense_x.shape[0])
    # feature interaction
    T = jnp.stack((x, e1, e2, e3), axis=1)  # (B, 4, D)
    Z = jnp.einsum('bid,bjd->bij', T, T)  # (B, 4, 4)
    li = jnp.array([0, 0, 0, 1, 1, 2])
    lj = jnp.array([1, 2, 3, 2, 3, 3])
    interactions = Z[:, li, lj]  # (B, 6)
    z = jnp.concatenate((x, interactions), axis=1)  # (B, D+6)
    # top MLP
    t = jax.nn.relu(z @ T1 + tb1)
    t = jax.nn.relu(t @ T2 + tb2)
    return jax.nn.sigmoid(t @ T3 + tb3)  # (B, 1)

if __name__ == "__main__":
    import jax
    _d = setup_inputs()
    print(jax.jit(kernel)(*tuple(_d.values())))

</pallas_src>

<mosaic_0001>
#map = affine_map<(d0, d1) -> (0, 0)>
#map1 = affine_map<(d0, d1) -> (0)>
module attributes {stable_mosaic.version = 14 : i64} {
  func.func @sc_gather(%arg0: i32, %arg1: i32, %arg2: memref<1000000x64xf32, #tpu.memory_space<hbm>>, %arg3: memref<16384xi32, #tpu.memory_space<hbm>>, %arg4: memref<16384x64xf32, #tpu.memory_space<hbm>>, %arg5: memref<512xi32, #tpu.memory_space<vmem>>, %arg6: memref<2x16x8x64xf32, #tpu.memory_space<vmem>>, %arg7: memref<512x64xf32, #tpu.memory_space<vmem>>, %arg8: memref<!tpu.dma_semaphore, #tpu.memory_space<semaphore_mem>>, %arg9: memref<!tpu.dma_semaphore, #tpu.memory_space<semaphore_mem>>) attributes {dimension_semantics = [#tpu.dimension_semantics<core_parallel>, #tpu.dimension_semantics<subcore_parallel>], iteration_bounds = array<i64: 2, 16>, scalar_prefetch = 0 : i64, scratch_operands = 5 : i64, tpu.core_type = #tpu.core_type<sc_vector_subcore>, window_params = [{transform_indices = #map}, {transform_indices = #map1}, {transform_indices = #map}]} {
    %mul3A = arith.constant 2 : i32
    %mul3A_0 = arith.muli %arg1, %mul3A : i32
    %add3A = arith.addi %mul3A_0, %arg0 : i32
    %mul3A_1 = arith.constant 512 : i32
    %mul3A_2 = arith.muli %add3A, %mul3A_1 : i32
    %iota3A = tpu.iota {dimensions = array<i32: 0>} : vector<16xi32>
    "tpu.region"() ({
      %run_scoped3A = tpu.sem_alloc : memref<!tpu.dma_semaphore, #tpu.memory_space<semaphore_mem>>
      %dma_start3A = tpu.memref_slice %arg3[%mul3A_2] : memref<16384xi32, #tpu.memory_space<hbm>> -> memref<512xi32, #tpu.memory_space<hbm>>
      %dma_start3A_33 = tpu.memref_slice %arg3[%mul3A_2] : memref<16384xi32, #tpu.memory_space<hbm>> -> memref<512xi32, #tpu.memory_space<hbm>>
      tpu.enqueue_dma source(%dma_start3A_33 : memref<512xi32, #tpu.memory_space<hbm>>) target(%arg5 : memref<512xi32, #tpu.memory_space<vmem>>) target_semaphore(%run_scoped3A : memref<!tpu.dma_semaphore, #tpu.memory_space<semaphore_mem>>)
      %dma_wait3A_34 = tpu.memref_slice %arg3[%mul3A_2] : memref<16384xi32, #tpu.memory_space<hbm>> -> memref<512xi32, #tpu.memory_space<hbm>>
      %dma_wait3A_35 = tpu.memref_slice %arg3[%mul3A_2] : memref<16384xi32, #tpu.memory_space<hbm>> -> memref<512xi32, #tpu.memory_space<hbm>>
      tpu.wait_dma2 semaphore(%run_scoped3A : memref<!tpu.dma_semaphore, #tpu.memory_space<semaphore_mem>>) src(%dma_wait3A_35 : memref<512xi32, #tpu.memory_space<hbm>>) dst(%arg5 : memref<512xi32, #tpu.memory_space<vmem>>)
      tpu.yield
    }) : () -> ()
    %scan3A = arith.constant 0 : i32
    %scan3A_3 = arith.constant 16 : i32
    %scan3A_4 = arith.addi %scan3A, %scan3A_3 : i32
    %scan3A_5 = arith.constant 1 : i32
    scf.for %scan3A_33 = %scan3A to %scan3A_4 step %scan3A_5  : i32 {
      %mul3A_34 = arith.constant 2 : i32
      %mul3A_35 = arith.muli %mul3A_34, %scan3A_33 : i32
      %mul3A_36 = arith.constant 16 : i32
      %mul3A_37 = arith.muli %mul3A_35, %mul3A_36 : i32
      %get3A_38 = arith.index_cast %mul3A_37 : i32 to index
      %get3A_39 = tpu.vector_load %arg5[%get3A_38] {strides = array<i32>} : memref<512xi32, #tpu.memory_space<vmem>>, vector<16xi32>,
      %scan3A_40 = arith.constant 0 : i32
      %scan3A_41 = arith.constant 16 : i32
      %scan3A_42 = arith.addi %scan3A_40, %scan3A_41 : i32
      %scan3A_43 = arith.constant 2 : i32
      scf.for %scan3A_88 = %scan3A_40 to %scan3A_42 step %scan3A_43  : i32 {
        %eq3A = vector.broadcast %scan3A_88 : i32 to vector<16xi32>
        %eq3A_89 = arith.cmpi eq, %iota3A, %eq3A : vector<16xi32>
        %shift_right_logical3A = arith.constant 3 : i32
        %shift_right_logical3A_90 = vector.broadcast %shift_right_logical3A : i32 to vector<16xi32>
        %shift_right_logical3A_91 = arith.shrui %get3A_39, %shift_right_logical3A_90 : vector<16xi32>
        %jit3A = arith.constant 0 : i32
        %broadcast_in_dim3A = vector.broadcast %jit3A : i32 to vector<16xi32>
        %select_n3A = arith.select %eq3A_89, %shift_right_logical3A_91, %broadcast_in_dim3A : vector<16xi1>, vector<16xi32>
        %reduce_max3A = arith.constant true
        %reduce_max3A_92 = vector.broadcast %reduce_max3A : i1 to vector<16xi1>
        %reduce_max3A_93 = arith.constant -2147483648 : i32
        %reduce_max3A_94 = vector.broadcast %reduce_max3A_93 : i32 to vector<16xi32>
        %reduce_max3A_95 = arith.xori %select_n3A, %reduce_max3A_94 : vector<16xi32>
        %reduce_max3A_96 = tpu.scan <max>, %reduce_max3A_95 masked %reduce_max3A_92 : vector<16xi32>, vector<16xi1> -> vector<16xi32>
        %reduce_max3A_97 = arith.xori %reduce_max3A_96, %reduce_max3A_94 : vector<16xi32>
        %reduce_max3A_98 = vector.extract %reduce_max3A_97[15] : i32 from vector<16xi32>
        %dma_start3A = arith.constant 0 : i32
        %dma_start3A_99 = arith.constant 0 : i32
        %dma_start3A_100 = arith.constant 0 : i32
        %dma_start3A_101 = tpu.memref_slice %arg6[%dma_start3A, %scan3A_88, %dma_start3A_99, %dma_start3A_100] : memref<2x16x8x64xf32, #tpu.memory_space<vmem>> -> memref<1x1x8x64xf32, #tpu.memory_space<vmem>>
        %dma_start3A_102 = tpu.memref_squeeze %dma_start3A_101 : memref<1x1x8x64xf32, #tpu.memory_space<vmem>> -> memref<1x8x64xf32, #tpu.memory_space<vmem>>
        %dma_start3A_103 = tpu.memref_reshape %arg2 : memref<1000000x64xf32, #tpu.memory_space<hbm>> -> memref<125000x8x64xf32, #tpu.memory_space<hbm>>
        %dma_start3A_104 = arith.constant 0 : i32
        %dma_start3A_105 = arith.constant 0 : i32
        %dma_start3A_106 = tpu.memref_slice %dma_start3A_103[%reduce_max3A_98, %dma_start3A_104, %dma_start3A_105] : memref<125000x8x64xf32, #tpu.memory_space<hbm>> -> memref<1x8x64xf32, #tpu.memory_space<hbm>>
        %dma_start3A_107 = arith.constant 0 : i32
        %dma_start3A_108 = arith.constant 0 : i32
        %dma_start3A_109 = tpu.memref_slice %arg6[%dma_start3A, %scan3A_88, %dma_start3A_107, %dma_start3A_108] : memref<2x16x8x64xf32, #tpu.memory_space<vmem>> -> memref<1x1x8x64xf32, #tpu.memory_space<vmem>>
        %dma_start3A_110 = tpu.memref_squeeze %dma_start3A_109 : memref<1x1x8x64xf32, #tpu.memory_space<vmem>> -> memref<1x8x64xf32, #tpu.memory_space<vmem>>
        %dma_start3A_111 = tpu.memref_reshape %arg2 : memref<1000000x64xf32, #tpu.memory_space<hbm>> -> memref<125000x8x64xf32, #tpu.memory_space<hbm>>
        %dma_start3A_112 = arith.constant 0 : i32
        %dma_start3A_113 = arith.constant 0 : i32
        %dma_start3A_114 = tpu.memref_slice %dma_start3A_111[%reduce_max3A_98, %dma_start3A_112, %dma_start3A_113] : memref<125000x8x64xf32, #tpu.memory_space<hbm>> -> memref<1x8x64xf32, #tpu.memory_space<hbm>>
        tpu.enqueue_dma source(%dma_start3A_114 : memref<1x8x64xf32, #tpu.memory_space<hbm>>) target(%dma_start3A_110 : memref<1x8x64xf32, #tpu.memory_space<vmem>>) target_semaphore(%arg8 : memref<!tpu.dma_semaphore, #tpu.memory_space<semaphore_mem>>)
        %scan3A_115 = arith.constant 1 : i32
        %scan3A_116 = arith.addi %scan3A_88, %scan3A_115 : i32
        %eq3A_117 = vector.broadcast %scan3A_116 : i32 to vector<16xi32>
        %eq3A_118 = arith.cmpi eq, %iota3A, %eq3A_117 : vector<16xi32>
        %shift_right_logical3A_119 = arith.constant 3 : i32
        %shift_right_logical3A_120 = vector.broadcast %shift_right_logical3A_119 : i32 to vector<16xi32>
        %shift_right_logical3A_121 = arith.shrui %get3A_39, %shift_right_logical3A_120 : vector<16xi32>
        %jit3A_122 = arith.constant 0 : i32
        %broadcast_in_dim3A_123 = vector.broadcast %jit3A_122 : i32 to vector<16xi32>
        %select_n3A_124 = arith.select %eq3A_118, %shift_right_logical3A_121, %broadcast_in_dim3A_123 : vector<16xi1>, vector<16xi32>
        %reduce_max3A_125 = arith.constant true
        %reduce_max3A_126 = vector.broadcast %reduce_max3A_125 : i1 to vector<16xi1>
        %reduce_max3A_127 = arith.constant -2147483648 : i32
        %reduce_max3A_128 = vector.broadcast %reduce_max3A_127 : i32 to vector<16xi32>
        %reduce_max3A_129 = arith.xori %select_n3A_124, %reduce_max3A_128 : vector<16xi32>
        %reduce_max3A_130 = tpu.scan <max>, %reduce_max3A_129 masked %reduce_max3A_126 : vector<16xi32>, vector<16xi1> -> vector<16xi32>
        %reduce_max3A_131 = arith.xori %reduce_max3A_130, %reduce_max3A_128 : vector<16xi32>
        %reduce_max3A_132 = vector.extract %reduce_max3A_131[15] : i32 from vector<16xi32>
        %dma_start3A_133 = arith.constant 0 : i32
        %dma_start3A_134 = arith.constant 0 : i32
        %dma_start3A_135 = arith.constant 0 : i32
        %dma_start3A_136 = tpu.memref_slice %arg6[%dma_start3A_133, %scan3A_116, %dma_start3A_134, %dma_start3A_135] : memref<2x16x8x64xf32, #tpu.memory_space<vmem>> -> memref<1x1x8x64xf32, #tpu.memory_space<vmem>>
        %dma_start3A_137 = tpu.memref_squeeze %dma_start3A_136 : memref<1x1x8x64xf32, #tpu.memory_space<vmem>> -> memref<1x8x64xf32, #tpu.memory_space<vmem>>
        %dma_start3A_138 = tpu.memref_reshape %arg2 : memref<1000000x64xf32, #tpu.memory_space<hbm>> -> memref<125000x8x64xf32, #tpu.memory_space<hbm>>
        %dma_start3A_139 = arith.constant 0 : i32
        %dma_start3A_140 = arith.constant 0 : i32
        %dma_start3A_141 = tpu.memref_slice %dma_start3A_138[%reduce_max3A_132, %dma_start3A_139, %dma_start3A_140] : memref<125000x8x64xf32, #tpu.memory_space<hbm>> -> memref<1x8x64xf32, #tpu.memory_space<hbm>>
        %dma_start3A_142 = arith.constant 0 : i32
        %dma_start3A_143 = arith.constant 0 : i32
        %dma_start3A_144 = tpu.memref_slice %arg6[%dma_start3A_133, %scan3A_116, %dma_start3A_142, %dma_start3A_143] : memref<2x16x8x64xf32, #tpu.memory_space<vmem>> -> memref<1x1x8x64xf32, #tpu.memory_space<vmem>>
        %dma_start3A_145 = tpu.memref_squeeze %dma_start3A_144 : memref<1x1x8x64xf32, #tpu.memory_space<vmem>> -> memref<1x8x64xf32, #tpu.memory_space<vmem>>
        %dma_start3A_146 = tpu.memref_reshape %arg2 : memref<1000000x64xf32, #tpu.memory_space<hbm>> -> memref<125000x8x64xf32, #tpu.memory_space<hbm>>
        %dma_start3A_147 = arith.constant 0 : i32
        %dma_start3A_148 = arith.constant 0 : i32
        %dma_start3A_149 = tpu.memref_slice %dma_start3A_146[%reduce_max3A_132, %dma_start3A_147, %dma_start3A_148] : memref<125000x8x64xf32, #tpu.memory_space<hbm>> -> memref<1x8x64xf32, #tpu.memory_space<hbm>>
        tpu.enqueue_dma source(%dma_start3A_149 : memref<1x8x64xf32, #tpu.memory_space<hbm>>) target(%dma_start3A_145 : memref<1x8x64xf32, #tpu.memory_space<vmem>>) target_semaphore(%arg8 : memref<!tpu.dma_semaphore, #tpu.memory_space<semaphore_mem>>)
      }
      %scan3A_44 = arith.constant 16 : i32
      %gt3A = arith.constant 0 : i32
      %gt3A_45 = arith.cmpi sgt, %scan3A_33, %gt3A : i32
      %convert_element_type3A = arith.extui %gt3A_45 : i1 to i32
      %cond3A = arith.constant 0 : i32
      %cond3A_46 = arith.cmpi ne, %convert_element_type3A, %cond3A : i32
      scf.if %cond3A_46 {
        %dma_wait3A_88 = arith.constant 0 : i32
        %dma_wait3A_89 = arith.constant 0 : i32
        %dma_wait3A_90 = arith.constant 0 : i32
        %dma_wait3A_91 = arith.constant 0 : i32
        %dma_wait3A_92 = tpu.memref_slice %arg6[%dma_wait3A_88, %dma_wait3A_89, %dma_wait3A_90, %dma_wait3A_91] : memref<2x16x8x64xf32, #tpu.memory_space<vmem>> -> memref<1x16x8x64xf32, #tpu.memory_space<vmem>>
        %dma_wait3A_93 = tpu.memref_squeeze %dma_wait3A_92 : memref<1x16x8x64xf32, #tpu.memory_space<vmem>> -> memref<16x8x64xf32, #tpu.memory_space<vmem>>
        %dma_wait3A_94 = tpu.memref_reshape %arg2 : memref<1000000x64xf32, #tpu.memory_space<hbm>> -> memref<125000x8x64xf32, #tpu.memory_space<hbm>>
        %dma_wait3A_95 = arith.constant 0 : i32
        %dma_wait3A_96 = arith.constant 0 : i32
        %dma_wait3A_97 = arith.constant 0 : i32
        %dma_wait3A_98 = tpu.memref_slice %dma_wait3A_94[%dma_wait3A_95, %dma_wait3A_96, %dma_wait3A_97] : memref<125000x8x64xf32, #tpu.memory_space<hbm>> -> memref<16x8x64xf32, #tpu.memory_space<hbm>>
        %dma_wait3A_99 = arith.constant 0 : i32
        %dma_wait3A_100 = arith.constant 0 : i32
        %dma_wait3A_101 = arith.constant 0 : i32
        %dma_wait3A_102 = tpu.memref_slice %arg6[%dma_wait3A_88, %dma_wait3A_99, %dma_wait3A_100, %dma_wait3A_101] : memref<2x16x8x64xf32, #tpu.memory_space<vmem>> -> memref<1x16x8x64xf32, #tpu.memory_space<vmem>>
        %dma_wait3A_103 = tpu.memref_squeeze %dma_wait3A_102 : memref<1x16x8x64xf32, #tpu.memory_space<vmem>> -> memref<16x8x64xf32, #tpu.memory_space<vmem>>
        %dma_wait3A_104 = tpu.memref_reshape %arg2 : memref<1000000x64xf32, #tpu.memory_space<hbm>> -> memref<125000x8x64xf32, #tpu.memory_space<hbm>>
        %dma_wait3A_105 = arith.constant 0 : i32
        %dma_wait3A_106 = arith.constant 0 : i32
        %dma_wait3A_107 = arith.constant 0 : i32
        %dma_wait3A_108 = tpu.memref_slice %dma_wait3A_104[%dma_wait3A_105, %dma_wait3A_106, %dma_wait3A_107] : memref<125000x8x64xf32, #tpu.memory_space<hbm>> -> memref<16x8x64xf32, #tpu.memory_space<hbm>>
        tpu.wait_dma2 semaphore(%arg9 : memref<!tpu.dma_semaphore, #tpu.memory_space<semaphore_mem>>) src(%dma_wait3A_108 : memref<16x8x64xf32, #tpu.memory_space<hbm>>) dst(%dma_wait3A_103 : memref<16x8x64xf32, #tpu.memory_space<vmem>>)
        %sub3A = arith.constant 1 : i32
        %sub3A_109 = arith.subi %mul3A_35, %sub3A : i32
        %mul3A_110 = arith.constant 16 : i32
        %mul3A_111 = arith.muli %sub3A_109, %mul3A_110 : i32
        %get3A_112 = arith.index_cast %mul3A_111 : i32 to index
        %get3A_113 = tpu.vector_load %arg5[%get3A_112] {strides = array<i32>} : memref<512xi32, #tpu.memory_space<vmem>>, vector<16xi32>,
        %scan3A_114 = arith.constant 0 : i32
        %scan3A_115 = arith.constant 16 : i32
        %scan3A_116 = arith.addi %scan3A_114, %scan3A_115 : i32
        %scan3A_117 = arith.constant 2 : i32
        scf.for %scan3A_119 = %scan3A_114 to %scan3A_116 step %scan3A_117  : i32 {
          %eq3A = vector.broadcast %scan3A_119 : i32 to vector<16xi32>
          %eq3A_120 = arith.cmpi eq, %iota3A, %eq3A : vector<16xi32>
          %and3A = arith.constant 7 : i32
          %and3A_121 = vector.broadcast %and3A : i32 to vector<16xi32>
          %and3A_122 = arith.andi %get3A_113, %and3A_121 : vector<16xi32>
          %jit3A = arith.constant 0 : i32
          %broadcast_in_dim3A = vector.broadcast %jit3A : i32 to vector<16xi32>
          %select_n3A = arith.select %eq3A_120, %and3A_122, %broadcast_in_dim3A : vector<16xi1>, vector<16xi32>
          %reduce_max3A = arith.constant true
          %reduce_max3A_123 = vector.broadcast %reduce_max3A : i1 to vector<16xi1>
          %reduce_max3A_124 = arith.constant -2147483648 : i32
          %reduce_max3A_125 = vector.broadcast %reduce_max3A_124 : i32 to vector<16xi32>
          %reduce_max3A_126 = arith.xori %select_n3A, %reduce_max3A_125 : vector<16xi32>
          %reduce_max3A_127 = tpu.scan <max>, %reduce_max3A_126 masked %reduce_max3A_123 : vector<16xi32>, vector<16xi1> -> vector<16xi32>
          %reduce_max3A_128 = arith.xori %reduce_max3A_127, %reduce_max3A_125 : vector<16xi32>
          %reduce_max3A_129 = vector.extract %reduce_max3A_128[15] : i32 from vector<16xi32>
          %get3A_130 = arith.constant 1 : i32
          %get3A_131 = arith.index_cast %get3A_130 : i32 to index
          %get3A_132 = arith.index_cast %scan3A_119 : i32 to index
          %get3A_133 = arith.index_cast %reduce_max3A_129 : i32 to index
          %get3A_134 = arith.constant 0 : index
          %get3A_135 = tpu.vector_load %arg6[%get3A_131, %get3A_132, %get3A_133, %get3A_134] {strides = array<i32>} : memref<2x16x8x64xf32, #tpu.memory_space<vmem>>, vector<16xf32>,
          %mul3A_136 = arith.constant 16 : i32
          %mul3A_137 = arith.muli %sub3A_109, %mul3A_136 : i32
          %add3A_138 = arith.addi %mul3A_137, %scan3A_119 : i32
          %swap3A = arith.index_cast %add3A_138 : i32 to index
          %swap3A_139 = arith.constant 0 : index
          %swap3A_140 = tpu.vector_load %arg7[%swap3A, %swap3A_139] {strides = array<i32>} : memref<512x64xf32, #tpu.memory_space<vmem>>, vector<16xf32>,
          tpu.vector_store %arg7[%swap3A, %swap3A_139], %get3A_135 {strides = array<i32>} : memref<512x64xf32, #tpu.memory_space<vmem>>, vector<16xf32>,
          %get3A_141 = arith.constant 1 : i32
          %get3A_142 = arith.index_cast %get3A_141 : i32 to index
          %get3A_143 = arith.index_cast %scan3A_119 : i32 to index
          %get3A_144 = arith.index_cast %reduce_max3A_129 : i32 to index
          %get3A_145 = arith.constant 16 : index
          %get3A_146 = tpu.vector_load %arg6[%get3A_142, %get3A_143, %get3A_144, %get3A_145] {strides = array<i32>} : memref<2x16x8x64xf32, #tpu.memory_space<vmem>>, vector<16xf32>,
          %mul3A_147 = arith.constant 16 : i32
          %mul3A_148 = arith.muli %sub3A_109, %mul3A_147 : i32
          %add3A_149 = arith.addi %mul3A_148, %scan3A_119 : i32
          %swap3A_150 = arith.index_cast %add3A_149 : i32 to index
          %swap3A_151 = arith.constant 16 : index
          %swap3A_152 = tpu.vector_load %arg7[%swap3A_150, %swap3A_151] {strides = array<i32>} : memref<512x64xf32, #tpu.memory_space<vmem>>, vector<16xf32>,
          tpu.vector_store %arg7[%swap3A_150, %swap3A_151], %get3A_146 {strides = array<i32>} : memref<512x64xf32, #tpu.memory_space<vmem>>, vector<16xf32>,
          %get3A_153 = arith.constant 1 : i32
          %get3A_154 = arith.index_cast %get3A_153 : i32 to index
          %get3A_155 = arith.index_cast %scan3A_119 : i32 to index
          %get3A_156 = arith.index_cast %reduce_max3A_129 : i32 to index
          %get3A_157 = arith.constant 32 : index
          %get3A_158 = tpu.vector_load %arg6[%get3A_154, %get3A_155, %get3A_156, %get3A_157] {strides = array<i32>} : memref<2x16x8x64xf32, #tpu.memory_space<vmem>>, vector<16xf32>,
          %mul3A_159 = arith.constant 16 : i32
          %mul3A_160 = arith.muli %sub3A_109, %mul3A_159 : i32
          %add3A_161 = arith.addi %mul3A_160, %scan3A_119 : i32
          %swap3A_162 = arith.index_cast %add3A_161 : i32 to index
          %swap3A_163 = arith.constant 32 : index
          %swap3A_164 = tpu.vector_load %arg7[%swap3A_162, %swap3A_163] {strides = array<i32>} : memref<512x64xf32, #tpu.memory_space<vmem>>, vector<16xf32>,
          tpu.vector_store %arg7[%swap3A_162, %swap3A_163], %get3A_158 {strides = array<i32>} : memref<512x64xf32, #tpu.memory_space<vmem>>, vector<16xf32>,
          %get3A_165 = arith.constant 1 : i32
          %get3A_166 = arith.index_cast %get3A_165 : i32 to index
          %get3A_167 = arith.index_cast %scan3A_119 : i32 to index
          %get3A_168 = arith.index_cast %reduce_max3A_129 : i32 to index
          %get3A_169 = arith.constant 48 : index
          %get3A_170 = tpu.vector_load %arg6[%get3A_166, %get3A_167, %get3A_168, %get3A_169] {strides = array<i32>} : memref<2x16x8x64xf32, #tpu.memory_space<vmem>>, vector<16xf32>,
          %mul3A_171 = arith.constant 16 : i32
          %mul3A_172 = arith.muli %sub3A_109, %mul3A_171 : i32
          %add3A_173 = arith.addi %mul3A_172, %scan3A_119 : i32
          %swap3A_174 = arith.index_cast %add3A_173 : i32 to index
          %swap3A_175 = arith.constant 48 : index
          %swap3A_176 = tpu.vector_load %arg7[%swap3A_174, %swap3A_175] {strides = array<i32>} : memref<512x64xf32, #tpu.memory_space<vmem>>, vector<16xf32>,
          tpu.vector_store %arg7[%swap3A_174, %swap3A_175], %get3A_170 {strides = array<i32>} : memref<512x64xf32, #tpu.memory_space<vmem>>, vector<16xf32>,
          %scan3A_177 = arith.constant 1 : i32
          %scan3A_178 = arith.addi %scan3A_119, %scan3A_177 : i32
          %eq3A_179 = vector.broadcast %scan3A_178 : i32 to vector<16xi32>
          %eq3A_180 = arith.cmpi eq, %iota3A, %eq3A_179 : vector<16xi32>
          %and3A_181 = arith.constant 7 : i32
          %and3A_182 = vector.broadcast %and3A_181 : i32 to vector<16xi32>
          %and3A_183 = arith.andi %get3A_113, %and3A_182 : vector<16xi32>
          %jit3A_184 = arith.constant 0 : i32
          %broadcast_in_dim3A_185 = vector.broadcast %jit3A_184 : i32 to vector<16xi32>
          %select_n3A_186 = arith.select %eq3A_180, %and3A_183, %broadcast_in_dim3A_185 : vector<16xi1>, vector<16xi32>
          %reduce_max3A_187 = arith.constant true
          %reduce_max3A_188 = vector.broadcast %reduce_max3A_187 : i1 to vector<16xi1>
          %reduce_max3A_189 = arith.constant -2147483648 : i32
          %reduce_max3A_190 = vector.broadcast %reduce_max3A_189 : i32 to vector<16xi32>
          %reduce_max3A_191 = arith.xori %select_n3A_186, %reduce_max3A_190 : vector<16xi32>
          %reduce_max3A_192 = tpu.scan <max>, %reduce_max3A_191 masked %reduce_max3A_188 : vector<16xi32>, vector<16xi1> -> vector<16xi32>
          %reduce_max3A_193 = arith.xori %reduce_max3A_192, %reduce_max3A_190 : vector<16xi32>
          %reduce_max3A_194 = vector.extract %reduce_max3A_193[15] : i32 from vector<16xi32>
          %get3A_195 = arith.constant 1 : i32
          %get3A_196 = arith.index_cast %get3A_195 : i32 to index
          %get3A_197 = arith.index_cast %scan3A_178 : i32 to index
          %get3A_198 = arith.index_cast %reduce_max3A_194 : i32 to index
          %get3A_199 = arith.constant 0 : index
          %get3A_200 = tpu.vector_load %arg6[%get3A_196, %get3A_197, %get3A_198, %get3A_199] {strides = array<i32>} : memref<2x16x8x64xf32, #tpu.memory_space<vmem>>, vector<16xf32>,
          %mul3A_201 = arith.constant 16 : i32
          %mul3A_202 = arith.muli %sub3A_109, %mul3A_201 : i32
          %add3A_203 = arith.addi %mul3A_202, %scan3A_178 : i32
          %swap3A_204 = arith.index_cast %add3A_203 : i32 to index
          %swap3A_205 = arith.constant 0 : index
          %swap3A_206 = tpu.vector_load %arg7[%swap3A_204, %swap3A_205] {strides = array<i32>} : memref<512x64xf32, #tpu.memory_space<vmem>>, vector<16xf32>,
          tpu.vector_store %arg7[%swap3A_204, %swap3A_205], %get3A_200 {strides = array<i32>} : memref<512x64xf32, #tpu.memory_space<vmem>>, vector<16xf32>,
          %get3A_207 = arith.constant 1 : i32
          %get3A_208 = arith.index_cast %get3A_207 : i32 to index
          %get3A_209 = arith.index_cast %scan3A_178 : i32 to index
          %get3A_210 = arith.index_cast %reduce_max3A_194 : i32 to index
          %get3A_211 = arith.constant 16 : index
          %get3A_212 = tpu.vector_load %arg6[%get3A_208, %get3A_209, %get3A_210, %get3A_211] {strides = array<i32>} : memref<2x16x8x64xf32, #tpu.memory_space<vmem>>, vector<16xf32>,
          %mul3A_213 = arith.constant 16 : i32
          %mul3A_214 = arith.muli %sub3A_109, %mul3A_213 : i32
          %add3A_215 = arith.addi %mul3A_214, %scan3A_178 : i32
          %swap3A_216 = arith.index_cast %add3A_215 : i32 to index
          %swap3A_217 = arith.constant 16 : index
          %swap3A_218 = tpu.vector_load %arg7[%swap3A_216, %swap3A_217] {strides = array<i32>} : memref<512x64xf32, #tpu.memory_space<vmem>>, vector<16xf32>,
          tpu.vector_store %arg7[%swap3A_216, %swap3A_217], %get3A_212 {strides = array<i32>} : memref<512x64xf32, #tpu.memory_space<vmem>>, vector<16xf32>,
          %get3A_219 = arith.constant 1 : i32
          %get3A_220 = arith.index_cast %get3A_219 : i32 to index
          %get3A_221 = arith.index_cast %scan3A_178 : i32 to index
          %get3A_222 = arith.index_cast %reduce_max3A_194 : i32 to index
          %get3A_223 = arith.constant 32 : index
          %get3A_224 = tpu.vector_load %arg6[%get3A_220, %get3A_221, %get3A_222, %get3A_223] {strides = array<i32>} : memref<2x16x8x64xf32, #tpu.memory_space<vmem>>, vector<16xf32>,
          %mul3A_225 = arith.constant 16 : i32
          %mul3A_226 = arith.muli %sub3A_109, %mul3A_225 : i32
          %add3A_227 = arith.addi %mul3A_226, %scan3A_178 : i32
          %swap3A_228 = arith.index_cast %add3A_227 : i32 to index
          %swap3A_229 = arith.constant 32 : index
          %swap3A_230 = tpu.vector_load %arg7[%swap3A_228, %swap3A_229] {strides = array<i32>} : memref<512x64xf32, #tpu.memory_space<vmem>>, vector<16xf32>,
          tpu.vector_store %arg7[%swap3A_228, %swap3A_229], %get3A_224 {strides = array<i32>} : memref<512x64xf32, #tpu.memory_space<vmem>>, vector<16xf32>,
          %get3A_231 = arith.constant 1 : i32
          %get3A_232 = arith.index_cast %get3A_231 : i32 to index
          %get3A_233 = arith.index_cast %scan3A_178 : i32 to index
          %get3A_234 = arith.index_cast %reduce_max3A_194 : i32 to index
          %get3A_235 = arith.constant 48 : index
          %get3A_236 = tpu.vector_load %arg6[%get3A_232, %get3A_233, %get3A_234, %get3A_235] {strides = array<i32>} : memref<2x16x8x64xf32, #tpu.memory_space<vmem>>, vector<16xf32>,
          %mul3A_237 = arith.constant 16 : i32
          %mul3A_238 = arith.muli %sub3A_109, %mul3A_237 : i32
          %add3A_239 = arith.addi %mul3A_238, %scan3A_178 : i32
          %swap3A_240 = arith.index_cast %add3A_239 : i32 to index
          %swap3A_241 = arith.constant 48 : index
          %swap3A_242 = tpu.vector_load %arg7[%swap3A_240, %swap3A_241] {strides = array<i32>} : memref<512x64xf32, #tpu.memory_space<vmem>>, vector<16xf32>,
          tpu.vector_store %arg7[%swap3A_240, %swap3A_241], %get3A_236 {strides = array<i32>} : memref<512x64xf32, #tpu.memory_space<vmem>>, vector<16xf32>,
        }
        %scan3A_118 = arith.constant 16 : i32
      } else {
      }
      %add3A_47 = arith.constant 1 : i32
      %add3A_48 = arith.addi %mul3A_35, %add3A_47 : i32
      %mul3A_49 = arith.constant 16 : i32
      %mul3A_50 = arith.muli %add3A_48, %mul3A_49 : i32
      %get3A_51 = arith.index_cast %mul3A_50 : i32 to index
      %get3A_52 = tpu.vector_load %arg5[%get3A_51] {strides = array<i32>} : memref<512xi32, #tpu.memory_space<vmem>>, vector<16xi32>,
      %scan3A_53 = arith.constant 0 : i32
      %scan3A_54 = arith.constant 16 : i32
      %scan3A_55 = arith.addi %scan3A_53, %scan3A_54 : i32
      %scan3A_56 = arith.constant 2 : i32
      scf.for %scan3A_88 = %scan3A_53 to %scan3A_55 step %scan3A_56  : i32 {
        %eq3A = vector.broadcast %scan3A_88 : i32 to vector<16xi32>
        %eq3A_89 = arith.cmpi eq, %iota3A, %eq3A : vector<16xi32>
        %shift_right_logical3A = arith.constant 3 : i32
        %shift_right_logical3A_90 = vector.broadcast %shift_right_logical3A : i32 to vector<16xi32>
        %shift_right_logical3A_91 = arith.shrui %get3A_52, %shift_right_logical3A_90 : vector<16xi32>
        %jit3A = arith.constant 0 : i32
        %broadcast_in_dim3A = vector.broadcast %jit3A : i32 to vector<16xi32>
        %select_n3A = arith.select %eq3A_89, %shift_right_logical3A_91, %broadcast_in_dim3A : vector<16xi1>, vector<16xi32>
        %reduce_max3A = arith.constant true
        %reduce_max3A_92 = vector.broadcast %reduce_max3A : i1 to vector<16xi1>
        %reduce_max3A_93 = arith.constant -2147483648 : i32
        %reduce_max3A_94 = vector.broadcast %reduce_max3A_93 : i32 to vector<16xi32>
        %reduce_max3A_95 = arith.xori %select_n3A, %reduce_max3A_94 : vector<16xi32>
        %reduce_max3A_96 = tpu.scan <max>, %reduce_max3A_95 masked %reduce_max3A_92 : vector<16xi32>, vector<16xi1> -> vector<16xi32>
        %reduce_max3A_97 = arith.xori %reduce_max3A_96, %reduce_max3A_94 : vector<16xi32>
        %reduce_max3A_98 = vector.extract %reduce_max3A_97[15] : i32 from vector<16xi32>
        %dma_start3A = arith.constant 1 : i32
        %dma_start3A_99 = arith.constant 0 : i32
        %dma_start3A_100 = arith.constant 0 : i32
        %dma_start3A_101 = tpu.memref_slice %arg6[%dma_start3A, %scan3A_88, %dma_start3A_99, %dma_start3A_100] : memref<2x16x8x64xf32, #tpu.memory_space<vmem>> -> memref<1x1x8x64xf32, #tpu.memory_space<vmem>>
        %dma_start3A_102 = tpu.memref_squeeze %dma_start3A_101 : memref<1x1x8x64xf32, #tpu.memory_space<vmem>> -> memref<1x8x64xf32, #tpu.memory_space<vmem>>
        %dma_start3A_103 = tpu.memref_reshape %arg2 : memref<1000000x64xf32, #tpu.memory_space<hbm>> -> memref<125000x8x64xf32, #tpu.memory_space<hbm>>
        %dma_start3A_104 = arith.constant 0 : i32
        %dma_start3A_105 = arith.constant 0 : i32
        %dma_start3A_106 = tpu.memref_slice %dma_start3A_103[%reduce_max3A_98, %dma_start3A_104, %dma_start3A_105] : memref<125000x8x64xf32, #tpu.memory_space<hbm>> -> memref<1x8x64xf32, #tpu.memory_space<hbm>>
        %dma_start3A_107 = arith.constant 0 : i32
        %dma_start3A_108 = arith.constant 0 : i32
        %dma_start3A_109 = tpu.memref_slice %arg6[%dma_start3A, %scan3A_88, %dma_start3A_107, %dma_start3A_108] : memref<2x16x8x64xf32, #tpu.memory_space<vmem>> -> memref<1x1x8x64xf32, #tpu.memory_space<vmem>>
        %dma_start3A_110 = tpu.memref_squeeze %dma_start3A_109 : memref<1x1x8x64xf32, #tpu.memory_space<vmem>> -> memref<1x8x64xf32, #tpu.memory_space<vmem>>
        %dma_start3A_111 = tpu.memref_reshape %arg2 : memref<1000000x64xf32, #tpu.memory_space<hbm>> -> memref<125000x8x64xf32, #tpu.memory_space<hbm>>
        %dma_start3A_112 = arith.constant 0 : i32
        %dma_start3A_113 = arith.constant 0 : i32
        %dma_start3A_114 = tpu.memref_slice %dma_start3A_111[%reduce_max3A_98, %dma_start3A_112, %dma_start3A_113] : memref<125000x8x64xf32, #tpu.memory_space<hbm>> -> memref<1x8x64xf32, #tpu.memory_space<hbm>>
        tpu.enqueue_dma source(%dma_start3A_114 : memref<1x8x64xf32, #tpu.memory_space<hbm>>) target(%dma_start3A_110 : memref<1x8x64xf32, #tpu.memory_space<vmem>>) target_semaphore(%arg9 : memref<!tpu.dma_semaphore, #tpu.memory_space<semaphore_mem>>)
        %scan3A_115 = arith.constant 1 : i32
        %scan3A_116 = arith.addi %scan3A_88, %scan3A_115 : i32
        %eq3A_117 = vector.broadcast %scan3A_116 : i32 to vector<16xi32>
        %eq3A_118 = arith.cmpi eq, %iota3A, %eq3A_117 : vector<16xi32>
        %shift_right_logical3A_119 = arith.constant 3 : i32
        %shift_right_logical3A_120 = vector.broadcast %shift_right_logical3A_119 : i32 to vector<16xi32>
        %shift_right_logical3A_121 = arith.shrui %get3A_52, %shift_right_logical3A_120 : vector<16xi32>
        %jit3A_122 = arith.constant 0 : i32
        %broadcast_in_dim3A_123 = vector.broadcast %jit3A_122 : i32 to vector<16xi32>
        %select_n3A_124 = arith.select %eq3A_118, %shift_right_logical3A_121, %broadcast_in_dim3A_123 : vector<16xi1>, vector<16xi32>
        %reduce_max3A_125 = arith.constant true
        %reduce_max3A_126 = vector.broadcast %reduce_max3A_125 : i1 to vector<16xi1>
        %reduce_max3A_127 = arith.constant -2147483648 : i32
        %reduce_max3A_128 = vector.broadcast %reduce_max3A_127 : i32 to vector<16xi32>
        %reduce_max3A_129 = arith.xori %select_n3A_124, %reduce_max3A_128 : vector<16xi32>
        %reduce_max3A_130 = tpu.scan <max>, %reduce_max3A_129 masked %reduce_max3A_126 : vector<16xi32>, vector<16xi1> -> vector<16xi32>
        %reduce_max3A_131 = arith.xori %reduce_max3A_130, %reduce_max3A_128 : vector<16xi32>
        %reduce_max3A_132 = vector.extract %reduce_max3A_131[15] : i32 from vector<16xi32>
        %dma_start3A_133 = arith.constant 1 : i32
        %dma_start3A_134 = arith.constant 0 : i32
        %dma_start3A_135 = arith.constant 0 : i32
        %dma_start3A_136 = tpu.memref_slice %arg6[%dma_start3A_133, %scan3A_116, %dma_start3A_134, %dma_start3A_135] : memref<2x16x8x64xf32, #tpu.memory_space<vmem>> -> memref<1x1x8x64xf32, #tpu.memory_space<vmem>>
        %dma_start3A_137 = tpu.memref_squeeze %dma_start3A_136 : memref<1x1x8x64xf32, #tpu.memory_space<vmem>> -> memref<1x8x64xf32, #tpu.memory_space<vmem>>
        %dma_start3A_138 = tpu.memref_reshape %arg2 : memref<1000000x64xf32, #tpu.memory_space<hbm>> -> memref<125000x8x64xf32, #tpu.memory_space<hbm>>
        %dma_start3A_139 = arith.constant 0 : i32
        %dma_start3A_140 = arith.constant 0 : i32
        %dma_start3A_141 = tpu.memref_slice %dma_start3A_138[%reduce_max3A_132, %dma_start3A_139, %dma_start3A_140] : memref<125000x8x64xf32, #tpu.memory_space<hbm>> -> memref<1x8x64xf32, #tpu.memory_space<hbm>>
        %dma_start3A_142 = arith.constant 0 : i32
        %dma_start3A_143 = arith.constant 0 : i32
        %dma_start3A_144 = tpu.memref_slice %arg6[%dma_start3A_133, %scan3A_116, %dma_start3A_142, %dma_start3A_143] : memref<2x16x8x64xf32, #tpu.memory_space<vmem>> -> memref<1x1x8x64xf32, #tpu.memory_space<vmem>>
        %dma_start3A_145 = tpu.memref_squeeze %dma_start3A_144 : memref<1x1x8x64xf32, #tpu.memory_space<vmem>> -> memref<1x8x64xf32, #tpu.memory_space<vmem>>
        %dma_start3A_146 = tpu.memref_reshape %arg2 : memref<1000000x64xf32, #tpu.memory_space<hbm>> -> memref<125000x8x64xf32, #tpu.memory_space<hbm>>
        %dma_start3A_147 = arith.constant 0 : i32
        %dma_start3A_148 = arith.constant 0 : i32
        %dma_start3A_149 = tpu.memref_slice %dma_start3A_146[%reduce_max3A_132, %dma_start3A_147, %dma_start3A_148] : memref<125000x8x64xf32, #tpu.memory_space<hbm>> -> memref<1x8x64xf32, #tpu.memory_space<hbm>>
        tpu.enqueue_dma source(%dma_start3A_149 : memref<1x8x64xf32, #tpu.memory_space<hbm>>) target(%dma_start3A_145 : memref<1x8x64xf32, #tpu.memory_space<vmem>>) target_semaphore(%arg9 : memref<!tpu.dma_semaphore, #tpu.memory_space<semaphore_mem>>)
      }
      %scan3A_57 = arith.constant 16 : i32
      %dma_wait3A_58 = arith.constant 0 : i32
      %dma_wait3A_59 = arith.constant 0 : i32
      %dma_wait3A_60 = arith.constant 0 : i32
      %dma_wait3A_61 = arith.constant 0 : i32
      %dma_wait3A_62 = tpu.memref_slice %arg6[%dma_wait3A_58, %dma_wait3A_59, %dma_wait3A_60, %dma_wait3A_61] : memref<2x16x8x64xf32, #tpu.memory_space<vmem>> -> memref<1x16x8x64xf32, #tpu.memory_space<vmem>>
      %dma_wait3A_63 = tpu.memref_squeeze %dma_wait3A_62 : memref<1x16x8x64xf32, #tpu.memory_space<vmem>> -> memref<16x8x64xf32, #tpu.memory_space<vmem>>
      %dma_wait3A_64 = tpu.memref_reshape %arg2 : memref<1000000x64xf32, #tpu.memory_space<hbm>> -> memref<125000x8x64xf32, #tpu.memory_space<hbm>>
      %dma_wait3A_65 = arith.constant 0 : i32
      %dma_wait3A_66 = arith.constant 0 : i32
      %dma_wait3A_67 = arith.constant 0 : i32
      %dma_wait3A_68 = tpu.memref_slice %dma_wait3A_64[%dma_wait3A_65, %dma_wait3A_66, %dma_wait3A_67] : memref<125000x8x64xf32, #tpu.memory_space<hbm>> -> memref<16x8x64xf32, #tpu.memory_space<hbm>>
      %dma_wait3A_69 = arith.constant 0 : i32
      %dma_wait3A_70 = arith.constant 0 : i32
      %dma_wait3A_71 = arith.constant 0 : i32
      %dma_wait3A_72 = tpu.memref_slice %arg6[%dma_wait3A_58, %dma_wait3A_69, %dma_wait3A_70, %dma_wait3A_71] : memref<2x16x8x64xf32, #tpu.memory_space<vmem>> -> memref<1x16x8x64xf32, #tpu.memory_space<vmem>>
      %dma_wait3A_73 = tpu.memref_squeeze %dma_wait3A_72 : memref<1x16x8x64xf32, #tpu.memory_space<vmem>> -> memref<16x8x64xf32, #tpu.memory_space<vmem>>
      %dma_wait3A_74 = tpu.memref_reshape %arg2 : memref<1000000x64xf32, #tpu.memory_space<hbm>> -> memref<125000x8x64xf32, #tpu.memory_space<hbm>>
      %dma_wait3A_75 = arith.constant 0 : i32
      %dma_wait3A_76 = arith.constant 0 : i32
      %dma_wait3A_77 = arith.constant 0 : i32
      %dma_wait3A_78 = tpu.memref_slice %dma_wait3A_74[%dma_wait3A_75, %dma_wait3A_76, %dma_wait3A_77] : memref<125000x8x64xf32, #tpu.memory_space<hbm>> -> memref<16x8x64xf32, #tpu.memory_space<hbm>>
      tpu.wait_dma2 semaphore(%arg8 : memref<!tpu.dma_semaphore, #tpu.memory_space<semaphore_mem>>) src(%dma_wait3A_78 : memref<16x8x64xf32, #tpu.memory_space<hbm>>) dst(%dma_wait3A_73 : memref<16x8x64xf32, #tpu.memory_space<vmem>>)
      %mul3A_79 = arith.constant 16 : i32
      %mul3A_80 = arith.muli %mul3A_35, %mul3A_79 : i32
      %get3A_81 = arith.index_cast %mul3A_80 : i32 to index
      %get3A_82 = tpu.vector_load %arg5[%get3A_81] {strides = array<i32>} : memref<512xi32, #tpu.memory_space<vmem>>, vector<16xi32>,
      %scan3A_83 = arith.constant 0 : i32
      %scan3A_84 = arith.constant 16 : i32
      %scan3A_85 = arith.addi %scan3A_83, %scan3A_84 : i32
      %scan3A_86 = arith.constant 2 : i32
      scf.for %scan3A_88 = %scan3A_83 to %scan3A_85 step %scan3A_86  : i32 {
        %eq3A = vector.broadcast %scan3A_88 : i32 to vector<16xi32>
        %eq3A_89 = arith.cmpi eq, %iota3A, %eq3A : vector<16xi32>
        %and3A = arith.constant 7 : i32
        %and3A_90 = vector.broadcast %and3A : i32 to vector<16xi32>
        %and3A_91 = arith.andi %get3A_82, %and3A_90 : vector<16xi32>
        %jit3A = arith.constant 0 : i32
        %broadcast_in_dim3A = vector.broadcast %jit3A : i32 to vector<16xi32>
        %select_n3A = arith.select %eq3A_89, %and3A_91, %broadcast_in_dim3A : vector<16xi1>, vector<16xi32>
        %reduce_max3A = arith.constant true
        %reduce_max3A_92 = vector.broadcast %reduce_max3A : i1 to vector<16xi1>
        %reduce_max3A_93 = arith.constant -2147483648 : i32
        %reduce_max3A_94 = vector.broadcast %reduce_max3A_93 : i32 to vector<16xi32>
        %reduce_max3A_95 = arith.xori %select_n3A, %reduce_max3A_94 : vector<16xi32>
        %reduce_max3A_96 = tpu.scan <max>, %reduce_max3A_95 masked %reduce_max3A_92 : vector<16xi32>, vector<16xi1> -> vector<16xi32>
        %reduce_max3A_97 = arith.xori %reduce_max3A_96, %reduce_max3A_94 : vector<16xi32>
        %reduce_max3A_98 = vector.extract %reduce_max3A_97[15] : i32 from vector<16xi32>
        %get3A_99 = arith.constant 0 : i32
        %get3A_100 = arith.index_cast %get3A_99 : i32 to index
        %get3A_101 = arith.index_cast %scan3A_88 : i32 to index
        %get3A_102 = arith.index_cast %reduce_max3A_98 : i32 to index
        %get3A_103 = arith.constant 0 : index
        %get3A_104 = tpu.vector_load %arg6[%get3A_100, %get3A_101, %get3A_102, %get3A_103] {strides = array<i32>} : memref<2x16x8x64xf32, #tpu.memory_space<vmem>>, vector<16xf32>,
        %mul3A_105 = arith.constant 16 : i32
        %mul3A_106 = arith.muli %mul3A_35, %mul3A_105 : i32
        %add3A_107 = arith.addi %mul3A_106, %scan3A_88 : i32
        %swap3A = arith.index_cast %add3A_107 : i32 to index
        %swap3A_108 = arith.constant 0 : index
        %swap3A_109 = tpu.vector_load %arg7[%swap3A, %swap3A_108] {strides = array<i32>} : memref<512x64xf32, #tpu.memory_space<vmem>>, vector<16xf32>,
        tpu.vector_store %arg7[%swap3A, %swap3A_108], %get3A_104 {strides = array<i32>} : memref<512x64xf32, #tpu.memory_space<vmem>>, vector<16xf32>,
        %get3A_110 = arith.constant 0 : i32
        %get3A_111 = arith.index_cast %get3A_110 : i32 to index
        %get3A_112 = arith.index_cast %scan3A_88 : i32 to index
        %get3A_113 = arith.index_cast %reduce_max3A_98 : i32 to index
        %get3A_114 = arith.constant 16 : index
        %get3A_115 = tpu.vector_load %arg6[%get3A_111, %get3A_112, %get3A_113, %get3A_114] {strides = array<i32>} : memref<2x16x8x64xf32, #tpu.memory_space<vmem>>, vector<16xf32>,
        %mul3A_116 = arith.constant 16 : i32
        %mul3A_117 = arith.muli %mul3A_35, %mul3A_116 : i32
        %add3A_118 = arith.addi %mul3A_117, %scan3A_88 : i32
        %swap3A_119 = arith.index_cast %add3A_118 : i32 to index
        %swap3A_120 = arith.constant 16 : index
        %swap3A_121 = tpu.vector_load %arg7[%swap3A_119, %swap3A_120] {strides = array<i32>} : memref<512x64xf32, #tpu.memory_space<vmem>>, vector<16xf32>,
        tpu.vector_store %arg7[%swap3A_119, %swap3A_120], %get3A_115 {strides = array<i32>} : memref<512x64xf32, #tpu.memory_space<vmem>>, vector<16xf32>,
        %get3A_122 = arith.constant 0 : i32
        %get3A_123 = arith.index_cast %get3A_122 : i32 to index
        %get3A_124 = arith.index_cast %scan3A_88 : i32 to index
        %get3A_125 = arith.index_cast %reduce_max3A_98 : i32 to index
        %get3A_126 = arith.constant 32 : index
        %get3A_127 = tpu.vector_load %arg6[%get3A_123, %get3A_124, %get3A_125, %get3A_126] {strides = array<i32>} : memref<2x16x8x64xf32, #tpu.memory_space<vmem>>, vector<16xf32>,
        %mul3A_128 = arith.constant 16 : i32
        %mul3A_129 = arith.muli %mul3A_35, %mul3A_128 : i32
        %add3A_130 = arith.addi %mul3A_129, %scan3A_88 : i32
        %swap3A_131 = arith.index_cast %add3A_130 : i32 to index
        %swap3A_132 = arith.constant 32 : index
        %swap3A_133 = tpu.vector_load %arg7[%swap3A_131, %swap3A_132] {strides = array<i32>} : memref<512x64xf32, #tpu.memory_space<vmem>>, vector<16xf32>,
        tpu.vector_store %arg7[%swap3A_131, %swap3A_132], %get3A_127 {strides = array<i32>} : memref<512x64xf32, #tpu.memory_space<vmem>>, vector<16xf32>,
        %get3A_134 = arith.constant 0 : i32
        %get3A_135 = arith.index_cast %get3A_134 : i32 to index
        %get3A_136 = arith.index_cast %scan3A_88 : i32 to index
        %get3A_137 = arith.index_cast %reduce_max3A_98 : i32 to index
        %get3A_138 = arith.constant 48 : index
        %get3A_139 = tpu.vector_load %arg6[%get3A_135, %get3A_136, %get3A_137, %get3A_138] {strides = array<i32>} : memref<2x16x8x64xf32, #tpu.memory_space<vmem>>, vector<16xf32>,
        %mul3A_140 = arith.constant 16 : i32
        %mul3A_141 = arith.muli %mul3A_35, %mul3A_140 : i32
        %add3A_142 = arith.addi %mul3A_141, %scan3A_88 : i32
        %swap3A_143 = arith.index_cast %add3A_142 : i32 to index
        %swap3A_144 = arith.constant 48 : index
        %swap3A_145 = tpu.vector_load %arg7[%swap3A_143, %swap3A_144] {strides = array<i32>} : memref<512x64xf32, #tpu.memory_space<vmem>>, vector<16xf32>,
        tpu.vector_store %arg7[%swap3A_143, %swap3A_144], %get3A_139 {strides = array<i32>} : memref<512x64xf32, #tpu.memory_space<vmem>>, vector<16xf32>,
        %scan3A_146 = arith.constant 1 : i32
        %scan3A_147 = arith.addi %scan3A_88, %scan3A_146 : i32
        %eq3A_148 = vector.broadcast %scan3A_147 : i32 to vector<16xi32>
        %eq3A_149 = arith.cmpi eq, %iota3A, %eq3A_148 : vector<16xi32>
        %and3A_150 = arith.constant 7 : i32
        %and3A_151 = vector.broadcast %and3A_150 : i32 to vector<16xi32>
        %and3A_152 = arith.andi %get3A_82, %and3A_151 : vector<16xi32>
        %jit3A_153 = arith.constant 0 : i32
        %broadcast_in_dim3A_154 = vector.broadcast %jit3A_153 : i32 to vector<16xi32>
        %select_n3A_155 = arith.select %eq3A_149, %and3A_152, %broadcast_in_dim3A_154 : vector<16xi1>, vector<16xi32>
        %reduce_max3A_156 = arith.constant true
        %reduce_max3A_157 = vector.broadcast %reduce_max3A_156 : i1 to vector<16xi1>
        %reduce_max3A_158 = arith.constant -2147483648 : i32
        %reduce_max3A_159 = vector.broadcast %reduce_max3A_158 : i32 to vector<16xi32>
        %reduce_max3A_160 = arith.xori %select_n3A_155, %reduce_max3A_159 : vector<16xi32>
        %reduce_max3A_161 = tpu.scan <max>, %reduce_max3A_160 masked %reduce_max3A_157 : vector<16xi32>, vector<16xi1> -> vector<16xi32>
        %reduce_max3A_162 = arith.xori %reduce_max3A_161, %reduce_max3A_159 : vector<16xi32>
        %reduce_max3A_163 = vector.extract %reduce_max3A_162[15] : i32 from vector<16xi32>
        %get3A_164 = arith.constant 0 : i32
        %get3A_165 = arith.index_cast %get3A_164 : i32 to index
        %get3A_166 = arith.index_cast %scan3A_147 : i32 to index
        %get3A_167 = arith.index_cast %reduce_max3A_163 : i32 to index
        %get3A_168 = arith.constant 0 : index
        %get3A_169 = tpu.vector_load %arg6[%get3A_165, %get3A_166, %get3A_167, %get3A_168] {strides = array<i32>} : memref<2x16x8x64xf32, #tpu.memory_space<vmem>>, vector<16xf32>,
        %mul3A_170 = arith.constant 16 : i32
        %mul3A_171 = arith.muli %mul3A_35, %mul3A_170 : i32
        %add3A_172 = arith.addi %mul3A_171, %scan3A_147 : i32
        %swap3A_173 = arith.index_cast %add3A_172 : i32 to index
        %swap3A_174 = arith.constant 0 : index
        %swap3A_175 = tpu.vector_load %arg7[%swap3A_173, %swap3A_174] {strides = array<i32>} : memref<512x64xf32, #tpu.memory_space<vmem>>, vector<16xf32>,
        tpu.vector_store %arg7[%swap3A_173, %swap3A_174], %get3A_169 {strides = array<i32>} : memref<512x64xf32, #tpu.memory_space<vmem>>, vector<16xf32>,
        %get3A_176 = arith.constant 0 : i32
        %get3A_177 = arith.index_cast %get3A_176 : i32 to index
        %get3A_178 = arith.index_cast %scan3A_147 : i32 to index
        %get3A_179 = arith.index_cast %reduce_max3A_163 : i32 to index
        %get3A_180 = arith.constant 16 : index
        %get3A_181 = tpu.vector_load %arg6[%get3A_177, %get3A_178, %get3A_179, %get3A_180] {strides = array<i32>} : memref<2x16x8x64xf32, #tpu.memory_space<vmem>>, vector<16xf32>,
        %mul3A_182 = arith.constant 16 : i32
        %mul3A_183 = arith.muli %mul3A_35, %mul3A_182 : i32
        %add3A_184 = arith.addi %mul3A_183, %scan3A_147 : i32
        %swap3A_185 = arith.index_cast %add3A_184 : i32 to index
        %swap3A_186 = arith.constant 16 : index
        %swap3A_187 = tpu.vector_load %arg7[%swap3A_185, %swap3A_186] {strides = array<i32>} : memref<512x64xf32, #tpu.memory_space<vmem>>, vector<16xf32>,
        tpu.vector_store %arg7[%swap3A_185, %swap3A_186], %get3A_181 {strides = array<i32>} : memref<512x64xf32, #tpu.memory_space<vmem>>, vector<16xf32>,
        %get3A_188 = arith.constant 0 : i32
        %get3A_189 = arith.index_cast %get3A_188 : i32 to index
        %get3A_190 = arith.index_cast %scan3A_147 : i32 to index
        %get3A_191 = arith.index_cast %reduce_max3A_163 : i32 to index
        %get3A_192 = arith.constant 32 : index
        %get3A_193 = tpu.vector_load %arg6[%get3A_189, %get3A_190, %get3A_191, %get3A_192] {strides = array<i32>} : memref<2x16x8x64xf32, #tpu.memory_space<vmem>>, vector<16xf32>,
        %mul3A_194 = arith.constant 16 : i32
        %mul3A_195 = arith.muli %mul3A_35, %mul3A_194 : i32
        %add3A_196 = arith.addi %mul3A_195, %scan3A_147 : i32
        %swap3A_197 = arith.index_cast %add3A_196 : i32 to index
        %swap3A_198 = arith.constant 32 : index
        %swap3A_199 = tpu.vector_load %arg7[%swap3A_197, %swap3A_198] {strides = array<i32>} : memref<512x64xf32, #tpu.memory_space<vmem>>, vector<16xf32>,
        tpu.vector_store %arg7[%swap3A_197, %swap3A_198], %get3A_193 {strides = array<i32>} : memref<512x64xf32, #tpu.memory_space<vmem>>, vector<16xf32>,
        %get3A_200 = arith.constant 0 : i32
        %get3A_201 = arith.index_cast %get3A_200 : i32 to index
        %get3A_202 = arith.index_cast %scan3A_147 : i32 to index
        %get3A_203 = arith.index_cast %reduce_max3A_163 : i32 to index
        %get3A_204 = arith.constant 48 : index
        %get3A_205 = tpu.vector_load %arg6[%get3A_201, %get3A_202, %get3A_203, %get3A_204] {strides = array<i32>} : memref<2x16x8x64xf32, #tpu.memory_space<vmem>>, vector<16xf32>,
        %mul3A_206 = arith.constant 16 : i32
        %mul3A_207 = arith.muli %mul3A_35, %mul3A_206 : i32
        %add3A_208 = arith.addi %mul3A_207, %scan3A_147 : i32
        %swap3A_209 = arith.index_cast %add3A_208 : i32 to index
        %swap3A_210 = arith.constant 48 : index
        %swap3A_211 = tpu.vector_load %arg7[%swap3A_209, %swap3A_210] {strides = array<i32>} : memref<512x64xf32, #tpu.memory_space<vmem>>, vector<16xf32>,
        tpu.vector_store %arg7[%swap3A_209, %swap3A_210], %get3A_205 {strides = array<i32>} : memref<512x64xf32, #tpu.memory_space<vmem>>, vector<16xf32>,
      }
      %scan3A_87 = arith.constant 16 : i32
    }
    %scan3A_6 = arith.constant 16 : i32
    %dma_wait3A = arith.constant 0 : i32
    %dma_wait3A_7 = arith.constant 0 : i32
    %dma_wait3A_8 = arith.constant 0 : i32
    %dma_wait3A_9 = arith.constant 0 : i32
    %dma_wait3A_10 = tpu.memref_slice %arg6[%dma_wait3A, %dma_wait3A_7, %dma_wait3A_8, %dma_wait3A_9] : memref<2x16x8x64xf32, #tpu.memory_space<vmem>> -> memref<1x16x8x64xf32, #tpu.memory_space<vmem>>
    %dma_wait3A_11 = tpu.memref_squeeze %dma_wait3A_10 : memref<1x16x8x64xf32, #tpu.memory_space<vmem>> -> memref<16x8x64xf32, #tpu.memory_space<vmem>>
    %dma_wait3A_12 = tpu.memref_reshape %arg2 : memref<1000000x64xf32, #tpu.memory_space<hbm>> -> memref<125000x8x64xf32, #tpu.memory_space<hbm>>
    %dma_wait3A_13 = arith.constant 0 : i32
    %dma_wait3A_14 = arith.constant 0 : i32
    %dma_wait3A_15 = arith.constant 0 : i32
    %dma_wait3A_16 = tpu.memref_slice %dma_wait3A_12[%dma_wait3A_13, %dma_wait3A_14, %dma_wait3A_15] : memref<125000x8x64xf32, #tpu.memory_space<hbm>> -> memref<16x8x64xf32, #tpu.memory_space<hbm>>
    %dma_wait3A_17 = arith.constant 0 : i32
    %dma_wait3A_18 = arith.constant 0 : i32
    %dma_wait3A_19 = arith.constant 0 : i32
    %dma_wait3A_20 = tpu.memref_slice %arg6[%dma_wait3A, %dma_wait3A_17, %dma_wait3A_18, %dma_wait3A_19] : memref<2x16x8x64xf32, #tpu.memory_space<vmem>> -> memref<1x16x8x64xf32, #tpu.memory_space<vmem>>
    %dma_wait3A_21 = tpu.memref_squeeze %dma_wait3A_20 : memref<1x16x8x64xf32, #tpu.memory_space<vmem>> -> memref<16x8x64xf32, #tpu.memory_space<vmem>>
    %dma_wait3A_22 = tpu.memref_reshape %arg2 : memref<1000000x64xf32, #tpu.memory_space<hbm>> -> memref<125000x8x64xf32, #tpu.memory_space<hbm>>
    %dma_wait3A_23 = arith.constant 0 : i32
    %dma_wait3A_24 = arith.constant 0 : i32
    %dma_wait3A_25 = arith.constant 0 : i32
    %dma_wait3A_26 = tpu.memref_slice %dma_wait3A_22[%dma_wait3A_23, %dma_wait3A_24, %dma_wait3A_25] : memref<125000x8x64xf32, #tpu.memory_space<hbm>> -> memref<16x8x64xf32, #tpu.memory_space<hbm>>
    tpu.wait_dma2 semaphore(%arg9 : memref<!tpu.dma_semaphore, #tpu.memory_space<semaphore_mem>>) src(%dma_wait3A_26 : memref<16x8x64xf32, #tpu.memory_space<hbm>>) dst(%dma_wait3A_21 : memref<16x8x64xf32, #tpu.memory_space<vmem>>)
    %get3A = arith.constant 496 : index
    %get3A_27 = tpu.vector_load %arg5[%get3A] {strides = array<i32>} : memref<512xi32, #tpu.memory_space<vmem>>, vector<16xi32>,
    %scan3A_28 = arith.constant 0 : i32
    %scan3A_29 = arith.constant 16 : i32
    %scan3A_30 = arith.addi %scan3A_28, %scan3A_29 : i32
    %scan3A_31 = arith.constant 2 : i32
    scf.for %scan3A_33 = %scan3A_28 to %scan3A_30 step %scan3A_31  : i32 {
      %eq3A = vector.broadcast %scan3A_33 : i32 to vector<16xi32>
      %eq3A_34 = arith.cmpi eq, %iota3A, %eq3A : vector<16xi32>
      %and3A = arith.constant 7 : i32
      %and3A_35 = vector.broadcast %and3A : i32 to vector<16xi32>
      %and3A_36 = arith.andi %get3A_27, %and3A_35 : vector<16xi32>
      %jit3A = arith.constant 0 : i32
      %broadcast_in_dim3A = vector.broadcast %jit3A : i32 to vector<16xi32>
      %select_n3A = arith.select %eq3A_34, %and3A_36, %broadcast_in_dim3A : vector<16xi1>, vector<16xi32>
      %reduce_max3A = arith.constant true
      %reduce_max3A_37 = vector.broadcast %reduce_max3A : i1 to vector<16xi1>
      %reduce_max3A_38 = arith.constant -2147483648 : i32
      %reduce_max3A_39 = vector.broadcast %reduce_max3A_38 : i32 to vector<16xi32>
      %reduce_max3A_40 = arith.xori %select_n3A, %reduce_max3A_39 : vector<16xi32>
      %reduce_max3A_41 = tpu.scan <max>, %reduce_max3A_40 masked %reduce_max3A_37 : vector<16xi32>, vector<16xi1> -> vector<16xi32>
      %reduce_max3A_42 = arith.xori %reduce_max3A_41, %reduce_max3A_39 : vector<16xi32>
      %reduce_max3A_43 = vector.extract %reduce_max3A_42[15] : i32 from vector<16xi32>
      %get3A_44 = arith.constant 1 : i32
      %get3A_45 = arith.index_cast %get3A_44 : i32 to index
      %get3A_46 = arith.index_cast %scan3A_33 : i32 to index
      %get3A_47 = arith.index_cast %reduce_max3A_43 : i32 to index
      %get3A_48 = arith.constant 0 : index
      %get3A_49 = tpu.vector_load %arg6[%get3A_45, %get3A_46, %get3A_47, %get3A_48] {strides = array<i32>} : memref<2x16x8x64xf32, #tpu.memory_space<vmem>>, vector<16xf32>,
      %add3A_50 = arith.constant 496 : i32
      %add3A_51 = arith.addi %add3A_50, %scan3A_33 : i32
      %swap3A = arith.index_cast %add3A_51 : i32 to index
      %swap3A_52 = arith.constant 0 : index
      %swap3A_53 = tpu.vector_load %arg7[%swap3A, %swap3A_52] {strides = array<i32>} : memref<512x64xf32, #tpu.memory_space<vmem>>, vector<16xf32>,
      tpu.vector_store %arg7[%swap3A, %swap3A_52], %get3A_49 {strides = array<i32>} : memref<512x64xf32, #tpu.memory_space<vmem>>, vector<16xf32>,
      %get3A_54 = arith.constant 1 : i32
      %get3A_55 = arith.index_cast %get3A_54 : i32 to index
      %get3A_56 = arith.index_cast %scan3A_33 : i32 to index
      %get3A_57 = arith.index_cast %reduce_max3A_43 : i32 to index
      %get3A_58 = arith.constant 16 : index
      %get3A_59 = tpu.vector_load %arg6[%get3A_55, %get3A_56, %get3A_57, %get3A_58] {strides = array<i32>} : memref<2x16x8x64xf32, #tpu.memory_space<vmem>>, vector<16xf32>,
      %add3A_60 = arith.constant 496 : i32
      %add3A_61 = arith.addi %add3A_60, %scan3A_33 : i32
      %swap3A_62 = arith.index_cast %add3A_61 : i32 to index
      %swap3A_63 = arith.constant 16 : index
      %swap3A_64 = tpu.vector_load %arg7[%swap3A_62, %swap3A_63] {strides = array<i32>} : memref<512x64xf32, #tpu.memory_space<vmem>>, vector<16xf32>,
      tpu.vector_store %arg7[%swap3A_62, %swap3A_63], %get3A_59 {strides = array<i32>} : memref<512x64xf32, #tpu.memory_space<vmem>>, vector<16xf32>,
      %get3A_65 = arith.constant 1 : i32
      %get3A_66 = arith.index_cast %get3A_65 : i32 to index
      %get3A_67 = arith.index_cast %scan3A_33 : i32 to index
      %get3A_68 = arith.index_cast %reduce_max3A_43 : i32 to index
      %get3A_69 = arith.constant 32 : index
      %get3A_70 = tpu.vector_load %arg6[%get3A_66, %get3A_67, %get3A_68, %get3A_69] {strides = array<i32>} : memref<2x16x8x64xf32, #tpu.memory_space<vmem>>, vector<16xf32>,
      %add3A_71 = arith.constant 496 : i32
      %add3A_72 = arith.addi %add3A_71, %scan3A_33 : i32
      %swap3A_73 = arith.index_cast %add3A_72 : i32 to index
      %swap3A_74 = arith.constant 32 : index
      %swap3A_75 = tpu.vector_load %arg7[%swap3A_73, %swap3A_74] {strides = array<i32>} : memref<512x64xf32, #tpu.memory_space<vmem>>, vector<16xf32>,
      tpu.vector_store %arg7[%swap3A_73, %swap3A_74], %get3A_70 {strides = array<i32>} : memref<512x64xf32, #tpu.memory_space<vmem>>, vector<16xf32>,
      %get3A_76 = arith.constant 1 : i32
      %get3A_77 = arith.index_cast %get3A_76 : i32 to index
      %get3A_78 = arith.index_cast %scan3A_33 : i32 to index
      %get3A_79 = arith.index_cast %reduce_max3A_43 : i32 to index
      %get3A_80 = arith.constant 48 : index
      %get3A_81 = tpu.vector_load %arg6[%get3A_77, %get3A_78, %get3A_79, %get3A_80] {strides = array<i32>} : memref<2x16x8x64xf32, #tpu.memory_space<vmem>>, vector<16xf32>,
      %add3A_82 = arith.constant 496 : i32
      %add3A_83 = arith.addi %add3A_82, %scan3A_33 : i32
      %swap3A_84 = arith.index_cast %add3A_83 : i32 to index
      %swap3A_85 = arith.constant 48 : index
      %swap3A_86 = tpu.vector_load %arg7[%swap3A_84, %swap3A_85] {strides = array<i32>} : memref<512x64xf32, #tpu.memory_space<vmem>>, vector<16xf32>,
      tpu.vector_store %arg7[%swap3A_84, %swap3A_85], %get3A_81 {strides = array<i32>} : memref<512x64xf32, #tpu.memory_space<vmem>>, vector<16xf32>,
      %scan3A_87 = arith.constant 1 : i32
      %scan3A_88 = arith.addi %scan3A_33, %scan3A_87 : i32
      %eq3A_89 = vector.broadcast %scan3A_88 : i32 to vector<16xi32>
      %eq3A_90 = arith.cmpi eq, %iota3A, %eq3A_89 : vector<16xi32>
      %and3A_91 = arith.constant 7 : i32
      %and3A_92 = vector.broadcast %and3A_91 : i32 to vector<16xi32>
      %and3A_93 = arith.andi %get3A_27, %and3A_92 : vector<16xi32>
      %jit3A_94 = arith.constant 0 : i32
      %broadcast_in_dim3A_95 = vector.broadcast %jit3A_94 : i32 to vector<16xi32>
      %select_n3A_96 = arith.select %eq3A_90, %and3A_93, %broadcast_in_dim3A_95 : vector<16xi1>, vector<16xi32>
      %reduce_max3A_97 = arith.constant true
      %reduce_max3A_98 = vector.broadcast %reduce_max3A_97 : i1 to vector<16xi1>
      %reduce_max3A_99 = arith.constant -2147483648 : i32
      %reduce_max3A_100 = vector.broadcast %reduce_max3A_99 : i32 to vector<16xi32>
      %reduce_max3A_101 = arith.xori %select_n3A_96, %reduce_max3A_100 : vector<16xi32>
      %reduce_max3A_102 = tpu.scan <max>, %reduce_max3A_101 masked %reduce_max3A_98 : vector<16xi32>, vector<16xi1> -> vector<16xi32>
      %reduce_max3A_103 = arith.xori %reduce_max3A_102, %reduce_max3A_100 : vector<16xi32>
      %reduce_max3A_104 = vector.extract %reduce_max3A_103[15] : i32 from vector<16xi32>
      %get3A_105 = arith.constant 1 : i32
      %get3A_106 = arith.index_cast %get3A_105 : i32 to index
      %get3A_107 = arith.index_cast %scan3A_88 : i32 to index
      %get3A_108 = arith.index_cast %reduce_max3A_104 : i32 to index
      %get3A_109 = arith.constant 0 : index
      %get3A_110 = tpu.vector_load %arg6[%get3A_106, %get3A_107, %get3A_108, %get3A_109] {strides = array<i32>} : memref<2x16x8x64xf32, #tpu.memory_space<vmem>>, vector<16xf32>,
      %add3A_111 = arith.constant 496 : i32
      %add3A_112 = arith.addi %add3A_111, %scan3A_88 : i32
      %swap3A_113 = arith.index_cast %add3A_112 : i32 to index
      %swap3A_114 = arith.constant 0 : index
      %swap3A_115 = tpu.vector_load %arg7[%swap3A_113, %swap3A_114] {strides = array<i32>} : memref<512x64xf32, #tpu.memory_space<vmem>>, vector<16xf32>,
      tpu.vector_store %arg7[%swap3A_113, %swap3A_114], %get3A_110 {strides = array<i32>} : memref<512x64xf32, #tpu.memory_space<vmem>>, vector<16xf32>,
      %get3A_116 = arith.constant 1 : i32
      %get3A_117 = arith.index_cast %get3A_116 : i32 to index
      %get3A_118 = arith.index_cast %scan3A_88 : i32 to index
      %get3A_119 = arith.index_cast %reduce_max3A_104 : i32 to index
      %get3A_120 = arith.constant 16 : index
      %get3A_121 = tpu.vector_load %arg6[%get3A_117, %get3A_118, %get3A_119, %get3A_120] {strides = array<i32>} : memref<2x16x8x64xf32, #tpu.memory_space<vmem>>, vector<16xf32>,
      %add3A_122 = arith.constant 496 : i32
      %add3A_123 = arith.addi %add3A_122, %scan3A_88 : i32
      %swap3A_124 = arith.index_cast %add3A_123 : i32 to index
      %swap3A_125 = arith.constant 16 : index
      %swap3A_126 = tpu.vector_load %arg7[%swap3A_124, %swap3A_125] {strides = array<i32>} : memref<512x64xf32, #tpu.memory_space<vmem>>, vector<16xf32>,
      tpu.vector_store %arg7[%swap3A_124, %swap3A_125], %get3A_121 {strides = array<i32>} : memref<512x64xf32, #tpu.memory_space<vmem>>, vector<16xf32>,
      %get3A_127 = arith.constant 1 : i32
      %get3A_128 = arith.index_cast %get3A_127 : i32 to index
      %get3A_129 = arith.index_cast %scan3A_88 : i32 to index
      %get3A_130 = arith.index_cast %reduce_max3A_104 : i32 to index
      %get3A_131 = arith.constant 32 : index
      %get3A_132 = tpu.vector_load %arg6[%get3A_128, %get3A_129, %get3A_130, %get3A_131] {strides = array<i32>} : memref<2x16x8x64xf32, #tpu.memory_space<vmem>>, vector<16xf32>,
      %add3A_133 = arith.constant 496 : i32
      %add3A_134 = arith.addi %add3A_133, %scan3A_88 : i32
      %swap3A_135 = arith.index_cast %add3A_134 : i32 to index
      %swap3A_136 = arith.constant 32 : index
      %swap3A_137 = tpu.vector_load %arg7[%swap3A_135, %swap3A_136] {strides = array<i32>} : memref<512x64xf32, #tpu.memory_space<vmem>>, vector<16xf32>,
      tpu.vector_store %arg7[%swap3A_135, %swap3A_136], %get3A_132 {strides = array<i32>} : memref<512x64xf32, #tpu.memory_space<vmem>>, vector<16xf32>,
      %get3A_138 = arith.constant 1 : i32
      %get3A_139 = arith.index_cast %get3A_138 : i32 to index
      %get3A_140 = arith.index_cast %scan3A_88 : i32 to index
      %get3A_141 = arith.index_cast %reduce_max3A_104 : i32 to index
      %get3A_142 = arith.constant 48 : index
      %get3A_143 = tpu.vector_load %arg6[%get3A_139, %get3A_140, %get3A_141, %get3A_142] {strides = array<i32>} : memref<2x16x8x64xf32, #tpu.memory_space<vmem>>, vector<16xf32>,
      %add3A_144 = arith.constant 496 : i32
      %add3A_145 = arith.addi %add3A_144, %scan3A_88 : i32
      %swap3A_146 = arith.index_cast %add3A_145 : i32 to index
      %swap3A_147 = arith.constant 48 : index
      %swap3A_148 = tpu.vector_load %arg7[%swap3A_146, %swap3A_147] {strides = array<i32>} : memref<512x64xf32, #tpu.memory_space<vmem>>, vector<16xf32>,
      tpu.vector_store %arg7[%swap3A_146, %swap3A_147], %get3A_143 {strides = array<i32>} : memref<512x64xf32, #tpu.memory_space<vmem>>, vector<16xf32>,
    }
    %scan3A_32 = arith.constant 16 : i32
    "tpu.region"() ({
      %run_scoped3A = tpu.sem_alloc : memref<!tpu.dma_semaphore, #tpu.memory_space<semaphore_mem>>
      %dma_start3A = arith.constant 0 : i32
      %dma_start3A_33 = tpu.memref_slice %arg4[%mul3A_2, %dma_start3A] : memref<16384x64xf32, #tpu.memory_space<hbm>> -> memref<512x64xf32, #tpu.memory_space<hbm>>
      %dma_start3A_34 = arith.constant 0 : i32
      %dma_start3A_35 = tpu.memref_slice %arg4[%mul3A_2, %dma_start3A_34] : memref<16384x64xf32, #tpu.memory_space<hbm>> -> memref<512x64xf32, #tpu.memory_space<hbm>>
      tpu.enqueue_dma source(%arg7 : memref<512x64xf32, #tpu.memory_space<vmem>>) target(%dma_start3A_35 : memref<512x64xf32, #tpu.memory_space<hbm>>) target_semaphore(%run_scoped3A : memref<!tpu.dma_semaphore, #tpu.memory_space<semaphore_mem>>)
      %dma_wait3A_36 = arith.constant 0 : i32
      %dma_wait3A_37 = tpu.memref_slice %arg4[%mul3A_2, %dma_wait3A_36] : memref<16384x64xf32, #tpu.memory_space<hbm>> -> memref<512x64xf32, #tpu.memory_space<hbm>>
      %dma_wait3A_38 = arith.constant 0 : i32
      %dma_wait3A_39 = tpu.memref_slice %arg4[%mul3A_2, %dma_wait3A_38] : memref<16384x64xf32, #tpu.memory_space<hbm>> -> memref<512x64xf32, #tpu.memory_space<hbm>>
      tpu.wait_dma2 semaphore(%run_scoped3A : memref<!tpu.dma_semaphore, #tpu.memory_space<semaphore_mem>>) src(%arg7 : memref<512x64xf32, #tpu.memory_space<vmem>>) dst(%dma_wait3A_39 : memref<512x64xf32, #tpu.memory_space<hbm>>)
      tpu.yield
    }) : () -> ()
    return
  }
}

#map = affine_map<(d0, d1) -> (0, 0)>
#map1 = affine_map<(d0, d1) -> (0)>
module attributes {stable_mosaic.version = 14 : i64} {
  func.func @sc_gather(%arg0: i32, %arg1: i32, %arg2: memref<100000x64xf32, #tpu.memory_space<hbm>>, %arg3: memref<16384xi32, #tpu.memory_space<hbm>>, %arg4: memref<16384x64xf32, #tpu.memory_space<hbm>>, %arg5: memref<512xi32, #tpu.memory_space<vmem>>, %arg6: memref<2x16x8x64xf32, #tpu.memory_space<vmem>>, %arg7: memref<512x64xf32, #tpu.memory_space<vmem>>, %arg8: memref<!tpu.dma_semaphore, #tpu.memory_space<semaphore_mem>>, %arg9: memref<!tpu.dma_semaphore, #tpu.memory_space<semaphore_mem>>) attributes {dimension_semantics = [#tpu.dimension_semantics<core_parallel>, #tpu.dimension_semantics<subcore_parallel>], iteration_bounds = array<i64: 2, 16>, scalar_prefetch = 0 : i64, scratch_operands = 5 : i64, tpu.core_type = #tpu.core_type<sc_vector_subcore>, window_params = [{transform_indices = #map}, {transform_indices = #map1}, {transform_indices = #map}]} {
    %mul3A = arith.constant 2 : i32
    %mul3A_0 = arith.muli %arg1, %mul3A : i32
    %add3A = arith.addi %mul3A_0, %arg0 : i32
    %mul3A_1 = arith.constant 512 : i32
    %mul3A_2 = arith.muli %add3A, %mul3A_1 : i32
    %iota3A = tpu.iota {dimensions = array<i32: 0>} : vector<16xi32>
    "tpu.region"() ({
      %run_scoped3A = tpu.sem_alloc : memref<!tpu.dma_semaphore, #tpu.memory_space<semaphore_mem>>
      %dma_start3A = tpu.memref_slice %arg3[%mul3A_2] : memref<16384xi32, #tpu.memory_space<hbm>> -> memref<512xi32, #tpu.memory_space<hbm>>
      %dma_start3A_33 = tpu.memref_slice %arg3[%mul3A_2] : memref<16384xi32, #tpu.memory_space<hbm>> -> memref<512xi32, #tpu.memory_space<hbm>>
      tpu.enqueue_dma source(%dma_start3A_33 : memref<512xi32, #tpu.memory_space<hbm>>) target(%arg5 : memref<512xi32, #tpu.memory_space<vmem>>) target_semaphore(%run_scoped3A : memref<!tpu.dma_semaphore, #tpu.memory_space<semaphore_mem>>)
      %dma_wait3A_34 = tpu.memref_slice %arg3[%mul3A_2] : memref<16384xi32, #tpu.memory_space<hbm>> -> memref<512xi32, #tpu.memory_space<hbm>>
      %dma_wait3A_35 = tpu.memref_slice %arg3[%mul3A_2] : memref<16384xi32, #tpu.memory_space<hbm>> -> memref<512xi32, #tpu.memory_space<hbm>>
      tpu.wait_dma2 semaphore(%run_scoped3A : memref<!tpu.dma_semaphore, #tpu.memory_space<semaphore_mem>>) src(%dma_wait3A_35 : memref<512xi32, #tpu.memory_space<hbm>>) dst(%arg5 : memref<512xi32, #tpu.memory_space<vmem>>)
      tpu.yield
    }) : () -> ()
    %scan3A = arith.constant 0 : i32
    %scan3A_3 = arith.constant 16 : i32
    %scan3A_4 = arith.addi %scan3A, %scan3A_3 : i32
    %scan3A_5 = arith.constant 1 : i32
    scf.for %scan3A_33 = %scan3A to %scan3A_4 step %scan3A_5  : i32 {
      %mul3A_34 = arith.constant 2 : i32
      %mul3A_35 = arith.muli %mul3A_34, %scan3A_33 : i32
      %mul3A_36 = arith.constant 16 : i32
      %mul3A_37 = arith.muli %mul3A_35, %mul3A_36 : i32
      %get3A_38 = arith.index_cast %mul3A_37 : i32 to index
      %get3A_39 = tpu.vector_load %arg5[%get3A_38] {strides = array<i32>} : memref<512xi32, #tpu.memory_space<vmem>>, vector<16xi32>,
      %scan3A_40 = arith.constant 0 : i32
      %scan3A_41 = arith.constant 16 : i32
      %scan3A_42 = arith.addi %scan3A_40, %scan3A_41 : i32
      %scan3A_43 = arith.constant 2 : i32
      scf.for %scan3A_88 = %scan3A_40 to %scan3A_42 step %scan3A_43  : i32 {
        %eq3A = vector.broadcast %scan3A_88 : i32 to vector<16xi32>
        %eq3A_89 = arith.cmpi eq, %iota3A, %eq3A : vector<16xi32>
        %shift_right_logical3A = arith.constant 3 : i32
        %shift_right_logical3A_90 = vector.broadcast %shift_right_logical3A : i32 to vector<16xi32>
        %shift_right_logical3A_91 = arith.shrui %get3A_39, %shift_right_logical3A_90 : vector<16xi32>
        %jit3A = arith.constant 0 : i32
        %broadcast_in_dim3A = vector.broadcast %jit3A : i32 to vector<16xi32>
        %select_n3A = arith.select %eq3A_89, %shift_right_logical3A_91, %broadcast_in_dim3A : vector<16xi1>, vector<16xi32>
        %reduce_max3A = arith.constant true
        %reduce_max3A_92 = vector.broadcast %reduce_max3A : i1 to vector<16xi1>
        %reduce_max3A_93 = arith.constant -2147483648 : i32
        %reduce_max3A_94 = vector.broadcast %reduce_max3A_93 : i32 to vector<16xi32>
        %reduce_max3A_95 = arith.xori %select_n3A, %reduce_max3A_94 : vector<16xi32>
        %reduce_max3A_96 = tpu.scan <max>, %reduce_max3A_95 masked %reduce_max3A_92 : vector<16xi32>, vector<16xi1> -> vector<16xi32>
        %reduce_max3A_97 = arith.xori %reduce_max3A_96, %reduce_max3A_94 : vector<16xi32>
        %reduce_max3A_98 = vector.extract %reduce_max3A_97[15] : i32 from vector<16xi32>
        %dma_start3A = arith.constant 0 : i32
        %dma_start3A_99 = arith.constant 0 : i32
        %dma_start3A_100 = arith.constant 0 : i32
        %dma_start3A_101 = tpu.memref_slice %arg6[%dma_start3A, %scan3A_88, %dma_start3A_99, %dma_start3A_100] : memref<2x16x8x64xf32, #tpu.memory_space<vmem>> -> memref<1x1x8x64xf32, #tpu.memory_space<vmem>>
        %dma_start3A_102 = tpu.memref_squeeze %dma_start3A_101 : memref<1x1x8x64xf32, #tpu.memory_space<vmem>> -> memref<1x8x64xf32, #tpu.memory_space<vmem>>
        %dma_start3A_103 = tpu.memref_reshape %arg2 : memref<100000x64xf32, #tpu.memory_space<hbm>> -> memref<12500x8x64xf32, #tpu.memory_space<hbm>>
        %dma_start3A_104 = arith.constant 0 : i32
        %dma_start3A_105 = arith.constant 0 : i32
        %dma_start3A_106 = tpu.memref_slice %dma_start3A_103[%reduce_max3A_98, %dma_start3A_104, %dma_start3A_105] : memref<12500x8x64xf32, #tpu.memory_space<hbm>> -> memref<1x8x64xf32, #tpu.memory_space<hbm>>
        %dma_start3A_107 = arith.constant 0 : i32
        %dma_start3A_108 = arith.constant 0 : i32
        %dma_start3A_109 = tpu.memref_slice %arg6[%dma_start3A, %scan3A_88, %dma_start3A_107, %dma_start3A_108] : memref<2x16x8x64xf32, #tpu.memory_space<vmem>> -> memref<1x1x8x64xf32, #tpu.memory_space<vmem>>
        %dma_start3A_110 = tpu.memref_squeeze %dma_start3A_109 : memref<1x1x8x64xf32, #tpu.memory_space<vmem>> -> memref<1x8x64xf32, #tpu.memory_space<vmem>>
        %dma_start3A_111 = tpu.memref_reshape %arg2 : memref<100000x64xf32, #tpu.memory_space<hbm>> -> memref<12500x8x64xf32, #tpu.memory_space<hbm>>
        %dma_start3A_112 = arith.constant 0 : i32
        %dma_start3A_113 = arith.constant 0 : i32
        %dma_start3A_114 = tpu.memref_slice %dma_start3A_111[%reduce_max3A_98, %dma_start3A_112, %dma_start3A_113] : memref<12500x8x64xf32, #tpu.memory_space<hbm>> -> memref<1x8x64xf32, #tpu.memory_space<hbm>>
        tpu.enqueue_dma source(%dma_start3A_114 : memref<1x8x64xf32, #tpu.memory_space<hbm>>) target(%dma_start3A_110 : memref<1x8x64xf32, #tpu.memory_space<vmem>>) target_semaphore(%arg8 : memref<!tpu.dma_semaphore, #tpu.memory_space<semaphore_mem>>)
        %scan3A_115 = arith.constant 1 : i32
        %scan3A_116 = arith.addi %scan3A_88, %scan3A_115 : i32
        %eq3A_117 = vector.broadcast %scan3A_116 : i32 to vector<16xi32>
        %eq3A_118 = arith.cmpi eq, %iota3A, %eq3A_117 : vector<16xi32>
        %shift_right_logical3A_119 = arith.constant 3 : i32
        %shift_right_logical3A_120 = vector.broadcast %shift_right_logical3A_119 : i32 to vector<16xi32>
        %shift_right_logical3A_121 = arith.shrui %get3A_39, %shift_right_logical3A_120 : vector<16xi32>
        %jit3A_122 = arith.constant 0 : i32
        %broadcast_in_dim3A_123 = vector.broadcast %jit3A_122 : i32 to vector<16xi32>
        %select_n3A_124 = arith.select %eq3A_118, %shift_right_logical3A_121, %broadcast_in_dim3A_123 : vector<16xi1>, vector<16xi32>
        %reduce_max3A_125 = arith.constant true
        %reduce_max3A_126 = vector.broadcast %reduce_max3A_125 : i1 to vector<16xi1>
        %reduce_max3A_127 = arith.constant -2147483648 : i32
        %reduce_max3A_128 = vector.broadcast %reduce_max3A_127 : i32 to vector<16xi32>
        %reduce_max3A_129 = arith.xori %select_n3A_124, %reduce_max3A_128 : vector<16xi32>
        %reduce_max3A_130 = tpu.scan <max>, %reduce_max3A_129 masked %reduce_max3A_126 : vector<16xi32>, vector<16xi1> -> vector<16xi32>
        %reduce_max3A_131 = arith.xori %reduce_max3A_130, %reduce_max3A_128 : vector<16xi32>
        %reduce_max3A_132 = vector.extract %reduce_max3A_131[15] : i32 from vector<16xi32>
        %dma_start3A_133 = arith.constant 0 : i32
        %dma_start3A_134 = arith.constant 0 : i32
        %dma_start3A_135 = arith.constant 0 : i32
        %dma_start3A_136 = tpu.memref_slice %arg6[%dma_start3A_133, %scan3A_116, %dma_start3A_134, %dma_start3A_135] : memref<2x16x8x64xf32, #tpu.memory_space<vmem>> -> memref<1x1x8x64xf32, #tpu.memory_space<vmem>>
        %dma_start3A_137 = tpu.memref_squeeze %dma_start3A_136 : memref<1x1x8x64xf32, #tpu.memory_space<vmem>> -> memref<1x8x64xf32, #tpu.memory_space<vmem>>
        %dma_start3A_138 = tpu.memref_reshape %arg2 : memref<100000x64xf32, #tpu.memory_space<hbm>> -> memref<12500x8x64xf32, #tpu.memory_space<hbm>>
        %dma_start3A_139 = arith.constant 0 : i32
        %dma_start3A_140 = arith.constant 0 : i32
        %dma_start3A_141 = tpu.memref_slice %dma_start3A_138[%reduce_max3A_132, %dma_start3A_139, %dma_start3A_140] : memref<12500x8x64xf32, #tpu.memory_space<hbm>> -> memref<1x8x64xf32, #tpu.memory_space<hbm>>
        %dma_start3A_142 = arith.constant 0 : i32
        %dma_start3A_143 = arith.constant 0 : i32
        %dma_start3A_144 = tpu.memref_slice %arg6[%dma_start3A_133, %scan3A_116, %dma_start3A_142, %dma_start3A_143] : memref<2x16x8x64xf32, #tpu.memory_space<vmem>> -> memref<1x1x8x64xf32, #tpu.memory_space<vmem>>
        %dma_start3A_145 = tpu.memref_squeeze %dma_start3A_144 : memref<1x1x8x64xf32, #tpu.memory_space<vmem>> -> memref<1x8x64xf32, #tpu.memory_space<vmem>>
        %dma_start3A_146 = tpu.memref_reshape %arg2 : memref<100000x64xf32, #tpu.memory_space<hbm>> -> memref<12500x8x64xf32, #tpu.memory_space<hbm>>
        %dma_start3A_147 = arith.constant 0 : i32
        %dma_start3A_148 = arith.constant 0 : i32
        %dma_start3A_149 = tpu.memref_slice %dma_start3A_146[%reduce_max3A_132, %dma_start3A_147, %dma_start3A_148] : memref<12500x8x64xf32, #tpu.memory_space<hbm>> -> memref<1x8x64xf32, #tpu.memory_space<hbm>>
        tpu.enqueue_dma source(%dma_start3A_149 : memref<1x8x64xf32, #tpu.memory_space<hbm>>) target(%dma_start3A_145 : memref<1x8x64xf32, #tpu.memory_space<vmem>>) target_semaphore(%arg8 : memref<!tpu.dma_semaphore, #tpu.memory_space<semaphore_mem>>)
      }
      %scan3A_44 = arith.constant 16 : i32
      %gt3A = arith.constant 0 : i32
      %gt3A_45 = arith.cmpi sgt, %scan3A_33, %gt3A : i32
      %convert_element_type3A = arith.extui %gt3A_45 : i1 to i32
      %cond3A = arith.constant 0 : i32
      %cond3A_46 = arith.cmpi ne, %convert_element_type3A, %cond3A : i32
      scf.if %cond3A_46 {
        %dma_wait3A_88 = arith.constant 0 : i32
        %dma_wait3A_89 = arith.constant 0 : i32
        %dma_wait3A_90 = arith.constant 0 : i32
        %dma_wait3A_91 = arith.constant 0 : i32
        %dma_wait3A_92 = tpu.memref_slice %arg6[%dma_wait3A_88, %dma_wait3A_89, %dma_wait3A_90, %dma_wait3A_91] : memref<2x16x8x64xf32, #tpu.memory_space<vmem>> -> memref<1x16x8x64xf32, #tpu.memory_space<vmem>>
        %dma_wait3A_93 = tpu.memref_squeeze %dma_wait3A_92 : memref<1x16x8x64xf32, #tpu.memory_space<vmem>> -> memref<16x8x64xf32, #tpu.memory_space<vmem>>
        %dma_wait3A_94 = tpu.memref_reshape %arg2 : memref<100000x64xf32, #tpu.memory_space<hbm>> -> memref<12500x8x64xf32, #tpu.memory_space<hbm>>
        %dma_wait3A_95 = arith.constant 0 : i32
        %dma_wait3A_96 = arith.constant 0 : i32
        %dma_wait3A_97 = arith.constant 0 : i32
        %dma_wait3A_98 = tpu.memref_slice %dma_wait3A_94[%dma_wait3A_95, %dma_wait3A_96, %dma_wait3A_97] : memref<12500x8x64xf32, #tpu.memory_space<hbm>> -> memref<16x8x64xf32, #tpu.memory_space<hbm>>
        %dma_wait3A_99 = arith.constant 0 : i32
        %dma_wait3A_100 = arith.constant 0 : i32
        %dma_wait3A_101 = arith.constant 0 : i32
        %dma_wait3A_102 = tpu.memref_slice %arg6[%dma_wait3A_88, %dma_wait3A_99, %dma_wait3A_100, %dma_wait3A_101] : memref<2x16x8x64xf32, #tpu.memory_space<vmem>> -> memref<1x16x8x64xf32, #tpu.memory_space<vmem>>
        %dma_wait3A_103 = tpu.memref_squeeze %dma_wait3A_102 : memref<1x16x8x64xf32, #tpu.memory_space<vmem>> -> memref<16x8x64xf32, #tpu.memory_space<vmem>>
        %dma_wait3A_104 = tpu.memref_reshape %arg2 : memref<100000x64xf32, #tpu.memory_space<hbm>> -> memref<12500x8x64xf32, #tpu.memory_space<hbm>>
        %dma_wait3A_105 = arith.constant 0 : i32
        %dma_wait3A_106 = arith.constant 0 : i32
        %dma_wait3A_107 = arith.constant 0 : i32
        %dma_wait3A_108 = tpu.memref_slice %dma_wait3A_104[%dma_wait3A_105, %dma_wait3A_106, %dma_wait3A_107] : memref<12500x8x64xf32, #tpu.memory_space<hbm>> -> memref<16x8x64xf32, #tpu.memory_space<hbm>>
        tpu.wait_dma2 semaphore(%arg9 : memref<!tpu.dma_semaphore, #tpu.memory_space<semaphore_mem>>) src(%dma_wait3A_108 : memref<16x8x64xf32, #tpu.memory_space<hbm>>) dst(%dma_wait3A_103 : memref<16x8x64xf32, #tpu.memory_space<vmem>>)
        %sub3A = arith.constant 1 : i32
        %sub3A_109 = arith.subi %mul3A_35, %sub3A : i32
        %mul3A_110 = arith.constant 16 : i32
        %mul3A_111 = arith.muli %sub3A_109, %mul3A_110 : i32
        %get3A_112 = arith.index_cast %mul3A_111 : i32 to index
        %get3A_113 = tpu.vector_load %arg5[%get3A_112] {strides = array<i32>} : memref<512xi32, #tpu.memory_space<vmem>>, vector<16xi32>,
        %scan3A_114 = arith.constant 0 : i32
        %scan3A_115 = arith.constant 16 : i32
        %scan3A_116 = arith.addi %scan3A_114, %scan3A_115 : i32
        %scan3A_117 = arith.constant 2 : i32
        scf.for %scan3A_119 = %scan3A_114 to %scan3A_116 step %scan3A_117  : i32 {
          %eq3A = vector.broadcast %scan3A_119 : i32 to vector<16xi32>
          %eq3A_120 = arith.cmpi eq, %iota3A, %eq3A : vector<16xi32>
          %and3A = arith.constant 7 : i32
          %and3A_121 = vector.broadcast %and3A : i32 to vector<16xi32>
          %and3A_122 = arith.andi %get3A_113, %and3A_121 : vector<16xi32>
          %jit3A = arith.constant 0 : i32
          %broadcast_in_dim3A = vector.broadcast %jit3A : i32 to vector<16xi32>
          %select_n3A = arith.select %eq3A_120, %and3A_122, %broadcast_in_dim3A : vector<16xi1>, vector<16xi32>
          %reduce_max3A = arith.constant true
          %reduce_max3A_123 = vector.broadcast %reduce_max3A : i1 to vector<16xi1>
          %reduce_max3A_124 = arith.constant -2147483648 : i32
          %reduce_max3A_125 = vector.broadcast %reduce_max3A_124 : i32 to vector<16xi32>
          %reduce_max3A_126 = arith.xori %select_n3A, %reduce_max3A_125 : vector<16xi32>
          %reduce_max3A_127 = tpu.scan <max>, %reduce_max3A_126 masked %reduce_max3A_123 : vector<16xi32>, vector<16xi1> -> vector<16xi32>
          %reduce_max3A_128 = arith.xori %reduce_max3A_127, %reduce_max3A_125 : vector<16xi32>
          %reduce_max3A_129 = vector.extract %reduce_max3A_128[15] : i32 from vector<16xi32>
          %get3A_130 = arith.constant 1 : i32
          %get3A_131 = arith.index_cast %get3A_130 : i32 to index
          %get3A_132 = arith.index_cast %scan3A_119 : i32 to index
          %get3A_133 = arith.index_cast %reduce_max3A_129 : i32 to index
          %get3A_134 = arith.constant 0 : index
          %get3A_135 = tpu.vector_load %arg6[%get3A_131, %get3A_132, %get3A_133, %get3A_134] {strides = array<i32>} : memref<2x16x8x64xf32, #tpu.memory_space<vmem>>, vector<16xf32>,
          %mul3A_136 = arith.constant 16 : i32
          %mul3A_137 = arith.muli %sub3A_109, %mul3A_136 : i32
          %add3A_138 = arith.addi %mul3A_137, %scan3A_119 : i32
          %swap3A = arith.index_cast %add3A_138 : i32 to index
          %swap3A_139 = arith.constant 0 : index
          %swap3A_140 = tpu.vector_load %arg7[%swap3A, %swap3A_139] {strides = array<i32>} : memref<512x64xf32, #tpu.memory_space<vmem>>, vector<16xf32>,
          tpu.vector_store %arg7[%swap3A, %swap3A_139], %get3A_135 {strides = array<i32>} : memref<512x64xf32, #tpu.memory_space<vmem>>, vector<16xf32>,
          %get3A_141 = arith.constant 1 : i32
          %get3A_142 = arith.index_cast %get3A_141 : i32 to index
          %get3A_143 = arith.index_cast %scan3A_119 : i32 to index
          %get3A_144 = arith.index_cast %reduce_max3A_129 : i32 to index
          %get3A_145 = arith.constant 16 : index
          %get3A_146 = tpu.vector_load %arg6[%get3A_142, %get3A_143, %get3A_144, %get3A_145] {strides = array<i32>} : memref<2x16x8x64xf32, #tpu.memory_space<vmem>>, vector<16xf32>,
          %mul3A_147 = arith.constant 16 : i32
          %mul3A_148 = arith.muli %sub3A_109, %mul3A_147 : i32
          %add3A_149 = arith.addi %mul3A_148, %scan3A_119 : i32
          %swap3A_150 = arith.index_cast %add3A_149 : i32 to index
          %swap3A_151 = arith.constant 16 : index
          %swap3A_152 = tpu.vector_load %arg7[%swap3A_150, %swap3A_151] {strides = array<i32>} : memref<512x64xf32, #tpu.memory_space<vmem>>, vector<16xf32>,
          tpu.vector_store %arg7[%swap3A_150, %swap3A_151], %get3A_146 {strides = array<i32>} : memref<512x64xf32, #tpu.memory_space<vmem>>, vector<16xf32>,
          %get3A_153 = arith.constant 1 : i32
          %get3A_154 = arith.index_cast %get3A_153 : i32 to index
          %get3A_155 = arith.index_cast %scan3A_119 : i32 to index
          %get3A_156 = arith.index_cast %reduce_max3A_129 : i32 to index
          %get3A_157 = arith.constant 32 : index
          %get3A_158 = tpu.vector_load %arg6[%get3A_154, %get3A_155, %get3A_156, %get3A_157] {strides = array<i32>} : memref<2x16x8x64xf32, #tpu.memory_space<vmem>>, vector<16xf32>,
          %mul3A_159 = arith.constant 16 : i32
          %mul3A_160 = arith.muli %sub3A_109, %mul3A_159 : i32
          %add3A_161 = arith.addi %mul3A_160, %scan3A_119 : i32
          %swap3A_162 = arith.index_cast %add3A_161 : i32 to index
          %swap3A_163 = arith.constant 32 : index
          %swap3A_164 = tpu.vector_load %arg7[%swap3A_162, %swap3A_163] {strides = array<i32>} : memref<512x64xf32, #tpu.memory_space<vmem>>, vector<16xf32>,
          tpu.vector_store %arg7[%swap3A_162, %swap3A_163], %get3A_158 {strides = array<i32>} : memref<512x64xf32, #tpu.memory_space<vmem>>, vector<16xf32>,
          %get3A_165 = arith.constant 1 : i32
          %get3A_166 = arith.index_cast %get3A_165 : i32 to index
          %get3A_167 = arith.index_cast %scan3A_119 : i32 to index
          %get3A_168 = arith.index_cast %reduce_max3A_129 : i32 to index
          %get3A_169 = arith.constant 48 : index
          %get3A_170 = tpu.vector_load %arg6[%get3A_166, %get3A_167, %get3A_168, %get3A_169] {strides = array<i32>} : memref<2x16x8x64xf32, #tpu.memory_space<vmem>>, vector<16xf32>,
          %mul3A_171 = arith.constant 16 : i32
          %mul3A_172 = arith.muli %sub3A_109, %mul3A_171 : i32
          %add3A_173 = arith.addi %mul3A_172, %scan3A_119 : i32
          %swap3A_174 = arith.index_cast %add3A_173 : i32 to index
          %swap3A_175 = arith.constant 48 : index
          %swap3A_176 = tpu.vector_load %arg7[%swap3A_174, %swap3A_175] {strides = array<i32>} : memref<512x64xf32, #tpu.memory_space<vmem>>, vector<16xf32>,
          tpu.vector_store %arg7[%swap3A_174, %swap3A_175], %get3A_170 {strides = array<i32>} : memref<512x64xf32, #tpu.memory_space<vmem>>, vector<16xf32>,
          %scan3A_177 = arith.constant 1 : i32
          %scan3A_178 = arith.addi %scan3A_119, %scan3A_177 : i32
          %eq3A_179 = vector.broadcast %scan3A_178 : i32 to vector<16xi32>
          %eq3A_180 = arith.cmpi eq, %iota3A, %eq3A_179 : vector<16xi32>
          %and3A_181 = arith.constant 7 : i32
          %and3A_182 = vector.broadcast %and3A_181 : i32 to vector<16xi32>
          %and3A_183 = arith.andi %get3A_113, %and3A_182 : vector<16xi32>
          %jit3A_184 = arith.constant 0 : i32
          %broadcast_in_dim3A_185 = vector.broadcast %jit3A_184 : i32 to vector<16xi32>
          %select_n3A_186 = arith.select %eq3A_180, %and3A_183, %broadcast_in_dim3A_185 : vector<16xi1>, vector<16xi32>
          %reduce_max3A_187 = arith.constant true
          %reduce_max3A_188 = vector.broadcast %reduce_max3A_187 : i1 to vector<16xi1>
          %reduce_max3A_189 = arith.constant -2147483648 : i32
          %reduce_max3A_190 = vector.broadcast %reduce_max3A_189 : i32 to vector<16xi32>
          %reduce_max3A_191 = arith.xori %select_n3A_186, %reduce_max3A_190 : vector<16xi32>
          %reduce_max3A_192 = tpu.scan <max>, %reduce_max3A_191 masked %reduce_max3A_188 : vector<16xi32>, vector<16xi1> -> vector<16xi32>
          %reduce_max3A_193 = arith.xori %reduce_max3A_192, %reduce_max3A_190 : vector<16xi32>
          %reduce_max3A_194 = vector.extract %reduce_max3A_193[15] : i32 from vector<16xi32>
          %get3A_195 = arith.constant 1 : i32
          %get3A_196 = arith.index_cast %get3A_195 : i32 to index
          %get3A_197 = arith.index_cast %scan3A_178 : i32 to index
          %get3A_198 = arith.index_cast %reduce_max3A_194 : i32 to index
          %get3A_199 = arith.constant 0 : index
          %get3A_200 = tpu.vector_load %arg6[%get3A_196, %get3A_197, %get3A_198, %get3A_199] {strides = array<i32>} : memref<2x16x8x64xf32, #tpu.memory_space<vmem>>, vector<16xf32>,
          %mul3A_201 = arith.constant 16 : i32
          %mul3A_202 = arith.muli %sub3A_109, %mul3A_201 : i32
          %add3A_203 = arith.addi %mul3A_202, %scan3A_178 : i32
          %swap3A_204 = arith.index_cast %add3A_203 : i32 to index
          %swap3A_205 = arith.constant 0 : index
          %swap3A_206 = tpu.vector_load %arg7[%swap3A_204, %swap3A_205] {strides = array<i32>} : memref<512x64xf32, #tpu.memory_space<vmem>>, vector<16xf32>,
          tpu.vector_store %arg7[%swap3A_204, %swap3A_205], %get3A_200 {strides = array<i32>} : memref<512x64xf32, #tpu.memory_space<vmem>>, vector<16xf32>,
          %get3A_207 = arith.constant 1 : i32
          %get3A_208 = arith.index_cast %get3A_207 : i32 to index
          %get3A_209 = arith.index_cast %scan3A_178 : i32 to index
          %get3A_210 = arith.index_cast %reduce_max3A_194 : i32 to index
          %get3A_211 = arith.constant 16 : index
          %get3A_212 = tpu.vector_load %arg6[%get3A_208, %get3A_209, %get3A_210, %get3A_211] {strides = array<i32>} : memref<2x16x8x64xf32, #tpu.memory_space<vmem>>, vector<16xf32>,
          %mul3A_213 = arith.constant 16 : i32
          %mul3A_214 = arith.muli %sub3A_109, %mul3A_213 : i32
          %add3A_215 = arith.addi %mul3A_214, %scan3A_178 : i32
          %swap3A_216 = arith.index_cast %add3A_215 : i32 to index
          %swap3A_217 = arith.constant 16 : index
          %swap3A_218 = tpu.vector_load %arg7[%swap3A_216, %swap3A_217] {strides = array<i32>} : memref<512x64xf32, #tpu.memory_space<vmem>>, vector<16xf32>,
          tpu.vector_store %arg7[%swap3A_216, %swap3A_217], %get3A_212 {strides = array<i32>} : memref<512x64xf32, #tpu.memory_space<vmem>>, vector<16xf32>,
          %get3A_219 = arith.constant 1 : i32
          %get3A_220 = arith.index_cast %get3A_219 : i32 to index
          %get3A_221 = arith.index_cast %scan3A_178 : i32 to index
          %get3A_222 = arith.index_cast %reduce_max3A_194 : i32 to index
          %get3A_223 = arith.constant 32 : index
          %get3A_224 = tpu.vector_load %arg6[%get3A_220, %get3A_221, %get3A_222, %get3A_223] {strides = array<i32>} : memref<2x16x8x64xf32, #tpu.memory_space<vmem>>, vector<16xf32>,
          %mul3A_225 = arith.constant 16 : i32
          %mul3A_226 = arith.muli %sub3A_109, %mul3A_225 : i32
          %add3A_227 = arith.addi %mul3A_226, %scan3A_178 : i32
          %swap3A_228 = arith.index_cast %add3A_227 : i32 to index
          %swap3A_229 = arith.constant 32 : index
          %swap3A_230 = tpu.vector_load %arg7[%swap3A_228, %swap3A_229] {strides = array<i32>} : memref<512x64xf32, #tpu.memory_space<vmem>>, vector<16xf32>,
          tpu.vector_store %arg7[%swap3A_228, %swap3A_229], %get3A_224 {strides = array<i32>} : memref<512x64xf32, #tpu.memory_space<vmem>>, vector<16xf32>,
          %get3A_231 = arith.constant 1 : i32
          %get3A_232 = arith.index_cast %get3A_231 : i32 to index
          %get3A_233 = arith.index_cast %scan3A_178 : i32 to index
          %get3A_234 = arith.index_cast %reduce_max3A_194 : i32 to index
          %get3A_235 = arith.constant 48 : index
          %get3A_236 = tpu.vector_load %arg6[%get3A_232, %get3A_233, %get3A_234, %get3A_235] {strides = array<i32>} : memref<2x16x8x64xf32, #tpu.memory_space<vmem>>, vector<16xf32>,
          %mul3A_237 = arith.constant 16 : i32
          %mul3A_238 = arith.muli %sub3A_109, %mul3A_237 : i32
          %add3A_239 = arith.addi %mul3A_238, %scan3A_178 : i32
          %swap3A_240 = arith.index_cast %add3A_239 : i32 to index
          %swap3A_241 = arith.constant 48 : index
          %swap3A_242 = tpu.vector_load %arg7[%swap3A_240, %swap3A_241] {strides = array<i32>} : memref<512x64xf32, #tpu.memory_space<vmem>>, vector<16xf32>,
          tpu.vector_store %arg7[%swap3A_240, %swap3A_241], %get3A_236 {strides = array<i32>} : memref<512x64xf32, #tpu.memory_space<vmem>>, vector<16xf32>,
        }
        %scan3A_118 = arith.constant 16 : i32
      } else {
      }
      %add3A_47 = arith.constant 1 : i32
      %add3A_48 = arith.addi %mul3A_35, %add3A_47 : i32
      %mul3A_49 = arith.constant 16 : i32
      %mul3A_50 = arith.muli %add3A_48, %mul3A_49 : i32
      %get3A_51 = arith.index_cast %mul3A_50 : i32 to index
      %get3A_52 = tpu.vector_load %arg5[%get3A_51] {strides = array<i32>} : memref<512xi32, #tpu.memory_space<vmem>>, vector<16xi32>,
      %scan3A_53 = arith.constant 0 : i32
      %scan3A_54 = arith.constant 16 : i32
      %scan3A_55 = arith.addi %scan3A_53, %scan3A_54 : i32
      %scan3A_56 = arith.constant 2 : i32
      scf.for %scan3A_88 = %scan3A_53 to %scan3A_55 step %scan3A_56  : i32 {
        %eq3A = vector.broadcast %scan3A_88 : i32 to vector<16xi32>
        %eq3A_89 = arith.cmpi eq, %iota3A, %eq3A : vector<16xi32>
        %shift_right_logical3A = arith.constant 3 : i32
        %shift_right_logical3A_90 = vector.broadcast %shift_right_logical3A : i32 to vector<16xi32>
        %shift_right_logical3A_91 = arith.shrui %get3A_52, %shift_right_logical3A_90 : vector<16xi32>
        %jit3A = arith.constant 0 : i32
        %broadcast_in_dim3A = vector.broadcast %jit3A : i32 to vector<16xi32>
        %select_n3A = arith.select %eq3A_89, %shift_right_logical3A_91, %broadcast_in_dim3A : vector<16xi1>, vector<16xi32>
        %reduce_max3A = arith.constant true
        %reduce_max3A_92 = vector.broadcast %reduce_max3A : i1 to vector<16xi1>
        %reduce_max3A_93 = arith.constant -2147483648 : i32
        %reduce_max3A_94 = vector.broadcast %reduce_max3A_93 : i32 to vector<16xi32>
        %reduce_max3A_95 = arith.xori %select_n3A, %reduce_max3A_94 : vector<16xi32>
        %reduce_max3A_96 = tpu.scan <max>, %reduce_max3A_95 masked %reduce_max3A_92 : vector<16xi32>, vector<16xi1> -> vector<16xi32>
        %reduce_max3A_97 = arith.xori %reduce_max3A_96, %reduce_max3A_94 : vector<16xi32>
        %reduce_max3A_98 = vector.extract %reduce_max3A_97[15] : i32 from vector<16xi32>
        %dma_start3A = arith.constant 1 : i32
        %dma_start3A_99 = arith.constant 0 : i32
        %dma_start3A_100 = arith.constant 0 : i32
        %dma_start3A_101 = tpu.memref_slice %arg6[%dma_start3A, %scan3A_88, %dma_start3A_99, %dma_start3A_100] : memref<2x16x8x64xf32, #tpu.memory_space<vmem>> -> memref<1x1x8x64xf32, #tpu.memory_space<vmem>>
        %dma_start3A_102 = tpu.memref_squeeze %dma_start3A_101 : memref<1x1x8x64xf32, #tpu.memory_space<vmem>> -> memref<1x8x64xf32, #tpu.memory_space<vmem>>
        %dma_start3A_103 = tpu.memref_reshape %arg2 : memref<100000x64xf32, #tpu.memory_space<hbm>> -> memref<12500x8x64xf32, #tpu.memory_space<hbm>>
        %dma_start3A_104 = arith.constant 0 : i32
        %dma_start3A_105 = arith.constant 0 : i32
        %dma_start3A_106 = tpu.memref_slice %dma_start3A_103[%reduce_max3A_98, %dma_start3A_104, %dma_start3A_105] : memref<12500x8x64xf32, #tpu.memory_space<hbm>> -> memref<1x8x64xf32, #tpu.memory_space<hbm>>
        %dma_start3A_107 = arith.constant 0 : i32
        %dma_start3A_108 = arith.constant 0 : i32
        %dma_start3A_109 = tpu.memref_slice %arg6[%dma_start3A, %scan3A_88, %dma_start3A_107, %dma_start3A_108] : memref<2x16x8x64xf32, #tpu.memory_space<vmem>> -> memref<1x1x8x64xf32, #tpu.memory_space<vmem>>
        %dma_start3A_110 = tpu.memref_squeeze %dma_start3A_109 : memref<1x1x8x64xf32, #tpu.memory_space<vmem>> -> memref<1x8x64xf32, #tpu.memory_space<vmem>>
        %dma_start3A_111 = tpu.memref_reshape %arg2 : memref<100000x64xf32, #tpu.memory_space<hbm>> -> memref<12500x8x64xf32, #tpu.memory_space<hbm>>
        %dma_start3A_112 = arith.constant 0 : i32
        %dma_start3A_113 = arith.constant 0 : i32
        %dma_start3A_114 = tpu.memref_slice %dma_start3A_111[%reduce_max3A_98, %dma_start3A_112, %dma_start3A_113] : memref<12500x8x64xf32, #tpu.memory_space<hbm>> -> memref<1x8x64xf32, #tpu.memory_space<hbm>>
        tpu.enqueue_dma source(%dma_start3A_114 : memref<1x8x64xf32, #tpu.memory_space<hbm>>) target(%dma_start3A_110 : memref<1x8x64xf32, #tpu.memory_space<vmem>>) target_semaphore(%arg9 : memref<!tpu.dma_semaphore, #tpu.memory_space<semaphore_mem>>)
        %scan3A_115 = arith.constant 1 : i32
        %scan3A_116 = arith.addi %scan3A_88, %scan3A_115 : i32
        %eq3A_117 = vector.broadcast %scan3A_116 : i32 to vector<16xi32>
        %eq3A_118 = arith.cmpi eq, %iota3A, %eq3A_117 : vector<16xi32>
        %shift_right_logical3A_119 = arith.constant 3 : i32
        %shift_right_logical3A_120 = vector.broadcast %shift_right_logical3A_119 : i32 to vector<16xi32>
        %shift_right_logical3A_121 = arith.shrui %get3A_52, %shift_right_logical3A_120 : vector<16xi32>
        %jit3A_122 = arith.constant 0 : i32
        %broadcast_in_dim3A_123 = vector.broadcast %jit3A_122 : i32 to vector<16xi32>
        %select_n3A_124 = arith.select %eq3A_118, %shift_right_logical3A_121, %broadcast_in_dim3A_123 : vector<16xi1>, vector<16xi32>
        %reduce_max3A_125 = arith.constant true
        %reduce_max3A_126 = vector.broadcast %reduce_max3A_125 : i1 to vector<16xi1>
        %reduce_max3A_127 = arith.constant -2147483648 : i32
        %reduce_max3A_128 = vector.broadcast %reduce_max3A_127 : i32 to vector<16xi32>
        %reduce_max3A_129 = arith.xori %select_n3A_124, %reduce_max3A_128 : vector<16xi32>
        %reduce_max3A_130 = tpu.scan <max>, %reduce_max3A_129 masked %reduce_max3A_126 : vector<16xi32>, vector<16xi1> -> vector<16xi32>
        %reduce_max3A_131 = arith.xori %reduce_max3A_130, %reduce_max3A_128 : vector<16xi32>
        %reduce_max3A_132 = vector.extract %reduce_max3A_131[15] : i32 from vector<16xi32>
        %dma_start3A_133 = arith.constant 1 : i32
        %dma_start3A_134 = arith.constant 0 : i32
        %dma_start3A_135 = arith.constant 0 : i32
        %dma_start3A_136 = tpu.memref_slice %arg6[%dma_start3A_133, %scan3A_116, %dma_start3A_134, %dma_start3A_135] : memref<2x16x8x64xf32, #tpu.memory_space<vmem>> -> memref<1x1x8x64xf32, #tpu.memory_space<vmem>>
        %dma_start3A_137 = tpu.memref_squeeze %dma_start3A_136 : memref<1x1x8x64xf32, #tpu.memory_space<vmem>> -> memref<1x8x64xf32, #tpu.memory_space<vmem>>
        %dma_start3A_138 = tpu.memref_reshape %arg2 : memref<100000x64xf32, #tpu.memory_space<hbm>> -> memref<12500x8x64xf32, #tpu.memory_space<hbm>>
        %dma_start3A_139 = arith.constant 0 : i32
        %dma_start3A_140 = arith.constant 0 : i32
        %dma_start3A_141 = tpu.memref_slice %dma_start3A_138[%reduce_max3A_132, %dma_start3A_139, %dma_start3A_140] : memref<12500x8x64xf32, #tpu.memory_space<hbm>> -> memref<1x8x64xf32, #tpu.memory_space<hbm>>
        %dma_start3A_142 = arith.constant 0 : i32
        %dma_start3A_143 = arith.constant 0 : i32
        %dma_start3A_144 = tpu.memref_slice %arg6[%dma_start3A_133, %scan3A_116, %dma_start3A_142, %dma_start3A_143] : memref<2x16x8x64xf32, #tpu.memory_space<vmem>> -> memref<1x1x8x64xf32, #tpu.memory_space<vmem>>
        %dma_start3A_145 = tpu.memref_squeeze %dma_start3A_144 : memref<1x1x8x64xf32, #tpu.memory_space<vmem>> -> memref<1x8x64xf32, #tpu.memory_space<vmem>>
        %dma_start3A_146 = tpu.memref_reshape %arg2 : memref<100000x64xf32, #tpu.memory_space<hbm>> -> memref<12500x8x64xf32, #tpu.memory_space<hbm>>
        %dma_start3A_147 = arith.constant 0 : i32
        %dma_start3A_148 = arith.constant 0 : i32
        %dma_start3A_149 = tpu.memref_slice %dma_start3A_146[%reduce_max3A_132, %dma_start3A_147, %dma_start3A_148] : memref<12500x8x64xf32, #tpu.memory_space<hbm>> -> memref<1x8x64xf32, #tpu.memory_space<hbm>>
        tpu.enqueue_dma source(%dma_start3A_149 : memref<1x8x64xf32, #tpu.memory_space<hbm>>) target(%dma_start3A_145 : memref<1x8x64xf32, #tpu.memory_space<vmem>>) target_semaphore(%arg9 : memref<!tpu.dma_semaphore, #tpu.memory_space<semaphore_mem>>)
      }
      %scan3A_57 = arith.constant 16 : i32
      %dma_wait3A_58 = arith.constant 0 : i32
      %dma_wait3A_59 = arith.constant 0 : i32
      %dma_wait3A_60 = arith.constant 0 : i32
      %dma_wait3A_61 = arith.constant 0 : i32
      %dma_wait3A_62 = tpu.memref_slice %arg6[%dma_wait3A_58, %dma_wait3A_59, %dma_wait3A_60, %dma_wait3A_61] : memref<2x16x8x64xf32, #tpu.memory_space<vmem>> -> memref<1x16x8x64xf32, #tpu.memory_space<vmem>>
      %dma_wait3A_63 = tpu.memref_squeeze %dma_wait3A_62 : memref<1x16x8x64xf32, #tpu.memory_space<vmem>> -> memref<16x8x64xf32, #tpu.memory_space<vmem>>
      %dma_wait3A_64 = tpu.memref_reshape %arg2 : memref<100000x64xf32, #tpu.memory_space<hbm>> -> memref<12500x8x64xf32, #tpu.memory_space<hbm>>
      %dma_wait3A_65 = arith.constant 0 : i32
      %dma_wait3A_66 = arith.constant 0 : i32
      %dma_wait3A_67 = arith.constant 0 : i32
      %dma_wait3A_68 = tpu.memref_slice %dma_wait3A_64[%dma_wait3A_65, %dma_wait3A_66, %dma_wait3A_67] : memref<12500x8x64xf32, #tpu.memory_space<hbm>> -> memref<16x8x64xf32, #tpu.memory_space<hbm>>
      %dma_wait3A_69 = arith.constant 0 : i32
      %dma_wait3A_70 = arith.constant 0 : i32
      %dma_wait3A_71 = arith.constant 0 : i32
      %dma_wait3A_72 = tpu.memref_slice %arg6[%dma_wait3A_58, %dma_wait3A_69, %dma_wait3A_70, %dma_wait3A_71] : memref<2x16x8x64xf32, #tpu.memory_space<vmem>> -> memref<1x16x8x64xf32, #tpu.memory_space<vmem>>
      %dma_wait3A_73 = tpu.memref_squeeze %dma_wait3A_72 : memref<1x16x8x64xf32, #tpu.memory_space<vmem>> -> memref<16x8x64xf32, #tpu.memory_space<vmem>>
      %dma_wait3A_74 = tpu.memref_reshape %arg2 : memref<100000x64xf32, #tpu.memory_space<hbm>> -> memref<12500x8x64xf32, #tpu.memory_space<hbm>>
      %dma_wait3A_75 = arith.constant 0 : i32
      %dma_wait3A_76 = arith.constant 0 : i32
      %dma_wait3A_77 = arith.constant 0 : i32
      %dma_wait3A_78 = tpu.memref_slice %dma_wait3A_74[%dma_wait3A_75, %dma_wait3A_76, %dma_wait3A_77] : memref<12500x8x64xf32, #tpu.memory_space<hbm>> -> memref<16x8x64xf32, #tpu.memory_space<hbm>>
      tpu.wait_dma2 semaphore(%arg8 : memref<!tpu.dma_semaphore, #tpu.memory_space<semaphore_mem>>) src(%dma_wait3A_78 : memref<16x8x64xf32, #tpu.memory_space<hbm>>) dst(%dma_wait3A_73 : memref<16x8x64xf32, #tpu.memory_space<vmem>>)
      %mul3A_79 = arith.constant 16 : i32
      %mul3A_80 = arith.muli %mul3A_35, %mul3A_79 : i32
      %get3A_81 = arith.index_cast %mul3A_80 : i32 to index
      %get3A_82 = tpu.vector_load %arg5[%get3A_81] {strides = array<i32>} : memref<512xi32, #tpu.memory_space<vmem>>, vector<16xi32>,
      %scan3A_83 = arith.constant 0 : i32
      %scan3A_84 = arith.constant 16 : i32
      %scan3A_85 = arith.addi %scan3A_83, %scan3A_84 : i32
      %scan3A_86 = arith.constant 2 : i32
      scf.for %scan3A_88 = %scan3A_83 to %scan3A_85 step %scan3A_86  : i32 {
        %eq3A = vector.broadcast %scan3A_88 : i32 to vector<16xi32>
        %eq3A_89 = arith.cmpi eq, %iota3A, %eq3A : vector<16xi32>
        %and3A = arith.constant 7 : i32
        %and3A_90 = vector.broadcast %and3A : i32 to vector<16xi32>
        %and3A_91 = arith.andi %get3A_82, %and3A_90 : vector<16xi32>
        %jit3A = arith.constant 0 : i32
        %broadcast_in_dim3A = vector.broadcast %jit3A : i32 to vector<16xi32>
        %select_n3A = arith.select %eq3A_89, %and3A_91, %broadcast_in_dim3A : vector<16xi1>, vector<16xi32>
        %reduce_max3A = arith.constant true
        %reduce_max3A_92 = vector.broadcast %reduce_max3A : i1 to vector<16xi1>
        %reduce_max3A_93 = arith.constant -2147483648 : i32
        %reduce_max3A_94 = vector.broadcast %reduce_max3A_93 : i32 to vector<16xi32>
        %reduce_max3A_95 = arith.xori %select_n3A, %reduce_max3A_94 : vector<16xi32>
        %reduce_max3A_96 = tpu.scan <max>, %reduce_max3A_95 masked %reduce_max3A_92 : vector<16xi32>, vector<16xi1> -> vector<16xi32>
        %reduce_max3A_97 = arith.xori %reduce_max3A_96, %reduce_max3A_94 : vector<16xi32>
        %reduce_max3A_98 = vector.extract %reduce_max3A_97[15] : i32 from vector<16xi32>
        %get3A_99 = arith.constant 0 : i32
        %get3A_100 = arith.index_cast %get3A_99 : i32 to index
        %get3A_101 = arith.index_cast %scan3A_88 : i32 to index
        %get3A_102 = arith.index_cast %reduce_max3A_98 : i32 to index
        %get3A_103 = arith.constant 0 : index
        %get3A_104 = tpu.vector_load %arg6[%get3A_100, %get3A_101, %get3A_102, %get3A_103] {strides = array<i32>} : memref<2x16x8x64xf32, #tpu.memory_space<vmem>>, vector<16xf32>,
        %mul3A_105 = arith.constant 16 : i32
        %mul3A_106 = arith.muli %mul3A_35, %mul3A_105 : i32
        %add3A_107 = arith.addi %mul3A_106, %scan3A_88 : i32
        %swap3A = arith.index_cast %add3A_107 : i32 to index
        %swap3A_108 = arith.constant 0 : index
        %swap3A_109 = tpu.vector_load %arg7[%swap3A, %swap3A_108] {strides = array<i32>} : memref<512x64xf32, #tpu.memory_space<vmem>>, vector<16xf32>,
        tpu.vector_store %arg7[%swap3A, %swap3A_108], %get3A_104 {strides = array<i32>} : memref<512x64xf32, #tpu.memory_space<vmem>>, vector<16xf32>,
        %get3A_110 = arith.constant 0 : i32
        %get3A_111 = arith.index_cast %get3A_110 : i32 to index
        %get3A_112 = arith.index_cast %scan3A_88 : i32 to index
        %get3A_113 = arith.index_cast %reduce_max3A_98 : i32 to index
        %get3A_114 = arith.constant 16 : index
        %get3A_115 = tpu.vector_load %arg6[%get3A_111, %get3A_112, %get3A_113, %get3A_114] {strides = array<i32>} : memref<2x16x8x64xf32, #tpu.memory_space<vmem>>, vector<16xf32>,
        %mul3A_116 = arith.constant 16 : i32
        %mul3A_117 = arith.muli %mul3A_35, %mul3A_116 : i32
        %add3A_118 = arith.addi %mul3A_117, %scan3A_88 : i32
        %swap3A_119 = arith.index_cast %add3A_118 : i32 to index
        %swap3A_120 = arith.constant 16 : index
        %swap3A_121 = tpu.vector_load %arg7[%swap3A_119, %swap3A_120] {strides = array<i32>} : memref<512x64xf32, #tpu.memory_space<vmem>>, vector<16xf32>,
        tpu.vector_store %arg7[%swap3A_119, %swap3A_120], %get3A_115 {strides = array<i32>} : memref<512x64xf32, #tpu.memory_space<vmem>>, vector<16xf32>,
        %get3A_122 = arith.constant 0 : i32
        %get3A_123 = arith.index_cast %get3A_122 : i32 to index
        %get3A_124 = arith.index_cast %scan3A_88 : i32 to index
        %get3A_125 = arith.index_cast %reduce_max3A_98 : i32 to index
        %get3A_126 = arith.constant 32 : index
        %get3A_127 = tpu.vector_load %arg6[%get3A_123, %get3A_124, %get3A_125, %get3A_126] {strides = array<i32>} : memref<2x16x8x64xf32, #tpu.memory_space<vmem>>, vector<16xf32>,
        %mul3A_128 = arith.constant 16 : i32
        %mul3A_129 = arith.muli %mul3A_35, %mul3A_128 : i32
        %add3A_130 = arith.addi %mul3A_129, %scan3A_88 : i32
        %swap3A_131 = arith.index_cast %add3A_130 : i32 to index
        %swap3A_132 = arith.constant 32 : index
        %swap3A_133 = tpu.vector_load %arg7[%swap3A_131, %swap3A_132] {strides = array<i32>} : memref<512x64xf32, #tpu.memory_space<vmem>>, vector<16xf32>,
        tpu.vector_store %arg7[%swap3A_131, %swap3A_132], %get3A_127 {strides = array<i32>} : memref<512x64xf32, #tpu.memory_space<vmem>>, vector<16xf32>,
        %get3A_134 = arith.constant 0 : i32
        %get3A_135 = arith.index_cast %get3A_134 : i32 to index
        %get3A_136 = arith.index_cast %scan3A_88 : i32 to index
        %get3A_137 = arith.index_cast %reduce_max3A_98 : i32 to index
        %get3A_138 = arith.constant 48 : index
        %get3A_139 = tpu.vector_load %arg6[%get3A_135, %get3A_136, %get3A_137, %get3A_138] {strides = array<i32>} : memref<2x16x8x64xf32, #tpu.memory_space<vmem>>, vector<16xf32>,
        %mul3A_140 = arith.constant 16 : i32
        %mul3A_141 = arith.muli %mul3A_35, %mul3A_140 : i32
        %add3A_142 = arith.addi %mul3A_141, %scan3A_88 : i32
        %swap3A_143 = arith.index_cast %add3A_142 : i32 to index
        %swap3A_144 = arith.constant 48 : index
        %swap3A_145 = tpu.vector_load %arg7[%swap3A_143, %swap3A_144] {strides = array<i32>} : memref<512x64xf32, #tpu.memory_space<vmem>>, vector<16xf32>,
        tpu.vector_store %arg7[%swap3A_143, %swap3A_144], %get3A_139 {strides = array<i32>} : memref<512x64xf32, #tpu.memory_space<vmem>>, vector<16xf32>,
        %scan3A_146 = arith.constant 1 : i32
        %scan3A_147 = arith.addi %scan3A_88, %scan3A_146 : i32
        %eq3A_148 = vector.broadcast %scan3A_147 : i32 to vector<16xi32>
        %eq3A_149 = arith.cmpi eq, %iota3A, %eq3A_148 : vector<16xi32>
        %and3A_150 = arith.constant 7 : i32
        %and3A_151 = vector.broadcast %and3A_150 : i32 to vector<16xi32>
        %and3A_152 = arith.andi %get3A_82, %and3A_151 : vector<16xi32>
        %jit3A_153 = arith.constant 0 : i32
        %broadcast_in_dim3A_154 = vector.broadcast %jit3A_153 : i32 to vector<16xi32>
        %select_n3A_155 = arith.select %eq3A_149, %and3A_152, %broadcast_in_dim3A_154 : vector<16xi1>, vector<16xi32>
        %reduce_max3A_156 = arith.constant true
        %reduce_max3A_157 = vector.broadcast %reduce_max3A_156 : i1 to vector<16xi1>
        %reduce_max3A_158 = arith.constant -2147483648 : i32
        %reduce_max3A_159 = vector.broadcast %reduce_max3A_158 : i32 to vector<16xi32>
        %reduce_max3A_160 = arith.xori %select_n3A_155, %reduce_max3A_159 : vector<16xi32>
        %reduce_max3A_161 = tpu.scan <max>, %reduce_max3A_160 masked %reduce_max3A_157 : vector<16xi32>, vector<16xi1> -> vector<16xi32>
        %reduce_max3A_162 = arith.xori %reduce_max3A_161, %reduce_max3A_159 : vector<16xi32>
        %reduce_max3A_163 = vector.extract %reduce_max3A_162[15] : i32 from vector<16xi32>
        %get3A_164 = arith.constant 0 : i32
        %get3A_165 = arith.index_cast %get3A_164 : i32 to index
        %get3A_166 = arith.index_cast %scan3A_147 : i32 to index
        %get3A_167 = arith.index_cast %reduce_max3A_163 : i32 to index
        %get3A_168 = arith.constant 0 : index
        %get3A_169 = tpu.vector_load %arg6[%get3A_165, %get3A_166, %get3A_167, %get3A_168] {strides = array<i32>} : memref<2x16x8x64xf32, #tpu.memory_space<vmem>>, vector<16xf32>,
        %mul3A_170 = arith.constant 16 : i32
        %mul3A_171 = arith.muli %mul3A_35, %mul3A_170 : i32
        %add3A_172 = arith.addi %mul3A_171, %scan3A_147 : i32
        %swap3A_173 = arith.index_cast %add3A_172 : i32 to index
        %swap3A_174 = arith.constant 0 : index
        %swap3A_175 = tpu.vector_load %arg7[%swap3A_173, %swap3A_174] {strides = array<i32>} : memref<512x64xf32, #tpu.memory_space<vmem>>, vector<16xf32>,
        tpu.vector_store %arg7[%swap3A_173, %swap3A_174], %get3A_169 {strides = array<i32>} : memref<512x64xf32, #tpu.memory_space<vmem>>, vector<16xf32>,
        %get3A_176 = arith.constant 0 : i32
        %get3A_177 = arith.index_cast %get3A_176 : i32 to index
        %get3A_178 = arith.index_cast %scan3A_147 : i32 to index
        %get3A_179 = arith.index_cast %reduce_max3A_163 : i32 to index
        %get3A_180 = arith.constant 16 : index
        %get3A_181 = tpu.vector_load %arg6[%get3A_177, %get3A_178, %get3A_179, %get3A_180] {strides = array<i32>} : memref<2x16x8x64xf32, #tpu.memory_space<vmem>>, vector<16xf32>,
        %mul3A_182 = arith.constant 16 : i32
        %mul3A_183 = arith.muli %mul3A_35, %mul3A_182 : i32
        %add3A_184 = arith.addi %mul3A_183, %scan3A_147 : i32
        %swap3A_185 = arith.index_cast %add3A_184 : i32 to index
        %swap3A_186 = arith.constant 16 : index
        %swap3A_187 = tpu.vector_load %arg7[%swap3A_185, %swap3A_186] {strides = array<i32>} : memref<512x64xf32, #tpu.memory_space<vmem>>, vector<16xf32>,
        tpu.vector_store %arg7[%swap3A_185, %swap3A_186], %get3A_181 {strides = array<i32>} : memref<512x64xf32, #tpu.memory_space<vmem>>, vector<16xf32>,
        %get3A_188 = arith.constant 0 : i32
        %get3A_189 = arith.index_cast %get3A_188 : i32 to index
        %get3A_190 = arith.index_cast %scan3A_147 : i32 to index
        %get3A_191 = arith.index_cast %reduce_max3A_163 : i32 to index
        %get3A_192 = arith.constant 32 : index
        %get3A_193 = tpu.vector_load %arg6[%get3A_189, %get3A_190, %get3A_191, %get3A_192] {strides = array<i32>} : memref<2x16x8x64xf32, #tpu.memory_space<vmem>>, vector<16xf32>,
        %mul3A_194 = arith.constant 16 : i32
        %mul3A_195 = arith.muli %mul3A_35, %mul3A_194 : i32
        %add3A_196 = arith.addi %mul3A_195, %scan3A_147 : i32
        %swap3A_197 = arith.index_cast %add3A_196 : i32 to index
        %swap3A_198 = arith.constant 32 : index
        %swap3A_199 = tpu.vector_load %arg7[%swap3A_197, %swap3A_198] {strides = array<i32>} : memref<512x64xf32, #tpu.memory_space<vmem>>, vector<16xf32>,
        tpu.vector_store %arg7[%swap3A_197, %swap3A_198], %get3A_193 {strides = array<i32>} : memref<512x64xf32, #tpu.memory_space<vmem>>, vector<16xf32>,
        %get3A_200 = arith.constant 0 : i32
        %get3A_201 = arith.index_cast %get3A_200 : i32 to index
        %get3A_202 = arith.index_cast %scan3A_147 : i32 to index
        %get3A_203 = arith.index_cast %reduce_max3A_163 : i32 to index
        %get3A_204 = arith.constant 48 : index
        %get3A_205 = tpu.vector_load %arg6[%get3A_201, %get3A_202, %get3A_203, %get3A_204] {strides = array<i32>} : memref<2x16x8x64xf32, #tpu.memory_space<vmem>>, vector<16xf32>,
        %mul3A_206 = arith.constant 16 : i32
        %mul3A_207 = arith.muli %mul3A_35, %mul3A_206 : i32
        %add3A_208 = arith.addi %mul3A_207, %scan3A_147 : i32
        %swap3A_209 = arith.index_cast %add3A_208 : i32 to index
        %swap3A_210 = arith.constant 48 : index
        %swap3A_211 = tpu.vector_load %arg7[%swap3A_209, %swap3A_210] {strides = array<i32>} : memref<512x64xf32, #tpu.memory_space<vmem>>, vector<16xf32>,
        tpu.vector_store %arg7[%swap3A_209, %swap3A_210], %get3A_205 {strides = array<i32>} : memref<512x64xf32, #tpu.memory_space<vmem>>, vector<16xf32>,
      }
      %scan3A_87 = arith.constant 16 : i32
    }
    %scan3A_6 = arith.constant 16 : i32
    %dma_wait3A = arith.constant 0 : i32
    %dma_wait3A_7 = arith.constant 0 : i32
    %dma_wait3A_8 = arith.constant 0 : i32
    %dma_wait3A_9 = arith.constant 0 : i32
    %dma_wait3A_10 = tpu.memref_slice %arg6[%dma_wait3A, %dma_wait3A_7, %dma_wait3A_8, %dma_wait3A_9] : memref<2x16x8x64xf32, #tpu.memory_space<vmem>> -> memref<1x16x8x64xf32, #tpu.memory_space<vmem>>
    %dma_wait3A_11 = tpu.memref_squeeze %dma_wait3A_10 : memref<1x16x8x64xf32, #tpu.memory_space<vmem>> -> memref<16x8x64xf32, #tpu.memory_space<vmem>>
    %dma_wait3A_12 = tpu.memref_reshape %arg2 : memref<100000x64xf32, #tpu.memory_space<hbm>> -> memref<12500x8x64xf32, #tpu.memory_space<hbm>>
    %dma_wait3A_13 = arith.constant 0 : i32
    %dma_wait3A_14 = arith.constant 0 : i32
    %dma_wait3A_15 = arith.constant 0 : i32
    %dma_wait3A_16 = tpu.memref_slice %dma_wait3A_12[%dma_wait3A_13, %dma_wait3A_14, %dma_wait3A_15] : memref<12500x8x64xf32, #tpu.memory_space<hbm>> -> memref<16x8x64xf32, #tpu.memory_space<hbm>>
    %dma_wait3A_17 = arith.constant 0 : i32
    %dma_wait3A_18 = arith.constant 0 : i32
    %dma_wait3A_19 = arith.constant 0 : i32
    %dma_wait3A_20 = tpu.memref_slice %arg6[%dma_wait3A, %dma_wait3A_17, %dma_wait3A_18, %dma_wait3A_19] : memref<2x16x8x64xf32, #tpu.memory_space<vmem>> -> memref<1x16x8x64xf32, #tpu.memory_space<vmem>>
    %dma_wait3A_21 = tpu.memref_squeeze %dma_wait3A_20 : memref<1x16x8x64xf32, #tpu.memory_space<vmem>> -> memref<16x8x64xf32, #tpu.memory_space<vmem>>
    %dma_wait3A_22 = tpu.memref_reshape %arg2 : memref<100000x64xf32, #tpu.memory_space<hbm>> -> memref<12500x8x64xf32, #tpu.memory_space<hbm>>
    %dma_wait3A_23 = arith.constant 0 : i32
    %dma_wait3A_24 = arith.constant 0 : i32
    %dma_wait3A_25 = arith.constant 0 : i32
    %dma_wait3A_26 = tpu.memref_slice %dma_wait3A_22[%dma_wait3A_23, %dma_wait3A_24, %dma_wait3A_25] : memref<12500x8x64xf32, #tpu.memory_space<hbm>> -> memref<16x8x64xf32, #tpu.memory_space<hbm>>
    tpu.wait_dma2 semaphore(%arg9 : memref<!tpu.dma_semaphore, #tpu.memory_space<semaphore_mem>>) src(%dma_wait3A_26 : memref<16x8x64xf32, #tpu.memory_space<hbm>>) dst(%dma_wait3A_21 : memref<16x8x64xf32, #tpu.memory_space<vmem>>)
    %get3A = arith.constant 496 : index
    %get3A_27 = tpu.vector_load %arg5[%get3A] {strides = array<i32>} : memref<512xi32, #tpu.memory_space<vmem>>, vector<16xi32>,
    %scan3A_28 = arith.constant 0 : i32
    %scan3A_29 = arith.constant 16 : i32
    %scan3A_30 = arith.addi %scan3A_28, %scan3A_29 : i32
    %scan3A_31 = arith.constant 2 : i32
    scf.for %scan3A_33 = %scan3A_28 to %scan3A_30 step %scan3A_31  : i32 {
      %eq3A = vector.broadcast %scan3A_33 : i32 to vector<16xi32>
      %eq3A_34 = arith.cmpi eq, %iota3A, %eq3A : vector<16xi32>
      %and3A = arith.constant 7 : i32
      %and3A_35 = vector.broadcast %and3A : i32 to vector<16xi32>
      %and3A_36 = arith.andi %get3A_27, %and3A_35 : vector<16xi32>
      %jit3A = arith.constant 0 : i32
      %broadcast_in_dim3A = vector.broadcast %jit3A : i32 to vector<16xi32>
      %select_n3A = arith.select %eq3A_34, %and3A_36, %broadcast_in_dim3A : vector<16xi1>, vector<16xi32>
      %reduce_max3A = arith.constant true
      %reduce_max3A_37 = vector.broadcast %reduce_max3A : i1 to vector<16xi1>
      %reduce_max3A_38 = arith.constant -2147483648 : i32
      %reduce_max3A_39 = vector.broadcast %reduce_max3A_38 : i32 to vector<16xi32>
      %reduce_max3A_40 = arith.xori %select_n3A, %reduce_max3A_39 : vector<16xi32>
      %reduce_max3A_41 = tpu.scan <max>, %reduce_max3A_40 masked %reduce_max3A_37 : vector<16xi32>, vector<16xi1> -> vector<16xi32>
      %reduce_max3A_42 = arith.xori %reduce_max3A_41, %reduce_max3A_39 : vector<16xi32>
      %reduce_max3A_43 = vector.extract %reduce_max3A_42[15] : i32 from vector<16xi32>
      %get3A_44 = arith.constant 1 : i32
      %get3A_45 = arith.index_cast %get3A_44 : i32 to index
      %get3A_46 = arith.index_cast %scan3A_33 : i32 to index
      %get3A_47 = arith.index_cast %reduce_max3A_43 : i32 to index
      %get3A_48 = arith.constant 0 : index
      %get3A_49 = tpu.vector_load %arg6[%get3A_45, %get3A_46, %get3A_47, %get3A_48] {strides = array<i32>} : memref<2x16x8x64xf32, #tpu.memory_space<vmem>>, vector<16xf32>,
      %add3A_50 = arith.constant 496 : i32
      %add3A_51 = arith.addi %add3A_50, %scan3A_33 : i32
      %swap3A = arith.index_cast %add3A_51 : i32 to index
      %swap3A_52 = arith.constant 0 : index
      %swap3A_53 = tpu.vector_load %arg7[%swap3A, %swap3A_52] {strides = array<i32>} : memref<512x64xf32, #tpu.memory_space<vmem>>, vector<16xf32>,
      tpu.vector_store %arg7[%swap3A, %swap3A_52], %get3A_49 {strides = array<i32>} : memref<512x64xf32, #tpu.memory_space<vmem>>, vector<16xf32>,
      %get3A_54 = arith.constant 1 : i32
      %get3A_55 = arith.index_cast %get3A_54 : i32 to index
      %get3A_56 = arith.index_cast %scan3A_33 : i32 to index
      %get3A_57 = arith.index_cast %reduce_max3A_43 : i32 to index
      %get3A_58 = arith.constant 16 : index
      %get3A_59 = tpu.vector_load %arg6[%get3A_55, %get3A_56, %get3A_57, %get3A_58] {strides = array<i32>} : memref<2x16x8x64xf32, #tpu.memory_space<vmem>>, vector<16xf32>,
      %add3A_60 = arith.constant 496 : i32
      %add3A_61 = arith.addi %add3A_60, %scan3A_33 : i32
      %swap3A_62 = arith.index_cast %add3A_61 : i32 to index
      %swap3A_63 = arith.constant 16 : index
      %swap3A_64 = tpu.vector_load %arg7[%swap3A_62, %swap3A_63] {strides = array<i32>} : memref<512x64xf32, #tpu.memory_space<vmem>>, vector<16xf32>,
      tpu.vector_store %arg7[%swap3A_62, %swap3A_63], %get3A_59 {strides = array<i32>} : memref<512x64xf32, #tpu.memory_space<vmem>>, vector<16xf32>,
      %get3A_65 = arith.constant 1 : i32
      %get3A_66 = arith.index_cast %get3A_65 : i32 to index
      %get3A_67 = arith.index_cast %scan3A_33 : i32 to index
      %get3A_68 = arith.index_cast %reduce_max3A_43 : i32 to index
      %get3A_69 = arith.constant 32 : index
      %get3A_70 = tpu.vector_load %arg6[%get3A_66, %get3A_67, %get3A_68, %get3A_69] {strides = array<i32>} : memref<2x16x8x64xf32, #tpu.memory_space<vmem>>, vector<16xf32>,
      %add3A_71 = arith.constant 496 : i32
      %add3A_72 = arith.addi %add3A_71, %scan3A_33 : i32
      %swap3A_73 = arith.index_cast %add3A_72 : i32 to index
      %swap3A_74 = arith.constant 32 : index
      %swap3A_75 = tpu.vector_load %arg7[%swap3A_73, %swap3A_74] {strides = array<i32>} : memref<512x64xf32, #tpu.memory_space<vmem>>, vector<16xf32>,
      tpu.vector_store %arg7[%swap3A_73, %swap3A_74], %get3A_70 {strides = array<i32>} : memref<512x64xf32, #tpu.memory_space<vmem>>, vector<16xf32>,
      %get3A_76 = arith.constant 1 : i32
      %get3A_77 = arith.index_cast %get3A_76 : i32 to index
      %get3A_78 = arith.index_cast %scan3A_33 : i32 to index
      %get3A_79 = arith.index_cast %reduce_max3A_43 : i32 to index
      %get3A_80 = arith.constant 48 : index
      %get3A_81 = tpu.vector_load %arg6[%get3A_77, %get3A_78, %get3A_79, %get3A_80] {strides = array<i32>} : memref<2x16x8x64xf32, #tpu.memory_space<vmem>>, vector<16xf32>,
      %add3A_82 = arith.constant 496 : i32
      %add3A_83 = arith.addi %add3A_82, %scan3A_33 : i32
      %swap3A_84 = arith.index_cast %add3A_83 : i32 to index
      %swap3A_85 = arith.constant 48 : index
      %swap3A_86 = tpu.vector_load %arg7[%swap3A_84, %swap3A_85] {strides = array<i32>} : memref<512x64xf32, #tpu.memory_space<vmem>>, vector<16xf32>,
      tpu.vector_store %arg7[%swap3A_84, %swap3A_85], %get3A_81 {strides = array<i32>} : memref<512x64xf32, #tpu.memory_space<vmem>>, vector<16xf32>,
      %scan3A_87 = arith.constant 1 : i32
      %scan3A_88 = arith.addi %scan3A_33, %scan3A_87 : i32
      %eq3A_89 = vector.broadcast %scan3A_88 : i32 to vector<16xi32>
      %eq3A_90 = arith.cmpi eq, %iota3A, %eq3A_89 : vector<16xi32>
      %and3A_91 = arith.constant 7 : i32
      %and3A_92 = vector.broadcast %and3A_91 : i32 to vector<16xi32>
      %and3A_93 = arith.andi %get3A_27, %and3A_92 : vector<16xi32>
      %jit3A_94 = arith.constant 0 : i32
      %broadcast_in_dim3A_95 = vector.broadcast %jit3A_94 : i32 to vector<16xi32>
      %select_n3A_96 = arith.select %eq3A_90, %and3A_93, %broadcast_in_dim3A_95 : vector<16xi1>, vector<16xi32>
      %reduce_max3A_97 = arith.constant true
      %reduce_max3A_98 = vector.broadcast %reduce_max3A_97 : i1 to vector<16xi1>
      %reduce_max3A_99 = arith.constant -2147483648 : i32
      %reduce_max3A_100 = vector.broadcast %reduce_max3A_99 : i32 to vector<16xi32>
      %reduce_max3A_101 = arith.xori %select_n3A_96, %reduce_max3A_100 : vector<16xi32>
      %reduce_max3A_102 = tpu.scan <max>, %reduce_max3A_101 masked %reduce_max3A_98 : vector<16xi32>, vector<16xi1> -> vector<16xi32>
      %reduce_max3A_103 = arith.xori %reduce_max3A_102, %reduce_max3A_100 : vector<16xi32>
      %reduce_max3A_104 = vector.extract %reduce_max3A_103[15] : i32 from vector<16xi32>
      %get3A_105 = arith.constant 1 : i32
      %get3A_106 = arith.index_cast %get3A_105 : i32 to index
      %get3A_107 = arith.index_cast %scan3A_88 : i32 to index
      %get3A_108 = arith.index_cast %reduce_max3A_104 : i32 to index
      %get3A_109 = arith.constant 0 : index
      %get3A_110 = tpu.vector_load %arg6[%get3A_106, %get3A_107, %get3A_108, %get3A_109] {strides = array<i32>} : memref<2x16x8x64xf32, #tpu.memory_space<vmem>>, vector<16xf32>,
      %add3A_111 = arith.constant 496 : i32
      %add3A_112 = arith.addi %add3A_111, %scan3A_88 : i32
      %swap3A_113 = arith.index_cast %add3A_112 : i32 to index
      %swap3A_114 = arith.constant 0 : index
      %swap3A_115 = tpu.vector_load %arg7[%swap3A_113, %swap3A_114] {strides = array<i32>} : memref<512x64xf32, #tpu.memory_space<vmem>>, vector<16xf32>,
      tpu.vector_store %arg7[%swap3A_113, %swap3A_114], %get3A_110 {strides = array<i32>} : memref<512x64xf32, #tpu.memory_space<vmem>>, vector<16xf32>,
      %get3A_116 = arith.constant 1 : i32
      %get3A_117 = arith.index_cast %get3A_116 : i32 to index
      %get3A_118 = arith.index_cast %scan3A_88 : i32 to index
      %get3A_119 = arith.index_cast %reduce_max3A_104 : i32 to index
      %get3A_120 = arith.constant 16 : index
      %get3A_121 = tpu.vector_load %arg6[%get3A_117, %get3A_118, %get3A_119, %get3A_120] {strides = array<i32>} : memref<2x16x8x64xf32, #tpu.memory_space<vmem>>, vector<16xf32>,
      %add3A_122 = arith.constant 496 : i32
      %add3A_123 = arith.addi %add3A_122, %scan3A_88 : i32
      %swap3A_124 = arith.index_cast %add3A_123 : i32 to index
      %swap3A_125 = arith.constant 16 : index
      %swap3A_126 = tpu.vector_load %arg7[%swap3A_124, %swap3A_125] {strides = array<i32>} : memref<512x64xf32, #tpu.memory_space<vmem>>, vector<16xf32>,
      tpu.vector_store %arg7[%swap3A_124, %swap3A_125], %get3A_121 {strides = array<i32>} : memref<512x64xf32, #tpu.memory_space<vmem>>, vector<16xf32>,
      %get3A_127 = arith.constant 1 : i32
      %get3A_128 = arith.index_cast %get3A_127 : i32 to index
      %get3A_129 = arith.index_cast %scan3A_88 : i32 to index
      %get3A_130 = arith.index_cast %reduce_max3A_104 : i32 to index
      %get3A_131 = arith.constant 32 : index
      %get3A_132 = tpu.vector_load %arg6[%get3A_128, %get3A_129, %get3A_130, %get3A_131] {strides = array<i32>} : memref<2x16x8x64xf32, #tpu.memory_space<vmem>>, vector<16xf32>,
      %add3A_133 = arith.constant 496 : i32
      %add3A_134 = arith.addi %add3A_133, %scan3A_88 : i32
      %swap3A_135 = arith.index_cast %add3A_134 : i32 to index
      %swap3A_136 = arith.constant 32 : index
      %swap3A_137 = tpu.vector_load %arg7[%swap3A_135, %swap3A_136] {strides = array<i32>} : memref<512x64xf32, #tpu.memory_space<vmem>>, vector<16xf32>,
      tpu.vector_store %arg7[%swap3A_135, %swap3A_136], %get3A_132 {strides = array<i32>} : memref<512x64xf32, #tpu.memory_space<vmem>>, vector<16xf32>,
      %get3A_138 = arith.constant 1 : i32
      %get3A_139 = arith.index_cast %get3A_138 : i32 to index
      %get3A_140 = arith.index_cast %scan3A_88 : i32 to index
      %get3A_141 = arith.index_cast %reduce_max3A_104 : i32 to index
      %get3A_142 = arith.constant 48 : index
      %get3A_143 = tpu.vector_load %arg6[%get3A_139, %get3A_140, %get3A_141, %get3A_142] {strides = array<i32>} : memref<2x16x8x64xf32, #tpu.memory_space<vmem>>, vector<16xf32>,
      %add3A_144 = arith.constant 496 : i32
      %add3A_145 = arith.addi %add3A_144, %scan3A_88 : i32
      %swap3A_146 = arith.index_cast %add3A_145 : i32 to index
      %swap3A_147 = arith.constant 48 : index
      %swap3A_148 = tpu.vector_load %arg7[%swap3A_146, %swap3A_147] {strides = array<i32>} : memref<512x64xf32, #tpu.memory_space<vmem>>, vector<16xf32>,
      tpu.vector_store %arg7[%swap3A_146, %swap3A_147], %get3A_143 {strides = array<i32>} : memref<512x64xf32, #tpu.memory_space<vmem>>, vector<16xf32>,
    }
    %scan3A_32 = arith.constant 16 : i32
    "tpu.region"() ({
      %run_scoped3A = tpu.sem_alloc : memref<!tpu.dma_semaphore, #tpu.memory_space<semaphore_mem>>
      %dma_start3A = arith.constant 0 : i32
      %dma_start3A_33 = tpu.memref_slice %arg4[%mul3A_2, %dma_start3A] : memref<16384x64xf32, #tpu.memory_space<hbm>> -> memref<512x64xf32, #tpu.memory_space<hbm>>
      %dma_start3A_34 = arith.constant 0 : i32
      %dma_start3A_35 = tpu.memref_slice %arg4[%mul3A_2, %dma_start3A_34] : memref<16384x64xf32, #tpu.memory_space<hbm>> -> memref<512x64xf32, #tpu.memory_space<hbm>>
      tpu.enqueue_dma source(%arg7 : memref<512x64xf32, #tpu.memory_space<vmem>>) target(%dma_start3A_35 : memref<512x64xf32, #tpu.memory_space<hbm>>) target_semaphore(%run_scoped3A : memref<!tpu.dma_semaphore, #tpu.memory_space<semaphore_mem>>)
      %dma_wait3A_36 = arith.constant 0 : i32
      %dma_wait3A_37 = tpu.memref_slice %arg4[%mul3A_2, %dma_wait3A_36] : memref<16384x64xf32, #tpu.memory_space<hbm>> -> memref<512x64xf32, #tpu.memory_space<hbm>>
      %dma_wait3A_38 = arith.constant 0 : i32
      %dma_wait3A_39 = tpu.memref_slice %arg4[%mul3A_2, %dma_wait3A_38] : memref<16384x64xf32, #tpu.memory_space<hbm>> -> memref<512x64xf32, #tpu.memory_space<hbm>>
      tpu.wait_dma2 semaphore(%run_scoped3A : memref<!tpu.dma_semaphore, #tpu.memory_space<semaphore_mem>>) src(%arg7 : memref<512x64xf32, #tpu.memory_space<vmem>>) dst(%dma_wait3A_39 : memref<512x64xf32, #tpu.memory_space<hbm>>)
      tpu.yield
    }) : () -> ()
    return
  }
}

#map = affine_map<(d0, d1) -> (0, 0)>
#map1 = affine_map<(d0, d1) -> (0)>
module attributes {stable_mosaic.version = 14 : i64} {
  func.func @sc_gather(%arg0: i32, %arg1: i32, %arg2: memref<1000000x64xf32, #tpu.memory_space<hbm>>, %arg3: memref<16384xi32, #tpu.memory_space<hbm>>, %arg4: memref<16384x64xf32, #tpu.memory_space<hbm>>, %arg5: memref<512xi32, #tpu.memory_space<vmem>>, %arg6: memref<2x16x8x64xf32, #tpu.memory_space<vmem>>, %arg7: memref<512x64xf32, #tpu.memory_space<vmem>>, %arg8: memref<!tpu.dma_semaphore, #tpu.memory_space<semaphore_mem>>, %arg9: memref<!tpu.dma_semaphore, #tpu.memory_space<semaphore_mem>>) attributes {dimension_semantics = [#tpu.dimension_semantics<core_parallel>, #tpu.dimension_semantics<subcore_parallel>], iteration_bounds = array<i64: 2, 16>, scalar_prefetch = 0 : i64, scratch_operands = 5 : i64, tpu.core_type = #tpu.core_type<sc_vector_subcore>, window_params = [{transform_indices = #map}, {transform_indices = #map1}, {transform_indices = #map}]} {
    %mul3A = arith.constant 2 : i32
    %mul3A_0 = arith.muli %arg1, %mul3A : i32
    %add3A = arith.addi %mul3A_0, %arg0 : i32
    %mul3A_1 = arith.constant 512 : i32
    %mul3A_2 = arith.muli %add3A, %mul3A_1 : i32
    %iota3A = tpu.iota {dimensions = array<i32: 0>} : vector<16xi32>
    "tpu.region"() ({
      %run_scoped3A = tpu.sem_alloc : memref<!tpu.dma_semaphore, #tpu.memory_space<semaphore_mem>>
      %dma_start3A = tpu.memref_slice %arg3[%mul3A_2] : memref<16384xi32, #tpu.memory_space<hbm>> -> memref<512xi32, #tpu.memory_space<hbm>>
      %dma_start3A_33 = tpu.memref_slice %arg3[%mul3A_2] : memref<16384xi32, #tpu.memory_space<hbm>> -> memref<512xi32, #tpu.memory_space<hbm>>
      tpu.enqueue_dma source(%dma_start3A_33 : memref<512xi32, #tpu.memory_space<hbm>>) target(%arg5 : memref<512xi32, #tpu.memory_space<vmem>>) target_semaphore(%run_scoped3A : memref<!tpu.dma_semaphore, #tpu.memory_space<semaphore_mem>>)
      %dma_wait3A_34 = tpu.memref_slice %arg3[%mul3A_2] : memref<16384xi32, #tpu.memory_space<hbm>> -> memref<512xi32, #tpu.memory_space<hbm>>
      %dma_wait3A_35 = tpu.memref_slice %arg3[%mul3A_2] : memref<16384xi32, #tpu.memory_space<hbm>> -> memref<512xi32, #tpu.memory_space<hbm>>
      tpu.wait_dma2 semaphore(%run_scoped3A : memref<!tpu.dma_semaphore, #tpu.memory_space<semaphore_mem>>) src(%dma_wait3A_35 : memref<512xi32, #tpu.memory_space<hbm>>) dst(%arg5 : memref<512xi32, #tpu.memory_space<vmem>>)
      tpu.yield
    }) : () -> ()
    %scan3A = arith.constant 0 : i32
    %scan3A_3 = arith.constant 16 : i32
    %scan3A_4 = arith.addi %scan3A, %scan3A_3 : i32
    %scan3A_5 = arith.constant 1 : i32
    scf.for %scan3A_33 = %scan3A to %scan3A_4 step %scan3A_5  : i32 {
      %mul3A_34 = arith.constant 2 : i32
      %mul3A_35 = arith.muli %mul3A_34, %scan3A_33 : i32
      %mul3A_36 = arith.constant 16 : i32
      %mul3A_37 = arith.muli %mul3A_35, %mul3A_36 : i32
      %get3A_38 = arith.index_cast %mul3A_37 : i32 to index
      %get3A_39 = tpu.vector_load %arg5[%get3A_38] {strides = array<i32>} : memref<512xi32, #tpu.memory_space<vmem>>, vector<16xi32>,
      %scan3A_40 = arith.constant 0 : i32
      %scan3A_41 = arith.constant 16 : i32
      %scan3A_42 = arith.addi %scan3A_40, %scan3A_41 : i32
      %scan3A_43 = arith.constant 2 : i32
      scf.for %scan3A_88 = %scan3A_40 to %scan3A_42 step %scan3A_43  : i32 {
        %eq3A = vector.broadcast %scan3A_88 : i32 to vector<16xi32>
        %eq3A_89 = arith.cmpi eq, %iota3A, %eq3A : vector<16xi32>
        %shift_right_logical3A = arith.constant 3 : i32
        %shift_right_logical3A_90 = vector.broadcast %shift_right_logical3A : i32 to vector<16xi32>
        %shift_right_logical3A_91 = arith.shrui %get3A_39, %shift_right_logical3A_90 : vector<16xi32>
        %jit3A = arith.constant 0 : i32
        %broadcast_in_dim3A = vector.broadcast %jit3A : i32 to vector<16xi32>
        %select_n3A = arith.select %eq3A_89, %shift_right_logical3A_91, %broadcast_in_dim3A : vector<16xi1>, vector<16xi32>
        %reduce_max3A = arith.constant true
        %reduce_max3A_92 = vector.broadcast %reduce_max3A : i1 to vector<16xi1>
        %reduce_max3A_93 = arith.constant -2147483648 : i32
        %reduce_max3A_94 = vector.broadcast %reduce_max3A_93 : i32 to vector<16xi32>
        %reduce_max3A_95 = arith.xori %select_n3A, %reduce_max3A_94 : vector<16xi32>
        %reduce_max3A_96 = tpu.scan <max>, %reduce_max3A_95 masked %reduce_max3A_92 : vector<16xi32>, vector<16xi1> -> vector<16xi32>
        %reduce_max3A_97 = arith.xori %reduce_max3A_96, %reduce_max3A_94 : vector<16xi32>
        %reduce_max3A_98 = vector.extract %reduce_max3A_97[15] : i32 from vector<16xi32>
        %dma_start3A = arith.constant 0 : i32
        %dma_start3A_99 = arith.constant 0 : i32
        %dma_start3A_100 = arith.constant 0 : i32
        %dma_start3A_101 = tpu.memref_slice %arg6[%dma_start3A, %scan3A_88, %dma_start3A_99, %dma_start3A_100] : memref<2x16x8x64xf32, #tpu.memory_space<vmem>> -> memref<1x1x8x64xf32, #tpu.memory_space<vmem>>
        %dma_start3A_102 = tpu.memref_squeeze %dma_start3A_101 : memref<1x1x8x64xf32, #tpu.memory_space<vmem>> -> memref<1x8x64xf32, #tpu.memory_space<vmem>>
        %dma_start3A_103 = tpu.memref_reshape %arg2 : memref<1000000x64xf32, #tpu.memory_space<hbm>> -> memref<125000x8x64xf32, #tpu.memory_space<hbm>>
        %dma_start3A_104 = arith.constant 0 : i32
        %dma_start3A_105 = arith.constant 0 : i32
        %dma_start3A_106 = tpu.memref_slice %dma_start3A_103[%reduce_max3A_98, %dma_start3A_104, %dma_start3A_105] : memref<125000x8x64xf32, #tpu.memory_space<hbm>> -> memref<1x8x64xf32, #tpu.memory_space<hbm>>
        %dma_start3A_107 = arith.constant 0 : i32
        %dma_start3A_108 = arith.constant 0 : i32
        %dma_start3A_109 = tpu.memref_slice %arg6[%dma_start3A, %scan3A_88, %dma_start3A_107, %dma_start3A_108] : memref<2x16x8x64xf32, #tpu.memory_space<vmem>> -> memref<1x1x8x64xf32, #tpu.memory_space<vmem>>
        %dma_start3A_110 = tpu.memref_squeeze %dma_start3A_109 : memref<1x1x8x64xf32, #tpu.memory_space<vmem>> -> memref<1x8x64xf32, #tpu.memory_space<vmem>>
        %dma_start3A_111 = tpu.memref_reshape %arg2 : memref<1000000x64xf32, #tpu.memory_space<hbm>> -> memref<125000x8x64xf32, #tpu.memory_space<hbm>>
        %dma_start3A_112 = arith.constant 0 : i32
        %dma_start3A_113 = arith.constant 0 : i32
        %dma_start3A_114 = tpu.memref_slice %dma_start3A_111[%reduce_max3A_98, %dma_start3A_112, %dma_start3A_113] : memref<125000x8x64xf32, #tpu.memory_space<hbm>> -> memref<1x8x64xf32, #tpu.memory_space<hbm>>
        tpu.enqueue_dma source(%dma_start3A_114 : memref<1x8x64xf32, #tpu.memory_space<hbm>>) target(%dma_start3A_110 : memref<1x8x64xf32, #tpu.memory_space<vmem>>) target_semaphore(%arg8 : memref<!tpu.dma_semaphore, #tpu.memory_space<semaphore_mem>>)
        %scan3A_115 = arith.constant 1 : i32
        %scan3A_116 = arith.addi %scan3A_88, %scan3A_115 : i32
        %eq3A_117 = vector.broadcast %scan3A_116 : i32 to vector<16xi32>
        %eq3A_118 = arith.cmpi eq, %iota3A, %eq3A_117 : vector<16xi32>
        %shift_right_logical3A_119 = arith.constant 3 : i32
        %shift_right_logical3A_120 = vector.broadcast %shift_right_logical3A_119 : i32 to vector<16xi32>
        %shift_right_logical3A_121 = arith.shrui %get3A_39, %shift_right_logical3A_120 : vector<16xi32>
        %jit3A_122 = arith.constant 0 : i32
        %broadcast_in_dim3A_123 = vector.broadcast %jit3A_122 : i32 to vector<16xi32>
        %select_n3A_124 = arith.select %eq3A_118, %shift_right_logical3A_121, %broadcast_in_dim3A_123 : vector<16xi1>, vector<16xi32>
        %reduce_max3A_125 = arith.constant true
        %reduce_max3A_126 = vector.broadcast %reduce_max3A_125 : i1 to vector<16xi1>
        %reduce_max3A_127 = arith.constant -2147483648 : i32
        %reduce_max3A_128 = vector.broadcast %reduce_max3A_127 : i32 to vector<16xi32>
        %reduce_max3A_129 = arith.xori %select_n3A_124, %reduce_max3A_128 : vector<16xi32>
        %reduce_max3A_130 = tpu.scan <max>, %reduce_max3A_129 masked %reduce_max3A_126 : vector<16xi32>, vector<16xi1> -> vector<16xi32>
        %reduce_max3A_131 = arith.xori %reduce_max3A_130, %reduce_max3A_128 : vector<16xi32>
        %reduce_max3A_132 = vector.extract %reduce_max3A_131[15] : i32 from vector<16xi32>
        %dma_start3A_133 = arith.constant 0 : i32
        %dma_start3A_134 = arith.constant 0 : i32
        %dma_start3A_135 = arith.constant 0 : i32
        %dma_start3A_136 = tpu.memref_slice %arg6[%dma_start3A_133, %scan3A_116, %dma_start3A_134, %dma_start3A_135] : memref<2x16x8x64xf32, #tpu.memory_space<vmem>> -> memref<1x1x8x64xf32, #tpu.memory_space<vmem>>
        %dma_start3A_137 = tpu.memref_squeeze %dma_start3A_136 : memref<1x1x8x64xf32, #tpu.memory_space<vmem>> -> memref<1x8x64xf32, #tpu.memory_space<vmem>>
        %dma_start3A_138 = tpu.memref_reshape %arg2 : memref<1000000x64xf32, #tpu.memory_space<hbm>> -> memref<125000x8x64xf32, #tpu.memory_space<hbm>>
        %dma_start3A_139 = arith.constant 0 : i32
        %dma_start3A_140 = arith.constant 0 : i32
        %dma_start3A_141 = tpu.memref_slice %dma_start3A_138[%reduce_max3A_132, %dma_start3A_139, %dma_start3A_140] : memref<125000x8x64xf32, #tpu.memory_space<hbm>> -> memref<1x8x64xf32, #tpu.memory_space<hbm>>
        %dma_start3A_142 = arith.constant 0 : i32
        %dma_start3A_143 = arith.constant 0 : i32
        %dma_start3A_144 = tpu.memref_slice %arg6[%dma_start3A_133, %scan3A_116, %dma_start3A_142, %dma_start3A_143] : memref<2x16x8x64xf32, #tpu.memory_space<vmem>> -> memref<1x1x8x64xf32, #tpu.memory_space<vmem>>
        %dma_start3A_145 = tpu.memref_squeeze %dma_start3A_144 : memref<1x1x8x64xf32, #tpu.memory_space<vmem>> -> memref<1x8x64xf32, #tpu.memory_space<vmem>>
        %dma_start3A_146 = tpu.memref_reshape %arg2 : memref<1000000x64xf32, #tpu.memory_space<hbm>> -> memref<125000x8x64xf32, #tpu.memory_space<hbm>>
        %dma_start3A_147 = arith.constant 0 : i32
        %dma_start3A_148 = arith.constant 0 : i32
        %dma_start3A_149 = tpu.memref_slice %dma_start3A_146[%reduce_max3A_132, %dma_start3A_147, %dma_start3A_148] : memref<125000x8x64xf32, #tpu.memory_space<hbm>> -> memref<1x8x64xf32, #tpu.memory_space<hbm>>
        tpu.enqueue_dma source(%dma_start3A_149 : memref<1x8x64xf32, #tpu.memory_space<hbm>>) target(%dma_start3A_145 : memref<1x8x64xf32, #tpu.memory_space<vmem>>) target_semaphore(%arg8 : memref<!tpu.dma_semaphore, #tpu.memory_space<semaphore_mem>>)
      }
      %scan3A_44 = arith.constant 16 : i32
      %gt3A = arith.constant 0 : i32
      %gt3A_45 = arith.cmpi sgt, %scan3A_33, %gt3A : i32
      %convert_element_type3A = arith.extui %gt3A_45 : i1 to i32
      %cond3A = arith.constant 0 : i32
      %cond3A_46 = arith.cmpi ne, %convert_element_type3A, %cond3A : i32
      scf.if %cond3A_46 {
        %dma_wait3A_88 = arith.constant 0 : i32
        %dma_wait3A_89 = arith.constant 0 : i32
        %dma_wait3A_90 = arith.constant 0 : i32
        %dma_wait3A_91 = arith.constant 0 : i32
        %dma_wait3A_92 = tpu.memref_slice %arg6[%dma_wait3A_88, %dma_wait3A_89, %dma_wait3A_90, %dma_wait3A_91] : memref<2x16x8x64xf32, #tpu.memory_space<vmem>> -> memref<1x16x8x64xf32, #tpu.memory_space<vmem>>
        %dma_wait3A_93 = tpu.memref_squeeze %dma_wait3A_92 : memref<1x16x8x64xf32, #tpu.memory_space<vmem>> -> memref<16x8x64xf32, #tpu.memory_space<vmem>>
        %dma_wait3A_94 = tpu.memref_reshape %arg2 : memref<1000000x64xf32, #tpu.memory_space<hbm>> -> memref<125000x8x64xf32, #tpu.memory_space<hbm>>
        %dma_wait3A_95 = arith.constant 0 : i32
        %dma_wait3A_96 = arith.constant 0 : i32
        %dma_wait3A_97 = arith.constant 0 : i32
        %dma_wait3A_98 = tpu.memref_slice %dma_wait3A_94[%dma_wait3A_95, %dma_wait3A_96, %dma_wait3A_97] : memref<125000x8x64xf32, #tpu.memory_space<hbm>> -> memref<16x8x64xf32, #tpu.memory_space<hbm>>
        %dma_wait3A_99 = arith.constant 0 : i32
        %dma_wait3A_100 = arith.constant 0 : i32
        %dma_wait3A_101 = arith.constant 0 : i32
        %dma_wait3A_102 = tpu.memref_slice %arg6[%dma_wait3A_88, %dma_wait3A_99, %dma_wait3A_100, %dma_wait3A_101] : memref<2x16x8x64xf32, #tpu.memory_space<vmem>> -> memref<1x16x8x64xf32, #tpu.memory_space<vmem>>
        %dma_wait3A_103 = tpu.memref_squeeze %dma_wait3A_102 : memref<1x16x8x64xf32, #tpu.memory_space<vmem>> -> memref<16x8x64xf32, #tpu.memory_space<vmem>>
        %dma_wait3A_104 = tpu.memref_reshape %arg2 : memref<1000000x64xf32, #tpu.memory_space<hbm>> -> memref<125000x8x64xf32, #tpu.memory_space<hbm>>
        %dma_wait3A_105 = arith.constant 0 : i32
        %dma_wait3A_106 = arith.constant 0 : i32
        %dma_wait3A_107 = arith.constant 0 : i32
        %dma_wait3A_108 = tpu.memref_slice %dma_wait3A_104[%dma_wait3A_105, %dma_wait3A_106, %dma_wait3A_107] : memref<125000x8x64xf32, #tpu.memory_space<hbm>> -> memref<16x8x64xf32, #tpu.memory_space<hbm>>
        tpu.wait_dma2 semaphore(%arg9 : memref<!tpu.dma_semaphore, #tpu.memory_space<semaphore_mem>>) src(%dma_wait3A_108 : memref<16x8x64xf32, #tpu.memory_space<hbm>>) dst(%dma_wait3A_103 : memref<16x8x64xf32, #tpu.memory_space<vmem>>)
        %sub3A = arith.constant 1 : i32
        %sub3A_109 = arith.subi %mul3A_35, %sub3A : i32
        %mul3A_110 = arith.constant 16 : i32
        %mul3A_111 = arith.muli %sub3A_109, %mul3A_110 : i32
        %get3A_112 = arith.index_cast %mul3A_111 : i32 to index
        %get3A_113 = tpu.vector_load %arg5[%get3A_112] {strides = array<i32>} : memref<512xi32, #tpu.memory_space<vmem>>, vector<16xi32>,
        %scan3A_114 = arith.constant 0 : i32
        %scan3A_115 = arith.constant 16 : i32
        %scan3A_116 = arith.addi %scan3A_114, %scan3A_115 : i32
        %scan3A_117 = arith.constant 2 : i32
        scf.for %scan3A_119 = %scan3A_114 to %scan3A_116 step %scan3A_117  : i32 {
          %eq3A = vector.broadcast %scan3A_119 : i32 to vector<16xi32>
          %eq3A_120 = arith.cmpi eq, %iota3A, %eq3A : vector<16xi32>
          %and3A = arith.constant 7 : i32
          %and3A_121 = vector.broadcast %and3A : i32 to vector<16xi32>
          %and3A_122 = arith.andi %get3A_113, %and3A_121 : vector<16xi32>
          %jit3A = arith.constant 0 : i32
          %broadcast_in_dim3A = vector.broadcast %jit3A : i32 to vector<16xi32>
          %select_n3A = arith.select %eq3A_120, %and3A_122, %broadcast_in_dim3A : vector<16xi1>, vector<16xi32>
          %reduce_max3A = arith.constant true
          %reduce_max3A_123 = vector.broadcast %reduce_max3A : i1 to vector<16xi1>
          %reduce_max3A_124 = arith.constant -2147483648 : i32
          %reduce_max3A_125 = vector.broadcast %reduce_max3A_124 : i32 to vector<16xi32>
          %reduce_max3A_126 = arith.xori %select_n3A, %reduce_max3A_125 : vector<16xi32>
          %reduce_max3A_127 = tpu.scan <max>, %reduce_max3A_126 masked %reduce_max3A_123 : vector<16xi32>, vector<16xi1> -> vector<16xi32>
          %reduce_max3A_128 = arith.xori %reduce_max3A_127, %reduce_max3A_125 : vector<16xi32>
          %reduce_max3A_129 = vector.extract %reduce_max3A_128[15] : i32 from vector<16xi32>
          %get3A_130 = arith.constant 1 : i32
          %get3A_131 = arith.index_cast %get3A_130 : i32 to index
          %get3A_132 = arith.index_cast %scan3A_119 : i32 to index
          %get3A_133 = arith.index_cast %reduce_max3A_129 : i32 to index
          %get3A_134 = arith.constant 0 : index
          %get3A_135 = tpu.vector_load %arg6[%get3A_131, %get3A_132, %get3A_133, %get3A_134] {strides = array<i32>} : memref<2x16x8x64xf32, #tpu.memory_space<vmem>>, vector<16xf32>,
          %mul3A_136 = arith.constant 16 : i32
          %mul3A_137 = arith.muli %sub3A_109, %mul3A_136 : i32
          %add3A_138 = arith.addi %mul3A_137, %scan3A_119 : i32
          %swap3A = arith.index_cast %add3A_138 : i32 to index
          %swap3A_139 = arith.constant 0 : index
          %swap3A_140 = tpu.vector_load %arg7[%swap3A, %swap3A_139] {strides = array<i32>} : memref<512x64xf32, #tpu.memory_space<vmem>>, vector<16xf32>,
          tpu.vector_store %arg7[%swap3A, %swap3A_139], %get3A_135 {strides = array<i32>} : memref<512x64xf32, #tpu.memory_space<vmem>>, vector<16xf32>,
          %get3A_141 = arith.constant 1 : i32
          %get3A_142 = arith.index_cast %get3A_141 : i32 to index
          %get3A_143 = arith.index_cast %scan3A_119 : i32 to index
          %get3A_144 = arith.index_cast %reduce_max3A_129 : i32 to index
          %get3A_145 = arith.constant 16 : index
          %get3A_146 = tpu.vector_load %arg6[%get3A_142, %get3A_143, %get3A_144, %get3A_145] {strides = array<i32>} : memref<2x16x8x64xf32, #tpu.memory_space<vmem>>, vector<16xf32>,
          %mul3A_147 = arith.constant 16 : i32
          %mul3A_148 = arith.muli %sub3A_109, %mul3A_147 : i32
          %add3A_149 = arith.addi %mul3A_148, %scan3A_119 : i32
          %swap3A_150 = arith.index_cast %add3A_149 : i32 to index
          %swap3A_151 = arith.constant 16 : index
          %swap3A_152 = tpu.vector_load %arg7[%swap3A_150, %swap3A_151] {strides = array<i32>} : memref<512x64xf32, #tpu.memory_space<vmem>>, vector<16xf32>,
          tpu.vector_store %arg7[%swap3A_150, %swap3A_151], %get3A_146 {strides = array<i32>} : memref<512x64xf32, #tpu.memory_space<vmem>>, vector<16xf32>,
          %get3A_153 = arith.constant 1 : i32
          %get3A_154 = arith.index_cast %get3A_153 : i32 to index
          %get3A_155 = arith.index_cast %scan3A_119 : i32 to index
          %get3A_156 = arith.index_cast %reduce_max3A_129 : i32 to index
          %get3A_157 = arith.constant 32 : index
          %get3A_158 = tpu.vector_load %arg6[%get3A_154, %get3A_155, %get3A_156, %get3A_157] {strides = array<i32>} : memref<2x16x8x64xf32, #tpu.memory_space<vmem>>, vector<16xf32>,
          %mul3A_159 = arith.constant 16 : i32
          %mul3A_160 = arith.muli %sub3A_109, %mul3A_159 : i32
          %add3A_161 = arith.addi %mul3A_160, %scan3A_119 : i32
          %swap3A_162 = arith.index_cast %add3A_161 : i32 to index
          %swap3A_163 = arith.constant 32 : index
          %swap3A_164 = tpu.vector_load %arg7[%swap3A_162, %swap3A_163] {strides = array<i32>} : memref<512x64xf32, #tpu.memory_space<vmem>>, vector<16xf32>,
          tpu.vector_store %arg7[%swap3A_162, %swap3A_163], %get3A_158 {strides = array<i32>} : memref<512x64xf32, #tpu.memory_space<vmem>>, vector<16xf32>,
          %get3A_165 = arith.constant 1 : i32
          %get3A_166 = arith.index_cast %get3A_165 : i32 to index
          %get3A_167 = arith.index_cast %scan3A_119 : i32 to index
          %get3A_168 = arith.index_cast %reduce_max3A_129 : i32 to index
          %get3A_169 = arith.constant 48 : index
          %get3A_170 = tpu.vector_load %arg6[%get3A_166, %get3A_167, %get3A_168, %get3A_169] {strides = array<i32>} : memref<2x16x8x64xf32, #tpu.memory_space<vmem>>, vector<16xf32>,
          %mul3A_171 = arith.constant 16 : i32
          %mul3A_172 = arith.muli %sub3A_109, %mul3A_171 : i32
          %add3A_173 = arith.addi %mul3A_172, %scan3A_119 : i32
          %swap3A_174 = arith.index_cast %add3A_173 : i32 to index
          %swap3A_175 = arith.constant 48 : index
          %swap3A_176 = tpu.vector_load %arg7[%swap3A_174, %swap3A_175] {strides = array<i32>} : memref<512x64xf32, #tpu.memory_space<vmem>>, vector<16xf32>,
          tpu.vector_store %arg7[%swap3A_174, %swap3A_175], %get3A_170 {strides = array<i32>} : memref<512x64xf32, #tpu.memory_space<vmem>>, vector<16xf32>,
          %scan3A_177 = arith.constant 1 : i32
          %scan3A_178 = arith.addi %scan3A_119, %scan3A_177 : i32
          %eq3A_179 = vector.broadcast %scan3A_178 : i32 to vector<16xi32>
          %eq3A_180 = arith.cmpi eq, %iota3A, %eq3A_179 : vector<16xi32>
          %and3A_181 = arith.constant 7 : i32
          %and3A_182 = vector.broadcast %and3A_181 : i32 to vector<16xi32>
          %and3A_183 = arith.andi %get3A_113, %and3A_182 : vector<16xi32>
          %jit3A_184 = arith.constant 0 : i32
          %broadcast_in_dim3A_185 = vector.broadcast %jit3A_184 : i32 to vector<16xi32>
          %select_n3A_186 = arith.select %eq3A_180, %and3A_183, %broadcast_in_dim3A_185 : vector<16xi1>, vector<16xi32>
          %reduce_max3A_187 = arith.constant true
          %reduce_max3A_188 = vector.broadcast %reduce_max3A_187 : i1 to vector<16xi1>
          %reduce_max3A_189 = arith.constant -2147483648 : i32
          %reduce_max3A_190 = vector.broadcast %reduce_max3A_189 : i32 to vector<16xi32>
          %reduce_max3A_191 = arith.xori %select_n3A_186, %reduce_max3A_190 : vector<16xi32>
          %reduce_max3A_192 = tpu.scan <max>, %reduce_max3A_191 masked %reduce_max3A_188 : vector<16xi32>, vector<16xi1> -> vector<16xi32>
          %reduce_max3A_193 = arith.xori %reduce_max3A_192, %reduce_max3A_190 : vector<16xi32>
          %reduce_max3A_194 = vector.extract %reduce_max3A_193[15] : i32 from vector<16xi32>
          %get3A_195 = arith.constant 1 : i32
          %get3A_196 = arith.index_cast %get3A_195 : i32 to index
          %get3A_197 = arith.index_cast %scan3A_178 : i32 to index
          %get3A_198 = arith.index_cast %reduce_max3A_194 : i32 to index
          %get3A_199 = arith.constant 0 : index
          %get3A_200 = tpu.vector_load %arg6[%get3A_196, %get3A_197, %get3A_198, %get3A_199] {strides = array<i32>} : memref<2x16x8x64xf32, #tpu.memory_space<vmem>>, vector<16xf32>,
          %mul3A_201 = arith.constant 16 : i32
          %mul3A_202 = arith.muli %sub3A_109, %mul3A_201 : i32
          %add3A_203 = arith.addi %mul3A_202, %scan3A_178 : i32
          %swap3A_204 = arith.index_cast %add3A_203 : i32 to index
          %swap3A_205 = arith.constant 0 : index
          %swap3A_206 = tpu.vector_load %arg7[%swap3A_204, %swap3A_205] {strides = array<i32>} : memref<512x64xf32, #tpu.memory_space<vmem>>, vector<16xf32>,
          tpu.vector_store %arg7[%swap3A_204, %swap3A_205], %get3A_200 {strides = array<i32>} : memref<512x64xf32, #tpu.memory_space<vmem>>, vector<16xf32>,
          %get3A_207 = arith.constant 1 : i32
          %get3A_208 = arith.index_cast %get3A_207 : i32 to index
          %get3A_209 = arith.index_cast %scan3A_178 : i32 to index
          %get3A_210 = arith.index_cast %reduce_max3A_194 : i32 to index
          %get3A_211 = arith.constant 16 : index
          %get3A_212 = tpu.vector_load %arg6[%get3A_208, %get3A_209, %get3A_210, %get3A_211] {strides = array<i32>} : memref<2x16x8x64xf32, #tpu.memory_space<vmem>>, vector<16xf32>,
          %mul3A_213 = arith.constant 16 : i32
          %mul3A_214 = arith.muli %sub3A_109, %mul3A_213 : i32
          %add3A_215 = arith.addi %mul3A_214, %scan3A_178 : i32
          %swap3A_216 = arith.index_cast %add3A_215 : i32 to index
          %swap3A_217 = arith.constant 16 : index
          %swap3A_218 = tpu.vector_load %arg7[%swap3A_216, %swap3A_217] {strides = array<i32>} : memref<512x64xf32, #tpu.memory_space<vmem>>, vector<16xf32>,
          tpu.vector_store %arg7[%swap3A_216, %swap3A_217], %get3A_212 {strides = array<i32>} : memref<512x64xf32, #tpu.memory_space<vmem>>, vector<16xf32>,
          %get3A_219 = arith.constant 1 : i32
          %get3A_220 = arith.index_cast %get3A_219 : i32 to index
          %get3A_221 = arith.index_cast %scan3A_178 : i32 to index
          %get3A_222 = arith.index_cast %reduce_max3A_194 : i32 to index
          %get3A_223 = arith.constant 32 : index
          %get3A_224 = tpu.vector_load %arg6[%get3A_220, %get3A_221, %get3A_222, %get3A_223] {strides = array<i32>} : memref<2x16x8x64xf32, #tpu.memory_space<vmem>>, vector<16xf32>,
          %mul3A_225 = arith.constant 16 : i32
          %mul3A_226 = arith.muli %sub3A_109, %mul3A_225 : i32
          %add3A_227 = arith.addi %mul3A_226, %scan3A_178 : i32
          %swap3A_228 = arith.index_cast %add3A_227 : i32 to index
          %swap3A_229 = arith.constant 32 : index
          %swap3A_230 = tpu.vector_load %arg7[%swap3A_228, %swap3A_229] {strides = array<i32>} : memref<512x64xf32, #tpu.memory_space<vmem>>, vector<16xf32>,
          tpu.vector_store %arg7[%swap3A_228, %swap3A_229], %get3A_224 {strides = array<i32>} : memref<512x64xf32, #tpu.memory_space<vmem>>, vector<16xf32>,
          %get3A_231 = arith.constant 1 : i32
          %get3A_232 = arith.index_cast %get3A_231 : i32 to index
          %get3A_233 = arith.index_cast %scan3A_178 : i32 to index
          %get3A_234 = arith.index_cast %reduce_max3A_194 : i32 to index
          %get3A_235 = arith.constant 48 : index
          %get3A_236 = tpu.vector_load %arg6[%get3A_232, %get3A_233, %get3A_234, %get3A_235] {strides = array<i32>} : memref<2x16x8x64xf32, #tpu.memory_space<vmem>>, vector<16xf32>,
          %mul3A_237 = arith.constant 16 : i32
          %mul3A_238 = arith.muli %sub3A_109, %mul3A_237 : i32
          %add3A_239 = arith.addi %mul3A_238, %scan3A_178 : i32
          %swap3A_240 = arith.index_cast %add3A_239 : i32 to index
          %swap3A_241 = arith.constant 48 : index
          %swap3A_242 = tpu.vector_load %arg7[%swap3A_240, %swap3A_241] {strides = array<i32>} : memref<512x64xf32, #tpu.memory_space<vmem>>, vector<16xf32>,
          tpu.vector_store %arg7[%swap3A_240, %swap3A_241], %get3A_236 {strides = array<i32>} : memref<512x64xf32, #tpu.memory_space<vmem>>, vector<16xf32>,
        }
        %scan3A_118 = arith.constant 16 : i32
      } else {
      }
      %add3A_47 = arith.constant 1 : i32
      %add3A_48 = arith.addi %mul3A_35, %add3A_47 : i32
      %mul3A_49 = arith.constant 16 : i32
      %mul3A_50 = arith.muli %add3A_48, %mul3A_49 : i32
      %get3A_51 = arith.index_cast %mul3A_50 : i32 to index
      %get3A_52 = tpu.vector_load %arg5[%get3A_51] {strides = array<i32>} : memref<512xi32, #tpu.memory_space<vmem>>, vector<16xi32>,
      %scan3A_53 = arith.constant 0 : i32
      %scan3A_54 = arith.constant 16 : i32
      %scan3A_55 = arith.addi %scan3A_53, %scan3A_54 : i32
      %scan3A_56 = arith.constant 2 : i32
      scf.for %scan3A_88 = %scan3A_53 to %scan3A_55 step %scan3A_56  : i32 {
        %eq3A = vector.broadcast %scan3A_88 : i32 to vector<16xi32>
        %eq3A_89 = arith.cmpi eq, %iota3A, %eq3A : vector<16xi32>
        %shift_right_logical3A = arith.constant 3 : i32
        %shift_right_logical3A_90 = vector.broadcast %shift_right_logical3A : i32 to vector<16xi32>
        %shift_right_logical3A_91 = arith.shrui %get3A_52, %shift_right_logical3A_90 : vector<16xi32>
        %jit3A = arith.constant 0 : i32
        %broadcast_in_dim3A = vector.broadcast %jit3A : i32 to vector<16xi32>
        %select_n3A = arith.select %eq3A_89, %shift_right_logical3A_91, %broadcast_in_dim3A : vector<16xi1>, vector<16xi32>
        %reduce_max3A = arith.constant true
        %reduce_max3A_92 = vector.broadcast %reduce_max3A : i1 to vector<16xi1>
        %reduce_max3A_93 = arith.constant -2147483648 : i32
        %reduce_max3A_94 = vector.broadcast %reduce_max3A_93 : i32 to vector<16xi32>
        %reduce_max3A_95 = arith.xori %select_n3A, %reduce_max3A_94 : vector<16xi32>
        %reduce_max3A_96 = tpu.scan <max>, %reduce_max3A_95 masked %reduce_max3A_92 : vector<16xi32>, vector<16xi1> -> vector<16xi32>
        %reduce_max3A_97 = arith.xori %reduce_max3A_96, %reduce_max3A_94 : vector<16xi32>
        %reduce_max3A_98 = vector.extract %reduce_max3A_97[15] : i32 from vector<16xi32>
        %dma_start3A = arith.constant 1 : i32
        %dma_start3A_99 = arith.constant 0 : i32
        %dma_start3A_100 = arith.constant 0 : i32
        %dma_start3A_101 = tpu.memref_slice %arg6[%dma_start3A, %scan3A_88, %dma_start3A_99, %dma_start3A_100] : memref<2x16x8x64xf32, #tpu.memory_space<vmem>> -> memref<1x1x8x64xf32, #tpu.memory_space<vmem>>
        %dma_start3A_102 = tpu.memref_squeeze %dma_start3A_101 : memref<1x1x8x64xf32, #tpu.memory_space<vmem>> -> memref<1x8x64xf32, #tpu.memory_space<vmem>>
        %dma_start3A_103 = tpu.memref_reshape %arg2 : memref<1000000x64xf32, #tpu.memory_space<hbm>> -> memref<125000x8x64xf32, #tpu.memory_space<hbm>>
        %dma_start3A_104 = arith.constant 0 : i32
        %dma_start3A_105 = arith.constant 0 : i32
        %dma_start3A_106 = tpu.memref_slice %dma_start3A_103[%reduce_max3A_98, %dma_start3A_104, %dma_start3A_105] : memref<125000x8x64xf32, #tpu.memory_space<hbm>> -> memref<1x8x64xf32, #tpu.memory_space<hbm>>
        %dma_start3A_107 = arith.constant 0 : i32
        %dma_start3A_108 = arith.constant 0 : i32
        %dma_start3A_109 = tpu.memref_slice %arg6[%dma_start3A, %scan3A_88, %dma_start3A_107, %dma_start3A_108] : memref<2x16x8x64xf32, #tpu.memory_space<vmem>> -> memref<1x1x8x64xf32, #tpu.memory_space<vmem>>
        %dma_start3A_110 = tpu.memref_squeeze %dma_start3A_109 : memref<1x1x8x64xf32, #tpu.memory_space<vmem>> -> memref<1x8x64xf32, #tpu.memory_space<vmem>>
        %dma_start3A_111 = tpu.memref_reshape %arg2 : memref<1000000x64xf32, #tpu.memory_space<hbm>> -> memref<125000x8x64xf32, #tpu.memory_space<hbm>>
        %dma_start3A_112 = arith.constant 0 : i32
        %dma_start3A_113 = arith.constant 0 : i32
        %dma_start3A_114 = tpu.memref_slice %dma_start3A_111[%reduce_max3A_98, %dma_start3A_112, %dma_start3A_113] : memref<125000x8x64xf32, #tpu.memory_space<hbm>> -> memref<1x8x64xf32, #tpu.memory_space<hbm>>
        tpu.enqueue_dma source(%dma_start3A_114 : memref<1x8x64xf32, #tpu.memory_space<hbm>>) target(%dma_start3A_110 : memref<1x8x64xf32, #tpu.memory_space<vmem>>) target_semaphore(%arg9 : memref<!tpu.dma_semaphore, #tpu.memory_space<semaphore_mem>>)
        %scan3A_115 = arith.constant 1 : i32
        %scan3A_116 = arith.addi %scan3A_88, %scan3A_115 : i32
        %eq3A_117 = vector.broadcast %scan3A_116 : i32 to vector<16xi32>
        %eq3A_118 = arith.cmpi eq, %iota3A, %eq3A_117 : vector<16xi32>
        %shift_right_logical3A_119 = arith.constant 3 : i32
        %shift_right_logical3A_120 = vector.broadcast %shift_right_logical3A_119 : i32 to vector<16xi32>
        %shift_right_logical3A_121 = arith.shrui %get3A_52, %shift_right_logical3A_120 : vector<16xi32>
        %jit3A_122 = arith.constant 0 : i32
        %broadcast_in_dim3A_123 = vector.broadcast %jit3A_122 : i32 to vector<16xi32>
        %select_n3A_124 = arith.select %eq3A_118, %shift_right_logical3A_121, %broadcast_in_dim3A_123 : vector<16xi1>, vector<16xi32>
        %reduce_max3A_125 = arith.constant true
        %reduce_max3A_126 = vector.broadcast %reduce_max3A_125 : i1 to vector<16xi1>
        %reduce_max3A_127 = arith.constant -2147483648 : i32
        %reduce_max3A_128 = vector.broadcast %reduce_max3A_127 : i32 to vector<16xi32>
        %reduce_max3A_129 = arith.xori %select_n3A_124, %reduce_max3A_128 : vector<16xi32>
        %reduce_max3A_130 = tpu.scan <max>, %reduce_max3A_129 masked %reduce_max3A_126 : vector<16xi32>, vector<16xi1> -> vector<16xi32>
        %reduce_max3A_131 = arith.xori %reduce_max3A_130, %reduce_max3A_128 : vector<16xi32>
        %reduce_max3A_132 = vector.extract %reduce_max3A_131[15] : i32 from vector<16xi32>
        %dma_start3A_133 = arith.constant 1 : i32
        %dma_start3A_134 = arith.constant 0 : i32
        %dma_start3A_135 = arith.constant 0 : i32
        %dma_start3A_136 = tpu.memref_slice %arg6[%dma_start3A_133, %scan3A_116, %dma_start3A_134, %dma_start3A_135] : memref<2x16x8x64xf32, #tpu.memory_space<vmem>> -> memref<1x1x8x64xf32, #tpu.memory_space<vmem>>
        %dma_start3A_137 = tpu.memref_squeeze %dma_start3A_136 : memref<1x1x8x64xf32, #tpu.memory_space<vmem>> -> memref<1x8x64xf32, #tpu.memory_space<vmem>>
        %dma_start3A_138 = tpu.memref_reshape %arg2 : memref<1000000x64xf32, #tpu.memory_space<hbm>> -> memref<125000x8x64xf32, #tpu.memory_space<hbm>>
        %dma_start3A_139 = arith.constant 0 : i32
        %dma_start3A_140 = arith.constant 0 : i32
        %dma_start3A_141 = tpu.memref_slice %dma_start3A_138[%reduce_max3A_132, %dma_start3A_139, %dma_start3A_140] : memref<125000x8x64xf32, #tpu.memory_space<hbm>> -> memref<1x8x64xf32, #tpu.memory_space<hbm>>
        %dma_start3A_142 = arith.constant 0 : i32
        %dma_start3A_143 = arith.constant 0 : i32
        %dma_start3A_144 = tpu.memref_slice %arg6[%dma_start3A_133, %scan3A_116, %dma_start3A_142, %dma_start3A_143] : memref<2x16x8x64xf32, #tpu.memory_space<vmem>> -> memref<1x1x8x64xf32, #tpu.memory_space<vmem>>
        %dma_start3A_145 = tpu.memref_squeeze %dma_start3A_144 : memref<1x1x8x64xf32, #tpu.memory_space<vmem>> -> memref<1x8x64xf32, #tpu.memory_space<vmem>>
        %dma_start3A_146 = tpu.memref_reshape %arg2 : memref<1000000x64xf32, #tpu.memory_space<hbm>> -> memref<125000x8x64xf32, #tpu.memory_space<hbm>>
        %dma_start3A_147 = arith.constant 0 : i32
        %dma_start3A_148 = arith.constant 0 : i32
        %dma_start3A_149 = tpu.memref_slice %dma_start3A_146[%reduce_max3A_132, %dma_start3A_147, %dma_start3A_148] : memref<125000x8x64xf32, #tpu.memory_space<hbm>> -> memref<1x8x64xf32, #tpu.memory_space<hbm>>
        tpu.enqueue_dma source(%dma_start3A_149 : memref<1x8x64xf32, #tpu.memory_space<hbm>>) target(%dma_start3A_145 : memref<1x8x64xf32, #tpu.memory_space<vmem>>) target_semaphore(%arg9 : memref<!tpu.dma_semaphore, #tpu.memory_space<semaphore_mem>>)
      }
      %scan3A_57 = arith.constant 16 : i32
      %dma_wait3A_58 = arith.constant 0 : i32
      %dma_wait3A_59 = arith.constant 0 : i32
      %dma_wait3A_60 = arith.constant 0 : i32
      %dma_wait3A_61 = arith.constant 0 : i32
      %dma_wait3A_62 = tpu.memref_slice %arg6[%dma_wait3A_58, %dma_wait3A_59, %dma_wait3A_60, %dma_wait3A_61] : memref<2x16x8x64xf32, #tpu.memory_space<vmem>> -> memref<1x16x8x64xf32, #tpu.memory_space<vmem>>
      %dma_wait3A_63 = tpu.memref_squeeze %dma_wait3A_62 : memref<1x16x8x64xf32, #tpu.memory_space<vmem>> -> memref<16x8x64xf32, #tpu.memory_space<vmem>>
      %dma_wait3A_64 = tpu.memref_reshape %arg2 : memref<1000000x64xf32, #tpu.memory_space<hbm>> -> memref<125000x8x64xf32, #tpu.memory_space<hbm>>
      %dma_wait3A_65 = arith.constant 0 : i32
      %dma_wait3A_66 = arith.constant 0 : i32
      %dma_wait3A_67 = arith.constant 0 : i32
      %dma_wait3A_68 = tpu.memref_slice %dma_wait3A_64[%dma_wait3A_65, %dma_wait3A_66, %dma_wait3A_67] : memref<125000x8x64xf32, #tpu.memory_space<hbm>> -> memref<16x8x64xf32, #tpu.memory_space<hbm>>
      %dma_wait3A_69 = arith.constant 0 : i32
      %dma_wait3A_70 = arith.constant 0 : i32
      %dma_wait3A_71 = arith.constant 0 : i32
      %dma_wait3A_72 = tpu.memref_slice %arg6[%dma_wait3A_58, %dma_wait3A_69, %dma_wait3A_70, %dma_wait3A_71] : memref<2x16x8x64xf32, #tpu.memory_space<vmem>> -> memref<1x16x8x64xf32, #tpu.memory_space<vmem>>
      %dma_wait3A_73 = tpu.memref_squeeze %dma_wait3A_72 : memref<1x16x8x64xf32, #tpu.memory_space<vmem>> -> memref<16x8x64xf32, #tpu.memory_space<vmem>>
      %dma_wait3A_74 = tpu.memref_reshape %arg2 : memref<1000000x64xf32, #tpu.memory_space<hbm>> -> memref<125000x8x64xf32, #tpu.memory_space<hbm>>
      %dma_wait3A_75 = arith.constant 0 : i32
      %dma_wait3A_76 = arith.constant 0 : i32
      %dma_wait3A_77 = arith.constant 0 : i32
      %dma_wait3A_78 = tpu.memref_slice %dma_wait3A_74[%dma_wait3A_75, %dma_wait3A_76, %dma_wait3A_77] : memref<125000x8x64xf32, #tpu.memory_space<hbm>> -> memref<16x8x64xf32, #tpu.memory_space<hbm>>
      tpu.wait_dma2 semaphore(%arg8 : memref<!tpu.dma_semaphore, #tpu.memory_space<semaphore_mem>>) src(%dma_wait3A_78 : memref<16x8x64xf32, #tpu.memory_space<hbm>>) dst(%dma_wait3A_73 : memref<16x8x64xf32, #tpu.memory_space<vmem>>)
      %mul3A_79 = arith.constant 16 : i32
      %mul3A_80 = arith.muli %mul3A_35, %mul3A_79 : i32
      %get3A_81 = arith.index_cast %mul3A_80 : i32 to index
      %get3A_82 = tpu.vector_load %arg5[%get3A_81] {strides = array<i32>} : memref<512xi32, #tpu.memory_space<vmem>>, vector<16xi32>,
      %scan3A_83 = arith.constant 0 : i32
      %scan3A_84 = arith.constant 16 : i32
      %scan3A_85 = arith.addi %scan3A_83, %scan3A_84 : i32
      %scan3A_86 = arith.constant 2 : i32
      scf.for %scan3A_88 = %scan3A_83 to %scan3A_85 step %scan3A_86  : i32 {
        %eq3A = vector.broadcast %scan3A_88 : i32 to vector<16xi32>
        %eq3A_89 = arith.cmpi eq, %iota3A, %eq3A : vector<16xi32>
        %and3A = arith.constant 7 : i32
        %and3A_90 = vector.broadcast %and3A : i32 to vector<16xi32>
        %and3A_91 = arith.andi %get3A_82, %and3A_90 : vector<16xi32>
        %jit3A = arith.constant 0 : i32
        %broadcast_in_dim3A = vector.broadcast %jit3A : i32 to vector<16xi32>
        %select_n3A = arith.select %eq3A_89, %and3A_91, %broadcast_in_dim3A : vector<16xi1>, vector<16xi32>
        %reduce_max3A = arith.constant true
        %reduce_max3A_92 = vector.broadcast %reduce_max3A : i1 to vector<16xi1>
        %reduce_max3A_93 = arith.constant -2147483648 : i32
        %reduce_max3A_94 = vector.broadcast %reduce_max3A_93 : i32 to vector<16xi32>
        %reduce_max3A_95 = arith.xori %select_n3A, %reduce_max3A_94 : vector<16xi32>
        %reduce_max3A_96 = tpu.scan <max>, %reduce_max3A_95 masked %reduce_max3A_92 : vector<16xi32>, vector<16xi1> -> vector<16xi32>
        %reduce_max3A_97 = arith.xori %reduce_max3A_96, %reduce_max3A_94 : vector<16xi32>
        %reduce_max3A_98 = vector.extract %reduce_max3A_97[15] : i32 from vector<16xi32>
        %get3A_99 = arith.constant 0 : i32
        %get3A_100 = arith.index_cast %get3A_99 : i32 to index
        %get3A_101 = arith.index_cast %scan3A_88 : i32 to index
        %get3A_102 = arith.index_cast %reduce_max3A_98 : i32 to index
        %get3A_103 = arith.constant 0 : index
        %get3A_104 = tpu.vector_load %arg6[%get3A_100, %get3A_101, %get3A_102, %get3A_103] {strides = array<i32>} : memref<2x16x8x64xf32, #tpu.memory_space<vmem>>, vector<16xf32>,
        %mul3A_105 = arith.constant 16 : i32
        %mul3A_106 = arith.muli %mul3A_35, %mul3A_105 : i32
        %add3A_107 = arith.addi %mul3A_106, %scan3A_88 : i32
        %swap3A = arith.index_cast %add3A_107 : i32 to index
        %swap3A_108 = arith.constant 0 : index
        %swap3A_109 = tpu.vector_load %arg7[%swap3A, %swap3A_108] {strides = array<i32>} : memref<512x64xf32, #tpu.memory_space<vmem>>, vector<16xf32>,
        tpu.vector_store %arg7[%swap3A, %swap3A_108], %get3A_104 {strides = array<i32>} : memref<512x64xf32, #tpu.memory_space<vmem>>, vector<16xf32>,
        %get3A_110 = arith.constant 0 : i32
        %get3A_111 = arith.index_cast %get3A_110 : i32 to index
        %get3A_112 = arith.index_cast %scan3A_88 : i32 to index
        %get3A_113 = arith.index_cast %reduce_max3A_98 : i32 to index
        %get3A_114 = arith.constant 16 : index
        %get3A_115 = tpu.vector_load %arg6[%get3A_111, %get3A_112, %get3A_113, %get3A_114] {strides = array<i32>} : memref<2x16x8x64xf32, #tpu.memory_space<vmem>>, vector<16xf32>,
        %mul3A_116 = arith.constant 16 : i32
        %mul3A_117 = arith.muli %mul3A_35, %mul3A_116 : i32
        %add3A_118 = arith.addi %mul3A_117, %scan3A_88 : i32
        %swap3A_119 = arith.index_cast %add3A_118 : i32 to index
        %swap3A_120 = arith.constant 16 : index
        %swap3A_121 = tpu.vector_load %arg7[%swap3A_119, %swap3A_120] {strides = array<i32>} : memref<512x64xf32, #tpu.memory_space<vmem>>, vector<16xf32>,
        tpu.vector_store %arg7[%swap3A_119, %swap3A_120], %get3A_115 {strides = array<i32>} : memref<512x64xf32, #tpu.memory_space<vmem>>, vector<16xf32>,
        %get3A_122 = arith.constant 0 : i32
        %get3A_123 = arith.index_cast %get3A_122 : i32 to index
        %get3A_124 = arith.index_cast %scan3A_88 : i32 to index
        %get3A_125 = arith.index_cast %reduce_max3A_98 : i32 to index
        %get3A_126 = arith.constant 32 : index
        %get3A_127 = tpu.vector_load %arg6[%get3A_123, %get3A_124, %get3A_125, %get3A_126] {strides = array<i32>} : memref<2x16x8x64xf32, #tpu.memory_space<vmem>>, vector<16xf32>,
        %mul3A_128 = arith.constant 16 : i32
        %mul3A_129 = arith.muli %mul3A_35, %mul3A_128 : i32
        %add3A_130 = arith.addi %mul3A_129, %scan3A_88 : i32
        %swap3A_131 = arith.index_cast %add3A_130 : i32 to index
        %swap3A_132 = arith.constant 32 : index
        %swap3A_133 = tpu.vector_load %arg7[%swap3A_131, %swap3A_132] {strides = array<i32>} : memref<512x64xf32, #tpu.memory_space<vmem>>, vector<16xf32>,
        tpu.vector_store %arg7[%swap3A_131, %swap3A_132], %get3A_127 {strides = array<i32>} : memref<512x64xf32, #tpu.memory_space<vmem>>, vector<16xf32>,
        %get3A_134 = arith.constant 0 : i32
        %get3A_135 = arith.index_cast %get3A_134 : i32 to index
        %get3A_136 = arith.index_cast %scan3A_88 : i32 to index
        %get3A_137 = arith.index_cast %reduce_max3A_98 : i32 to index
        %get3A_138 = arith.constant 48 : index
        %get3A_139 = tpu.vector_load %arg6[%get3A_135, %get3A_136, %get3A_137, %get3A_138] {strides = array<i32>} : memref<2x16x8x64xf32, #tpu.memory_space<vmem>>, vector<16xf32>,
        %mul3A_140 = arith.constant 16 : i32
        %mul3A_141 = arith.muli %mul3A_35, %mul3A_140 : i32
        %add3A_142 = arith.addi %mul3A_141, %scan3A_88 : i32
        %swap3A_143 = arith.index_cast %add3A_142 : i32 to index
        %swap3A_144 = arith.constant 48 : index
        %swap3A_145 = tpu.vector_load %arg7[%swap3A_143, %swap3A_144] {strides = array<i32>} : memref<512x64xf32, #tpu.memory_space<vmem>>, vector<16xf32>,
        tpu.vector_store %arg7[%swap3A_143, %swap3A_144], %get3A_139 {strides = array<i32>} : memref<512x64xf32, #tpu.memory_space<vmem>>, vector<16xf32>,
        %scan3A_146 = arith.constant 1 : i32
        %scan3A_147 = arith.addi %scan3A_88, %scan3A_146 : i32
        %eq3A_148 = vector.broadcast %scan3A_147 : i32 to vector<16xi32>
        %eq3A_149 = arith.cmpi eq, %iota3A, %eq3A_148 : vector<16xi32>
        %and3A_150 = arith.constant 7 : i32
        %and3A_151 = vector.broadcast %and3A_150 : i32 to vector<16xi32>
        %and3A_152 = arith.andi %get3A_82, %and3A_151 : vector<16xi32>
        %jit3A_153 = arith.constant 0 : i32
        %broadcast_in_dim3A_154 = vector.broadcast %jit3A_153 : i32 to vector<16xi32>
        %select_n3A_155 = arith.select %eq3A_149, %and3A_152, %broadcast_in_dim3A_154 : vector<16xi1>, vector<16xi32>
        %reduce_max3A_156 = arith.constant true
        %reduce_max3A_157 = vector.broadcast %reduce_max3A_156 : i1 to vector<16xi1>
        %reduce_max3A_158 = arith.constant -2147483648 : i32
        %reduce_max3A_159 = vector.broadcast %reduce_max3A_158 : i32 to vector<16xi32>
        %reduce_max3A_160 = arith.xori %select_n3A_155, %reduce_max3A_159 : vector<16xi32>
        %reduce_max3A_161 = tpu.scan <max>, %reduce_max3A_160 masked %reduce_max3A_157 : vector<16xi32>, vector<16xi1> -> vector<16xi32>
        %reduce_max3A_162 = arith.xori %reduce_max3A_161, %reduce_max3A_159 : vector<16xi32>
        %reduce_max3A_163 = vector.extract %reduce_max3A_162[15] : i32 from vector<16xi32>
        %get3A_164 = arith.constant 0 : i32
        %get3A_165 = arith.index_cast %get3A_164 : i32 to index
        %get3A_166 = arith.index_cast %scan3A_147 : i32 to index
        %get3A_167 = arith.index_cast %reduce_max3A_163 : i32 to index
        %get3A_168 = arith.constant 0 : index
        %get3A_169 = tpu.vector_load %arg6[%get3A_165, %get3A_166, %get3A_167, %get3A_168] {strides = array<i32>} : memref<2x16x8x64xf32, #tpu.memory_space<vmem>>, vector<16xf32>,
        %mul3A_170 = arith.constant 16 : i32
        %mul3A_171 = arith.muli %mul3A_35, %mul3A_170 : i32
        %add3A_172 = arith.addi %mul3A_171, %scan3A_147 : i32
        %swap3A_173 = arith.index_cast %add3A_172 : i32 to index
        %swap3A_174 = arith.constant 0 : index
        %swap3A_175 = tpu.vector_load %arg7[%swap3A_173, %swap3A_174] {strides = array<i32>} : memref<512x64xf32, #tpu.memory_space<vmem>>, vector<16xf32>,
        tpu.vector_store %arg7[%swap3A_173, %swap3A_174], %get3A_169 {strides = array<i32>} : memref<512x64xf32, #tpu.memory_space<vmem>>, vector<16xf32>,
        %get3A_176 = arith.constant 0 : i32
        %get3A_177 = arith.index_cast %get3A_176 : i32 to index
        %get3A_178 = arith.index_cast %scan3A_147 : i32 to index
        %get3A_179 = arith.index_cast %reduce_max3A_163 : i32 to index
        %get3A_180 = arith.constant 16 : index
        %get3A_181 = tpu.vector_load %arg6[%get3A_177, %get3A_178, %get3A_179, %get3A_180] {strides = array<i32>} : memref<2x16x8x64xf32, #tpu.memory_space<vmem>>, vector<16xf32>,
        %mul3A_182 = arith.constant 16 : i32
        %mul3A_183 = arith.muli %mul3A_35, %mul3A_182 : i32
        %add3A_184 = arith.addi %mul3A_183, %scan3A_147 : i32
        %swap3A_185 = arith.index_cast %add3A_184 : i32 to index
        %swap3A_186 = arith.constant 16 : index
        %swap3A_187 = tpu.vector_load %arg7[%swap3A_185, %swap3A_186] {strides = array<i32>} : memref<512x64xf32, #tpu.memory_space<vmem>>, vector<16xf32>,
        tpu.vector_store %arg7[%swap3A_185, %swap3A_186], %get3A_181 {strides = array<i32>} : memref<512x64xf32, #tpu.memory_space<vmem>>, vector<16xf32>,
        %get3A_188 = arith.constant 0 : i32
        %get3A_189 = arith.index_cast %get3A_188 : i32 to index
        %get3A_190 = arith.index_cast %scan3A_147 : i32 to index
        %get3A_191 = arith.index_cast %reduce_max3A_163 : i32 to index
        %get3A_192 = arith.constant 32 : index
        %get3A_193 = tpu.vector_load %arg6[%get3A_189, %get3A_190, %get3A_191, %get3A_192] {strides = array<i32>} : memref<2x16x8x64xf32, #tpu.memory_space<vmem>>, vector<16xf32>,
        %mul3A_194 = arith.constant 16 : i32
        %mul3A_195 = arith.muli %mul3A_35, %mul3A_194 : i32
        %add3A_196 = arith.addi %mul3A_195, %scan3A_147 : i32
        %swap3A_197 = arith.index_cast %add3A_196 : i32 to index
        %swap3A_198 = arith.constant 32 : index
        %swap3A_199 = tpu.vector_load %arg7[%swap3A_197, %swap3A_198] {strides = array<i32>} : memref<512x64xf32, #tpu.memory_space<vmem>>, vector<16xf32>,
        tpu.vector_store %arg7[%swap3A_197, %swap3A_198], %get3A_193 {strides = array<i32>} : memref<512x64xf32, #tpu.memory_space<vmem>>, vector<16xf32>,
        %get3A_200 = arith.constant 0 : i32
        %get3A_201 = arith.index_cast %get3A_200 : i32 to index
        %get3A_202 = arith.index_cast %scan3A_147 : i32 to index
        %get3A_203 = arith.index_cast %reduce_max3A_163 : i32 to index
        %get3A_204 = arith.constant 48 : index
        %get3A_205 = tpu.vector_load %arg6[%get3A_201, %get3A_202, %get3A_203, %get3A_204] {strides = array<i32>} : memref<2x16x8x64xf32, #tpu.memory_space<vmem>>, vector<16xf32>,
        %mul3A_206 = arith.constant 16 : i32
        %mul3A_207 = arith.muli %mul3A_35, %mul3A_206 : i32
        %add3A_208 = arith.addi %mul3A_207, %scan3A_147 : i32
        %swap3A_209 = arith.index_cast %add3A_208 : i32 to index
        %swap3A_210 = arith.constant 48 : index
        %swap3A_211 = tpu.vector_load %arg7[%swap3A_209, %swap3A_210] {strides = array<i32>} : memref<512x64xf32, #tpu.memory_space<vmem>>, vector<16xf32>,
        tpu.vector_store %arg7[%swap3A_209, %swap3A_210], %get3A_205 {strides = array<i32>} : memref<512x64xf32, #tpu.memory_space<vmem>>, vector<16xf32>,
      }
      %scan3A_87 = arith.constant 16 : i32
    }
    %scan3A_6 = arith.constant 16 : i32
    %dma_wait3A = arith.constant 0 : i32
    %dma_wait3A_7 = arith.constant 0 : i32
    %dma_wait3A_8 = arith.constant 0 : i32
    %dma_wait3A_9 = arith.constant 0 : i32
    %dma_wait3A_10 = tpu.memref_slice %arg6[%dma_wait3A, %dma_wait3A_7, %dma_wait3A_8, %dma_wait3A_9] : memref<2x16x8x64xf32, #tpu.memory_space<vmem>> -> memref<1x16x8x64xf32, #tpu.memory_space<vmem>>
    %dma_wait3A_11 = tpu.memref_squeeze %dma_wait3A_10 : memref<1x16x8x64xf32, #tpu.memory_space<vmem>> -> memref<16x8x64xf32, #tpu.memory_space<vmem>>
    %dma_wait3A_12 = tpu.memref_reshape %arg2 : memref<1000000x64xf32, #tpu.memory_space<hbm>> -> memref<125000x8x64xf32, #tpu.memory_space<hbm>>
    %dma_wait3A_13 = arith.constant 0 : i32
    %dma_wait3A_14 = arith.constant 0 : i32
    %dma_wait3A_15 = arith.constant 0 : i32
    %dma_wait3A_16 = tpu.memref_slice %dma_wait3A_12[%dma_wait3A_13, %dma_wait3A_14, %dma_wait3A_15] : memref<125000x8x64xf32, #tpu.memory_space<hbm>> -> memref<16x8x64xf32, #tpu.memory_space<hbm>>
    %dma_wait3A_17 = arith.constant 0 : i32
    %dma_wait3A_18 = arith.constant 0 : i32
    %dma_wait3A_19 = arith.constant 0 : i32
    %dma_wait3A_20 = tpu.memref_slice %arg6[%dma_wait3A, %dma_wait3A_17, %dma_wait3A_18, %dma_wait3A_19] : memref<2x16x8x64xf32, #tpu.memory_space<vmem>> -> memref<1x16x8x64xf32, #tpu.memory_space<vmem>>
    %dma_wait3A_21 = tpu.memref_squeeze %dma_wait3A_20 : memref<1x16x8x64xf32, #tpu.memory_space<vmem>> -> memref<16x8x64xf32, #tpu.memory_space<vmem>>
    %dma_wait3A_22 = tpu.memref_reshape %arg2 : memref<1000000x64xf32, #tpu.memory_space<hbm>> -> memref<125000x8x64xf32, #tpu.memory_space<hbm>>
    %dma_wait3A_23 = arith.constant 0 : i32
    %dma_wait3A_24 = arith.constant 0 : i32
    %dma_wait3A_25 = arith.constant 0 : i32
    %dma_wait3A_26 = tpu.memref_slice %dma_wait3A_22[%dma_wait3A_23, %dma_wait3A_24, %dma_wait3A_25] : memref<125000x8x64xf32, #tpu.memory_space<hbm>> -> memref<16x8x64xf32, #tpu.memory_space<hbm>>
    tpu.wait_dma2 semaphore(%arg9 : memref<!tpu.dma_semaphore, #tpu.memory_space<semaphore_mem>>) src(%dma_wait3A_26 : memref<16x8x64xf32, #tpu.memory_space<hbm>>) dst(%dma_wait3A_21 : memref<16x8x64xf32, #tpu.memory_space<vmem>>)
    %get3A = arith.constant 496 : index
    %get3A_27 = tpu.vector_load %arg5[%get3A] {strides = array<i32>} : memref<512xi32, #tpu.memory_space<vmem>>, vector<16xi32>,
    %scan3A_28 = arith.constant 0 : i32
    %scan3A_29 = arith.constant 16 : i32
    %scan3A_30 = arith.addi %scan3A_28, %scan3A_29 : i32
    %scan3A_31 = arith.constant 2 : i32
    scf.for %scan3A_33 = %scan3A_28 to %scan3A_30 step %scan3A_31  : i32 {
      %eq3A = vector.broadcast %scan3A_33 : i32 to vector<16xi32>
      %eq3A_34 = arith.cmpi eq, %iota3A, %eq3A : vector<16xi32>
      %and3A = arith.constant 7 : i32
      %and3A_35 = vector.broadcast %and3A : i32 to vector<16xi32>
      %and3A_36 = arith.andi %get3A_27, %and3A_35 : vector<16xi32>
      %jit3A = arith.constant 0 : i32
      %broadcast_in_dim3A = vector.broadcast %jit3A : i32 to vector<16xi32>
      %select_n3A = arith.select %eq3A_34, %and3A_36, %broadcast_in_dim3A : vector<16xi1>, vector<16xi32>
      %reduce_max3A = arith.constant true
      %reduce_max3A_37 = vector.broadcast %reduce_max3A : i1 to vector<16xi1>
      %reduce_max3A_38 = arith.constant -2147483648 : i32
      %reduce_max3A_39 = vector.broadcast %reduce_max3A_38 : i32 to vector<16xi32>
      %reduce_max3A_40 = arith.xori %select_n3A, %reduce_max3A_39 : vector<16xi32>
      %reduce_max3A_41 = tpu.scan <max>, %reduce_max3A_40 masked %reduce_max3A_37 : vector<16xi32>, vector<16xi1> -> vector<16xi32>
      %reduce_max3A_42 = arith.xori %reduce_max3A_41, %reduce_max3A_39 : vector<16xi32>
      %reduce_max3A_43 = vector.extract %reduce_max3A_42[15] : i32 from vector<16xi32>
      %get3A_44 = arith.constant 1 : i32
      %get3A_45 = arith.index_cast %get3A_44 : i32 to index
      %get3A_46 = arith.index_cast %scan3A_33 : i32 to index
      %get3A_47 = arith.index_cast %reduce_max3A_43 : i32 to index
      %get3A_48 = arith.constant 0 : index
      %get3A_49 = tpu.vector_load %arg6[%get3A_45, %get3A_46, %get3A_47, %get3A_48] {strides = array<i32>} : memref<2x16x8x64xf32, #tpu.memory_space<vmem>>, vector<16xf32>,
      %add3A_50 = arith.constant 496 : i32
      %add3A_51 = arith.addi %add3A_50, %scan3A_33 : i32
      %swap3A = arith.index_cast %add3A_51 : i32 to index
      %swap3A_52 = arith.constant 0 : index
      %swap3A_53 = tpu.vector_load %arg7[%swap3A, %swap3A_52] {strides = array<i32>} : memref<512x64xf32, #tpu.memory_space<vmem>>, vector<16xf32>,
      tpu.vector_store %arg7[%swap3A, %swap3A_52], %get3A_49 {strides = array<i32>} : memref<512x64xf32, #tpu.memory_space<vmem>>, vector<16xf32>,
      %get3A_54 = arith.constant 1 : i32
      %get3A_55 = arith.index_cast %get3A_54 : i32 to index
      %get3A_56 = arith.index_cast %scan3A_33 : i32 to index
      %get3A_57 = arith.index_cast %reduce_max3A_43 : i32 to index
      %get3A_58 = arith.constant 16 : index
      %get3A_59 = tpu.vector_load %arg6[%get3A_55, %get3A_56, %get3A_57, %get3A_58] {strides = array<i32>} : memref<2x16x8x64xf32, #tpu.memory_space<vmem>>, vector<16xf32>,
      %add3A_60 = arith.constant 496 : i32
      %add3A_61 = arith.addi %add3A_60, %scan3A_33 : i32
      %swap3A_62 = arith.index_cast %add3A_61 : i32 to index
      %swap3A_63 = arith.constant 16 : index
      %swap3A_64 = tpu.vector_load %arg7[%swap3A_62, %swap3A_63] {strides = array<i32>} : memref<512x64xf32, #tpu.memory_space<vmem>>, vector<16xf32>,
      tpu.vector_store %arg7[%swap3A_62, %swap3A_63], %get3A_59 {strides = array<i32>} : memref<512x64xf32, #tpu.memory_space<vmem>>, vector<16xf32>,
      %get3A_65 = arith.constant 1 : i32
      %get3A_66 = arith.index_cast %get3A_65 : i32 to index
      %get3A_67 = arith.index_cast %scan3A_33 : i32 to index
      %get3A_68 = arith.index_cast %reduce_max3A_43 : i32 to index
      %get3A_69 = arith.constant 32 : index
      %get3A_70 = tpu.vector_load %arg6[%get3A_66, %get3A_67, %get3A_68, %get3A_69] {strides = array<i32>} : memref<2x16x8x64xf32, #tpu.memory_space<vmem>>, vector<16xf32>,
      %add3A_71 = arith.constant 496 : i32
      %add3A_72 = arith.addi %add3A_71, %scan3A_33 : i32
      %swap3A_73 = arith.index_cast %add3A_72 : i32 to index
      %swap3A_74 = arith.constant 32 : index
      %swap3A_75 = tpu.vector_load %arg7[%swap3A_73, %swap3A_74] {strides = array<i32>} : memref<512x64xf32, #tpu.memory_space<vmem>>, vector<16xf32>,
      tpu.vector_store %arg7[%swap3A_73, %swap3A_74], %get3A_70 {strides = array<i32>} : memref<512x64xf32, #tpu.memory_space<vmem>>, vector<16xf32>,
      %get3A_76 = arith.constant 1 : i32
      %get3A_77 = arith.index_cast %get3A_76 : i32 to index
      %get3A_78 = arith.index_cast %scan3A_33 : i32 to index
      %get3A_79 = arith.index_cast %reduce_max3A_43 : i32 to index
      %get3A_80 = arith.constant 48 : index
      %get3A_81 = tpu.vector_load %arg6[%get3A_77, %get3A_78, %get3A_79, %get3A_80] {strides = array<i32>} : memref<2x16x8x64xf32, #tpu.memory_space<vmem>>, vector<16xf32>,
      %add3A_82 = arith.constant 496 : i32
      %add3A_83 = arith.addi %add3A_82, %scan3A_33 : i32
      %swap3A_84 = arith.index_cast %add3A_83 : i32 to index
      %swap3A_85 = arith.constant 48 : index
      %swap3A_86 = tpu.vector_load %arg7[%swap3A_84, %swap3A_85] {strides = array<i32>} : memref<512x64xf32, #tpu.memory_space<vmem>>, vector<16xf32>,
      tpu.vector_store %arg7[%swap3A_84, %swap3A_85], %get3A_81 {strides = array<i32>} : memref<512x64xf32, #tpu.memory_space<vmem>>, vector<16xf32>,
      %scan3A_87 = arith.constant 1 : i32
      %scan3A_88 = arith.addi %scan3A_33, %scan3A_87 : i32
      %eq3A_89 = vector.broadcast %scan3A_88 : i32 to vector<16xi32>
      %eq3A_90 = arith.cmpi eq, %iota3A, %eq3A_89 : vector<16xi32>
      %and3A_91 = arith.constant 7 : i32
      %and3A_92 = vector.broadcast %and3A_91 : i32 to vector<16xi32>
      %and3A_93 = arith.andi %get3A_27, %and3A_92 : vector<16xi32>
      %jit3A_94 = arith.constant 0 : i32
      %broadcast_in_dim3A_95 = vector.broadcast %jit3A_94 : i32 to vector<16xi32>
      %select_n3A_96 = arith.select %eq3A_90, %and3A_93, %broadcast_in_dim3A_95 : vector<16xi1>, vector<16xi32>
      %reduce_max3A_97 = arith.constant true
      %reduce_max3A_98 = vector.broadcast %reduce_max3A_97 : i1 to vector<16xi1>
      %reduce_max3A_99 = arith.constant -2147483648 : i32
      %reduce_max3A_100 = vector.broadcast %reduce_max3A_99 : i32 to vector<16xi32>
      %reduce_max3A_101 = arith.xori %select_n3A_96, %reduce_max3A_100 : vector<16xi32>
      %reduce_max3A_102 = tpu.scan <max>, %reduce_max3A_101 masked %reduce_max3A_98 : vector<16xi32>, vector<16xi1> -> vector<16xi32>
      %reduce_max3A_103 = arith.xori %reduce_max3A_102, %reduce_max3A_100 : vector<16xi32>
      %reduce_max3A_104 = vector.extract %reduce_max3A_103[15] : i32 from vector<16xi32>
      %get3A_105 = arith.constant 1 : i32
      %get3A_106 = arith.index_cast %get3A_105 : i32 to index
      %get3A_107 = arith.index_cast %scan3A_88 : i32 to index
      %get3A_108 = arith.index_cast %reduce_max3A_104 : i32 to index
      %get3A_109 = arith.constant 0 : index
      %get3A_110 = tpu.vector_load %arg6[%get3A_106, %get3A_107, %get3A_108, %get3A_109] {strides = array<i32>} : memref<2x16x8x64xf32, #tpu.memory_space<vmem>>, vector<16xf32>,
      %add3A_111 = arith.constant 496 : i32
      %add3A_112 = arith.addi %add3A_111, %scan3A_88 : i32
      %swap3A_113 = arith.index_cast %add3A_112 : i32 to index
      %swap3A_114 = arith.constant 0 : index
      %swap3A_115 = tpu.vector_load %arg7[%swap3A_113, %swap3A_114] {strides = array<i32>} : memref<512x64xf32, #tpu.memory_space<vmem>>, vector<16xf32>,
      tpu.vector_store %arg7[%swap3A_113, %swap3A_114], %get3A_110 {strides = array<i32>} : memref<512x64xf32, #tpu.memory_space<vmem>>, vector<16xf32>,
      %get3A_116 = arith.constant 1 : i32
      %get3A_117 = arith.index_cast %get3A_116 : i32 to index
      %get3A_118 = arith.index_cast %scan3A_88 : i32 to index
      %get3A_119 = arith.index_cast %reduce_max3A_104 : i32 to index
      %get3A_120 = arith.constant 16 : index
      %get3A_121 = tpu.vector_load %arg6[%get3A_117, %get3A_118, %get3A_119, %get3A_120] {strides = array<i32>} : memref<2x16x8x64xf32, #tpu.memory_space<vmem>>, vector<16xf32>,
      %add3A_122 = arith.constant 496 : i32
      %add3A_123 = arith.addi %add3A_122, %scan3A_88 : i32
      %swap3A_124 = arith.index_cast %add3A_123 : i32 to index
      %swap3A_125 = arith.constant 16 : index
      %swap3A_126 = tpu.vector_load %arg7[%swap3A_124, %swap3A_125] {strides = array<i32>} : memref<512x64xf32, #tpu.memory_space<vmem>>, vector<16xf32>,
      tpu.vector_store %arg7[%swap3A_124, %swap3A_125], %get3A_121 {strides = array<i32>} : memref<512x64xf32, #tpu.memory_space<vmem>>, vector<16xf32>,
      %get3A_127 = arith.constant 1 : i32
      %get3A_128 = arith.index_cast %get3A_127 : i32 to index
      %get3A_129 = arith.index_cast %scan3A_88 : i32 to index
      %get3A_130 = arith.index_cast %reduce_max3A_104 : i32 to index
      %get3A_131 = arith.constant 32 : index
      %get3A_132 = tpu.vector_load %arg6[%get3A_128, %get3A_129, %get3A_130, %get3A_131] {strides = array<i32>} : memref<2x16x8x64xf32, #tpu.memory_space<vmem>>, vector<16xf32>,
      %add3A_133 = arith.constant 496 : i32
      %add3A_134 = arith.addi %add3A_133, %scan3A_88 : i32
      %swap3A_135 = arith.index_cast %add3A_134 : i32 to index
      %swap3A_136 = arith.constant 32 : index
      %swap3A_137 = tpu.vector_load %arg7[%swap3A_135, %swap3A_136] {strides = array<i32>} : memref<512x64xf32, #tpu.memory_space<vmem>>, vector<16xf32>,
      tpu.vector_store %arg7[%swap3A_135, %swap3A_136], %get3A_132 {strides = array<i32>} : memref<512x64xf32, #tpu.memory_space<vmem>>, vector<16xf32>,
      %get3A_138 = arith.constant 1 : i32
      %get3A_139 = arith.index_cast %get3A_138 : i32 to index
      %get3A_140 = arith.index_cast %scan3A_88 : i32 to index
      %get3A_141 = arith.index_cast %reduce_max3A_104 : i32 to index
      %get3A_142 = arith.constant 48 : index
      %get3A_143 = tpu.vector_load %arg6[%get3A_139, %get3A_140, %get3A_141, %get3A_142] {strides = array<i32>} : memref<2x16x8x64xf32, #tpu.memory_space<vmem>>, vector<16xf32>,
      %add3A_144 = arith.constant 496 : i32
      %add3A_145 = arith.addi %add3A_144, %scan3A_88 : i32
      %swap3A_146 = arith.index_cast %add3A_145 : i32 to index
      %swap3A_147 = arith.constant 48 : index
      %swap3A_148 = tpu.vector_load %arg7[%swap3A_146, %swap3A_147] {strides = array<i32>} : memref<512x64xf32, #tpu.memory_space<vmem>>, vector<16xf32>,
      tpu.vector_store %arg7[%swap3A_146, %swap3A_147], %get3A_143 {strides = array<i32>} : memref<512x64xf32, #tpu.memory_space<vmem>>, vector<16xf32>,
    }
    %scan3A_32 = arith.constant 16 : i32
    "tpu.region"() ({
      %run_scoped3A = tpu.sem_alloc : memref<!tpu.dma_semaphore, #tpu.memory_space<semaphore_mem>>
      %dma_start3A = arith.constant 0 : i32
      %dma_start3A_33 = tpu.memref_slice %arg4[%mul3A_2, %dma_start3A] : memref<16384x64xf32, #tpu.memory_space<hbm>> -> memref<512x64xf32, #tpu.memory_space<hbm>>
      %dma_start3A_34 = arith.constant 0 : i32
      %dma_start3A_35 = tpu.memref_slice %arg4[%mul3A_2, %dma_start3A_34] : memref<16384x64xf32, #tpu.memory_space<hbm>> -> memref<512x64xf32, #tpu.memory_space<hbm>>
      tpu.enqueue_dma source(%arg7 : memref<512x64xf32, #tpu.memory_space<vmem>>) target(%dma_start3A_35 : memref<512x64xf32, #tpu.memory_space<hbm>>) target_semaphore(%run_scoped3A : memref<!tpu.dma_semaphore, #tpu.memory_space<semaphore_mem>>)
      %dma_wait3A_36 = arith.constant 0 : i32
      %dma_wait3A_37 = tpu.memref_slice %arg4[%mul3A_2, %dma_wait3A_36] : memref<16384x64xf32, #tpu.memory_space<hbm>> -> memref<512x64xf32, #tpu.memory_space<hbm>>
      %dma_wait3A_38 = arith.constant 0 : i32
      %dma_wait3A_39 = tpu.memref_slice %arg4[%mul3A_2, %dma_wait3A_38] : memref<16384x64xf32, #tpu.memory_space<hbm>> -> memref<512x64xf32, #tpu.memory_space<hbm>>
      tpu.wait_dma2 semaphore(%run_scoped3A : memref<!tpu.dma_semaphore, #tpu.memory_space<semaphore_mem>>) src(%arg7 : memref<512x64xf32, #tpu.memory_space<vmem>>) dst(%dma_wait3A_39 : memref<512x64xf32, #tpu.memory_space<hbm>>)
      tpu.yield
    }) : () -> ()
    return
  }
}

module attributes {stable_mosaic.version = 14 : i64} {
  func.func @_tc_body(%arg0: i32, %arg1: memref<512x13xf32, #tpu.memory_space<vmem>>, %arg2: memref<512x64xf32, #tpu.memory_space<vmem>>, %arg3: memref<512x64xf32, #tpu.memory_space<vmem>>, %arg4: memref<512x64xf32, #tpu.memory_space<vmem>>, %arg5: memref<13x512xf32, #tpu.memory_space<vmem>>, %arg6: memref<1x512xf32, #tpu.memory_space<vmem>>, %arg7: memref<512x256xf32, #tpu.memory_space<vmem>>, %arg8: memref<1x256xf32, #tpu.memory_space<vmem>>, %arg9: memref<256x64xf32, #tpu.memory_space<vmem>>, %arg10: memref<1x64xf32, #tpu.memory_space<vmem>>, %arg11: memref<64x512xf32, #tpu.memory_space<vmem>>, %arg12: memref<6x512xf32, #tpu.memory_space<vmem>>, %arg13: memref<1x512xf32, #tpu.memory_space<vmem>>, %arg14: memref<512x256xf32, #tpu.memory_space<vmem>>, %arg15: memref<1x256xf32, #tpu.memory_space<vmem>>, %arg16: memref<256x1xf32, #tpu.memory_space<vmem>>, %arg17: memref<1x1xf32, #tpu.memory_space<vmem>>, %arg18: memref<512x1xf32, #tpu.memory_space<vmem>>) attributes {dimension_semantics = [#tpu.dimension_semantics<parallel>], iteration_bounds = array<i64: 32>, scalar_prefetch = 0 : i64, scratch_operands = 0 : i64, tpu.core_type = #tpu.core_type<tc>, window_params = [{transform_indices = @transform_0, window_bounds = array<i64: 512, 13>}, {transform_indices = @transform_1, window_bounds = array<i64: 512, 64>}, {transform_indices = @transform_2, window_bounds = array<i64: 512, 64>}, {transform_indices = @transform_3, window_bounds = array<i64: 512, 64>}, {pipeline_mode = #tpu.pipeline_mode<synchronous>, transform_indices = @transform_4, window_bounds = array<i64: 13, 512>}, {pipeline_mode = #tpu.pipeline_mode<synchronous>, transform_indices = @transform_5, window_bounds = array<i64: 1, 512>}, {pipeline_mode = #tpu.pipeline_mode<synchronous>, transform_indices = @transform_6, window_bounds = array<i64: 512, 256>}, {pipeline_mode = #tpu.pipeline_mode<synchronous>, transform_indices = @transform_7, window_bounds = array<i64: 1, 256>}, {pipeline_mode = #tpu.pipeline_mode<synchronous>, transform_indices = @transform_8, window_bounds = array<i64: 256, 64>}, {pipeline_mode = #tpu.pipeline_mode<synchronous>, transform_indices = @transform_9, window_bounds = array<i64: 1, 64>}, {pipeline_mode = #tpu.pipeline_mode<synchronous>, transform_indices = @transform_10, window_bounds = array<i64: 64, 512>}, {pipeline_mode = #tpu.pipeline_mode<synchronous>, transform_indices = @transform_11, window_bounds = array<i64: 6, 512>}, {pipeline_mode = #tpu.pipeline_mode<synchronous>, transform_indices = @transform_12, window_bounds = array<i64: 1, 512>}, {pipeline_mode = #tpu.pipeline_mode<synchronous>, transform_indices = @transform_13, window_bounds = array<i64: 512, 256>}, {pipeline_mode = #tpu.pipeline_mode<synchronous>, transform_indices = @transform_14, window_bounds = array<i64: 1, 256>}, {pipeline_mode = #tpu.pipeline_mode<synchronous>, transform_indices = @transform_15, window_bounds = array<i64: 256, 1>}, {pipeline_mode = #tpu.pipeline_mode<synchronous>, transform_indices = @transform_16, window_bounds = array<i64: 1, 1>}, {transform_indices = @transform_17, window_bounds = array<i64: 512, 1>}]} {
    %get3A = arith.constant 0 : index
    %get3A_0 = arith.constant 0 : index
    %get3A_1 = vector.load %arg1[%get3A, %get3A_0] : memref<512x13xf32, #tpu.memory_space<vmem>>, vector<512x13xf32>
    %get3A_2 = arith.constant 0 : index
    %get3A_3 = arith.constant 0 : index
    %get3A_4 = vector.load %arg5[%get3A_2, %get3A_3] : memref<13x512xf32, #tpu.memory_space<vmem>>, vector<13x512xf32>
    %dot_general3A = arith.constant dense<0.000000e+00> : vector<512x512xf32>
    %dot_general3A_5 = tpu.matmul %get3A_1, %get3A_4, %dot_general3A {dimension_numbers = #tpu.dot_dimension_numbers<[1], [0], [0], [1], [0, 0, 1, 1], [], []>, transpose_lhs_hint = false} : vector<512x13xf32>, vector<13x512xf32>, vector<512x512xf32> -> vector<512x512xf32>
    %get3A_6 = arith.constant 0 : index
    %get3A_7 = arith.constant 0 : index
    %get3A_8 = vector.load %arg6[%get3A_6, %get3A_7] : memref<1x512xf32, #tpu.memory_space<vmem>>, vector<1x512xf32>
    %add3A = vector.broadcast %get3A_8 : vector<1x512xf32> to vector<512x512xf32>
    %add3A_9 = arith.addf %dot_general3A_5, %add3A : vector<512x512xf32>
    %max3A = arith.constant 0.000000e+00 : f32
    %max3A_10 = vector.broadcast %max3A : f32 to vector<512x512xf32>
    %max3A_11 = arith.maximumf %add3A_9, %max3A_10 : vector<512x512xf32>
    %get3A_12 = arith.constant 0 : index
    %get3A_13 = arith.constant 0 : index
    %get3A_14 = vector.load %arg7[%get3A_12, %get3A_13] : memref<512x256xf32, #tpu.memory_space<vmem>>, vector<512x256xf32>
    %dot_general3A_15 = arith.constant dense<0.000000e+00> : vector<512x256xf32>
    %dot_general3A_16 = tpu.matmul %max3A_11, %get3A_14, %dot_general3A_15 {dimension_numbers = #tpu.dot_dimension_numbers<[1], [0], [0], [1], [0, 0, 1, 1], [], []>, transpose_lhs_hint = false} : vector<512x512xf32>, vector<512x256xf32>, vector<512x256xf32> -> vector<512x256xf32>
    %get3A_17 = arith.constant 0 : index
    %get3A_18 = arith.constant 0 : index
    %get3A_19 = vector.load %arg8[%get3A_17, %get3A_18] : memref<1x256xf32, #tpu.memory_space<vmem>>, vector<1x256xf32>
    %add3A_20 = vector.broadcast %get3A_19 : vector<1x256xf32> to vector<512x256xf32>
    %add3A_21 = arith.addf %dot_general3A_16, %add3A_20 : vector<512x256xf32>
    %max3A_22 = arith.constant 0.000000e+00 : f32
    %max3A_23 = vector.broadcast %max3A_22 : f32 to vector<512x256xf32>
    %max3A_24 = arith.maximumf %add3A_21, %max3A_23 : vector<512x256xf32>
    %get3A_25 = arith.constant 0 : index
    %get3A_26 = arith.constant 0 : index
    %get3A_27 = vector.load %arg9[%get3A_25, %get3A_26] : memref<256x64xf32, #tpu.memory_space<vmem>>, vector<256x64xf32>
    %dot_general3A_28 = arith.constant dense<0.000000e+00> : vector<512x64xf32>
    %dot_general3A_29 = tpu.matmul %max3A_24, %get3A_27, %dot_general3A_28 {dimension_numbers = #tpu.dot_dimension_numbers<[1], [0], [0], [1], [0, 0, 1, 1], [], []>, transpose_lhs_hint = false} : vector<512x256xf32>, vector<256x64xf32>, vector<512x64xf32> -> vector<512x64xf32>
    %get3A_30 = arith.constant 0 : index
    %get3A_31 = arith.constant 0 : index
    %get3A_32 = vector.load %arg10[%get3A_30, %get3A_31] : memref<1x64xf32, #tpu.memory_space<vmem>>, vector<1x64xf32>
    %add3A_33 = vector.broadcast %get3A_32 : vector<1x64xf32> to vector<512x64xf32>
    %add3A_34 = arith.addf %dot_general3A_29, %add3A_33 : vector<512x64xf32>
    %get3A_35 = arith.constant 0 : index
    %get3A_36 = arith.constant 0 : index
    %get3A_37 = vector.load %arg2[%get3A_35, %get3A_36] : memref<512x64xf32, #tpu.memory_space<vmem>>, vector<512x64xf32>
    %get3A_38 = arith.constant 0 : index
    %get3A_39 = arith.constant 0 : index
    %get3A_40 = vector.load %arg3[%get3A_38, %get3A_39] : memref<512x64xf32, #tpu.memory_space<vmem>>, vector<512x64xf32>
    %get3A_41 = arith.constant 0 : index
    %get3A_42 = arith.constant 0 : index
    %get3A_43 = vector.load %arg4[%get3A_41, %get3A_42] : memref<512x64xf32, #tpu.memory_space<vmem>>, vector<512x64xf32>
    %mul3A = arith.mulf %add3A_34, %get3A_37 : vector<512x64xf32>
    %reduce_sum3A = arith.constant dense<0.000000e+00> : vector<512xf32>
    %reduce_sum3A_44 = vector.multi_reduction <add>, %mul3A, %reduce_sum3A [1] : vector<512x64xf32> to vector<512xf32>
    %broadcast_in_dim3A = vector.shape_cast %reduce_sum3A_44 : vector<512xf32> to vector<512x1xf32>
    %mul3A_45 = arith.mulf %add3A_34, %get3A_40 : vector<512x64xf32>
    %reduce_sum3A_46 = arith.constant dense<0.000000e+00> : vector<512xf32>
    %reduce_sum3A_47 = vector.multi_reduction <add>, %mul3A_45, %reduce_sum3A_46 [1] : vector<512x64xf32> to vector<512xf32>
    %broadcast_in_dim3A_48 = vector.shape_cast %reduce_sum3A_47 : vector<512xf32> to vector<512x1xf32>
    %mul3A_49 = arith.mulf %add3A_34, %get3A_43 : vector<512x64xf32>
    %reduce_sum3A_50 = arith.constant dense<0.000000e+00> : vector<512xf32>
    %reduce_sum3A_51 = vector.multi_reduction <add>, %mul3A_49, %reduce_sum3A_50 [1] : vector<512x64xf32> to vector<512xf32>
    %broadcast_in_dim3A_52 = vector.shape_cast %reduce_sum3A_51 : vector<512xf32> to vector<512x1xf32>
    %mul3A_53 = arith.mulf %get3A_37, %get3A_40 : vector<512x64xf32>
    %reduce_sum3A_54 = arith.constant dense<0.000000e+00> : vector<512xf32>
    %reduce_sum3A_55 = vector.multi_reduction <add>, %mul3A_53, %reduce_sum3A_54 [1] : vector<512x64xf32> to vector<512xf32>
    %broadcast_in_dim3A_56 = vector.shape_cast %reduce_sum3A_55 : vector<512xf32> to vector<512x1xf32>
    %mul3A_57 = arith.mulf %get3A_37, %get3A_43 : vector<512x64xf32>
    %reduce_sum3A_58 = arith.constant dense<0.000000e+00> : vector<512xf32>
    %reduce_sum3A_59 = vector.multi_reduction <add>, %mul3A_57, %reduce_sum3A_58 [1] : vector<512x64xf32> to vector<512xf32>
    %broadcast_in_dim3A_60 = vector.shape_cast %reduce_sum3A_59 : vector<512xf32> to vector<512x1xf32>
    %mul3A_61 = arith.mulf %get3A_40, %get3A_43 : vector<512x64xf32>
    %reduce_sum3A_62 = arith.constant dense<0.000000e+00> : vector<512xf32>
    %reduce_sum3A_63 = vector.multi_reduction <add>, %mul3A_61, %reduce_sum3A_62 [1] : vector<512x64xf32> to vector<512xf32>
    %broadcast_in_dim3A_64 = vector.shape_cast %reduce_sum3A_63 : vector<512xf32> to vector<512x1xf32>
    %get3A_65 = arith.constant 0 : index
    %get3A_66 = arith.constant 0 : index
    %get3A_67 = vector.load %arg12[%get3A_65, %get3A_66] : memref<6x512xf32, #tpu.memory_space<vmem>>, vector<6x512xf32>
    %get3A_68 = arith.constant 0 : index
    %get3A_69 = arith.constant 0 : index
    %get3A_70 = vector.load %arg11[%get3A_68, %get3A_69] : memref<64x512xf32, #tpu.memory_space<vmem>>, vector<64x512xf32>
    %dot_general3A_71 = arith.constant dense<0.000000e+00> : vector<512x512xf32>
    %dot_general3A_72 = tpu.matmul %add3A_34, %get3A_70, %dot_general3A_71 {dimension_numbers = #tpu.dot_dimension_numbers<[1], [0], [0], [1], [0, 0, 1, 1], [], []>, transpose_lhs_hint = false} : vector<512x64xf32>, vector<64x512xf32>, vector<512x512xf32> -> vector<512x512xf32>
    %get3A_73 = arith.constant 0 : index
    %get3A_74 = arith.constant 0 : index
    %get3A_75 = vector.load %arg13[%get3A_73, %get3A_74] : memref<1x512xf32, #tpu.memory_space<vmem>>, vector<1x512xf32>
    %add3A_76 = vector.broadcast %get3A_75 : vector<1x512xf32> to vector<512x512xf32>
    %add3A_77 = arith.addf %dot_general3A_72, %add3A_76 : vector<512x512xf32>
    %slice3A = vector.extract_strided_slice %get3A_67 {offsets = [0, 0], sizes = [1, 512], strides = [1, 1]} : vector<6x512xf32> to vector<1x512xf32>
    %mul3A_78 = vector.broadcast %broadcast_in_dim3A : vector<512x1xf32> to vector<512x512xf32>
    %mul3A_79 = vector.broadcast %slice3A : vector<1x512xf32> to vector<512x512xf32>
    %mul3A_80 = arith.mulf %mul3A_78, %mul3A_79 : vector<512x512xf32>
    %add3A_81 = arith.addf %add3A_77, %mul3A_80 : vector<512x512xf32>
    %slice3A_82 = vector.extract_strided_slice %get3A_67 {offsets = [1, 0], sizes = [1, 512], strides = [1, 1]} : vector<6x512xf32> to vector<1x512xf32>
    %mul3A_83 = vector.broadcast %broadcast_in_dim3A_48 : vector<512x1xf32> to vector<512x512xf32>
    %mul3A_84 = vector.broadcast %slice3A_82 : vector<1x512xf32> to vector<512x512xf32>
    %mul3A_85 = arith.mulf %mul3A_83, %mul3A_84 : vector<512x512xf32>
    %add3A_86 = arith.addf %add3A_81, %mul3A_85 : vector<512x512xf32>
    %slice3A_87 = vector.extract_strided_slice %get3A_67 {offsets = [2, 0], sizes = [1, 512], strides = [1, 1]} : vector<6x512xf32> to vector<1x512xf32>
    %mul3A_88 = vector.broadcast %broadcast_in_dim3A_52 : vector<512x1xf32> to vector<512x512xf32>
    %mul3A_89 = vector.broadcast %slice3A_87 : vector<1x512xf32> to vector<512x512xf32>
    %mul3A_90 = arith.mulf %mul3A_88, %mul3A_89 : vector<512x512xf32>
    %add3A_91 = arith.addf %add3A_86, %mul3A_90 : vector<512x512xf32>
    %slice3A_92 = vector.extract_strided_slice %get3A_67 {offsets = [3, 0], sizes = [1, 512], strides = [1, 1]} : vector<6x512xf32> to vector<1x512xf32>
    %mul3A_93 = vector.broadcast %broadcast_in_dim3A_56 : vector<512x1xf32> to vector<512x512xf32>
    %mul3A_94 = vector.broadcast %slice3A_92 : vector<1x512xf32> to vector<512x512xf32>
    %mul3A_95 = arith.mulf %mul3A_93, %mul3A_94 : vector<512x512xf32>
    %add3A_96 = arith.addf %add3A_91, %mul3A_95 : vector<512x512xf32>
    %slice3A_97 = vector.extract_strided_slice %get3A_67 {offsets = [4, 0], sizes = [1, 512], strides = [1, 1]} : vector<6x512xf32> to vector<1x512xf32>
    %mul3A_98 = vector.broadcast %broadcast_in_dim3A_60 : vector<512x1xf32> to vector<512x512xf32>
    %mul3A_99 = vector.broadcast %slice3A_97 : vector<1x512xf32> to vector<512x512xf32>
    %mul3A_100 = arith.mulf %mul3A_98, %mul3A_99 : vector<512x512xf32>
    %add3A_101 = arith.addf %add3A_96, %mul3A_100 : vector<512x512xf32>
    %slice3A_102 = vector.extract_strided_slice %get3A_67 {offsets = [5, 0], sizes = [1, 512], strides = [1, 1]} : vector<6x512xf32> to vector<1x512xf32>
    %mul3A_103 = vector.broadcast %broadcast_in_dim3A_64 : vector<512x1xf32> to vector<512x512xf32>
    %mul3A_104 = vector.broadcast %slice3A_102 : vector<1x512xf32> to vector<512x512xf32>
    %mul3A_105 = arith.mulf %mul3A_103, %mul3A_104 : vector<512x512xf32>
    %add3A_106 = arith.addf %add3A_101, %mul3A_105 : vector<512x512xf32>
    %max3A_107 = arith.constant 0.000000e+00 : f32
    %max3A_108 = vector.broadcast %max3A_107 : f32 to vector<512x512xf32>
    %max3A_109 = arith.maximumf %add3A_106, %max3A_108 : vector<512x512xf32>
    %get3A_110 = arith.constant 0 : index
    %get3A_111 = arith.constant 0 : index
    %get3A_112 = vector.load %arg14[%get3A_110, %get3A_111] : memref<512x256xf32, #tpu.memory_space<vmem>>, vector<512x256xf32>
    %dot_general3A_113 = arith.constant dense<0.000000e+00> : vector<512x256xf32>
    %dot_general3A_114 = tpu.matmul %max3A_109, %get3A_112, %dot_general3A_113 {dimension_numbers = #tpu.dot_dimension_numbers<[1], [0], [0], [1], [0, 0, 1, 1], [], []>, transpose_lhs_hint = false} : vector<512x512xf32>, vector<512x256xf32>, vector<512x256xf32> -> vector<512x256xf32>
    %get3A_115 = arith.constant 0 : index
    %get3A_116 = arith.constant 0 : index
    %get3A_117 = vector.load %arg15[%get3A_115, %get3A_116] : memref<1x256xf32, #tpu.memory_space<vmem>>, vector<1x256xf32>
    %add3A_118 = vector.broadcast %get3A_117 : vector<1x256xf32> to vector<512x256xf32>
    %add3A_119 = arith.addf %dot_general3A_114, %add3A_118 : vector<512x256xf32>
    %max3A_120 = arith.constant 0.000000e+00 : f32
    %max3A_121 = vector.broadcast %max3A_120 : f32 to vector<512x256xf32>
    %max3A_122 = arith.maximumf %add3A_119, %max3A_121 : vector<512x256xf32>
    %get3A_123 = arith.constant 0 : index
    %get3A_124 = arith.constant 0 : index
    %get3A_125 = vector.load %arg16[%get3A_123, %get3A_124] : memref<256x1xf32, #tpu.memory_space<vmem>>, vector<256x1xf32>
    %dot_general3A_126 = arith.constant dense<0.000000e+00> : vector<512x1xf32>
    %dot_general3A_127 = tpu.matmul %max3A_122, %get3A_125, %dot_general3A_126 {dimension_numbers = #tpu.dot_dimension_numbers<[1], [0], [0], [1], [0, 0, 1, 1], [], []>, transpose_lhs_hint = false} : vector<512x256xf32>, vector<256x1xf32>, vector<512x1xf32> -> vector<512x1xf32>
    %get3A_128 = arith.constant 0 : index
    %get3A_129 = arith.constant 0 : index
    %get3A_130 = vector.load %arg17[%get3A_128, %get3A_129] : memref<1x1xf32, #tpu.memory_space<vmem>>, vector<1x1xf32>
    %add3A_131 = vector.broadcast %get3A_130 : vector<1x1xf32> to vector<512x1xf32>
    %add3A_132 = arith.addf %dot_general3A_127, %add3A_131 : vector<512x1xf32>
    %logistic3A = arith.negf %add3A_132 : vector<512x1xf32>
    %logistic3A_133 = math.exp %logistic3A : vector<512x1xf32>
    %logistic3A_134 = arith.constant 1.000000e+00 : f32
    %logistic3A_135 = vector.broadcast %logistic3A_134 : f32 to vector<512x1xf32>
    %logistic3A_136 = arith.addf %logistic3A_135, %logistic3A_133 : vector<512x1xf32>
    %logistic3A_137 = arith.divf %logistic3A_135, %logistic3A_136 : vector<512x1xf32>
    %swap3A = arith.constant 0 : index
    %swap3A_138 = arith.constant 0 : index
    %swap3A_139 = vector.load %arg18[%swap3A, %swap3A_138] : memref<512x1xf32, #tpu.memory_space<vmem>>, vector<512x1xf32>
    tpu.vector_store %arg18[%swap3A, %swap3A_138], %logistic3A_137 {strides = array<i32>} : memref<512x1xf32, #tpu.memory_space<vmem>>, vector<512x1xf32>,
    return
  }
  func.func @transform_0(%arg0: i32) -> (i32, i32) {
    %c0_i32 = arith.constant 0 : i32
    %c0_i32_0 = arith.constant 0 : i32
    return %arg0, %c0_i32 : i32, i32
  }
  func.func @transform_1(%arg0: i32) -> (i32, i32) {
    %c0_i32 = arith.constant 0 : i32
    %c0_i32_0 = arith.constant 0 : i32
    return %arg0, %c0_i32 : i32, i32
  }
  func.func @transform_2(%arg0: i32) -> (i32, i32) {
    %c0_i32 = arith.constant 0 : i32
    %c0_i32_0 = arith.constant 0 : i32
    return %arg0, %c0_i32 : i32, i32
  }
  func.func @transform_3(%arg0: i32) -> (i32, i32) {
    %c0_i32 = arith.constant 0 : i32
    %c0_i32_0 = arith.constant 0 : i32
    return %arg0, %c0_i32 : i32, i32
  }
  func.func @transform_4(%arg0: i32) -> (i32, i32) {
    %c0_i32 = arith.constant 0 : i32
    %c0_i32_0 = arith.constant 0 : i32
    %c0_i32_1 = arith.constant 0 : i32
    return %c0_i32, %c0_i32_0 : i32, i32
  }
  func.func @transform_5(%arg0: i32) -> (i32, i32) {
    %c0_i32 = arith.constant 0 : i32
    %c0_i32_0 = arith.constant 0 : i32
    %c0_i32_1 = arith.constant 0 : i32
    return %c0_i32, %c0_i32_0 : i32, i32
  }
  func.func @transform_6(%arg0: i32) -> (i32, i32) {
    %c0_i32 = arith.constant 0 : i32
    %c0_i32_0 = arith.constant 0 : i32
    %c0_i32_1 = arith.constant 0 : i32
    return %c0_i32, %c0_i32_0 : i32, i32
  }
  func.func @transform_7(%arg0: i32) -> (i32, i32) {
    %c0_i32 = arith.constant 0 : i32
    %c0_i32_0 = arith.constant 0 : i32
    %c0_i32_1 = arith.constant 0 : i32
    return %c0_i32, %c0_i32_0 : i32, i32
  }
  func.func @transform_8(%arg0: i32) -> (i32, i32) {
    %c0_i32 = arith.constant 0 : i32
    %c0_i32_0 = arith.constant 0 : i32
    %c0_i32_1 = arith.constant 0 : i32
    return %c0_i32, %c0_i32_0 : i32, i32
  }
  func.func @transform_9(%arg0: i32) -> (i32, i32) {
    %c0_i32 = arith.constant 0 : i32
    %c0_i32_0 = arith.constant 0 : i32
    %c0_i32_1 = arith.constant 0 : i32
    return %c0_i32, %c0_i32_0 : i32, i32
  }
  func.func @transform_10(%arg0: i32) -> (i32, i32) {
    %c0_i32 = arith.constant 0 : i32
    %c0_i32_0 = arith.constant 0 : i32
    %c0_i32_1 = arith.constant 0 : i32
    return %c0_i32, %c0_i32_0 : i32, i32
  }
  func.func @transform_11(%arg0: i32) -> (i32, i32) {
    %c0_i32 = arith.constant 0 : i32
    %c0_i32_0 = arith.constant 0 : i32
    %c0_i32_1 = arith.constant 0 : i32
    return %c0_i32, %c0_i32_0 : i32, i32
  }
  func.func @transform_12(%arg0: i32) -> (i32, i32) {
    %c0_i32 = arith.constant 0 : i32
    %c0_i32_0 = arith.constant 0 : i32
    %c0_i32_1 = arith.constant 0 : i32
    return %c0_i32, %c0_i32_0 : i32, i32
  }
  func.func @transform_13(%arg0: i32) -> (i32, i32) {
    %c0_i32 = arith.constant 0 : i32
    %c0_i32_0 = arith.constant 0 : i32
    %c0_i32_1 = arith.constant 0 : i32
    return %c0_i32, %c0_i32_0 : i32, i32
  }
  func.func @transform_14(%arg0: i32) -> (i32, i32) {
    %c0_i32 = arith.constant 0 : i32
    %c0_i32_0 = arith.constant 0 : i32
    %c0_i32_1 = arith.constant 0 : i32
    return %c0_i32, %c0_i32_0 : i32, i32
  }
  func.func @transform_15(%arg0: i32) -> (i32, i32) {
    %c0_i32 = arith.constant 0 : i32
    %c0_i32_0 = arith.constant 0 : i32
    %c0_i32_1 = arith.constant 0 : i32
    return %c0_i32, %c0_i32_0 : i32, i32
  }
  func.func @transform_16(%arg0: i32) -> (i32, i32) {
    %c0_i32 = arith.constant 0 : i32
    %c0_i32_0 = arith.constant 0 : i32
    %c0_i32_1 = arith.constant 0 : i32
    return %c0_i32, %c0_i32_0 : i32, i32
  }
  func.func @transform_17(%arg0: i32) -> (i32, i32) {
    %c0_i32 = arith.constant 0 : i32
    %c0_i32_0 = arith.constant 0 : i32
    return %arg0, %c0_i32 : i32, i32
  }
}

</mosaic_0001>

<sc_bundles>
// kernel: kernel.12.cloned.1.call-start
scs
__scs_entry_jumppad:
0x0: {  	(pc) =	sbr.rel $0x88, $3  }
0x1: {  	(tag) =	ssettag $0x0;
	lr =	simm.s32 $0x1  }
0x2: {  	[smem:$0x3F8E] =	sst lr;
	_ =	strace $0xD0000000  }
0x3: {  	_ = 	snop  }
0x4: {  	_ = 	snop  }
0x5: {  	_ = 	snop  }
0x6: {  	_ = 	snop  }
0x7: {  	_ = 	snop  }
__scs_overlays_trampoline_lowered:
0x8: {  	[smem:$0x3F9D] =	sst s0  }
0x9: {  	[smem:$0x3F9E] =	sst s1  }
0xa: {  	[smem:$0x3F9F] =	sst s2  }
0xb: {  	[smem:$0x3FA0] =	sst s3  }
0xc: {  	[smem:$0x3FA1] =	sst s4  }
0xd: {  	[smem:$0x3FA2] =	sst s5  }
0xe: {  	[smem:$0x3FA3] =	sst s6  }
0xf: {  	[smem:$0x3FA4] =	sst s7  }
0x10: {  	[smem:$0x3FA5] =	sst s8  }
0x11: {  	[smem:$0x3FA6] =	sst s9;
	s0 =	simm.s32 @!p0 $0x0  }
0x12: {  	s1 =	sld [smem:$0x3F8C];
	s0 =	simm.s32 @p0 $0x1  }
0x13: {  	[smem:$0x3FA7] =	sst s0;
	s0 =	simm.s32 @!p1 $0x0  }
0x14: {  	s2 =	sld [smem:$0x3F8B];
	s0 =	simm.s32 @p1 $0x1  }
0x15: {  	[smem:$0x3FA8] =	sst s0;
	s0 =	simm.s32 @!p2 $0x0  }
0x16: {  	s3 =	sld [smem:$0x3FDB];
	s0 =	simm.s32 @p2 $0x1  }
0x17: {  	s4 =	simm.s32 $0x1BF5;
	[smem:$0x3FAA] =	sst s0  }
0x18: {  	s0 =	sld [smem:$0x3F8D];
	_ =	swait.ge [sflag:s4], $0x0  }
0x19: {  	s7 =	sld [smem:$0x3F8E]  }
0x1a: {  	s8 =	sadd.s32 $0xFFFFE003, lr  }
0x1b: {  	s9 =	sadd.s32 $0xFFFFFEF7, lr;
	s5 =	simm.s32 $0xFFFFFFFF;
	p2 =	slt.u32 s8, $0xFFFFF086  }
0x1c: {  	p1 =	slt.u32 s9, $0xF7A;
	s5 =	simm.s32 @!p2 $0x0  }
0x1d: {  	s5 =	simm.s32 @p1 $0x1;
	p0 =	seq.s32 s7, s2  }
0x1e: {  	s7 =	smul.u32 @!p0 $0xF7A, s2;
	p2 =	seq.s32 @!p0 s5, $0x0  }
0x1f: {  	s9 =	smul.u32 $0xF7A, s1;
	s8 =	simm.s32 @!p0 $0x1BF5;
	p2 =	por !p2, p0  }
0x20: {  	[sflag:s8] =	ssyncset.s32 @!p0 $0xFFFFF086;
	s6 =	sadd.s32 @!p0 s3, s7;
	s7 =	simm.s32 @!p0 $0x108  }
0x21: {  	s3 =	sadd.s32 s3, s9;
	s6 =	sadd.s32 @!p0 $0x88, s6;
	s7 =	simm.s32 @p2 $0x1082  }
0x22: {  	[simem:s7], [sflag:s8] =	dma.local @!p0 [hbm:s6], $0xF7A  }
0x23: {  	s9 =	sor.u32 $0xD0000000, s2;
	s6 =	simm.s32 $0x108;
	_ =	swait.ge @!p0 [sflag:s8], $0x0  }
0x24: {  	s3 =	sadd.s32 $0x88, s3;
	s6 =	simm.s32 @!p1 $0x1082;
	[sflag:s4] =	ssyncset.s32 $0xFFFFF086  }
0x25: {  	[simem:s6], [sflag:s4] =	dma.local [hbm:s3], $0xF7A  }
0x26: {  	[smem:$0x3F8E] =	sst s1;
	(tag) =	ssettag s2;
	_ =	strace s9  }
0x27: {  	s1 =	sld [smem:$0x3F9E]  }
0x28: {  	s2 =	sld [smem:$0x3F9F]  }
0x29: {  	s4 =	sld [smem:$0x3FA1]  }
0x2a: {  	p0 =	seq.s32 s5, $0x0;
	s5 =	sld [smem:$0x3FA2]  }
0x2b: {  	s6 =	sld [smem:$0x3FA3]  }
0x2c: {  	s7 =	sld [smem:$0x3FA4]  }
0x2d: {  	s3 =	simm.s32 $0x108;
	s8 =	sld [smem:$0x3FA5]  }
0x2e: {  	s3 =	simm.s32 @!p0 $0x1082;
	s9 =	sld [smem:$0x3FA6]  }
0x2f: {  	lr =	sadd.s32 s0, s3;
	s0 =	sld [smem:$0x3F9D]  }
0x30: {  	s3 =	sld [smem:$0x3FA0]  }
0x31: {  	[smem:$0x3FA9] =	sst s10  }
0x32: {  	s10 =	sld [smem:$0x3FA7];
	_ =	sdelay $0x3  }
0x33: {  	p0 =	seq.s32 s10, $0x1;
	s10 =	sld [smem:$0x3FA9];
	_ =	sdelay $0x3  }
0x34: {  	[smem:$0x3FA9] =	sst s10  }
0x35: {  	s10 =	sld [smem:$0x3FA8];
	_ =	sdelay $0x3  }
0x36: {  	p1 =	seq.s32 s10, $0x1;
	s10 =	sld [smem:$0x3FA9];
	_ =	sdelay $0x3  }
0x37: {  	[smem:$0x3FA9] =	sst s10  }
0x38: {  	s10 =	sld [smem:$0x3FAA]  }
0x39: {  	_ = 	snop;
	(pc) =	sbr.ind lr, $3  }
0x3a: {  	_ = 	snop  }
0x3b: {  	_ = 	snop  }
0x3c: {  	p2 =	seq.s32 s10, $0x1;
	s10 =	sld [smem:$0x3FA9]  }
0x3d: {  	_ =	shalt  }
0x3e: {  	_ =	shalt  }
0x3f: {  	_ =	shalt  }
0x40: {  	_ =	shalt  }
0x41: {  	_ =	shalt  }
0x42: {  	_ =	shalt  }
0x43: {  	_ =	shalt  }
0x44: {  	_ =	shalt  }
0x45: {  	_ =	shalt  }
0x46: {  	_ =	shalt  }
0x47: {  	_ =	shalt  }
0x48: {  	_ =	shalt  }
0x49: {  	_ =	shalt  }
0x4a: {  	_ =	shalt  }
0x4b: {  	_ =	shalt  }
0x4c: {  	_ =	shalt  }
0x4d: {  	_ =	shalt  }
0x4e: {  	_ =	shalt  }
0x4f: {  	_ =	shalt  }
0x50: {  	_ =	shalt  }
0x51: {  	_ =	shalt  }
0x52: {  	_ =	shalt  }
0x53: {  	_ =	shalt  }
0x54: {  	_ =	shalt  }
0x55: {  	_ =	shalt  }
0x56: {  	_ =	shalt  }
0x57: {  	_ =	shalt  }
0x58: {  	_ =	shalt  }
0x59: {  	_ =	shalt  }
0x5a: {  	_ =	shalt  }
0x5b: {  	_ =	shalt  }
0x5c: {  	_ =	shalt  }
0x5d: {  	_ =	shalt  }
0x5e: {  	_ =	shalt  }
0x5f: {  	_ =	shalt  }
0x60: {  	_ =	shalt  }
0x61: {  	_ =	shalt  }
0x62: {  	_ =	shalt  }
0x63: {  	_ =	shalt  }
0x64: {  	_ =	shalt  }
0x65: {  	_ =	shalt  }
0x66: {  	_ =	shalt  }
0x67: {  	_ =	shalt  }
0x68: {  	_ =	shalt  }
0x69: {  	_ =	shalt  }
0x6a: {  	_ =	shalt  }
0x6b: {  	_ =	shalt  }
0x6c: {  	_ =	shalt  }
0x6d: {  	_ =	shalt  }
0x6e: {  	_ =	shalt  }
0x6f: {  	_ =	shalt  }
0x70: {  	_ =	shalt  }
0x71: {  	_ =	shalt  }
0x72: {  	_ =	shalt  }
0x73: {  	_ =	shalt  }
0x74: {  	_ =	shalt  }
0x75: {  	_ =	shalt  }
0x76: {  	_ =	shalt  }
0x77: {  	_ =	shalt  }
0x78: {  	_ =	shalt  }
0x79: {  	_ =	shalt  }
0x7a: {  	_ =	shalt  }
0x7b: {  	_ =	shalt  }
0x7c: {  	_ =	shalt  }
0x7d: {  	_ =	shalt  }
0x7e: {  	_ =	shalt  }
0x7f: {  	_ =	shalt  }
0x80: {  	_ =	shalt  }
0x81: {  	_ =	shalt  }
0x82: {  	_ =	shalt  }
0x83: {  	_ =	shalt  }
0x84: {  	_ =	shalt  }
0x85: {  	_ =	shalt  }
0x86: {  	_ =	shalt  }
0x87: {  	_ =	shalt  }
.Lfunc_end0:
.L_simem_size_0:
called_computation.2_lowered:
.L_overlay_start_0:
0x88: {  	s2 =	sld [smem:$0x3FD9]  }
0x89: {  	s3 =	sld [smem:$0x3FFE];
	_ =	sdelay $0x1  }
0x8a: {  	s1 =	srdreg.scid  }
0x8b: {  	s0 =	sand.u32 $0x1, s1  }
0x8c: {  	s17 =	sshll.u32 s0, $0xA;
	s2 =	sadd.s32 s3, s2  }
0x8d: {  	s2 =	sadd.s32 s2, s17  }
0x8e: {  	[smem:$0x3FB5] =	sst s2  }
0x8f: {  	_ = 	snop  }
0x90: {  	s2 =	sld [smem:$0x3FC7];
	(tm) =	ssettm $0x1  }
0x91: {  	s18 =	sld [smem:$0x3FFB];
	_ =	sdelay $0x3  }
0x92: {  	_ =	strace s18  }
0x93: {  	s3 =	sld [smem:$0x3FFC];
	_ =	sdelay $0x3  }
0x94: {  	_ =	strace s3  }
0x95: {  	s3 =	sld [smem:$0x3FFD];
	_ =	sdelay $0x3  }
0x96: {  	_ =	strace s3  }
0x97: {  	_ =	strace $0x8FFFFFFF  }
0x98: {  	s19 =	sld [smem:$0x3FDB];
	_ =	sdelay $0x1  }
0x99: {  	s4 =	simm.s32 $_scs_section_size  }
0x9a: {  	s5 =	simm.s32 $_size__tile_overlayer_lowered;
	s6 =	simm.s32 $_tile_overlayer_lowered  }
0x9b: {  	s22 =	simm.s32 $0x1BFF;
	s21 =	sshll.u32 s6, $0x1;
	s3 =	sadd.s32 s4, s19  }
0x9c: {  	s7 =	simm.s32 $0x0;
	s20 =	sshll.u32 s5, $0x1;
	s5 =	sadd.s32 s21, s3  }
0x9d: {  	[timem:s7], [sflag:s22] =	dma.local [hbm:s5], s20  }
0x9e: {  	_ =	swait.ge [sflag:s22], s20  }
0x9f: {  	s4 =	ssub.s32 $0x0, s20;
	[sflag:s22] =	ssyncset.done $0x0  }
0xa0: {  	[sflag:s22] =	ssyncadd.s32 s4;
	_ =	sdelay $0x1  }
0xa1: {  	s23 =	simm.s32 $0x1B8B  }
0xa2: {  	_ =	swait.ge [sflag:s23], $0x1  }
0xa3: {  	[sflag:s23] =	ssyncset.done $0x0  }
0xa4: {  	s25 =	simm.s32 $0x1B8E;
	s24 =	sld [smem:$0x3FFE];
	[sflag:s23] =	ssyncadd.s32 $0xFFFFFFFF  }
0xa5: {  	s26 =	simm.s32 $execute0_lowered;
	[smem:$0x3FD2] =	sst s25  }
0xa6: {  	s5 =	sshll.u32 s26, $0x1;
	_ =	strace $0x80000046;
	[dreg:$0x1] =	wrdreg $0xFFFFFFFF  }
0xa7: {  	s28 =	simm.s32 $_size_execute0_lowered;
	s3 =	sadd.s32 s3, s5;
	[dreg:$0x0] =	wrdreg $0x0  }
0xa8: {  	s5 =	sshll.u32 s28, $0x1;
	[dreg:$0x2] =	wrdreg s3  }
0xa9: {  	[dreg:$0x3] =	wrdreg s5  }
0xaa: {  	[dreg:$0x4] =	wrdreg $0xC0  }
0xab: {  	_ =	task [dreg:s7], $0x5FFFF  }
0xac: {  	[dreg:$0x1] =	wrdreg $0xFFFFFFFF  }
0xad: {  	[dreg:$0x0] =	wrdreg $0x60  }
0xae: {  	[dreg:$0x2] =	wrdreg s24  }
0xaf: {  	[dreg:$0x3] =	wrdreg s2  }
0xb0: {  	[dreg:$0x4] =	wrdreg $0xB  }
0xb1: {  	_ =	task.clear_ibuf [dreg:s7], $0x5FFFF;
	_ =	strace $0x90000046  }
0xb2: {  	s29 =	simm.s32 $0xB;
	_ =	strace $0x80000048  }
0xb3: {  	_ =	swait.ge [sflag:s29], $0x1  }
0xb4: {  	[sflag:s29] =	ssyncadd.s32 $0xFFFFFFFF  }
0xb5: {  	_ =	strace $0x90000048  }
0xb6: {  	_ =	sfence  }
0xb7: {  	s30 =	sld [smem:$0x0];
	_ =	sdelay $0x2  }
0xb8: {  	s31 =	sshll.u32 s1, $0xD;
	s1 =	sshrl.u32 s1, $0x2  }
0xb9: {  	s3 =	sand.u32 $0x4000, s31;
	s1 =	sadd.s32 s1, s30  }
0xba: {  	s0 =	sor.u32 s3, s0;
	s1 =	sshll.u32 s1, $0x11  }
0xbb: {  	s0 =	sor.u32 s1, s0  }
0xbc: {  	s0 =	sadd.s32 $0x8F2B, s0  }
0xbd: {  	[sflag:s0] =	ssyncadd.remote.s32 $0x1  }
0xbe: {  	_ =	sfence.sel $0xFFFF  }
0xbf: {  	[dreg:$0x0] =	wrdreg $0xFFFFFFFF;
	(pc) =	sbr.abs _section_cstart, $3  }
0xc0: {  	[dreg:$0x1] =	wrdreg $0xFFFFFFFF  }
0xc1: {  	_ =	task.clear_ibuf [dreg:s7], $0x2FFFF;
	_ =	strace $0x9FFFFFFF  }
0xc2: {  	(tm) =	ssettm $0x7FFFFFFF  }
0xc3: {  	_ =	shalt  }
tec
execute0_lowered:
.L_overlay_start_1:
0x0: {  	(tag) =	ssettag $0x1  }
0x1: {  	s4 =	rddreg [dreg:$0x0]  }
0x2: {  	s5 =	rddreg [dreg:$0x1]  }
0x3: {  	s0 =	rddreg [dreg:$0x2]  }
0x4: {  	s3 =	srdreg.scid;
	s2 =	simm.s32 $0x0;
	s1 =	stileid.u32  }
0x5: {  	s9 =	simm.s32 $0x2;
	s10 =	simm.s32 $0x8200;
	s11 =	simm.s32 $0x0  }
0x6: {  	s6 =	sand.u32 $0x1, s3;
	[smem:$0x7FF] =	sst s2;
	s30 =	sshll.u32 s1, $0xA  }
0x7: {  	s3 =	sadd.s32 $0x2600, s4;
	s7 =	sshll.u32 s6, $0x9;
	s6 =	ssub.s32 $0x2, s6  }
0x8: {  	_ =	strace $0x80000047;
	s7 =	sor.u32 s7, s30;
	s31 =	sshrl.u32 s6, $0x1  }
0x9: {  	s8 =	sshll.u32 s7, $0x4;
	s7 =	sshrl.u32 s7, $0x3;
	s6 =	ssub.s32 s6, s31  }
0xa: {  	s8 =	sadd.s32 s8, s4;
	s4 =	sadd.s32 s5, s7;
	s6 =	smax.u32 s6, $0x1  }
0xb: {  	v0 =	vlaneseq.u32;
	s7 =	simm.s32 $0x3;
	s5 =	sadd.s32 $0xF44A00, s8;
	s8 =	simm.s32 $0x1  }
.LBB2_1:
0xc: {  	[tilespmem:s2], [sflag:$0x3] =	stream.linear.gather [hbm4b:s4+s2], $0x200, $0x38;
	[tilespmem:$0x18200] =	vst v63  }
0xd: {  	_ =	swait.ge [sflag:s7], $0x200  }
0xe: {  	s12 =	simm.s32 $0x7A00;
	[sflag:s7] =	ssyncset.done $0x0  }
0xf: {  	s13 =	simm.s32 $0x8280;
	s14 =	simm.s32 $0x0;
	[sflag:s7] =	ssyncadd.s32 $0xFFFFFE00  }
.LBB2_2:
0x10: {  	s15 =	sshll.u32 s14, $0x5  }
0x11: {  	v1 =	vld [tilespmem:s15+$0x0];
	_ =	sdelay $0x3  }
0x12: {  	s16 =	simm.s32 $0x0  }
0x13: {  	v2 =	vmov s16;
	v1 =	vshrl.u32 v1, $0x3  }
0x14: {  	vm0 =	veq.s32 v2, v0;
	v1 =	vor.u32 $0x80000000, v1  }
0x15: {  	s23 =	simm.s32 $0x1;
	v2 =	vnsel vm0, $0x80000000, v1  }
0x16: {  	(xrf0) =	vmax.scan.msk.u32 $0xffff, v2;
	v2 =	vmov s23  }
0x17: {  	vm8 =	veq.s32 v2, v0  }
0x18: {  	v2 =	vnsel vm8, $0x80000000, v1  }
0x19: {  	(xrf0) =	vmax.scan.msk.u32 $0xffff, v2;
	_ =	sdelay $0x4  }
0x1a: {  	v2, _, _ =	vpop (xrf0)  }
0x1b: {  	s24 =	simm.s32 $0x2;
	(v2sf) =	vpush v2, $0xF;
	v2, _, _ =	vpop (xrf0)  }
0x1c: {  	s25 =	simm.s32 $0x3;
	(v2sf) =	vpush v2, $0xF;
	v2 =	vmov s24  }
0x1d: {  	s17 =	simm.s32 $0x4;
	vm9 =	veq.s32 v2, v0;
	v2 =	vmov s25  }
0x1e: {  	s26 =	simm.s32 $0x5;
	v3 =	vnsel vm9, $0x80000000, v1;
	vm10 =	veq.s32 v2, v0;
	v2 =	vmov s17  }
0x1f: {  	s28 =	simm.s32 $0x6;
	(xrf0) =	vmax.scan.msk.u32 $0xffff, v3;
	vm11 =	veq.s32 v2, v0;
	v2 =	vmov s26  }
0x20: {  	vm12 =	veq.s32 v2, v0;
	v2 =	vmov s28  }
0x21: {  	v3 =	vnsel vm10, $0x80000000, v1;
	vm13 =	veq.s32 v2, v0  }
0x22: {  	(xrf0) =	vmax.scan.msk.u32 $0xffff, v3;
	v3 =	vnsel vm11, $0x80000000, v1;
	v2 =	vnsel vm13, $0x80000000, v1  }
0x23: {  	(xrf0) =	vmax.scan.msk.u32 $0xffff, v3;
	v3 =	vnsel vm12, $0x80000000, v1  }
0x24: {  	(xrf0) =	vmax.scan.msk.u32 $0xffff, v3  }
0x25: {  	(xrf0) =	vmax.scan.msk.u32 $0xffff, v2;
	v2, _, _ =	vpop (xrf0)  }
0x26: {  	s30 =	simm.s32 $0x7;
	(v2sf) =	vpush v2, $0xF  }
0x27: {  	v2 =	vmov s30  }
0x28: {  	v3, _, _ =	vpop (xrf0);
	vm14 =	veq.s32 v2, v0  }
0x29: {  	(v2sf) =	vpush v3, $0xF;
	v3 =	vnsel vm14, $0x80000000, v1  }
0x2a: {  	v4, _, _ =	vpop (xrf0)  }
0x2b: {  	s29 =	spop (v2sf);
	(v2sf) =	vpush v4, $0xF;
	v63, _, _ =	vpop (xrf0)  }
0x2c: {  	(xrf0) =	vmax.scan.msk.u32 $0xffff, v3;
	(v2sf) =	vpush v63, $0xF;
	v3, _, _ =	vpop (xrf0)  }
0x2d: {  	s19 =	spop (v2sf);
	(v2sf) =	vpush v3, $0xF;
	_ =	sdelay $0x2  }
0x2e: {  	s18 =	simm.s32 $0x8;
	s16 =	sshll.u32 s29, $0x7  }
0x2f: {  	v2 =	vmov s18;
	s16 =	sand.u32 $0x1FFFFF80, s16  }
0x30: {  	s31 =	simm.s32 $0x200;
	s17 =	simm.s32 $0xA;
	vm15 =	veq.s32 v2, v0;
	s16 =	sadd.s32 s3, s16  }
0x31: {  	v2 =	vnsel vm15, $0x80000000, v1;
	[tilespmem:s31], [sflag:$0x1] =	stream.linear.gather [hbm4b:s16+s2], $0x400, $0x38;
	[tilespmem:$0x18200] =	vst v63  }
0x32: {  	s18 =	simm.s32 $0x9;
	(xrf0) =	vmax.scan.msk.u32 $0xffff, v2;
	s16 =	simm.s32 $0x600;
	s19 =	sshll.u32 s19, $0x7  }
.LBB2_3:
0x33: {  	p0 =	slt.u32 s17, $0xE;
	v2 =	vmov s18;
	s18 =	spop (v2sf);
	s19 =	sand.u32 $0x1FFFFF80, s19  }
0x34: {  	vm0 =	veq.s32 v2, v0;
	s18 =	sshll.u32 s18, $0x7;
	s19 =	sadd.s32 s3, s19  }
0x35: {  	[tilespmem:s16], [sflag:$0x1] =	stream.linear.gather [hbm4b:s19+s2], $0x400, $0x38;
	[tilespmem:$0x18200] =	vst v63  }
.Ltmp0:
0x36: {  	v2 =	vnsel vm0, $0x80000000, v1;
	v3, _, _ =	vpop (xrf0);
	(pc) =	sbr.rel @p0 .LBB2_3-.Ltmp0, $4  }
0x37: {  	v4 =	vmov s17;
	s18 =	sand.u32 $0x1FFFFF80, s18;
	s16 =	sadd.s32 $0x800, s16;
	(xrf0) =	vmax.scan.msk.u32 $0xffff, v2;
	(v2sf) =	vpush v3, $0xF  }
0x38: {  	vm0 =	veq.s32 v4, v0;
	s19 =	sadd.s32 $0xFFFFFC00, s16;
	s18 =	sadd.s32 s3, s18;
	s20 =	spop (v2sf)  }
0x39: {  	v2 =	vnsel vm0, $0x80000000, v1;
	v3, _, _ =	vpop (xrf0);
	[tilespmem:s19], [sflag:$0x1] =	stream.linear.gather [hbm4b:s18+s2], $0x400, $0x38;
	[tilespmem:$0x18200] =	vst v63  }
0x3a: {  	s18 =	sadd.s32 $0x1, s17;
	s17 =	sadd.s32 $0x2, s17;
	s19 =	sshll.u32 s20, $0x7;
	(xrf0) =	vmax.scan.msk.u32 $0xffff, v2;
	(v2sf) =	vpush v3, $0xF  }
0x3b: {  	_ = 	snop  }
0x3c: {  	v2 =	vmov s18;
	s17 =	spop (v2sf);
	s22 =	sand.u32 $0x1FFFFF80, s19  }
0x3d: {  	s23 =	sadd.s32 $0x800, s16;
	vm0 =	veq.s32 v2, v0;
	s17 =	sshll.u32 s17, $0x7;
	s18 =	sadd.s32 s3, s22  }
0x3e: {  	v1 =	vnsel vm0, $0x80000000, v1;
	[tilespmem:s16], [sflag:$0x1] =	stream.linear.gather [hbm4b:s18+s2], $0x400, $0x38;
	[tilespmem:$0x18200] =	vst v63  }
0x3f: {  	s24 =	sadd.s32 $0xFFFFFC00, s23;
	s25 =	spop (v2sf);
	s17 =	sand.u32 $0x1FFFFF80, s17;
	v2, _, _ =	vpop (xrf0)  }
0x40: {  	s26 =	sshll.u32 s25, $0x7;
	s28 =	spop (v2sf);
	(xrf0) =	vmax.scan.msk.u32 $0xffff, v1;
	s17 =	sadd.s32 s3, s17;
	(v2sf) =	vpush v2, $0xF  }
0x41: {  	[tilespmem:s24], [sflag:$0x1] =	stream.linear.gather [hbm4b:s17+s2], $0x400, $0x38;
	v1, _, _ =	vpop (xrf0);
	[tilespmem:$0x18200] =	vst v63  }
0x42: {  	s18 =	sshll.u32 s28, $0x7;
	s17 =	sand.u32 $0x1FFFFF80, s26;
	(v2sf) =	vpush v1, $0xF  }
0x43: {  	s16 =	sadd.s32 $0x800, s23;
	s29 =	sand.u32 $0x1FFFFF80, s18;
	s17 =	sadd.s32 s3, s17  }
0x44: {  	[tilespmem:s23], [sflag:$0x1] =	stream.linear.gather [hbm4b:s17+s2], $0x400, $0x38;
	[tilespmem:$0x18200] =	vst v63  }
0x45: {  	s30 =	sadd.s32 $0xFFFFFC00, s16;
	s17 =	sadd.s32 s3, s29  }
0x46: {  	[tilespmem:s30], [sflag:$0x1] =	stream.linear.gather [hbm4b:s17+s2], $0x400, $0x38;
	[tilespmem:$0x18200] =	vst v63  }
0x47: {  	v1, _, _ =	vpop (xrf0);
	s31 =	spop (v2sf)  }
0x48: {  	(v2sf) =	vpush v1, $0xF;
	s20 =	sshll.u32 s31, $0x7  }
0x49: {  	s17 =	sand.u32 $0x1FFFFF80, s20;
	s21 =	spop (v2sf)  }
0x4a: {  	s17 =	sadd.s32 s3, s17;
	s18 =	sshll.u32 s21, $0x7  }
0x4b: {  	[tilespmem:s16], [sflag:$0x1] =	stream.linear.gather [hbm4b:s17+s2], $0x400, $0x38;
	[tilespmem:$0x18200] =	vst v63  }
0x4c: {  	s16 =	sadd.s32 $0x800, s16;
	s22 =	sand.u32 $0x1FFFFF80, s18  }
0x4d: {  	s23 =	sadd.s32 $0xFFFFFC00, s16;
	s17 =	sadd.s32 s3, s22  }
0x4e: {  	[tilespmem:s23], [sflag:$0x1] =	stream.linear.gather [hbm4b:s17+s2], $0x400, $0x38;
	[tilespmem:$0x18200] =	vst v63  }
0x4f: {  	s24 =	spop (v2sf)  }
0x50: {  	s25 =	sshll.u32 s24, $0x7  }
0x51: {  	s26 =	spop (v2sf);
	s17 =	sand.u32 $0x1FFFFF80, s25  }
0x52: {  	s18 =	sshll.u32 s26, $0x7;
	s17 =	sadd.s32 s3, s17  }
0x53: {  	[tilespmem:s16], [sflag:$0x1] =	stream.linear.gather [hbm4b:s17+s2], $0x400, $0x38;
	[tilespmem:$0x18200] =	vst v63  }
0x54: {  	s28 =	sand.u32 $0x1FFFFF80, s18;
	s16 =	sadd.s32 $0x800, s16  }
0x55: {  	p0 =	seq.s32 s14, $0x0;
	s29 =	sadd.s32 $0xFFFFFC00, s16;
	s17 =	sadd.s32 s3, s28  }
0x56: {  	[tilespmem:s29], [sflag:$0x1] =	stream.linear.gather [hbm4b:s17+s2], $0x400, $0x38;
	[tilespmem:$0x18200] =	vst v63  }
.Ltmp1:
0x57: {  	s30 =	spop (v2sf);
	(pc) =	sbr.rel @p0 .LBB2_8-.Ltmp1, $4  }
0x58: {  	s31 =	sshll.u32 s30, $0x7  }
0x59: {  	s17 =	sand.u32 $0x1FFFFF80, s31  }
0x5a: {  	s17 =	sadd.s32 s3, s17  }
0x5b: {  	[tilespmem:s16], [sflag:$0x1] =	stream.linear.gather [hbm4b:s17+s2], $0x400, $0x38;
	[tilespmem:$0x18200] =	vst v63  }
0x5c: {  	_ =	swait.ge [sflag:s9], $0x4000  }
0x5d: {  	[sflag:s9] =	ssyncset.done $0x0  }
0x5e: {  	[sflag:s9] =	ssyncadd.s32 $0xFFFFC000  }
0x5f: {  	v1 =	vld [tilespmem:s15+$0xFFFFFFF0];
	_ =	sdelay $0x3  }
0x60: {  	s16 =	simm.s32 $0x0  }
0x61: {  	v2 =	vmov s16;
	v1 =	vand.u32 $0x7, v1  }
0x62: {  	vm0 =	veq.s32 v2, v0;
	v1 =	vor.u32 $0x80000000, v1  }
0x63: {  	v2 =	vnsel vm0, $0x80000000, v1  }
0x64: {  	(xrf0) =	vmax.scan.msk.u32 $0xffff, v2;
	_ =	sdelay $0x5  }
0x65: {  	v2, _, _ =	vpop (xrf0)  }
0x66: {  	(v2sf) =	vpush v2, $0xF;
	_ =	sdelay $0xc  }
0x67: {  	s17 =	simm.s32 $0x1  }
0x68: {  	v3 =	vmov s17  }
0x69: {  	vm15 =	veq.s32 v3, v0;
	s31 =	spop (v2sf)  }
0x6a: {  	v3 =	vnsel vm15, $0x80000000, v1;
	s16 =	sshll.u32 s31, $0x9  }
0x6b: {  	(xrf0) =	vmax.scan.msk.u32 $0xffff, v3;
	s16 =	sshra.s32 s16, $0x2  }
0x6c: {  	s16 =	sadd.s32 $0x4630, s16  }
0x6d: {  	v2 =	vld [tilespmem:s16+$0xFFFFFBD0];
	_ =	sdelay $0x3  }
0x6e: {  	v3, _, _ =	vpop (xrf0)  }
0x6f: {  	(v2sf) =	vpush v3, $0xF;
	[tilespmem:s12+$0x0] =	vst v2  }
0x70: {  	v2 =	vld [tilespmem:s16+$0xFFFFFBE0];
	_ =	sdelay $0x4  }
0x71: {  	[tilespmem:s12+$0x10] =	vst v2  }
0x72: {  	v2 =	vld [tilespmem:s16+$0xFFFFFBF0];
	_ =	sdelay $0x4  }
0x73: {  	[tilespmem:s12+$0x20] =	vst v2  }
0x74: {  	s18 =	simm.s32 $0x2;
	v2 =	vld [tilespmem:s16+$0xFFFFFC00]  }
0x75: {  	s19 =	simm.s32 $0x4;
	s17 =	simm.s32 $0x4630;
	v3 =	vmov s18;
	s16 =	smov.u32 s12  }
.LBB2_6:
0x76: {  	p0 =	slt.u32 s19, $0xE;
	vm0 =	veq.s32 v3, v0;
	s20 =	spop (v2sf)  }
0x77: {  	v3 =	vnsel vm0, $0x80000000, v1;
	s20 =	sshll.u32 s20, $0x9  }
0x78: {  	(xrf0) =	vmax.scan.msk.u32 $0xffff, v3;
	s20 =	sshra.s32 s20, $0x2  }
0x79: {  	[tilespmem:s16+$0x30] =	vst v2;
	s20 =	sadd.s32 s20, s17  }
0x7a: {  	v2 =	vld [tilespmem:s20+$0xFFFFFFD0];
	_ =	sdelay $0x3  }
0x7b: {  	v3, _, _ =	vpop (xrf0)  }
0x7c: {  	(v2sf) =	vpush v3, $0xF;
	[tilespmem:s16+$0x80] =	vst v2  }
0x7d: {  	v2 =	vld [tilespmem:s20+$0xFFFFFFE0];
	_ =	sdelay $0x4  }
0x7e: {  	[tilespmem:s16+$0x90] =	vst v2  }
0x7f: {  	v2 =	vld [tilespmem:s20+$0xFFFFFFF0];
	_ =	sdelay $0x4  }
0x80: {  	[tilespmem:s16+$0xA0] =	vst v2  }
0x81: {  	s21 =	sadd.s32 $0x1, s18;
	s18 =	smov.u32 s19;
	v2 =	vld [tilespmem:s20+$0x0]  }
0x82: {  	v3 =	vmov s21  }
0x83: {  	vm0 =	veq.s32 v3, v0;
	s20 =	spop (v2sf)  }
0x84: {  	v3 =	vnsel vm0, $0x80000000, v1;
	s20 =	sshll.u32 s20, $0x9  }
0x85: {  	s17 =	sadd.s32 $0x800, s17;
	s20 =	sshra.s32 s20, $0x2;
	(xrf0) =	vmax.scan.msk.u32 $0xffff, v3  }
0x86: {  	s20 =	sadd.s32 s20, s17;
	[tilespmem:s16+$0xB0] =	vst v2  }
0x87: {  	v2 =	vld [tilespmem:s20+$0xFFFFFBD0];
	_ =	sdelay $0x3  }
0x88: {  	s16 =	sadd.s32 $0x100, s16;
	v3, _, _ =	vpop (xrf0)  }
0x89: {  	[tilespmem:s16+$0x0] =	vst v2;
	(v2sf) =	vpush v3, $0xF  }
0x8a: {  	v2 =	vld [tilespmem:s20+$0xFFFFFBE0];
	_ =	sdelay $0x4  }
0x8b: {  	[tilespmem:s16+$0x10] =	vst v2  }
0x8c: {  	v2 =	vld [tilespmem:s20+$0xFFFFFBF0];
	_ =	sdelay $0x2  }
.Ltmp2:
0x8d: {  	(pc) =	sbr.rel @p0 .LBB2_6-.Ltmp2, $4  }
0x8e: {  	_ = 	snop  }
0x8f: {  	[tilespmem:s16+$0x20] =	vst v2  }
0x90: {  	v2 =	vld [tilespmem:s20+$0xFFFFFC00]  }
0x91: {  	s19 =	sadd.s32 $0x2, s19;
	v3 =	vmov s18  }
0x92: {  	vm0 =	veq.s32 v3, v0;
	s19 =	spop (v2sf)  }
0x93: {  	v3 =	vnsel vm0, $0x80000000, v1;
	s19 =	sshll.u32 s19, $0x9  }
0x94: {  	(xrf0) =	vmax.scan.msk.u32 $0xffff, v3;
	s19 =	sshra.s32 s19, $0x2  }
0x95: {  	[tilespmem:s16+$0x30] =	vst v2;
	s19 =	sadd.s32 s19, s17  }
0x96: {  	v2 =	vld [tilespmem:s19+$0xFFFFFFD0];
	_ =	sdelay $0x3  }
0x97: {  	v3, _, _ =	vpop (xrf0)  }
0x98: {  	(v2sf) =	vpush v3, $0xF;
	[tilespmem:s16+$0x80] =	vst v2  }
0x99: {  	v2 =	vld [tilespmem:s19+$0xFFFFFFE0];
	_ =	sdelay $0x4  }
0x9a: {  	[tilespmem:s16+$0x90] =	vst v2  }
0x9b: {  	v2 =	vld [tilespmem:s19+$0xFFFFFFF0];
	_ =	sdelay $0x4  }
0x9c: {  	[tilespmem:s16+$0xA0] =	vst v2  }
0x9d: {  	s18 =	sadd.s32 $0x1, s18;
	v2 =	vld [tilespmem:s19+$0x0]  }
0x9e: {  	v3 =	vmov s18  }
0x9f: {  	vm15 =	veq.s32 v3, v0;
	s28 =	spop (v2sf)  }
0xa0: {  	v1 =	vnsel vm15, $0x80000000, v1;
	s18 =	sshll.u32 s28, $0x9  }
0xa1: {  	s29 =	sadd.s32 $0x800, s17;
	(xrf0) =	vmax.scan.msk.u32 $0xffff, v1;
	s18 =	sshra.s32 s18, $0x2  }
0xa2: {  	s18 =	sadd.s32 s18, s29;
	[tilespmem:s16+$0xB0] =	vst v2  }
0xa3: {  	v1 =	vld [tilespmem:s18+$0xFFFFFBD0];
	_ =	sdelay $0x3  }
0xa4: {  	s30 =	sadd.s32 $0x100, s16;
	v2, _, _ =	vpop (xrf0)  }
0xa5: {  	(v2sf) =	vpush v2, $0xF;
	[tilespmem:s30+$0x0] =	vst v1  }
0xa6: {  	v1 =	vld [tilespmem:s18+$0xFFFFFBE0];
	_ =	sdelay $0x4  }
0xa7: {  	[tilespmem:s30+$0x10] =	vst v1  }
0xa8: {  	v1 =	vld [tilespmem:s18+$0xFFFFFBF0];
	_ =	sdelay $0x4  }
0xa9: {  	[tilespmem:s30+$0x20] =	vst v1  }
0xaa: {  	v1 =	vld [tilespmem:s18+$0xFFFFFC00];
	_ =	sdelay $0x1  }
0xab: {  	s31 =	spop (v2sf)  }
0xac: {  	s18 =	sshll.u32 s31, $0x9  }
0xad: {  	s18 =	sshra.s32 s18, $0x2  }
0xae: {  	s17 =	sadd.s32 s18, s29;
	[tilespmem:s30+$0x30] =	vst v1  }
0xaf: {  	v1 =	vld [tilespmem:s17+$0xFFFFFFD0];
	_ =	sdelay $0x4  }
0xb0: {  	[tilespmem:s30+$0x80] =	vst v1  }
0xb1: {  	v1 =	vld [tilespmem:s17+$0xFFFFFFE0];
	_ =	sdelay $0x4  }
0xb2: {  	[tilespmem:s30+$0x90] =	vst v1  }
0xb3: {  	v1 =	vld [tilespmem:s17+$0xFFFFFFF0];
	_ =	sdelay $0x4  }
0xb4: {  	[tilespmem:s30+$0xA0] =	vst v1  }
0xb5: {  	v1 =	vld [tilespmem:s17+$0x0];
	_ =	sdelay $0x4  }
0xb6: {  	[tilespmem:s30+$0xB0] =	vst v1  }
.LBB2_8:
0xb7: {  	s16 =	sand.u32 $0x3FFFFFE0, s15  }
0xb8: {  	v1 =	vld [tilespmem:s16+$0x10];
	_ =	sdelay $0x3  }
0xb9: {  	s22 =	simm.s32 $0x0  }
0xba: {  	v2 =	vmov s22;
	v1 =	vshrl.u32 v1, $0x3  }
0xbb: {  	vm0 =	veq.s32 v2, v0;
	v1 =	vor.u32 $0x80000000, v1  }
0xbc: {  	s23 =	simm.s32 $0x1;
	v2 =	vnsel vm0, $0x80000000, v1  }
0xbd: {  	(xrf0) =	vmax.scan.msk.u32 $0xffff, v2;
	v2 =	vmov s23  }
0xbe: {  	vm8 =	veq.s32 v2, v0  }
0xbf: {  	v2 =	vnsel vm8, $0x80000000, v1  }
0xc0: {  	(xrf0) =	vmax.scan.msk.u32 $0xffff, v2;
	_ =	sdelay $0x4  }
0xc1: {  	v2, _, _ =	vpop (xrf0)  }
0xc2: {  	s24 =	simm.s32 $0x2;
	(v2sf) =	vpush v2, $0xF;
	v2, _, _ =	vpop (xrf0)  }
0xc3: {  	s25 =	simm.s32 $0x3;
	(v2sf) =	vpush v2, $0xF;
	v2 =	vmov s24  }
0xc4: {  	s17 =	simm.s32 $0x4;
	vm9 =	veq.s32 v2, v0;
	v2 =	vmov s25  }
0xc5: {  	s26 =	simm.s32 $0x5;
	v3 =	vnsel vm9, $0x80000000, v1;
	vm10 =	veq.s32 v2, v0;
	v2 =	vmov s17  }
0xc6: {  	s28 =	simm.s32 $0x6;
	(xrf0) =	vmax.scan.msk.u32 $0xffff, v3;
	vm11 =	veq.s32 v2, v0;
	v2 =	vmov s26  }
0xc7: {  	vm12 =	veq.s32 v2, v0;
	v2 =	vmov s28  }
0xc8: {  	v3 =	vnsel vm10, $0x80000000, v1;
	vm13 =	veq.s32 v2, v0  }
0xc9: {  	(xrf0) =	vmax.scan.msk.u32 $0xffff, v3;
	v3 =	vnsel vm11, $0x80000000, v1;
	v2 =	vnsel vm13, $0x80000000, v1  }
0xca: {  	(xrf0) =	vmax.scan.msk.u32 $0xffff, v3;
	v3 =	vnsel vm12, $0x80000000, v1  }
0xcb: {  	(xrf0) =	vmax.scan.msk.u32 $0xffff, v3  }
0xcc: {  	(xrf0) =	vmax.scan.msk.u32 $0xffff, v2;
	v2, _, _ =	vpop (xrf0)  }
0xcd: {  	s30 =	simm.s32 $0x7;
	(v2sf) =	vpush v2, $0xF  }
0xce: {  	v2 =	vmov s30  }
0xcf: {  	v3, _, _ =	vpop (xrf0);
	vm14 =	veq.s32 v2, v0  }
0xd0: {  	(v2sf) =	vpush v3, $0xF;
	v3 =	vnsel vm14, $0x80000000, v1  }
0xd1: {  	v4, _, _ =	vpop (xrf0)  }
0xd2: {  	s29 =	spop (v2sf);
	(v2sf) =	vpush v4, $0xF;
	v63, _, _ =	vpop (xrf0)  }
0xd3: {  	(xrf0) =	vmax.scan.msk.u32 $0xffff, v3;
	(v2sf) =	vpush v63, $0xF;
	v3, _, _ =	vpop (xrf0)  }
0xd4: {  	s19 =	spop (v2sf);
	(v2sf) =	vpush v3, $0xF;
	_ =	sdelay $0x2  }
0xd5: {  	s18 =	simm.s32 $0x8;
	s16 =	sshll.u32 s29, $0x7  }
0xd6: {  	v2 =	vmov s18;
	s16 =	sand.u32 $0x1FFFFF80, s16  }
0xd7: {  	s31 =	simm.s32 $0x4200;
	s17 =	simm.s32 $0xA;
	vm15 =	veq.s32 v2, v0;
	s16 =	sadd.s32 s3, s16  }
0xd8: {  	v2 =	vnsel vm15, $0x80000000, v1;
	[tilespmem:s31], [sflag:$0x2] =	stream.linear.gather [hbm4b:s16+s2], $0x400, $0x38;
	[tilespmem:$0x18200] =	vst v63  }
0xd9: {  	s18 =	simm.s32 $0x9;
	(xrf0) =	vmax.scan.msk.u32 $0xffff, v2;
	s16 =	simm.s32 $0x4600;
	s19 =	sshll.u32 s19, $0x7  }
.LBB2_9:
0xda: {  	p0 =	slt.u32 s17, $0xE;
	v2 =	vmov s18;
	s18 =	spop (v2sf);
	s19 =	sand.u32 $0x1FFFFF80, s19  }
0xdb: {  	vm0 =	veq.s32 v2, v0;
	s18 =	sshll.u32 s18, $0x7;
	s19 =	sadd.s32 s3, s19  }
0xdc: {  	[tilespmem:s16], [sflag:$0x2] =	stream.linear.gather [hbm4b:s19+s2], $0x400, $0x38;
	[tilespmem:$0x18200] =	vst v63  }
.Ltmp3:
0xdd: {  	v2 =	vnsel vm0, $0x80000000, v1;
	v3, _, _ =	vpop (xrf0);
	(pc) =	sbr.rel @p0 .LBB2_9-.Ltmp3, $4  }
0xde: {  	v4 =	vmov s17;
	s18 =	sand.u32 $0x1FFFFF80, s18;
	s16 =	sadd.s32 $0x800, s16;
	(xrf0) =	vmax.scan.msk.u32 $0xffff, v2;
	(v2sf) =	vpush v3, $0xF  }
0xdf: {  	vm0 =	veq.s32 v4, v0;
	s19 =	sadd.s32 $0xFFFFFC00, s16;
	s18 =	sadd.s32 s3, s18;
	s20 =	spop (v2sf)  }
0xe0: {  	v2 =	vnsel vm0, $0x80000000, v1;
	v3, _, _ =	vpop (xrf0);
	[tilespmem:s19], [sflag:$0x2] =	stream.linear.gather [hbm4b:s18+s2], $0x400, $0x38;
	[tilespmem:$0x18200] =	vst v63  }
0xe1: {  	s18 =	sadd.s32 $0x1, s17;
	s17 =	sadd.s32 $0x2, s17;
	s19 =	sshll.u32 s20, $0x7;
	(xrf0) =	vmax.scan.msk.u32 $0xffff, v2;
	(v2sf) =	vpush v3, $0xF  }
0xe2: {  	_ = 	snop  }
0xe3: {  	v2 =	vmov s18;
	s17 =	spop (v2sf);
	s20 =	sand.u32 $0x1FFFFF80, s19  }
0xe4: {  	s21 =	sadd.s32 $0x800, s16;
	vm0 =	veq.s32 v2, v0;
	s17 =	sshll.u32 s17, $0x7;
	s18 =	sadd.s32 s3, s20  }
0xe5: {  	v1 =	vnsel vm0, $0x80000000, v1;
	[tilespmem:s16], [sflag:$0x2] =	stream.linear.gather [hbm4b:s18+s2], $0x400, $0x38;
	[tilespmem:$0x18200] =	vst v63  }
0xe6: {  	s22 =	sadd.s32 $0xFFFFFC00, s21;
	s23 =	spop (v2sf);
	s17 =	sand.u32 $0x1FFFFF80, s17;
	v2, _, _ =	vpop (xrf0);
	(xrf0) =	vmax.scan.msk.u32 $0xffff, v1  }
0xe7: {  	s24 =	sshll.u32 s23, $0x7;
	s25 =	spop (v2sf);
	s17 =	sadd.s32 s3, s17;
	(v2sf) =	vpush v2, $0xF  }
0xe8: {  	[tilespmem:s22], [sflag:$0x2] =	stream.linear.gather [hbm4b:s17+s2], $0x400, $0x38;
	v1, _, _ =	vpop (xrf0);
	[tilespmem:$0x18200] =	vst v63  }
0xe9: {  	s18 =	sshll.u32 s25, $0x7;
	s17 =	sand.u32 $0x1FFFFF80, s24;
	(v2sf) =	vpush v1, $0xF  }
0xea: {  	s16 =	sadd.s32 $0x800, s21;
	s26 =	sand.u32 $0x1FFFFF80, s18;
	s17 =	sadd.s32 s3, s17  }
0xeb: {  	[tilespmem:s21], [sflag:$0x2] =	stream.linear.gather [hbm4b:s17+s2], $0x400, $0x38;
	[tilespmem:$0x18200] =	vst v63  }
0xec: {  	s28 =	sadd.s32 $0xFFFFFC00, s16;
	s17 =	sadd.s32 s3, s26;
	v1, _, _ =	vpop (xrf0)  }
0xed: {  	[tilespmem:s28], [sflag:$0x2] =	stream.linear.gather [hbm4b:s17+s2], $0x400, $0x38;
	(v2sf) =	vpush v1, $0xF;
	[tilespmem:$0x18200] =	vst v63  }
0xee: {  	s29 =	spop (v2sf)  }
0xef: {  	s30 =	sshll.u32 s29, $0x7  }
0xf0: {  	s17 =	sand.u32 $0x1FFFFF80, s30;
	s31 =	spop (v2sf)  }
0xf1: {  	s17 =	sadd.s32 s3, s17;
	s18 =	sshll.u32 s31, $0x7  }
0xf2: {  	[tilespmem:s16], [sflag:$0x2] =	stream.linear.gather [hbm4b:s17+s2], $0x400, $0x38;
	[tilespmem:$0x18200] =	vst v63  }
0xf3: {  	s16 =	sadd.s32 $0x800, s16;
	s19 =	sand.u32 $0x1FFFFF80, s18  }
0xf4: {  	s20 =	sadd.s32 $0xFFFFFC00, s16;
	s17 =	sadd.s32 s3, s19  }
0xf5: {  	[tilespmem:s20], [sflag:$0x2] =	stream.linear.gather [hbm4b:s17+s2], $0x400, $0x38;
	[tilespmem:$0x18200] =	vst v63  }
0xf6: {  	s21 =	spop (v2sf)  }
0xf7: {  	s22 =	sshll.u32 s21, $0x7  }
0xf8: {  	s23 =	spop (v2sf);
	s17 =	sand.u32 $0x1FFFFF80, s22  }
0xf9: {  	s18 =	sshll.u32 s23, $0x7;
	s17 =	sadd.s32 s3, s17  }
0xfa: {  	[tilespmem:s16], [sflag:$0x2] =	stream.linear.gather [hbm4b:s17+s2], $0x400, $0x38;
	[tilespmem:$0x18200] =	vst v63  }
0xfb: {  	s24 =	sand.u32 $0x1FFFFF80, s18;
	s16 =	sadd.s32 $0x800, s16  }
0xfc: {  	s25 =	sadd.s32 $0xFFFFFC00, s16;
	s17 =	sadd.s32 s3, s24;
	s26 =	spop (v2sf)  }
0xfd: {  	[tilespmem:s25], [sflag:$0x2] =	stream.linear.gather [hbm4b:s17+s2], $0x400, $0x38;
	[tilespmem:$0x18200] =	vst v63  }
0xfe: {  	s28 =	sshll.u32 s26, $0x7  }
0xff: {  	s17 =	sand.u32 $0x1FFFFF80, s28  }
0x100: {  	s17 =	sadd.s32 s3, s17  }
0x101: {  	[tilespmem:s16], [sflag:$0x2] =	stream.linear.gather [hbm4b:s17+s2], $0x400, $0x38;
	[tilespmem:$0x18200] =	vst v63  }
0x102: {  	_ =	swait.ge [sflag:s8], $0x4000  }
0x103: {  	[sflag:s8] =	ssyncset.done $0x0  }
0x104: {  	[sflag:s8] =	ssyncadd.s32 $0xFFFFC000  }
0x105: {  	v1 =	vld [tilespmem:s15+$0x0];
	_ =	sdelay $0x3  }
0x106: {  	s29 =	simm.s32 $0x0  }
0x107: {  	v2 =	vmov s29;
	v1 =	vand.u32 $0x7, v1  }
0x108: {  	vm14 =	veq.s32 v2, v0;
	v1 =	vor.u32 $0x80000000, v1  }
0x109: {  	v2 =	vnsel vm14, $0x80000000, v1  }
0x10a: {  	(xrf0) =	vmax.scan.msk.u32 $0xffff, v2;
	_ =	sdelay $0x5  }
0x10b: {  	v2, _, _ =	vpop (xrf0)  }
0x10c: {  	(v2sf) =	vpush v2, $0xF;
	_ =	sdelay $0xc  }
0x10d: {  	s31 =	simm.s32 $0x1  }
0x10e: {  	v3 =	vmov s31  }
0x10f: {  	vm15 =	veq.s32 v3, v0;
	s30 =	spop (v2sf)  }
0x110: {  	v3 =	vnsel vm15, $0x80000000, v1;
	s15 =	sshll.u32 s30, $0x9  }
0x111: {  	(xrf0) =	vmax.scan.msk.u32 $0xffff, v3;
	s15 =	sshra.s32 s15, $0x2  }
0x112: {  	s15 =	sadd.s32 $0x630, s15  }
0x113: {  	v2 =	vld [tilespmem:s15+$0xFFFFFBD0];
	_ =	sdelay $0x3  }
0x114: {  	v3, _, _ =	vpop (xrf0)  }
0x115: {  	(v2sf) =	vpush v3, $0xF;
	[tilespmem:s13+$0xFFFFFF80] =	vst v2  }
0x116: {  	v2 =	vld [tilespmem:s15+$0xFFFFFBE0];
	_ =	sdelay $0x4  }
0x117: {  	[tilespmem:s13+$0xFFFFFF90] =	vst v2  }
0x118: {  	v2 =	vld [tilespmem:s15+$0xFFFFFBF0];
	_ =	sdelay $0x4  }
0x119: {  	[tilespmem:s13+$0xFFFFFFA0] =	vst v2  }
0x11a: {  	s17 =	simm.s32 $0x2;
	v2 =	vld [tilespmem:s15+$0xFFFFFC00]  }
0x11b: {  	s18 =	simm.s32 $0x4;
	s16 =	simm.s32 $0x630;
	v3 =	vmov s17;
	s15 =	smov.u32 s13  }
.LBB2_11:
0x11c: {  	p0 =	slt.u32 s18, $0xE;
	vm0 =	veq.s32 v3, v0;
	s19 =	spop (v2sf)  }
0x11d: {  	v3 =	vnsel vm0, $0x80000000, v1;
	s19 =	sshll.u32 s19, $0x9  }
0x11e: {  	(xrf0) =	vmax.scan.msk.u32 $0xffff, v3;
	s19 =	sshra.s32 s19, $0x2  }
0x11f: {  	[tilespmem:s15+$0xFFFFFFB0] =	vst v2;
	s19 =	sadd.s32 s19, s16  }
0x120: {  	v2 =	vld [tilespmem:s19+$0xFFFFFFD0];
	_ =	sdelay $0x3  }
0x121: {  	v3, _, _ =	vpop (xrf0)  }
0x122: {  	(v2sf) =	vpush v3, $0xF;
	[tilespmem:s15+$0x0] =	vst v2  }
0x123: {  	v2 =	vld [tilespmem:s19+$0xFFFFFFE0];
	_ =	sdelay $0x4  }
0x124: {  	[tilespmem:s15+$0x10] =	vst v2  }
0x125: {  	v2 =	vld [tilespmem:s19+$0xFFFFFFF0];
	_ =	sdelay $0x4  }
0x126: {  	[tilespmem:s15+$0x20] =	vst v2  }
0x127: {  	s20 =	sadd.s32 $0x1, s17;
	s17 =	smov.u32 s18;
	v2 =	vld [tilespmem:s19+$0x0]  }
0x128: {  	v3 =	vmov s20  }
0x129: {  	vm0 =	veq.s32 v3, v0;
	s19 =	spop (v2sf)  }
0x12a: {  	v3 =	vnsel vm0, $0x80000000, v1;
	s19 =	sshll.u32 s19, $0x9  }
0x12b: {  	s16 =	sadd.s32 $0x800, s16;
	s19 =	sshra.s32 s19, $0x2;
	(xrf0) =	vmax.scan.msk.u32 $0xffff, v3  }
0x12c: {  	s19 =	sadd.s32 s19, s16;
	[tilespmem:s15+$0x30] =	vst v2  }
0x12d: {  	v2 =	vld [tilespmem:s19+$0xFFFFFBD0];
	_ =	sdelay $0x3  }
0x12e: {  	s15 =	sadd.s32 $0x100, s15;
	v3, _, _ =	vpop (xrf0)  }
0x12f: {  	[tilespmem:s15+$0xFFFFFF80] =	vst v2;
	(v2sf) =	vpush v3, $0xF  }
0x130: {  	v2 =	vld [tilespmem:s19+$0xFFFFFBE0];
	_ =	sdelay $0x4  }
0x131: {  	[tilespmem:s15+$0xFFFFFF90] =	vst v2  }
0x132: {  	v2 =	vld [tilespmem:s19+$0xFFFFFBF0];
	_ =	sdelay $0x2  }
.Ltmp4:
0x133: {  	(pc) =	sbr.rel @p0 .LBB2_11-.Ltmp4, $4  }
0x134: {  	_ = 	snop  }
0x135: {  	[tilespmem:s15+$0xFFFFFFA0] =	vst v2  }
0x136: {  	v2 =	vld [tilespmem:s19+$0xFFFFFC00]  }
0x137: {  	s18 =	sadd.s32 $0x2, s18;
	v3 =	vmov s17  }
0x138: {  	vm0 =	veq.s32 v3, v0;
	s18 =	spop (v2sf)  }
0x139: {  	v3 =	vnsel vm0, $0x80000000, v1;
	s18 =	sshll.u32 s18, $0x9  }
0x13a: {  	(xrf0) =	vmax.scan.msk.u32 $0xffff, v3;
	s18 =	sshra.s32 s18, $0x2  }
0x13b: {  	[tilespmem:s15+$0xFFFFFFB0] =	vst v2;
	s18 =	sadd.s32 s18, s16  }
0x13c: {  	v2 =	vld [tilespmem:s18+$0xFFFFFFD0];
	_ =	sdelay $0x3  }
0x13d: {  	v3, _, _ =	vpop (xrf0)  }
0x13e: {  	(v2sf) =	vpush v3, $0xF;
	[tilespmem:s15+$0x0] =	vst v2  }
0x13f: {  	v2 =	vld [tilespmem:s18+$0xFFFFFFE0];
	_ =	sdelay $0x4  }
0x140: {  	[tilespmem:s15+$0x10] =	vst v2  }
0x141: {  	v2 =	vld [tilespmem:s18+$0xFFFFFFF0];
	_ =	sdelay $0x4  }
0x142: {  	[tilespmem:s15+$0x20] =	vst v2  }
0x143: {  	s17 =	sadd.s32 $0x1, s17;
	v2 =	vld [tilespmem:s18+$0x0]  }
0x144: {  	v3 =	vmov s17  }
0x145: {  	vm15 =	veq.s32 v3, v0;
	s28 =	spop (v2sf)  }
0x146: {  	v1 =	vnsel vm15, $0x80000000, v1;
	s17 =	sshll.u32 s28, $0x9  }
0x147: {  	s29 =	sadd.s32 $0x800, s16;
	(xrf0) =	vmax.scan.msk.u32 $0xffff, v1;
	s17 =	sshra.s32 s17, $0x2  }
0x148: {  	s17 =	sadd.s32 s17, s29;
	[tilespmem:s15+$0x30] =	vst v2  }
0x149: {  	v1 =	vld [tilespmem:s17+$0xFFFFFBD0];
	_ =	sdelay $0x3  }
0x14a: {  	s30 =	sadd.s32 $0x100, s15;
	v2, _, _ =	vpop (xrf0)  }
0x14b: {  	(v2sf) =	vpush v2, $0xF;
	[tilespmem:s30+$0xFFFFFF80] =	vst v1  }
0x14c: {  	v1 =	vld [tilespmem:s17+$0xFFFFFBE0];
	_ =	sdelay $0x4  }
0x14d: {  	[tilespmem:s30+$0xFFFFFF90] =	vst v1  }
0x14e: {  	v1 =	vld [tilespmem:s17+$0xFFFFFBF0];
	_ =	sdelay $0x4  }
0x14f: {  	[tilespmem:s30+$0xFFFFFFA0] =	vst v1  }
0x150: {  	v1 =	vld [tilespmem:s17+$0xFFFFFC00];
	_ =	sdelay $0x1  }
0x151: {  	s31 =	spop (v2sf)  }
0x152: {  	s17 =	sshll.u32 s31, $0x9  }
0x153: {  	s17 =	sshra.s32 s17, $0x2  }
0x154: {  	s16 =	sadd.s32 s17, s29;
	[tilespmem:s30+$0xFFFFFFB0] =	vst v1  }
0x155: {  	v1 =	vld [tilespmem:s16+$0xFFFFFFD0];
	_ =	sdelay $0x4  }
0x156: {  	[tilespmem:s30+$0x0] =	vst v1  }
0x157: {  	v1 =	vld [tilespmem:s16+$0xFFFFFFE0];
	_ =	sdelay $0x4  }
0x158: {  	[tilespmem:s30+$0x10] =	vst v1  }
0x159: {  	v1 =	vld [tilespmem:s16+$0xFFFFFFF0];
	_ =	sdelay $0x4  }
0x15a: {  	s14 =	sadd.s32 $0x1, s14;
	[tilespmem:s30+$0x20] =	vst v1  }
0x15b: {  	p0 =	sne.s32 s14, $0x10;
	v1 =	vld [tilespmem:s16+$0x0]  }
.Ltmp5:
0x15c: {  	_ = 	snop;
	(pc) =	sbr.rel @p0 .LBB2_2-.Ltmp5, $2  }
0x15d: {  	_ =	sdelay $0x2  }
0x15e: {  	s12 =	sadd.s32 $0x1000, s12;
	s13 =	sadd.s32 $0x1000, s13;
	[tilespmem:s30+$0x30] =	vst v1  }
0x15f: {  	_ =	swait.ge [sflag:s9], $0x4000  }
0x160: {  	[sflag:s9] =	ssyncset.done $0x0  }
0x161: {  	[sflag:s9] =	ssyncadd.s32 $0xFFFFC000  }
0x162: {  	v1 =	vld [tilespmem:$0x1F0];
	_ =	sdelay $0x3  }
0x163: {  	s12 =	simm.s32 $0x0  }
0x164: {  	v2 =	vmov s12;
	v1 =	vand.u32 $0x7, v1  }
0x165: {  	vm0 =	veq.s32 v2, v0;
	v1 =	vor.u32 $0x80000000, v1  }
0x166: {  	v2 =	vnsel vm0, $0x80000000, v1  }
0x167: {  	(xrf0) =	vmax.scan.msk.u32 $0xffff, v2;
	_ =	sdelay $0x5  }
0x168: {  	v2, _, _ =	vpop (xrf0)  }
0x169: {  	(v2sf) =	vpush v2, $0xF;
	_ =	sdelay $0xc  }
0x16a: {  	s13 =	simm.s32 $0x1  }
0x16b: {  	v3 =	vmov s13  }
0x16c: {  	vm15 =	veq.s32 v3, v0;
	s31 =	spop (v2sf)  }
0x16d: {  	v3 =	vnsel vm15, $0x80000000, v1;
	s12 =	sshll.u32 s31, $0x9  }
0x16e: {  	(xrf0) =	vmax.scan.msk.u32 $0xffff, v3;
	s12 =	sshra.s32 s12, $0x2  }
0x16f: {  	s15 =	sadd.s32 $0x4630, s12  }
0x170: {  	v2 =	vld [tilespmem:s15+$0xFFFFFBD0];
	_ =	sdelay $0x3  }
0x171: {  	v3, _, _ =	vpop (xrf0);
	s12 =	simm.s32 $0x17A00  }
0x172: {  	(v2sf) =	vpush v3, $0xF;
	[tilespmem:s12+$0x0] =	vst v2  }
0x173: {  	v2 =	vld [tilespmem:s15+$0xFFFFFBE0];
	_ =	sdelay $0x4  }
0x174: {  	[tilespmem:s12+$0x10] =	vst v2  }
0x175: {  	v2 =	vld [tilespmem:s15+$0xFFFFFBF0];
	_ =	sdelay $0x4  }
0x176: {  	[tilespmem:s12+$0x20] =	vst v2  }
0x177: {  	s14 =	simm.s32 $0x2;
	v2 =	vld [tilespmem:s15+$0xFFFFFC00]  }
0x178: {  	s13 =	simm.s32 $0x4630;
	v3 =	vmov s14;
	s15 =	simm.s32 $0x4  }
.LBB2_14:
0x179: {  	p0 =	slt.u32 s15, $0xE;
	vm0 =	veq.s32 v3, v0;
	s16 =	spop (v2sf)  }
0x17a: {  	v3 =	vnsel vm0, $0x80000000, v1;
	s16 =	sshll.u32 s16, $0x9  }
0x17b: {  	(xrf0) =	vmax.scan.msk.u32 $0xffff, v3;
	s16 =	sshra.s32 s16, $0x2  }
0x17c: {  	[tilespmem:s12+$0x30] =	vst v2;
	s16 =	sadd.s32 s16, s13  }
0x17d: {  	v2 =	vld [tilespmem:s16+$0xFFFFFFD0];
	_ =	sdelay $0x3  }
0x17e: {  	v3, _, _ =	vpop (xrf0)  }
0x17f: {  	(v2sf) =	vpush v3, $0xF;
	[tilespmem:s12+$0x80] =	vst v2  }
0x180: {  	v2 =	vld [tilespmem:s16+$0xFFFFFFE0];
	_ =	sdelay $0x4  }
0x181: {  	[tilespmem:s12+$0x90] =	vst v2  }
0x182: {  	v2 =	vld [tilespmem:s16+$0xFFFFFFF0];
	_ =	sdelay $0x4  }
0x183: {  	[tilespmem:s12+$0xA0] =	vst v2  }
0x184: {  	s17 =	sadd.s32 $0x1, s14;
	s14 =	smov.u32 s15;
	v2 =	vld [tilespmem:s16+$0x0]  }
0x185: {  	v3 =	vmov s17  }
0x186: {  	vm0 =	veq.s32 v3, v0;
	s16 =	spop (v2sf)  }
0x187: {  	v3 =	vnsel vm0, $0x80000000, v1;
	s16 =	sshll.u32 s16, $0x9  }
0x188: {  	s13 =	sadd.s32 $0x800, s13;
	s16 =	sshra.s32 s16, $0x2;
	(xrf0) =	vmax.scan.msk.u32 $0xffff, v3  }
0x189: {  	s16 =	sadd.s32 s16, s13;
	[tilespmem:s12+$0xB0] =	vst v2  }
0x18a: {  	v2 =	vld [tilespmem:s16+$0xFFFFFBD0];
	_ =	sdelay $0x3  }
0x18b: {  	s12 =	sadd.s32 $0x100, s12;
	v3, _, _ =	vpop (xrf0)  }
0x18c: {  	[tilespmem:s12+$0x0] =	vst v2;
	(v2sf) =	vpush v3, $0xF  }
0x18d: {  	v2 =	vld [tilespmem:s16+$0xFFFFFBE0];
	_ =	sdelay $0x4  }
0x18e: {  	[tilespmem:s12+$0x10] =	vst v2  }
0x18f: {  	v2 =	vld [tilespmem:s16+$0xFFFFFBF0];
	_ =	sdelay $0x2  }
.Ltmp6:
0x190: {  	(pc) =	sbr.rel @p0 .LBB2_14-.Ltmp6, $4  }
0x191: {  	_ = 	snop  }
0x192: {  	[tilespmem:s12+$0x20] =	vst v2  }
0x193: {  	v2 =	vld [tilespmem:s16+$0xFFFFFC00]  }
0x194: {  	s15 =	sadd.s32 $0x2, s15;
	v3 =	vmov s14  }
0x195: {  	vm0 =	veq.s32 v3, v0;
	s15 =	spop (v2sf)  }
0x196: {  	v3 =	vnsel vm0, $0x80000000, v1;
	s15 =	sshll.u32 s15, $0x9  }
0x197: {  	(xrf0) =	vmax.scan.msk.u32 $0xffff, v3;
	s15 =	sshra.s32 s15, $0x2  }
0x198: {  	[tilespmem:s12+$0x30] =	vst v2;
	s15 =	sadd.s32 s15, s13  }
0x199: {  	v2 =	vld [tilespmem:s15+$0xFFFFFFD0];
	_ =	sdelay $0x3  }
0x19a: {  	v3, _, _ =	vpop (xrf0)  }
0x19b: {  	(v2sf) =	vpush v3, $0xF;
	[tilespmem:s12+$0x80] =	vst v2  }
0x19c: {  	v2 =	vld [tilespmem:s15+$0xFFFFFFE0];
	_ =	sdelay $0x4  }
0x19d: {  	[tilespmem:s12+$0x90] =	vst v2  }
0x19e: {  	v2 =	vld [tilespmem:s15+$0xFFFFFFF0];
	_ =	sdelay $0x4  }
0x19f: {  	[tilespmem:s12+$0xA0] =	vst v2  }
0x1a0: {  	s14 =	sadd.s32 $0x1, s14;
	v2 =	vld [tilespmem:s15+$0x0]  }
0x1a1: {  	v3 =	vmov s14  }
0x1a2: {  	vm15 =	veq.s32 v3, v0;
	s28 =	spop (v2sf)  }
0x1a3: {  	v1 =	vnsel vm15, $0x80000000, v1;
	s14 =	sshll.u32 s28, $0x9  }
0x1a4: {  	s29 =	sadd.s32 $0x800, s13;
	(xrf0) =	vmax.scan.msk.u32 $0xffff, v1;
	s14 =	sshra.s32 s14, $0x2  }
0x1a5: {  	s14 =	sadd.s32 s14, s29;
	[tilespmem:s12+$0xB0] =	vst v2  }
0x1a6: {  	v1 =	vld [tilespmem:s14+$0xFFFFFBD0];
	_ =	sdelay $0x3  }
0x1a7: {  	s30 =	sadd.s32 $0x100, s12;
	v2, _, _ =	vpop (xrf0)  }
0x1a8: {  	(v2sf) =	vpush v2, $0xF;
	[tilespmem:s30+$0x0] =	vst v1  }
0x1a9: {  	v1 =	vld [tilespmem:s14+$0xFFFFFBE0];
	_ =	sdelay $0x4  }
0x1aa: {  	[tilespmem:s30+$0x10] =	vst v1  }
0x1ab: {  	v1 =	vld [tilespmem:s14+$0xFFFFFBF0];
	_ =	sdelay $0x4  }
0x1ac: {  	[tilespmem:s30+$0x20] =	vst v1  }
0x1ad: {  	v1 =	vld [tilespmem:s14+$0xFFFFFC00];
	_ =	sdelay $0x1  }
0x1ae: {  	s31 =	spop (v2sf)  }
0x1af: {  	s14 =	sshll.u32 s31, $0x9  }
0x1b0: {  	s14 =	sshra.s32 s14, $0x2  }
0x1b1: {  	s13 =	sadd.s32 s14, s29;
	[tilespmem:s30+$0x30] =	vst v1  }
0x1b2: {  	v1 =	vld [tilespmem:s13+$0xFFFFFFD0];
	_ =	sdelay $0x4  }
0x1b3: {  	[tilespmem:s30+$0x80] =	vst v1  }
0x1b4: {  	v1 =	vld [tilespmem:s13+$0xFFFFFFE0];
	_ =	sdelay $0x4  }
0x1b5: {  	[tilespmem:s30+$0x90] =	vst v1  }
0x1b6: {  	v1 =	vld [tilespmem:s13+$0xFFFFFFF0];
	_ =	sdelay $0x4  }
0x1b7: {  	[tilespmem:s30+$0xA0] =	vst v1  }
0x1b8: {  	v1 =	vld [tilespmem:s13+$0x0];
	_ =	sdelay $0x2  }
0x1b9: {  	s11 =	sadd.s32 $0x1, s11  }
0x1ba: {  	p0 =	sne.s32 s11, s6  }
.Ltmp7:
0x1bb: {  	[tilespmem:s30+$0xB0] =	vst v1;
	(pc) =	sbr.rel @p0 .LBB2_1-.Ltmp7, $4  }
0x1bc: {  	[hbm4b:s5+s2] =	stream.linear.scatter [tilespmem:s10], [sflag:$0x3], $0x10000, $0x38;
	[tilespmem:$0x18200] =	vst v63  }
0x1bd: {  	_ =	swait.ge [sflag:s7], $0x10000  }
0x1be: {  	[sflag:s7] =	ssyncset.done $0x0  }
0x1bf: {  	[sflag:s7] =	ssyncadd.s32 $0xFFFF0000  }
0x1c0: {  	_ =	sfence.sel $0x180000  }
0x1c1: {  	[bflag:$0x0] =	sbarrier.arrive $0xFFFF  }
0x1c2: {  	p0 =	sne.s32 s1, $0x0;
	_ =	strace $0x90000047  }
0x1c3: {  	s0 =	sadd.s32 @!p0 $0x100000, s0;
	[bflag:$0x2] =	sbarrier.arrive $0xFFFF  }
0x1c4: {  	[sflag:s0] =	ssyncadd.tile.s32 @!p0 $0x1;
	_ =	shalt  }
.Lfunc_end2:
_tile_overlayer_lowered:
.L_overlay_start_2:
0x1c5: {  	(tag) =	ssettag $0x2  }
0x1c6: {  	s0 =	rddreg [dreg:$0x0];
	s2 =	stileid.u32  }
0x1c7: {  	s1 =	rddreg [dreg:$0x1];
	p0 =	sne.s32 s2, $0x0  }
0x1c8: {  	s3 =	rddreg [dreg:$0x2];
	[bflag:$0x3] =	sbarrier.arrive $0xFFFF;
	s2 =	simm.s32 @!p0 $0x1C03  }
0x1c9: {  	[timem:s3], [sflag:s2] =	dma.local @!p0 [hbm:s0], s1  }
0x1ca: {  	s0 =	simm.s32 @!p0 $0x3  }
0x1cb: {  	_ =	swait.ge @!p0 [sflag:s0], s1  }
0x1cc: {  	s1 =	ssub.s32 @!p0 $0x0, s1;
	[sflag:s0] =	ssyncset.done @!p0 $0x0  }
0x1cd: {  	[sflag:s0] =	ssyncadd.s32 @!p0 s1  }
0x1ce: {  	[bflag:$0x3] =	sbarrier.arrive $0xFFFF  }
0x1cf: {  	_ =	shalt  }

// kernel: kernel.6.cloned.1.call-start
scs
__scs_entry_jumppad:
0x0: {  	(pc) =	sbr.rel $0x88, $3  }
0x1: {  	(tag) =	ssettag $0x0;
	lr =	simm.s32 $0x1  }
0x2: {  	[smem:$0x3F8E] =	sst lr;
	_ =	strace $0xD0000000  }
0x3: {  	_ = 	snop  }
0x4: {  	_ = 	snop  }
0x5: {  	_ = 	snop  }
0x6: {  	_ = 	snop  }
0x7: {  	_ = 	snop  }
__scs_overlays_trampoline_lowered:
0x8: {  	[smem:$0x3F9D] =	sst s0  }
0x9: {  	[smem:$0x3F9E] =	sst s1  }
0xa: {  	[smem:$0x3F9F] =	sst s2  }
0xb: {  	[smem:$0x3FA0] =	sst s3  }
0xc: {  	[smem:$0x3FA1] =	sst s4  }
0xd: {  	[smem:$0x3FA2] =	sst s5  }
0xe: {  	[smem:$0x3FA3] =	sst s6  }
0xf: {  	[smem:$0x3FA4] =	sst s7  }
0x10: {  	[smem:$0x3FA5] =	sst s8  }
0x11: {  	[smem:$0x3FA6] =	sst s9;
	s0 =	simm.s32 @!p0 $0x0  }
0x12: {  	s1 =	sld [smem:$0x3F8C];
	s0 =	simm.s32 @p0 $0x1  }
0x13: {  	[smem:$0x3FA7] =	sst s0;
	s0 =	simm.s32 @!p1 $0x0  }
0x14: {  	s2 =	sld [smem:$0x3F8B];
	s0 =	simm.s32 @p1 $0x1  }
0x15: {  	[smem:$0x3FA8] =	sst s0;
	s0 =	simm.s32 @!p2 $0x0  }
0x16: {  	s3 =	sld [smem:$0x3FDB];
	s0 =	simm.s32 @p2 $0x1  }
0x17: {  	s4 =	simm.s32 $0x1BF5;
	[smem:$0x3FAA] =	sst s0  }
0x18: {  	s0 =	sld [smem:$0x3F8D];
	_ =	swait.ge [sflag:s4], $0x0  }
0x19: {  	s7 =	sld [smem:$0x3F8E]  }
0x1a: {  	s8 =	sadd.s32 $0xFFFFE003, lr  }
0x1b: {  	s9 =	sadd.s32 $0xFFFFFEF7, lr;
	s5 =	simm.s32 $0xFFFFFFFF;
	p2 =	slt.u32 s8, $0xFFFFF086  }
0x1c: {  	p1 =	slt.u32 s9, $0xF7A;
	s5 =	simm.s32 @!p2 $0x0  }
0x1d: {  	s5 =	simm.s32 @p1 $0x1;
	p0 =	seq.s32 s7, s2  }
0x1e: {  	s7 =	smul.u32 @!p0 $0xF7A, s2;
	p2 =	seq.s32 @!p0 s5, $0x0  }
0x1f: {  	s9 =	smul.u32 $0xF7A, s1;
	s8 =	simm.s32 @!p0 $0x1BF5;
	p2 =	por !p2, p0  }
0x20: {  	[sflag:s8] =	ssyncset.s32 @!p0 $0xFFFFF086;
	s6 =	sadd.s32 @!p0 s3, s7;
	s7 =	simm.s32 @!p0 $0x108  }
0x21: {  	s3 =	sadd.s32 s3, s9;
	s6 =	sadd.s32 @!p0 $0x88, s6;
	s7 =	simm.s32 @p2 $0x1082  }
0x22: {  	[simem:s7], [sflag:s8] =	dma.local @!p0 [hbm:s6], $0xF7A  }
0x23: {  	s9 =	sor.u32 $0xD0000000, s2;
	s6 =	simm.s32 $0x108;
	_ =	swait.ge @!p0 [sflag:s8], $0x0  }
0x24: {  	s3 =	sadd.s32 $0x88, s3;
	s6 =	simm.s32 @!p1 $0x1082;
	[sflag:s4] =	ssyncset.s32 $0xFFFFF086  }
0x25: {  	[simem:s6], [sflag:s4] =	dma.local [hbm:s3], $0xF7A  }
0x26: {  	[smem:$0x3F8E] =	sst s1;
	(tag) =	ssettag s2;
	_ =	strace s9  }
0x27: {  	s1 =	sld [smem:$0x3F9E]  }
0x28: {  	s2 =	sld [smem:$0x3F9F]  }
0x29: {  	s4 =	sld [smem:$0x3FA1]  }
0x2a: {  	p0 =	seq.s32 s5, $0x0;
	s5 =	sld [smem:$0x3FA2]  }
0x2b: {  	s6 =	sld [smem:$0x3FA3]  }
0x2c: {  	s7 =	sld [smem:$0x3FA4]  }
0x2d: {  	s3 =	simm.s32 $0x108;
	s8 =	sld [smem:$0x3FA5]  }
0x2e: {  	s3 =	simm.s32 @!p0 $0x1082;
	s9 =	sld [smem:$0x3FA6]  }
0x2f: {  	lr =	sadd.s32 s0, s3;
	s0 =	sld [smem:$0x3F9D]  }
0x30: {  	s3 =	sld [smem:$0x3FA0]  }
0x31: {  	[smem:$0x3FA9] =	sst s10  }
0x32: {  	s10 =	sld [smem:$0x3FA7];
	_ =	sdelay $0x3  }
0x33: {  	p0 =	seq.s32 s10, $0x1;
	s10 =	sld [smem:$0x3FA9];
	_ =	sdelay $0x3  }
0x34: {  	[smem:$0x3FA9] =	sst s10  }
0x35: {  	s10 =	sld [smem:$0x3FA8];
	_ =	sdelay $0x3  }
0x36: {  	p1 =	seq.s32 s10, $0x1;
	s10 =	sld [smem:$0x3FA9];
	_ =	sdelay $0x3  }
0x37: {  	[smem:$0x3FA9] =	sst s10  }
0x38: {  	s10 =	sld [smem:$0x3FAA]  }
0x39: {  	_ = 	snop;
	(pc) =	sbr.ind lr, $3  }
0x3a: {  	_ = 	snop  }
0x3b: {  	_ = 	snop  }
0x3c: {  	p2 =	seq.s32 s10, $0x1;
	s10 =	sld [smem:$0x3FA9]  }
0x3d: {  	_ =	shalt  }
0x3e: {  	_ =	shalt  }
0x3f: {  	_ =	shalt  }
0x40: {  	_ =	shalt  }
0x41: {  	_ =	shalt  }
0x42: {  	_ =	shalt  }
0x43: {  	_ =	shalt  }
0x44: {  	_ =	shalt  }
0x45: {  	_ =	shalt  }
0x46: {  	_ =	shalt  }
0x47: {  	_ =	shalt  }
0x48: {  	_ =	shalt  }
0x49: {  	_ =	shalt  }
0x4a: {  	_ =	shalt  }
0x4b: {  	_ =	shalt  }
0x4c: {  	_ =	shalt  }
0x4d: {  	_ =	shalt  }
0x4e: {  	_ =	shalt  }
0x4f: {  	_ =	shalt  }
0x50: {  	_ =	shalt  }
0x51: {  	_ =	shalt  }
0x52: {  	_ =	shalt  }
0x53: {  	_ =	shalt  }
0x54: {  	_ =	shalt  }
0x55: {  	_ =	shalt  }
0x56: {  	_ =	shalt  }
0x57: {  	_ =	shalt  }
0x58: {  	_ =	shalt  }
0x59: {  	_ =	shalt  }
0x5a: {  	_ =	shalt  }
0x5b: {  	_ =	shalt  }
0x5c: {  	_ =	shalt  }
0x5d: {  	_ =	shalt  }
0x5e: {  	_ =	shalt  }
0x5f: {  	_ =	shalt  }
0x60: {  	_ =	shalt  }
0x61: {  	_ =	shalt  }
0x62: {  	_ =	shalt  }
0x63: {  	_ =	shalt  }
0x64: {  	_ =	shalt  }
0x65: {  	_ =	shalt  }
0x66: {  	_ =	shalt  }
0x67: {  	_ =	shalt  }
0x68: {  	_ =	shalt  }
0x69: {  	_ =	shalt  }
0x6a: {  	_ =	shalt  }
0x6b: {  	_ =	shalt  }
0x6c: {  	_ =	shalt  }
0x6d: {  	_ =	shalt  }
0x6e: {  	_ =	shalt  }
0x6f: {  	_ =	shalt  }
0x70: {  	_ =	shalt  }
0x71: {  	_ =	shalt  }
0x72: {  	_ =	shalt  }
0x73: {  	_ =	shalt  }
0x74: {  	_ =	shalt  }
0x75: {  	_ =	shalt  }
0x76: {  	_ =	shalt  }
0x77: {  	_ =	shalt  }
0x78: {  	_ =	shalt  }
0x79: {  	_ =	shalt  }
0x7a: {  	_ =	shalt  }
0x7b: {  	_ =	shalt  }
0x7c: {  	_ =	shalt  }
0x7d: {  	_ =	shalt  }
0x7e: {  	_ =	shalt  }
0x7f: {  	_ =	shalt  }
0x80: {  	_ =	shalt  }
0x81: {  	_ =	shalt  }
0x82: {  	_ =	shalt  }
0x83: {  	_ =	shalt  }
0x84: {  	_ =	shalt  }
0x85: {  	_ =	shalt  }
0x86: {  	_ =	shalt  }
0x87: {  	_ =	shalt  }
.Lfunc_end0:
.L_simem_size_0:
called_computation_lowered:
.L_overlay_start_0:
0x88: {  	s2 =	sld [smem:$0x3FD9]  }
0x89: {  	s3 =	sld [smem:$0x3FFE];
	_ =	sdelay $0x1  }
0x8a: {  	s1 =	srdreg.scid  }
0x8b: {  	s0 =	sand.u32 $0x1, s1  }
0x8c: {  	s17 =	sshll.u32 s0, $0xA;
	s2 =	sadd.s32 s3, s2  }
0x8d: {  	s2 =	sadd.s32 s2, s17  }
0x8e: {  	[smem:$0x3FB5] =	sst s2  }
0x8f: {  	_ = 	snop  }
0x90: {  	s18 =	sld [smem:$0x3FC6];
	(tm) =	ssettm $0x1  }
0x91: {  	s19 =	sld [smem:$0x3FFB];
	_ =	sdelay $0x3  }
0x92: {  	_ =	strace s19  }
0x93: {  	s2 =	sld [smem:$0x3FFC];
	_ =	sdelay $0x3  }
0x94: {  	_ =	strace s2  }
0x95: {  	s2 =	sld [smem:$0x3FFD];
	_ =	sdelay $0x3  }
0x96: {  	_ =	strace s2  }
0x97: {  	_ =	strace $0x8FFFFFFF  }
0x98: {  	s20 =	sld [smem:$0x3FDB];
	_ =	sdelay $0x1  }
0x99: {  	s4 =	simm.s32 $_scs_section_size  }
0x9a: {  	s5 =	simm.s32 $_size__tile_overlayer_lowered;
	s6 =	simm.s32 $_tile_overlayer_lowered  }
0x9b: {  	s7 =	simm.s32 $0x1BFF;
	s21 =	sshll.u32 s6, $0x1;
	s4 =	sadd.s32 s4, s20  }
0x9c: {  	s22 =	simm.s32 $0x0;
	s5 =	sshll.u32 s5, $0x1;
	s6 =	sadd.s32 s21, s4  }
0x9d: {  	[timem:s22], [sflag:s7] =	dma.local [hbm:s6], s5  }
0x9e: {  	_ =	swait.ge [sflag:s7], s5  }
0x9f: {  	s5 =	ssub.s32 $0x0, s5;
	[sflag:s7] =	ssyncset.done $0x0  }
0xa0: {  	[sflag:s7] =	ssyncadd.s32 s5;
	_ =	sdelay $0x1  }
0xa1: {  	s23 =	simm.s32 $0x1B8B  }
0xa2: {  	_ =	swait.ge [sflag:s23], $0x1  }
0xa3: {  	[sflag:s23] =	ssyncset.done $0x0  }
0xa4: {  	[sflag:s23] =	ssyncadd.s32 $0xFFFFFFFF  }
0xa5: {  	s5 =	sld [smem:$0x0]  }
0xa6: {  	s6 =	sand.u32 $0xFFFFFFFE, s1  }
0xa7: {  	p0 =	sne.s32 s1, s6  }
0xa8: {  	s6 =	sshll.u32 @p0 s6, $0xE  }
0xa9: {  	s6 =	sadd.s32 @p0 $0x11B8D, s6;
	s7 =	sshll.u32 @p0 s5, $0x11  }
0xaa: {  	s6 =	sor.u32 @p0 s7, s6  }
0xab: {  	[sflag:s6] =	ssyncadd.remote.s32 @p0 $0x1;
	_ =	sdelay $0x1  }
0xac: {  	s6 =	simm.s32 @p0 $0x1B8D  }
0xad: {  	_ =	swait.eq @p0 [sflag:s6], $0x1  }
0xae: {  	[sflag:s6] =	ssyncadd.s32 @p0 $0xFFFFFFFF  }
0xaf: {  	s7 =	sshll.u32 @!p0 s1, $0xE  }
0xb0: {  	s7 =	sor.u32 @!p0 $0x4000, s7;
	s6 =	simm.s32 @!p0 $0x1B8D  }
0xb1: {  	s5 =	sshll.u32 @!p0 s5, $0x11;
	s7 =	sadd.s32 @!p0 $0x11B8D, s7;
	_ =	swait.eq @!p0 [sflag:s6], $0x1  }
0xb2: {  	s5 =	sor.u32 @!p0 s5, s7;
	[sflag:s6] =	ssyncadd.s32 @!p0 $0xFFFFFFFF  }
0xb3: {  	s25 =	simm.s32 $0x1B8E;
	s24 =	sld [smem:$0x3FFE];
	[sflag:s5] =	ssyncadd.remote.s32 @!p0 $0x1  }
0xb4: {  	s26 =	simm.s32 $execute0_lowered;
	[smem:$0x3FD2] =	sst s25  }
0xb5: {  	s6 =	sshll.u32 s26, $0x1;
	_ =	strace $0x8000004C;
	[dreg:$0x1] =	wrdreg $0xFFFFFFFF  }
0xb6: {  	s28 =	simm.s32 $_size_execute0_lowered;
	s4 =	sadd.s32 s4, s6;
	[dreg:$0x0] =	wrdreg $0x0  }
0xb7: {  	s6 =	sshll.u32 s28, $0x1;
	[dreg:$0x2] =	wrdreg s4  }
0xb8: {  	[dreg:$0x3] =	wrdreg s6  }
0xb9: {  	[dreg:$0x4] =	wrdreg $0xC0  }
0xba: {  	_ =	task [dreg:s22], $0x5FFFF  }
0xbb: {  	[dreg:$0x1] =	wrdreg $0xFFFFFFFF  }
0xbc: {  	[dreg:$0x0] =	wrdreg $0x60  }
0xbd: {  	[dreg:$0x2] =	wrdreg s24  }
0xbe: {  	[dreg:$0x3] =	wrdreg s18  }
0xbf: {  	[dreg:$0x4] =	wrdreg $0x9  }
0xc0: {  	_ =	task.clear_ibuf [dreg:s22], $0x5FFFF;
	_ =	strace $0x9000004C  }
0xc1: {  	s29 =	simm.s32 $0x9;
	_ =	strace $0x8000004E  }
0xc2: {  	_ =	swait.ge [sflag:s29], $0x1  }
0xc3: {  	[sflag:s29] =	ssyncadd.s32 $0xFFFFFFFF  }
0xc4: {  	_ =	strace $0x9000004E  }
0xc5: {  	_ =	sfence  }
0xc6: {  	s30 =	sld [smem:$0x0];
	_ =	sdelay $0x2  }
0xc7: {  	s31 =	sshll.u32 s1, $0xD;
	s1 =	sshrl.u32 s1, $0x2  }
0xc8: {  	s4 =	sand.u32 $0x4000, s31;
	s1 =	sadd.s32 s1, s30  }
0xc9: {  	s0 =	sor.u32 s4, s0;
	s1 =	sshll.u32 s1, $0x11  }
0xca: {  	s0 =	sor.u32 s1, s0  }
0xcb: {  	s0 =	sadd.s32 $0x8F2B, s0  }
0xcc: {  	[sflag:s0] =	ssyncadd.remote.s32 $0x1  }
0xcd: {  	_ =	sfence.sel $0xFFFF  }
0xce: {  	[dreg:$0x0] =	wrdreg $0xFFFFFFFF;
	(pc) =	sbr.abs _section_cstart, $3  }
0xcf: {  	[dreg:$0x1] =	wrdreg $0xFFFFFFFF  }
0xd0: {  	_ =	task.clear_ibuf [dreg:s22], $0x2FFFF;
	_ =	strace $0x9FFFFFFF  }
0xd1: {  	(tm) =	ssettm $0x7FFFFFFF  }
tec
execute0_lowered:
.L_overlay_start_1:
0x0: {  	(tag) =	ssettag $0x1  }
0x1: {  	s4 =	rddreg [dreg:$0x0]  }
0x2: {  	s5 =	rddreg [dreg:$0x1]  }
0x3: {  	s0 =	rddreg [dreg:$0x2]  }
0x4: {  	s3 =	srdreg.scid;
	s2 =	simm.s32 $0x0;
	s1 =	stileid.u32  }
0x5: {  	s9 =	simm.s32 $0x2;
	s10 =	simm.s32 $0x8200;
	s11 =	simm.s32 $0x0  }
0x6: {  	s6 =	sand.u32 $0x1, s3;
	[smem:$0x7FF] =	sst s2;
	s30 =	sshll.u32 s1, $0xA  }
0x7: {  	s3 =	sadd.s32 $0x1F06E00, s4;
	s7 =	sshll.u32 s6, $0x9;
	s6 =	ssub.s32 $0x2, s6  }
0x8: {  	_ =	strace $0x8000004D;
	s7 =	sor.u32 s7, s30;
	s31 =	sshrl.u32 s6, $0x1  }
0x9: {  	s8 =	sshll.u32 s7, $0x4;
	s7 =	sshrl.u32 s7, $0x3;
	s6 =	ssub.s32 s6, s31  }
0xa: {  	s8 =	sadd.s32 s8, s4;
	s4 =	sadd.s32 s5, s7;
	s6 =	smax.u32 s6, $0x1  }
0xb: {  	v0 =	vlaneseq.u32;
	s7 =	simm.s32 $0x3;
	s5 =	sadd.s32 $0x208D800, s8;
	s8 =	simm.s32 $0x1  }
.LBB2_1:
0xc: {  	[tilespmem:s2], [sflag:$0x3] =	stream.linear.gather [hbm4b:s4+s2], $0x200, $0x38;
	[tilespmem:$0x18200] =	vst v63  }
0xd: {  	_ =	swait.ge [sflag:s7], $0x200  }
0xe: {  	s12 =	simm.s32 $0x7A00;
	[sflag:s7] =	ssyncset.done $0x0  }
0xf: {  	s13 =	simm.s32 $0x8280;
	s14 =	simm.s32 $0x0;
	[sflag:s7] =	ssyncadd.s32 $0xFFFFFE00  }
.LBB2_2:
0x10: {  	s15 =	sshll.u32 s14, $0x5  }
0x11: {  	v1 =	vld [tilespmem:s15+$0x0];
	_ =	sdelay $0x3  }
0x12: {  	s16 =	simm.s32 $0x0  }
0x13: {  	v2 =	vmov s16;
	v1 =	vshrl.u32 v1, $0x3  }
0x14: {  	vm0 =	veq.s32 v2, v0;
	v1 =	vor.u32 $0x80000000, v1  }
0x15: {  	s23 =	simm.s32 $0x1;
	v2 =	vnsel vm0, $0x80000000, v1  }
0x16: {  	(xrf0) =	vmax.scan.msk.u32 $0xffff, v2;
	v2 =	vmov s23  }
0x17: {  	vm8 =	veq.s32 v2, v0  }
0x18: {  	v2 =	vnsel vm8, $0x80000000, v1  }
0x19: {  	(xrf0) =	vmax.scan.msk.u32 $0xffff, v2;
	_ =	sdelay $0x4  }
0x1a: {  	v2, _, _ =	vpop (xrf0)  }
0x1b: {  	s24 =	simm.s32 $0x2;
	(v2sf) =	vpush v2, $0xF;
	v2, _, _ =	vpop (xrf0)  }
0x1c: {  	s25 =	simm.s32 $0x3;
	(v2sf) =	vpush v2, $0xF;
	v2 =	vmov s24  }
0x1d: {  	s17 =	simm.s32 $0x4;
	vm9 =	veq.s32 v2, v0;
	v2 =	vmov s25  }
0x1e: {  	s26 =	simm.s32 $0x5;
	v3 =	vnsel vm9, $0x80000000, v1;
	vm10 =	veq.s32 v2, v0;
	v2 =	vmov s17  }
0x1f: {  	s28 =	simm.s32 $0x6;
	(xrf0) =	vmax.scan.msk.u32 $0xffff, v3;
	vm11 =	veq.s32 v2, v0;
	v2 =	vmov s26  }
0x20: {  	vm12 =	veq.s32 v2, v0;
	v2 =	vmov s28  }
0x21: {  	v3 =	vnsel vm10, $0x80000000, v1;
	vm13 =	veq.s32 v2, v0  }
0x22: {  	(xrf0) =	vmax.scan.msk.u32 $0xffff, v3;
	v3 =	vnsel vm11, $0x80000000, v1;
	v2 =	vnsel vm13, $0x80000000, v1  }
0x23: {  	(xrf0) =	vmax.scan.msk.u32 $0xffff, v3;
	v3 =	vnsel vm12, $0x80000000, v1  }
0x24: {  	(xrf0) =	vmax.scan.msk.u32 $0xffff, v3  }
0x25: {  	(xrf0) =	vmax.scan.msk.u32 $0xffff, v2;
	v2, _, _ =	vpop (xrf0)  }
0x26: {  	s30 =	simm.s32 $0x7;
	(v2sf) =	vpush v2, $0xF  }
0x27: {  	v2 =	vmov s30  }
0x28: {  	v3, _, _ =	vpop (xrf0);
	vm14 =	veq.s32 v2, v0  }
0x29: {  	(v2sf) =	vpush v3, $0xF;
	v3 =	vnsel vm14, $0x80000000, v1  }
0x2a: {  	v4, _, _ =	vpop (xrf0)  }
0x2b: {  	s29 =	spop (v2sf);
	(v2sf) =	vpush v4, $0xF;
	v63, _, _ =	vpop (xrf0)  }
0x2c: {  	(xrf0) =	vmax.scan.msk.u32 $0xffff, v3;
	(v2sf) =	vpush v63, $0xF;
	v3, _, _ =	vpop (xrf0)  }
0x2d: {  	s19 =	spop (v2sf);
	(v2sf) =	vpush v3, $0xF;
	_ =	sdelay $0x2  }
0x2e: {  	s18 =	simm.s32 $0x8;
	s16 =	sshll.u32 s29, $0x7  }
0x2f: {  	v2 =	vmov s18;
	s16 =	sand.u32 $0x1FFFFF80, s16  }
0x30: {  	s31 =	simm.s32 $0x200;
	s17 =	simm.s32 $0xA;
	vm15 =	veq.s32 v2, v0;
	s16 =	sadd.s32 s3, s16  }
0x31: {  	v2 =	vnsel vm15, $0x80000000, v1;
	[tilespmem:s31], [sflag:$0x1] =	stream.linear.gather [hbm4b:s16+s2], $0x400, $0x38;
	[tilespmem:$0x18200] =	vst v63  }
0x32: {  	s18 =	simm.s32 $0x9;
	(xrf0) =	vmax.scan.msk.u32 $0xffff, v2;
	s16 =	simm.s32 $0x600;
	s19 =	sshll.u32 s19, $0x7  }
.LBB2_3:
0x33: {  	p0 =	slt.u32 s17, $0xE;
	v2 =	vmov s18;
	s18 =	spop (v2sf);
	s19 =	sand.u32 $0x1FFFFF80, s19  }
0x34: {  	vm0 =	veq.s32 v2, v0;
	s18 =	sshll.u32 s18, $0x7;
	s19 =	sadd.s32 s3, s19  }
0x35: {  	[tilespmem:s16], [sflag:$0x1] =	stream.linear.gather [hbm4b:s19+s2], $0x400, $0x38;
	[tilespmem:$0x18200] =	vst v63  }
.Ltmp0:
0x36: {  	v2 =	vnsel vm0, $0x80000000, v1;
	v3, _, _ =	vpop (xrf0);
	(pc) =	sbr.rel @p0 .LBB2_3-.Ltmp0, $4  }
0x37: {  	v4 =	vmov s17;
	s18 =	sand.u32 $0x1FFFFF80, s18;
	s16 =	sadd.s32 $0x800, s16;
	(xrf0) =	vmax.scan.msk.u32 $0xffff, v2;
	(v2sf) =	vpush v3, $0xF  }
0x38: {  	vm0 =	veq.s32 v4, v0;
	s19 =	sadd.s32 $0xFFFFFC00, s16;
	s18 =	sadd.s32 s3, s18;
	s20 =	spop (v2sf)  }
0x39: {  	v2 =	vnsel vm0, $0x80000000, v1;
	v3, _, _ =	vpop (xrf0);
	[tilespmem:s19], [sflag:$0x1] =	stream.linear.gather [hbm4b:s18+s2], $0x400, $0x38;
	[tilespmem:$0x18200] =	vst v63  }
0x3a: {  	s18 =	sadd.s32 $0x1, s17;
	s17 =	sadd.s32 $0x2, s17;
	s19 =	sshll.u32 s20, $0x7;
	(xrf0) =	vmax.scan.msk.u32 $0xffff, v2;
	(v2sf) =	vpush v3, $0xF  }
0x3b: {  	_ = 	snop  }
0x3c: {  	v2 =	vmov s18;
	s17 =	spop (v2sf);
	s22 =	sand.u32 $0x1FFFFF80, s19  }
0x3d: {  	s23 =	sadd.s32 $0x800, s16;
	vm0 =	veq.s32 v2, v0;
	s17 =	sshll.u32 s17, $0x7;
	s18 =	sadd.s32 s3, s22  }
0x3e: {  	v1 =	vnsel vm0, $0x80000000, v1;
	[tilespmem:s16], [sflag:$0x1] =	stream.linear.gather [hbm4b:s18+s2], $0x400, $0x38;
	[tilespmem:$0x18200] =	vst v63  }
0x3f: {  	s24 =	sadd.s32 $0xFFFFFC00, s23;
	s25 =	spop (v2sf);
	s17 =	sand.u32 $0x1FFFFF80, s17;
	v2, _, _ =	vpop (xrf0)  }
0x40: {  	s26 =	sshll.u32 s25, $0x7;
	s28 =	spop (v2sf);
	(xrf0) =	vmax.scan.msk.u32 $0xffff, v1;
	s17 =	sadd.s32 s3, s17;
	(v2sf) =	vpush v2, $0xF  }
0x41: {  	[tilespmem:s24], [sflag:$0x1] =	stream.linear.gather [hbm4b:s17+s2], $0x400, $0x38;
	v1, _, _ =	vpop (xrf0);
	[tilespmem:$0x18200] =	vst v63  }
0x42: {  	s18 =	sshll.u32 s28, $0x7;
	s17 =	sand.u32 $0x1FFFFF80, s26;
	(v2sf) =	vpush v1, $0xF  }
0x43: {  	s16 =	sadd.s32 $0x800, s23;
	s29 =	sand.u32 $0x1FFFFF80, s18;
	s17 =	sadd.s32 s3, s17  }
0x44: {  	[tilespmem:s23], [sflag:$0x1] =	stream.linear.gather [hbm4b:s17+s2], $0x400, $0x38;
	[tilespmem:$0x18200] =	vst v63  }
0x45: {  	s30 =	sadd.s32 $0xFFFFFC00, s16;
	s17 =	sadd.s32 s3, s29  }
0x46: {  	[tilespmem:s30], [sflag:$0x1] =	stream.linear.gather [hbm4b:s17+s2], $0x400, $0x38;
	[tilespmem:$0x18200] =	vst v63  }
0x47: {  	v1, _, _ =	vpop (xrf0);
	s31 =	spop (v2sf)  }
0x48: {  	(v2sf) =	vpush v1, $0xF;
	s20 =	sshll.u32 s31, $0x7  }
0x49: {  	s17 =	sand.u32 $0x1FFFFF80, s20;
	s21 =	spop (v2sf)  }
0x4a: {  	s17 =	sadd.s32 s3, s17;
	s18 =	sshll.u32 s21, $0x7  }
0x4b: {  	[tilespmem:s16], [sflag:$0x1] =	stream.linear.gather [hbm4b:s17+s2], $0x400, $0x38;
	[tilespmem:$0x18200] =	vst v63  }
0x4c: {  	s16 =	sadd.s32 $0x800, s16;
	s22 =	sand.u32 $0x1FFFFF80, s18  }
0x4d: {  	s23 =	sadd.s32 $0xFFFFFC00, s16;
	s17 =	sadd.s32 s3, s22  }
0x4e: {  	[tilespmem:s23], [sflag:$0x1] =	stream.linear.gather [hbm4b:s17+s2], $0x400, $0x38;
	[tilespmem:$0x18200] =	vst v63  }
0x4f: {  	s24 =	spop (v2sf)  }
0x50: {  	s25 =	sshll.u32 s24, $0x7  }
0x51: {  	s26 =	spop (v2sf);
	s17 =	sand.u32 $0x1FFFFF80, s25  }
0x52: {  	s18 =	sshll.u32 s26, $0x7;
	s17 =	sadd.s32 s3, s17  }
0x53: {  	[tilespmem:s16], [sflag:$0x1] =	stream.linear.gather [hbm4b:s17+s2], $0x400, $0x38;
	[tilespmem:$0x18200] =	vst v63  }
0x54: {  	s28 =	sand.u32 $0x1FFFFF80, s18;
	s16 =	sadd.s32 $0x800, s16  }
0x55: {  	p0 =	seq.s32 s14, $0x0;
	s29 =	sadd.s32 $0xFFFFFC00, s16;
	s17 =	sadd.s32 s3, s28  }
0x56: {  	[tilespmem:s29], [sflag:$0x1] =	stream.linear.gather [hbm4b:s17+s2], $0x400, $0x38;
	[tilespmem:$0x18200] =	vst v63  }
.Ltmp1:
0x57: {  	s30 =	spop (v2sf);
	(pc) =	sbr.rel @p0 .LBB2_8-.Ltmp1, $4  }
0x58: {  	s31 =	sshll.u32 s30, $0x7  }
0x59: {  	s17 =	sand.u32 $0x1FFFFF80, s31  }
0x5a: {  	s17 =	sadd.s32 s3, s17  }
0x5b: {  	[tilespmem:s16], [sflag:$0x1] =	stream.linear.gather [hbm4b:s17+s2], $0x400, $0x38;
	[tilespmem:$0x18200] =	vst v63  }
0x5c: {  	_ =	swait.ge [sflag:s9], $0x4000  }
0x5d: {  	[sflag:s9] =	ssyncset.done $0x0  }
0x5e: {  	[sflag:s9] =	ssyncadd.s32 $0xFFFFC000  }
0x5f: {  	v1 =	vld [tilespmem:s15+$0xFFFFFFF0];
	_ =	sdelay $0x3  }
0x60: {  	s16 =	simm.s32 $0x0  }
0x61: {  	v2 =	vmov s16;
	v1 =	vand.u32 $0x7, v1  }
0x62: {  	vm0 =	veq.s32 v2, v0;
	v1 =	vor.u32 $0x80000000, v1  }
0x63: {  	v2 =	vnsel vm0, $0x80000000, v1  }
0x64: {  	(xrf0) =	vmax.scan.msk.u32 $0xffff, v2;
	_ =	sdelay $0x5  }
0x65: {  	v2, _, _ =	vpop (xrf0)  }
0x66: {  	(v2sf) =	vpush v2, $0xF;
	_ =	sdelay $0xc  }
0x67: {  	s17 =	simm.s32 $0x1  }
0x68: {  	v3 =	vmov s17  }
0x69: {  	vm15 =	veq.s32 v3, v0;
	s31 =	spop (v2sf)  }
0x6a: {  	v3 =	vnsel vm15, $0x80000000, v1;
	s16 =	sshll.u32 s31, $0x9  }
0x6b: {  	(xrf0) =	vmax.scan.msk.u32 $0xffff, v3;
	s16 =	sshra.s32 s16, $0x2  }
0x6c: {  	s16 =	sadd.s32 $0x4630, s16  }
0x6d: {  	v2 =	vld [tilespmem:s16+$0xFFFFFBD0];
	_ =	sdelay $0x3  }
0x6e: {  	v3, _, _ =	vpop (xrf0)  }
0x6f: {  	(v2sf) =	vpush v3, $0xF;
	[tilespmem:s12+$0x0] =	vst v2  }
0x70: {  	v2 =	vld [tilespmem:s16+$0xFFFFFBE0];
	_ =	sdelay $0x4  }
0x71: {  	[tilespmem:s12+$0x10] =	vst v2  }
0x72: {  	v2 =	vld [tilespmem:s16+$0xFFFFFBF0];
	_ =	sdelay $0x4  }
0x73: {  	[tilespmem:s12+$0x20] =	vst v2  }
0x74: {  	s18 =	simm.s32 $0x2;
	v2 =	vld [tilespmem:s16+$0xFFFFFC00]  }
0x75: {  	s19 =	simm.s32 $0x4;
	s17 =	simm.s32 $0x4630;
	v3 =	vmov s18;
	s16 =	smov.u32 s12  }
.LBB2_6:
0x76: {  	p0 =	slt.u32 s19, $0xE;
	vm0 =	veq.s32 v3, v0;
	s20 =	spop (v2sf)  }
0x77: {  	v3 =	vnsel vm0, $0x80000000, v1;
	s20 =	sshll.u32 s20, $0x9  }
0x78: {  	(xrf0) =	vmax.scan.msk.u32 $0xffff, v3;
	s20 =	sshra.s32 s20, $0x2  }
0x79: {  	[tilespmem:s16+$0x30] =	vst v2;
	s20 =	sadd.s32 s20, s17  }
0x7a: {  	v2 =	vld [tilespmem:s20+$0xFFFFFFD0];
	_ =	sdelay $0x3  }
0x7b: {  	v3, _, _ =	vpop (xrf0)  }
0x7c: {  	(v2sf) =	vpush v3, $0xF;
	[tilespmem:s16+$0x80] =	vst v2  }
0x7d: {  	v2 =	vld [tilespmem:s20+$0xFFFFFFE0];
	_ =	sdelay $0x4  }
0x7e: {  	[tilespmem:s16+$0x90] =	vst v2  }
0x7f: {  	v2 =	vld [tilespmem:s20+$0xFFFFFFF0];
	_ =	sdelay $0x4  }
0x80: {  	[tilespmem:s16+$0xA0] =	vst v2  }
0x81: {  	s21 =	sadd.s32 $0x1, s18;
	s18 =	smov.u32 s19;
	v2 =	vld [tilespmem:s20+$0x0]  }
0x82: {  	v3 =	vmov s21  }
0x83: {  	vm0 =	veq.s32 v3, v0;
	s20 =	spop (v2sf)  }
0x84: {  	v3 =	vnsel vm0, $0x80000000, v1;
	s20 =	sshll.u32 s20, $0x9  }
0x85: {  	s17 =	sadd.s32 $0x800, s17;
	s20 =	sshra.s32 s20, $0x2;
	(xrf0) =	vmax.scan.msk.u32 $0xffff, v3  }
0x86: {  	s20 =	sadd.s32 s20, s17;
	[tilespmem:s16+$0xB0] =	vst v2  }
0x87: {  	v2 =	vld [tilespmem:s20+$0xFFFFFBD0];
	_ =	sdelay $0x3  }
0x88: {  	s16 =	sadd.s32 $0x100, s16;
	v3, _, _ =	vpop (xrf0)  }
0x89: {  	[tilespmem:s16+$0x0] =	vst v2;
	(v2sf) =	vpush v3, $0xF  }
0x8a: {  	v2 =	vld [tilespmem:s20+$0xFFFFFBE0];
	_ =	sdelay $0x4  }
0x8b: {  	[tilespmem:s16+$0x10] =	vst v2  }
0x8c: {  	v2 =	vld [tilespmem:s20+$0xFFFFFBF0];
	_ =	sdelay $0x2  }
.Ltmp2:
0x8d: {  	(pc) =	sbr.rel @p0 .LBB2_6-.Ltmp2, $4  }
0x8e: {  	_ = 	snop  }
0x8f: {  	[tilespmem:s16+$0x20] =	vst v2  }
0x90: {  	v2 =	vld [tilespmem:s20+$0xFFFFFC00]  }
0x91: {  	s19 =	sadd.s32 $0x2, s19;
	v3 =	vmov s18  }
0x92: {  	vm0 =	veq.s32 v3, v0;
	s19 =	spop (v2sf)  }
0x93: {  	v3 =	vnsel vm0, $0x80000000, v1;
	s19 =	sshll.u32 s19, $0x9  }
0x94: {  	(xrf0) =	vmax.scan.msk.u32 $0xffff, v3;
	s19 =	sshra.s32 s19, $0x2  }
0x95: {  	[tilespmem:s16+$0x30] =	vst v2;
	s19 =	sadd.s32 s19, s17  }
0x96: {  	v2 =	vld [tilespmem:s19+$0xFFFFFFD0];
	_ =	sdelay $0x3  }
0x97: {  	v3, _, _ =	vpop (xrf0)  }
0x98: {  	(v2sf) =	vpush v3, $0xF;
	[tilespmem:s16+$0x80] =	vst v2  }
0x99: {  	v2 =	vld [tilespmem:s19+$0xFFFFFFE0];
	_ =	sdelay $0x4  }
0x9a: {  	[tilespmem:s16+$0x90] =	vst v2  }
0x9b: {  	v2 =	vld [tilespmem:s19+$0xFFFFFFF0];
	_ =	sdelay $0x4  }
0x9c: {  	[tilespmem:s16+$0xA0] =	vst v2  }
0x9d: {  	s18 =	sadd.s32 $0x1, s18;
	v2 =	vld [tilespmem:s19+$0x0]  }
0x9e: {  	v3 =	vmov s18  }
0x9f: {  	vm15 =	veq.s32 v3, v0;
	s28 =	spop (v2sf)  }
0xa0: {  	v1 =	vnsel vm15, $0x80000000, v1;
	s18 =	sshll.u32 s28, $0x9  }
0xa1: {  	s29 =	sadd.s32 $0x800, s17;
	(xrf0) =	vmax.scan.msk.u32 $0xffff, v1;
	s18 =	sshra.s32 s18, $0x2  }
0xa2: {  	s18 =	sadd.s32 s18, s29;
	[tilespmem:s16+$0xB0] =	vst v2  }
0xa3: {  	v1 =	vld [tilespmem:s18+$0xFFFFFBD0];
	_ =	sdelay $0x3  }
0xa4: {  	s30 =	sadd.s32 $0x100, s16;
	v2, _, _ =	vpop (xrf0)  }
0xa5: {  	(v2sf) =	vpush v2, $0xF;
	[tilespmem:s30+$0x0] =	vst v1  }
0xa6: {  	v1 =	vld [tilespmem:s18+$0xFFFFFBE0];
	_ =	sdelay $0x4  }
0xa7: {  	[tilespmem:s30+$0x10] =	vst v1  }
0xa8: {  	v1 =	vld [tilespmem:s18+$0xFFFFFBF0];
	_ =	sdelay $0x4  }
0xa9: {  	[tilespmem:s30+$0x20] =	vst v1  }
0xaa: {  	v1 =	vld [tilespmem:s18+$0xFFFFFC00];
	_ =	sdelay $0x1  }
0xab: {  	s31 =	spop (v2sf)  }
0xac: {  	s18 =	sshll.u32 s31, $0x9  }
0xad: {  	s18 =	sshra.s32 s18, $0x2  }
0xae: {  	s17 =	sadd.s32 s18, s29;
	[tilespmem:s30+$0x30] =	vst v1  }
0xaf: {  	v1 =	vld [tilespmem:s17+$0xFFFFFFD0];
	_ =	sdelay $0x4  }
0xb0: {  	[tilespmem:s30+$0x80] =	vst v1  }
0xb1: {  	v1 =	vld [tilespmem:s17+$0xFFFFFFE0];
	_ =	sdelay $0x4  }
0xb2: {  	[tilespmem:s30+$0x90] =	vst v1  }
0xb3: {  	v1 =	vld [tilespmem:s17+$0xFFFFFFF0];
	_ =	sdelay $0x4  }
0xb4: {  	[tilespmem:s30+$0xA0] =	vst v1  }
0xb5: {  	v1 =	vld [tilespmem:s17+$0x0];
	_ =	sdelay $0x4  }
0xb6: {  	[tilespmem:s30+$0xB0] =	vst v1  }
.LBB2_8:
0xb7: {  	s16 =	sand.u32 $0x3FFFFFE0, s15  }
0xb8: {  	v1 =	vld [tilespmem:s16+$0x10];
	_ =	sdelay $0x3  }
0xb9: {  	s22 =	simm.s32 $0x0  }
0xba: {  	v2 =	vmov s22;
	v1 =	vshrl.u32 v1, $0x3  }
0xbb: {  	vm0 =	veq.s32 v2, v0;
	v1 =	vor.u32 $0x80000000, v1  }
0xbc: {  	s23 =	simm.s32 $0x1;
	v2 =	vnsel vm0, $0x80000000, v1  }
0xbd: {  	(xrf0) =	vmax.scan.msk.u32 $0xffff, v2;
	v2 =	vmov s23  }
0xbe: {  	vm8 =	veq.s32 v2, v0  }
0xbf: {  	v2 =	vnsel vm8, $0x80000000, v1  }
0xc0: {  	(xrf0) =	vmax.scan.msk.u32 $0xffff, v2;
	_ =	sdelay $0x4  }
0xc1: {  	v2, _, _ =	vpop (xrf0)  }
0xc2: {  	s24 =	simm.s32 $0x2;
	(v2sf) =	vpush v2, $0xF;
	v2, _, _ =	vpop (xrf0)  }
0xc3: {  	s25 =	simm.s32 $0x3;
	(v2sf) =	vpush v2, $0xF;
	v2 =	vmov s24  }
0xc4: {  	s17 =	simm.s32 $0x4;
	vm9 =	veq.s32 v2, v0;
	v2 =	vmov s25  }
0xc5: {  	s26 =	simm.s32 $0x5;
	v3 =	vnsel vm9, $0x80000000, v1;
	vm10 =	veq.s32 v2, v0;
	v2 =	vmov s17  }
0xc6: {  	s28 =	simm.s32 $0x6;
	(xrf0) =	vmax.scan.msk.u32 $0xffff, v3;
	vm11 =	veq.s32 v2, v0;
	v2 =	vmov s26  }
0xc7: {  	vm12 =	veq.s32 v2, v0;
	v2 =	vmov s28  }
0xc8: {  	v3 =	vnsel vm10, $0x80000000, v1;
	vm13 =	veq.s32 v2, v0  }
0xc9: {  	(xrf0) =	vmax.scan.msk.u32 $0xffff, v3;
	v3 =	vnsel vm11, $0x80000000, v1;
	v2 =	vnsel vm13, $0x80000000, v1  }
0xca: {  	(xrf0) =	vmax.scan.msk.u32 $0xffff, v3;
	v3 =	vnsel vm12, $0x80000000, v1  }
0xcb: {  	(xrf0) =	vmax.scan.msk.u32 $0xffff, v3  }
0xcc: {  	(xrf0) =	vmax.scan.msk.u32 $0xffff, v2;
	v2, _, _ =	vpop (xrf0)  }
0xcd: {  	s30 =	simm.s32 $0x7;
	(v2sf) =	vpush v2, $0xF  }
0xce: {  	v2 =	vmov s30  }
0xcf: {  	v3, _, _ =	vpop (xrf0);
	vm14 =	veq.s32 v2, v0  }
0xd0: {  	(v2sf) =	vpush v3, $0xF;
	v3 =	vnsel vm14, $0x80000000, v1  }
0xd1: {  	v4, _, _ =	vpop (xrf0)  }
0xd2: {  	s29 =	spop (v2sf);
	(v2sf) =	vpush v4, $0xF;
	v63, _, _ =	vpop (xrf0)  }
0xd3: {  	(xrf0) =	vmax.scan.msk.u32 $0xffff, v3;
	(v2sf) =	vpush v63, $0xF;
	v3, _, _ =	vpop (xrf0)  }
0xd4: {  	s19 =	spop (v2sf);
	(v2sf) =	vpush v3, $0xF;
	_ =	sdelay $0x2  }
0xd5: {  	s18 =	simm.s32 $0x8;
	s16 =	sshll.u32 s29, $0x7  }
0xd6: {  	v2 =	vmov s18;
	s16 =	sand.u32 $0x1FFFFF80, s16  }
0xd7: {  	s31 =	simm.s32 $0x4200;
	s17 =	simm.s32 $0xA;
	vm15 =	veq.s32 v2, v0;
	s16 =	sadd.s32 s3, s16  }
0xd8: {  	v2 =	vnsel vm15, $0x80000000, v1;
	[tilespmem:s31], [sflag:$0x2] =	stream.linear.gather [hbm4b:s16+s2], $0x400, $0x38;
	[tilespmem:$0x18200] =	vst v63  }
0xd9: {  	s18 =	simm.s32 $0x9;
	(xrf0) =	vmax.scan.msk.u32 $0xffff, v2;
	s16 =	simm.s32 $0x4600;
	s19 =	sshll.u32 s19, $0x7  }
.LBB2_9:
0xda: {  	p0 =	slt.u32 s17, $0xE;
	v2 =	vmov s18;
	s18 =	spop (v2sf);
	s19 =	sand.u32 $0x1FFFFF80, s19  }
0xdb: {  	vm0 =	veq.s32 v2, v0;
	s18 =	sshll.u32 s18, $0x7;
	s19 =	sadd.s32 s3, s19  }
0xdc: {  	[tilespmem:s16], [sflag:$0x2] =	stream.linear.gather [hbm4b:s19+s2], $0x400, $0x38;
	[tilespmem:$0x18200] =	vst v63  }
.Ltmp3:
0xdd: {  	v2 =	vnsel vm0, $0x80000000, v1;
	v3, _, _ =	vpop (xrf0);
	(pc) =	sbr.rel @p0 .LBB2_9-.Ltmp3, $4  }
0xde: {  	v4 =	vmov s17;
	s18 =	sand.u32 $0x1FFFFF80, s18;
	s16 =	sadd.s32 $0x800, s16;
	(xrf0) =	vmax.scan.msk.u32 $0xffff, v2;
	(v2sf) =	vpush v3, $0xF  }
0xdf: {  	vm0 =	veq.s32 v4, v0;
	s19 =	sadd.s32 $0xFFFFFC00, s16;
	s18 =	sadd.s32 s3, s18;
	s20 =	spop (v2sf)  }
0xe0: {  	v2 =	vnsel vm0, $0x80000000, v1;
	v3, _, _ =	vpop (xrf0);
	[tilespmem:s19], [sflag:$0x2] =	stream.linear.gather [hbm4b:s18+s2], $0x400, $0x38;
	[tilespmem:$0x18200] =	vst v63  }
0xe1: {  	s18 =	sadd.s32 $0x1, s17;
	s17 =	sadd.s32 $0x2, s17;
	s19 =	sshll.u32 s20, $0x7;
	(xrf0) =	vmax.scan.msk.u32 $0xffff, v2;
	(v2sf) =	vpush v3, $0xF  }
0xe2: {  	_ = 	snop  }
0xe3: {  	v2 =	vmov s18;
	s17 =	spop (v2sf);
	s20 =	sand.u32 $0x1FFFFF80, s19  }
0xe4: {  	s21 =	sadd.s32 $0x800, s16;
	vm0 =	veq.s32 v2, v0;
	s17 =	sshll.u32 s17, $0x7;
	s18 =	sadd.s32 s3, s20  }
0xe5: {  	v1 =	vnsel vm0, $0x80000000, v1;
	[tilespmem:s16], [sflag:$0x2] =	stream.linear.gather [hbm4b:s18+s2], $0x400, $0x38;
	[tilespmem:$0x18200] =	vst v63  }
0xe6: {  	s22 =	sadd.s32 $0xFFFFFC00, s21;
	s23 =	spop (v2sf);
	s17 =	sand.u32 $0x1FFFFF80, s17;
	v2, _, _ =	vpop (xrf0);
	(xrf0) =	vmax.scan.msk.u32 $0xffff, v1  }
0xe7: {  	s24 =	sshll.u32 s23, $0x7;
	s25 =	spop (v2sf);
	s17 =	sadd.s32 s3, s17;
	(v2sf) =	vpush v2, $0xF  }
0xe8: {  	[tilespmem:s22], [sflag:$0x2] =	stream.linear.gather [hbm4b:s17+s2], $0x400, $0x38;
	v1, _, _ =	vpop (xrf0);
	[tilespmem:$0x18200] =	vst v63  }
0xe9: {  	s18 =	sshll.u32 s25, $0x7;
	s17 =	sand.u32 $0x1FFFFF80, s24;
	(v2sf) =	vpush v1, $0xF  }
0xea: {  	s16 =	sadd.s32 $0x800, s21;
	s26 =	sand.u32 $0x1FFFFF80, s18;
	s17 =	sadd.s32 s3, s17  }
0xeb: {  	[tilespmem:s21], [sflag:$0x2] =	stream.linear.gather [hbm4b:s17+s2], $0x400, $0x38;
	[tilespmem:$0x18200] =	vst v63  }
0xec: {  	s28 =	sadd.s32 $0xFFFFFC00, s16;
	s17 =	sadd.s32 s3, s26;
	v1, _, _ =	vpop (xrf0)  }
0xed: {  	[tilespmem:s28], [sflag:$0x2] =	stream.linear.gather [hbm4b:s17+s2], $0x400, $0x38;
	(v2sf) =	vpush v1, $0xF;
	[tilespmem:$0x18200] =	vst v63  }
0xee: {  	s29 =	spop (v2sf)  }
0xef: {  	s30 =	sshll.u32 s29, $0x7  }
0xf0: {  	s17 =	sand.u32 $0x1FFFFF80, s30;
	s31 =	spop (v2sf)  }
0xf1: {  	s17 =	sadd.s32 s3, s17;
	s18 =	sshll.u32 s31, $0x7  }
0xf2: {  	[tilespmem:s16], [sflag:$0x2] =	stream.linear.gather [hbm4b:s17+s2], $0x400, $0x38;
	[tilespmem:$0x18200] =	vst v63  }
0xf3: {  	s16 =	sadd.s32 $0x800, s16;
	s19 =	sand.u32 $0x1FFFFF80, s18  }
0xf4: {  	s20 =	sadd.s32 $0xFFFFFC00, s16;
	s17 =	sadd.s32 s3, s19  }
0xf5: {  	[tilespmem:s20], [sflag:$0x2] =	stream.linear.gather [hbm4b:s17+s2], $0x400, $0x38;
	[tilespmem:$0x18200] =	vst v63  }
0xf6: {  	s21 =	spop (v2sf)  }
0xf7: {  	s22 =	sshll.u32 s21, $0x7  }
0xf8: {  	s23 =	spop (v2sf);
	s17 =	sand.u32 $0x1FFFFF80, s22  }
0xf9: {  	s18 =	sshll.u32 s23, $0x7;
	s17 =	sadd.s32 s3, s17  }
0xfa: {  	[tilespmem:s16], [sflag:$0x2] =	stream.linear.gather [hbm4b:s17+s2], $0x400, $0x38;
	[tilespmem:$0x18200] =	vst v63  }
0xfb: {  	s24 =	sand.u32 $0x1FFFFF80, s18;
	s16 =	sadd.s32 $0x800, s16  }
0xfc: {  	s25 =	sadd.s32 $0xFFFFFC00, s16;
	s17 =	sadd.s32 s3, s24;
	s26 =	spop (v2sf)  }
0xfd: {  	[tilespmem:s25], [sflag:$0x2] =	stream.linear.gather [hbm4b:s17+s2], $0x400, $0x38;
	[tilespmem:$0x18200] =	vst v63  }
0xfe: {  	s28 =	sshll.u32 s26, $0x7  }
0xff: {  	s17 =	sand.u32 $0x1FFFFF80, s28  }
0x100: {  	s17 =	sadd.s32 s3, s17  }
0x101: {  	[tilespmem:s16], [sflag:$0x2] =	stream.linear.gather [hbm4b:s17+s2], $0x400, $0x38;
	[tilespmem:$0x18200] =	vst v63  }
0x102: {  	_ =	swait.ge [sflag:s8], $0x4000  }
0x103: {  	[sflag:s8] =	ssyncset.done $0x0  }
0x104: {  	[sflag:s8] =	ssyncadd.s32 $0xFFFFC000  }
0x105: {  	v1 =	vld [tilespmem:s15+$0x0];
	_ =	sdelay $0x3  }
0x106: {  	s29 =	simm.s32 $0x0  }
0x107: {  	v2 =	vmov s29;
	v1 =	vand.u32 $0x7, v1  }
0x108: {  	vm14 =	veq.s32 v2, v0;
	v1 =	vor.u32 $0x80000000, v1  }
0x109: {  	v2 =	vnsel vm14, $0x80000000, v1  }
0x10a: {  	(xrf0) =	vmax.scan.msk.u32 $0xffff, v2;
	_ =	sdelay $0x5  }
0x10b: {  	v2, _, _ =	vpop (xrf0)  }
0x10c: {  	(v2sf) =	vpush v2, $0xF;
	_ =	sdelay $0xc  }
0x10d: {  	s31 =	simm.s32 $0x1  }
0x10e: {  	v3 =	vmov s31  }
0x10f: {  	vm15 =	veq.s32 v3, v0;
	s30 =	spop (v2sf)  }
0x110: {  	v3 =	vnsel vm15, $0x80000000, v1;
	s15 =	sshll.u32 s30, $0x9  }
0x111: {  	(xrf0) =	vmax.scan.msk.u32 $0xffff, v3;
	s15 =	sshra.s32 s15, $0x2  }
0x112: {  	s15 =	sadd.s32 $0x630, s15  }
0x113: {  	v2 =	vld [tilespmem:s15+$0xFFFFFBD0];
	_ =	sdelay $0x3  }
0x114: {  	v3, _, _ =	vpop (xrf0)  }
0x115: {  	(v2sf) =	vpush v3, $0xF;
	[tilespmem:s13+$0xFFFFFF80] =	vst v2  }
0x116: {  	v2 =	vld [tilespmem:s15+$0xFFFFFBE0];
	_ =	sdelay $0x4  }
0x117: {  	[tilespmem:s13+$0xFFFFFF90] =	vst v2  }
0x118: {  	v2 =	vld [tilespmem:s15+$0xFFFFFBF0];
	_ =	sdelay $0x4  }
0x119: {  	[tilespmem:s13+$0xFFFFFFA0] =	vst v2  }
0x11a: {  	s17 =	simm.s32 $0x2;
	v2 =	vld [tilespmem:s15+$0xFFFFFC00]  }
0x11b: {  	s18 =	simm.s32 $0x4;
	s16 =	simm.s32 $0x630;
	v3 =	vmov s17;
	s15 =	smov.u32 s13  }
.LBB2_11:
0x11c: {  	p0 =	slt.u32 s18, $0xE;
	vm0 =	veq.s32 v3, v0;
	s19 =	spop (v2sf)  }
0x11d: {  	v3 =	vnsel vm0, $0x80000000, v1;
	s19 =	sshll.u32 s19, $0x9  }
0x11e: {  	(xrf0) =	vmax.scan.msk.u32 $0xffff, v3;
	s19 =	sshra.s32 s19, $0x2  }
0x11f: {  	[tilespmem:s15+$0xFFFFFFB0] =	vst v2;
	s19 =	sadd.s32 s19, s16  }
0x120: {  	v2 =	vld [tilespmem:s19+$0xFFFFFFD0];
	_ =	sdelay $0x3  }
0x121: {  	v3, _, _ =	vpop (xrf0)  }
0x122: {  	(v2sf) =	vpush v3, $0xF;
	[tilespmem:s15+$0x0] =	vst v2  }
0x123: {  	v2 =	vld [tilespmem:s19+$0xFFFFFFE0];
	_ =	sdelay $0x4  }
0x124: {  	[tilespmem:s15+$0x10] =	vst v2  }
0x125: {  	v2 =	vld [tilespmem:s19+$0xFFFFFFF0];
	_ =	sdelay $0x4  }
0x126: {  	[tilespmem:s15+$0x20] =	vst v2  }
0x127: {  	s20 =	sadd.s32 $0x1, s17;
	s17 =	smov.u32 s18;
	v2 =	vld [tilespmem:s19+$0x0]  }
0x128: {  	v3 =	vmov s20  }
0x129: {  	vm0 =	veq.s32 v3, v0;
	s19 =	spop (v2sf)  }
0x12a: {  	v3 =	vnsel vm0, $0x80000000, v1;
	s19 =	sshll.u32 s19, $0x9  }
0x12b: {  	s16 =	sadd.s32 $0x800, s16;
	s19 =	sshra.s32 s19, $0x2;
	(xrf0) =	vmax.scan.msk.u32 $0xffff, v3  }
0x12c: {  	s19 =	sadd.s32 s19, s16;
	[tilespmem:s15+$0x30] =	vst v2  }
0x12d: {  	v2 =	vld [tilespmem:s19+$0xFFFFFBD0];
	_ =	sdelay $0x3  }
0x12e: {  	s15 =	sadd.s32 $0x100, s15;
	v3, _, _ =	vpop (xrf0)  }
0x12f: {  	[tilespmem:s15+$0xFFFFFF80] =	vst v2;
	(v2sf) =	vpush v3, $0xF  }
0x130: {  	v2 =	vld [tilespmem:s19+$0xFFFFFBE0];
	_ =	sdelay $0x4  }
0x131: {  	[tilespmem:s15+$0xFFFFFF90] =	vst v2  }
0x132: {  	v2 =	vld [tilespmem:s19+$0xFFFFFBF0];
	_ =	sdelay $0x2  }
.Ltmp4:
0x133: {  	(pc) =	sbr.rel @p0 .LBB2_11-.Ltmp4, $4  }
0x134: {  	_ = 	snop  }
0x135: {  	[tilespmem:s15+$0xFFFFFFA0] =	vst v2  }
0x136: {  	v2 =	vld [tilespmem:s19+$0xFFFFFC00]  }
0x137: {  	s18 =	sadd.s32 $0x2, s18;
	v3 =	vmov s17  }
0x138: {  	vm0 =	veq.s32 v3, v0;
	s18 =	spop (v2sf)  }
0x139: {  	v3 =	vnsel vm0, $0x80000000, v1;
	s18 =	sshll.u32 s18, $0x9  }
0x13a: {  	(xrf0) =	vmax.scan.msk.u32 $0xffff, v3;
	s18 =	sshra.s32 s18, $0x2  }
0x13b: {  	[tilespmem:s15+$0xFFFFFFB0] =	vst v2;
	s18 =	sadd.s32 s18, s16  }
0x13c: {  	v2 =	vld [tilespmem:s18+$0xFFFFFFD0];
	_ =	sdelay $0x3  }
0x13d: {  	v3, _, _ =	vpop (xrf0)  }
0x13e: {  	(v2sf) =	vpush v3, $0xF;
	[tilespmem:s15+$0x0] =	vst v2  }
0x13f: {  	v2 =	vld [tilespmem:s18+$0xFFFFFFE0];
	_ =	sdelay $0x4  }
0x140: {  	[tilespmem:s15+$0x10] =	vst v2  }
0x141: {  	v2 =	vld [tilespmem:s18+$0xFFFFFFF0];
	_ =	sdelay $0x4  }
0x142: {  	[tilespmem:s15+$0x20] =	vst v2  }
0x143: {  	s17 =	sadd.s32 $0x1, s17;
	v2 =	vld [tilespmem:s18+$0x0]  }
0x144: {  	v3 =	vmov s17  }
0x145: {  	vm15 =	veq.s32 v3, v0;
	s28 =	spop (v2sf)  }
0x146: {  	v1 =	vnsel vm15, $0x80000000, v1;
	s17 =	sshll.u32 s28, $0x9  }
0x147: {  	s29 =	sadd.s32 $0x800, s16;
	(xrf0) =	vmax.scan.msk.u32 $0xffff, v1;
	s17 =	sshra.s32 s17, $0x2  }
0x148: {  	s17 =	sadd.s32 s17, s29;
	[tilespmem:s15+$0x30] =	vst v2  }
0x149: {  	v1 =	vld [tilespmem:s17+$0xFFFFFBD0];
	_ =	sdelay $0x3  }
0x14a: {  	s30 =	sadd.s32 $0x100, s15;
	v2, _, _ =	vpop (xrf0)  }
0x14b: {  	(v2sf) =	vpush v2, $0xF;
	[tilespmem:s30+$0xFFFFFF80] =	vst v1  }
0x14c: {  	v1 =	vld [tilespmem:s17+$0xFFFFFBE0];
	_ =	sdelay $0x4  }
0x14d: {  	[tilespmem:s30+$0xFFFFFF90] =	vst v1  }
0x14e: {  	v1 =	vld [tilespmem:s17+$0xFFFFFBF0];
	_ =	sdelay $0x4  }
0x14f: {  	[tilespmem:s30+$0xFFFFFFA0] =	vst v1  }
0x150: {  	v1 =	vld [tilespmem:s17+$0xFFFFFC00];
	_ =	sdelay $0x1  }
0x151: {  	s31 =	spop (v2sf)  }
0x152: {  	s17 =	sshll.u32 s31, $0x9  }
0x153: {  	s17 =	sshra.s32 s17, $0x2  }
0x154: {  	s16 =	sadd.s32 s17, s29;
	[tilespmem:s30+$0xFFFFFFB0] =	vst v1  }
0x155: {  	v1 =	vld [tilespmem:s16+$0xFFFFFFD0];
	_ =	sdelay $0x4  }
0x156: {  	[tilespmem:s30+$0x0] =	vst v1  }
0x157: {  	v1 =	vld [tilespmem:s16+$0xFFFFFFE0];
	_ =	sdelay $0x4  }
0x158: {  	[tilespmem:s30+$0x10] =	vst v1  }
0x159: {  	v1 =	vld [tilespmem:s16+$0xFFFFFFF0];
	_ =	sdelay $0x4  }
0x15a: {  	s14 =	sadd.s32 $0x1, s14;
	[tilespmem:s30+$0x20] =	vst v1  }
0x15b: {  	p0 =	sne.s32 s14, $0x10;
	v1 =	vld [tilespmem:s16+$0x0]  }
.Ltmp5:
0x15c: {  	_ = 	snop;
	(pc) =	sbr.rel @p0 .LBB2_2-.Ltmp5, $2  }
0x15d: {  	_ =	sdelay $0x2  }
0x15e: {  	s12 =	sadd.s32 $0x1000, s12;
	s13 =	sadd.s32 $0x1000, s13;
	[tilespmem:s30+$0x30] =	vst v1  }
0x15f: {  	_ =	swait.ge [sflag:s9], $0x4000  }
0x160: {  	[sflag:s9] =	ssyncset.done $0x0  }
0x161: {  	[sflag:s9] =	ssyncadd.s32 $0xFFFFC000  }
0x162: {  	v1 =	vld [tilespmem:$0x1F0];
	_ =	sdelay $0x3  }
0x163: {  	s12 =	simm.s32 $0x0  }
0x164: {  	v2 =	vmov s12;
	v1 =	vand.u32 $0x7, v1  }
0x165: {  	vm0 =	veq.s32 v2, v0;
	v1 =	vor.u32 $0x80000000, v1  }
0x166: {  	v2 =	vnsel vm0, $0x80000000, v1  }
0x167: {  	(xrf0) =	vmax.scan.msk.u32 $0xffff, v2;
	_ =	sdelay $0x5  }
0x168: {  	v2, _, _ =	vpop (xrf0)  }
0x169: {  	(v2sf) =	vpush v2, $0xF;
	_ =	sdelay $0xc  }
0x16a: {  	s13 =	simm.s32 $0x1  }
0x16b: {  	v3 =	vmov s13  }
0x16c: {  	vm15 =	veq.s32 v3, v0;
	s31 =	spop (v2sf)  }
0x16d: {  	v3 =	vnsel vm15, $0x80000000, v1;
	s12 =	sshll.u32 s31, $0x9  }
0x16e: {  	(xrf0) =	vmax.scan.msk.u32 $0xffff, v3;
	s12 =	sshra.s32 s12, $0x2  }
0x16f: {  	s15 =	sadd.s32 $0x4630, s12  }
0x170: {  	v2 =	vld [tilespmem:s15+$0xFFFFFBD0];
	_ =	sdelay $0x3  }
0x171: {  	v3, _, _ =	vpop (xrf0);
	s12 =	simm.s32 $0x17A00  }
0x172: {  	(v2sf) =	vpush v3, $0xF;
	[tilespmem:s12+$0x0] =	vst v2  }
0x173: {  	v2 =	vld [tilespmem:s15+$0xFFFFFBE0];
	_ =	sdelay $0x4  }
0x174: {  	[tilespmem:s12+$0x10] =	vst v2  }
0x175: {  	v2 =	vld [tilespmem:s15+$0xFFFFFBF0];
	_ =	sdelay $0x4  }
0x176: {  	[tilespmem:s12+$0x20] =	vst v2  }
0x177: {  	s14 =	simm.s32 $0x2;
	v2 =	vld [tilespmem:s15+$0xFFFFFC00]  }
0x178: {  	s13 =	simm.s32 $0x4630;
	v3 =	vmov s14;
	s15 =	simm.s32 $0x4  }
.LBB2_14:
0x179: {  	p0 =	slt.u32 s15, $0xE;
	vm0 =	veq.s32 v3, v0;
	s16 =	spop (v2sf)  }
0x17a: {  	v3 =	vnsel vm0, $0x80000000, v1;
	s16 =	sshll.u32 s16, $0x9  }
0x17b: {  	(xrf0) =	vmax.scan.msk.u32 $0xffff, v3;
	s16 =	sshra.s32 s16, $0x2  }
0x17c: {  	[tilespmem:s12+$0x30] =	vst v2;
	s16 =	sadd.s32 s16, s13  }
0x17d: {  	v2 =	vld [tilespmem:s16+$0xFFFFFFD0];
	_ =	sdelay $0x3  }
0x17e: {  	v3, _, _ =	vpop (xrf0)  }
0x17f: {  	(v2sf) =	vpush v3, $0xF;
	[tilespmem:s12+$0x80] =	vst v2  }
0x180: {  	v2 =	vld [tilespmem:s16+$0xFFFFFFE0];
	_ =	sdelay $0x4  }
0x181: {  	[tilespmem:s12+$0x90] =	vst v2  }
0x182: {  	v2 =	vld [tilespmem:s16+$0xFFFFFFF0];
	_ =	sdelay $0x4  }
0x183: {  	[tilespmem:s12+$0xA0] =	vst v2  }
0x184: {  	s17 =	sadd.s32 $0x1, s14;
	s14 =	smov.u32 s15;
	v2 =	vld [tilespmem:s16+$0x0]  }
0x185: {  	v3 =	vmov s17  }
0x186: {  	vm0 =	veq.s32 v3, v0;
	s16 =	spop (v2sf)  }
0x187: {  	v3 =	vnsel vm0, $0x80000000, v1;
	s16 =	sshll.u32 s16, $0x9  }
0x188: {  	s13 =	sadd.s32 $0x800, s13;
	s16 =	sshra.s32 s16, $0x2;
	(xrf0) =	vmax.scan.msk.u32 $0xffff, v3  }
0x189: {  	s16 =	sadd.s32 s16, s13;
	[tilespmem:s12+$0xB0] =	vst v2  }
0x18a: {  	v2 =	vld [tilespmem:s16+$0xFFFFFBD0];
	_ =	sdelay $0x3  }
0x18b: {  	s12 =	sadd.s32 $0x100, s12;
	v3, _, _ =	vpop (xrf0)  }
0x18c: {  	[tilespmem:s12+$0x0] =	vst v2;
	(v2sf) =	vpush v3, $0xF  }
0x18d: {  	v2 =	vld [tilespmem:s16+$0xFFFFFBE0];
	_ =	sdelay $0x4  }
0x18e: {  	[tilespmem:s12+$0x10] =	vst v2  }
0x18f: {  	v2 =	vld [tilespmem:s16+$0xFFFFFBF0];
	_ =	sdelay $0x2  }
.Ltmp6:
0x190: {  	(pc) =	sbr.rel @p0 .LBB2_14-.Ltmp6, $4  }
0x191: {  	_ = 	snop  }
0x192: {  	[tilespmem:s12+$0x20] =	vst v2  }
0x193: {  	v2 =	vld [tilespmem:s16+$0xFFFFFC00]  }
0x194: {  	s15 =	sadd.s32 $0x2, s15;
	v3 =	vmov s14  }
0x195: {  	vm0 =	veq.s32 v3, v0;
	s15 =	spop (v2sf)  }
0x196: {  	v3 =	vnsel vm0, $0x80000000, v1;
	s15 =	sshll.u32 s15, $0x9  }
0x197: {  	(xrf0) =	vmax.scan.msk.u32 $0xffff, v3;
	s15 =	sshra.s32 s15, $0x2  }
0x198: {  	[tilespmem:s12+$0x30] =	vst v2;
	s15 =	sadd.s32 s15, s13  }
0x199: {  	v2 =	vld [tilespmem:s15+$0xFFFFFFD0];
	_ =	sdelay $0x3  }
0x19a: {  	v3, _, _ =	vpop (xrf0)  }
0x19b: {  	(v2sf) =	vpush v3, $0xF;
	[tilespmem:s12+$0x80] =	vst v2  }
0x19c: {  	v2 =	vld [tilespmem:s15+$0xFFFFFFE0];
	_ =	sdelay $0x4  }
0x19d: {  	[tilespmem:s12+$0x90] =	vst v2  }
0x19e: {  	v2 =	vld [tilespmem:s15+$0xFFFFFFF0];
	_ =	sdelay $0x4  }
0x19f: {  	[tilespmem:s12+$0xA0] =	vst v2  }
0x1a0: {  	s14 =	sadd.s32 $0x1, s14;
	v2 =	vld [tilespmem:s15+$0x0]  }
0x1a1: {  	v3 =	vmov s14  }
0x1a2: {  	vm15 =	veq.s32 v3, v0;
	s28 =	spop (v2sf)  }
0x1a3: {  	v1 =	vnsel vm15, $0x80000000, v1;
	s14 =	sshll.u32 s28, $0x9  }
0x1a4: {  	s29 =	sadd.s32 $0x800, s13;
	(xrf0) =	vmax.scan.msk.u32 $0xffff, v1;
	s14 =	sshra.s32 s14, $0x2  }
0x1a5: {  	s14 =	sadd.s32 s14, s29;
	[tilespmem:s12+$0xB0] =	vst v2  }
0x1a6: {  	v1 =	vld [tilespmem:s14+$0xFFFFFBD0];
	_ =	sdelay $0x3  }
0x1a7: {  	s30 =	sadd.s32 $0x100, s12;
	v2, _, _ =	vpop (xrf0)  }
0x1a8: {  	(v2sf) =	vpush v2, $0xF;
	[tilespmem:s30+$0x0] =	vst v1  }
0x1a9: {  	v1 =	vld [tilespmem:s14+$0xFFFFFBE0];
	_ =	sdelay $0x4  }
0x1aa: {  	[tilespmem:s30+$0x10] =	vst v1  }
0x1ab: {  	v1 =	vld [tilespmem:s14+$0xFFFFFBF0];
	_ =	sdelay $0x4  }
0x1ac: {  	[tilespmem:s30+$0x20] =	vst v1  }
0x1ad: {  	v1 =	vld [tilespmem:s14+$0xFFFFFC00];
	_ =	sdelay $0x1  }
0x1ae: {  	s31 =	spop (v2sf)  }
0x1af: {  	s14 =	sshll.u32 s31, $0x9  }
0x1b0: {  	s14 =	sshra.s32 s14, $0x2  }
0x1b1: {  	s13 =	sadd.s32 s14, s29;
	[tilespmem:s30+$0x30] =	vst v1  }
0x1b2: {  	v1 =	vld [tilespmem:s13+$0xFFFFFFD0];
	_ =	sdelay $0x4  }
0x1b3: {  	[tilespmem:s30+$0x80] =	vst v1  }
0x1b4: {  	v1 =	vld [tilespmem:s13+$0xFFFFFFE0];
	_ =	sdelay $0x4  }
0x1b5: {  	[tilespmem:s30+$0x90] =	vst v1  }
0x1b6: {  	v1 =	vld [tilespmem:s13+$0xFFFFFFF0];
	_ =	sdelay $0x4  }
0x1b7: {  	[tilespmem:s30+$0xA0] =	vst v1  }
0x1b8: {  	v1 =	vld [tilespmem:s13+$0x0];
	_ =	sdelay $0x2  }
0x1b9: {  	s11 =	sadd.s32 $0x1, s11  }
0x1ba: {  	p0 =	sne.s32 s11, s6  }
.Ltmp7:
0x1bb: {  	[tilespmem:s30+$0xB0] =	vst v1;
	(pc) =	sbr.rel @p0 .LBB2_1-.Ltmp7, $4  }
0x1bc: {  	[hbm4b:s5+s2] =	stream.linear.scatter [tilespmem:s10], [sflag:$0x3], $0x10000, $0x38;
	[tilespmem:$0x18200] =	vst v63  }
0x1bd: {  	_ =	swait.ge [sflag:s7], $0x10000  }
0x1be: {  	[sflag:s7] =	ssyncset.done $0x0  }
0x1bf: {  	[sflag:s7] =	ssyncadd.s32 $0xFFFF0000  }
0x1c0: {  	_ =	sfence.sel $0x180000  }
0x1c1: {  	[bflag:$0x0] =	sbarrier.arrive $0xFFFF  }
0x1c2: {  	p0 =	sne.s32 s1, $0x0;
	_ =	strace $0x9000004D  }
0x1c3: {  	s0 =	sadd.s32 @!p0 $0x100000, s0;
	[bflag:$0x2] =	sbarrier.arrive $0xFFFF  }
0x1c4: {  	[sflag:s0] =	ssyncadd.tile.s32 @!p0 $0x1;
	_ =	shalt  }
.Lfunc_end2:
_tile_overlayer_lowered:
.L_overlay_start_2:
0x1c5: {  	(tag) =	ssettag $0x2  }
0x1c6: {  	s0 =	rddreg [dreg:$0x0];
	s2 =	stileid.u32  }
0x1c7: {  	s1 =	rddreg [dreg:$0x1];
	p0 =	sne.s32 s2, $0x0  }
0x1c8: {  	s3 =	rddreg [dreg:$0x2];
	[bflag:$0x3] =	sbarrier.arrive $0xFFFF;
	s2 =	simm.s32 @!p0 $0x1C03  }
0x1c9: {  	[timem:s3], [sflag:s2] =	dma.local @!p0 [hbm:s0], s1  }
0x1ca: {  	s0 =	simm.s32 @!p0 $0x3  }
0x1cb: {  	_ =	swait.ge @!p0 [sflag:s0], s1  }
0x1cc: {  	s1 =	ssub.s32 @!p0 $0x0, s1;
	[sflag:s0] =	ssyncset.done @!p0 $0x0  }
0x1cd: {  	[sflag:s0] =	ssyncadd.s32 @!p0 s1  }
0x1ce: {  	[bflag:$0x3] =	sbarrier.arrive $0xFFFF  }
0x1cf: {  	_ =	shalt  }

// kernel: kernel.9.cloned.1.call-start
scs
__scs_entry_jumppad:
0x0: {  	(pc) =	sbr.rel $0x88, $3  }
0x1: {  	(tag) =	ssettag $0x0;
	lr =	simm.s32 $0x1  }
0x2: {  	[smem:$0x3F8E] =	sst lr;
	_ =	strace $0xD0000000  }
0x3: {  	_ = 	snop  }
0x4: {  	_ = 	snop  }
0x5: {  	_ = 	snop  }
0x6: {  	_ = 	snop  }
0x7: {  	_ = 	snop  }
__scs_overlays_trampoline_lowered:
0x8: {  	[smem:$0x3F9D] =	sst s0  }
0x9: {  	[smem:$0x3F9E] =	sst s1  }
0xa: {  	[smem:$0x3F9F] =	sst s2  }
0xb: {  	[smem:$0x3FA0] =	sst s3  }
0xc: {  	[smem:$0x3FA1] =	sst s4  }
0xd: {  	[smem:$0x3FA2] =	sst s5  }
0xe: {  	[smem:$0x3FA3] =	sst s6  }
0xf: {  	[smem:$0x3FA4] =	sst s7  }
0x10: {  	[smem:$0x3FA5] =	sst s8  }
0x11: {  	[smem:$0x3FA6] =	sst s9;
	s0 =	simm.s32 @!p0 $0x0  }
0x12: {  	s1 =	sld [smem:$0x3F8C];
	s0 =	simm.s32 @p0 $0x1  }
0x13: {  	[smem:$0x3FA7] =	sst s0;
	s0 =	simm.s32 @!p1 $0x0  }
0x14: {  	s2 =	sld [smem:$0x3F8B];
	s0 =	simm.s32 @p1 $0x1  }
0x15: {  	[smem:$0x3FA8] =	sst s0;
	s0 =	simm.s32 @!p2 $0x0  }
0x16: {  	s3 =	sld [smem:$0x3FDB];
	s0 =	simm.s32 @p2 $0x1  }
0x17: {  	s4 =	simm.s32 $0x1BF5;
	[smem:$0x3FAA] =	sst s0  }
0x18: {  	s0 =	sld [smem:$0x3F8D];
	_ =	swait.ge [sflag:s4], $0x0  }
0x19: {  	s7 =	sld [smem:$0x3F8E]  }
0x1a: {  	s8 =	sadd.s32 $0xFFFFE003, lr  }
0x1b: {  	s9 =	sadd.s32 $0xFFFFFEF7, lr;
	s5 =	simm.s32 $0xFFFFFFFF;
	p2 =	slt.u32 s8, $0xFFFFF086  }
0x1c: {  	p1 =	slt.u32 s9, $0xF7A;
	s5 =	simm.s32 @!p2 $0x0  }
0x1d: {  	s5 =	simm.s32 @p1 $0x1;
	p0 =	seq.s32 s7, s2  }
0x1e: {  	s7 =	smul.u32 @!p0 $0xF7A, s2;
	p2 =	seq.s32 @!p0 s5, $0x0  }
0x1f: {  	s9 =	smul.u32 $0xF7A, s1;
	s8 =	simm.s32 @!p0 $0x1BF5;
	p2 =	por !p2, p0  }
0x20: {  	[sflag:s8] =	ssyncset.s32 @!p0 $0xFFFFF086;
	s6 =	sadd.s32 @!p0 s3, s7;
	s7 =	simm.s32 @!p0 $0x108  }
0x21: {  	s3 =	sadd.s32 s3, s9;
	s6 =	sadd.s32 @!p0 $0x88, s6;
	s7 =	simm.s32 @p2 $0x1082  }
0x22: {  	[simem:s7], [sflag:s8] =	dma.local @!p0 [hbm:s6], $0xF7A  }
0x23: {  	s9 =	sor.u32 $0xD0000000, s2;
	s6 =	simm.s32 $0x108;
	_ =	swait.ge @!p0 [sflag:s8], $0x0  }
0x24: {  	s3 =	sadd.s32 $0x88, s3;
	s6 =	simm.s32 @!p1 $0x1082;
	[sflag:s4] =	ssyncset.s32 $0xFFFFF086  }
0x25: {  	[simem:s6], [sflag:s4] =	dma.local [hbm:s3], $0xF7A  }
0x26: {  	[smem:$0x3F8E] =	sst s1;
	(tag) =	ssettag s2;
	_ =	strace s9  }
0x27: {  	s1 =	sld [smem:$0x3F9E]  }
0x28: {  	s2 =	sld [smem:$0x3F9F]  }
0x29: {  	s4 =	sld [smem:$0x3FA1]  }
0x2a: {  	p0 =	seq.s32 s5, $0x0;
	s5 =	sld [smem:$0x3FA2]  }
0x2b: {  	s6 =	sld [smem:$0x3FA3]  }
0x2c: {  	s7 =	sld [smem:$0x3FA4]  }
0x2d: {  	s3 =	simm.s32 $0x108;
	s8 =	sld [smem:$0x3FA5]  }
0x2e: {  	s3 =	simm.s32 @!p0 $0x1082;
	s9 =	sld [smem:$0x3FA6]  }
0x2f: {  	lr =	sadd.s32 s0, s3;
	s0 =	sld [smem:$0x3F9D]  }
0x30: {  	s3 =	sld [smem:$0x3FA0]  }
0x31: {  	[smem:$0x3FA9] =	sst s10  }
0x32: {  	s10 =	sld [smem:$0x3FA7];
	_ =	sdelay $0x3  }
0x33: {  	p0 =	seq.s32 s10, $0x1;
	s10 =	sld [smem:$0x3FA9];
	_ =	sdelay $0x3  }
0x34: {  	[smem:$0x3FA9] =	sst s10  }
0x35: {  	s10 =	sld [smem:$0x3FA8];
	_ =	sdelay $0x3  }
0x36: {  	p1 =	seq.s32 s10, $0x1;
	s10 =	sld [smem:$0x3FA9];
	_ =	sdelay $0x3  }
0x37: {  	[smem:$0x3FA9] =	sst s10  }
0x38: {  	s10 =	sld [smem:$0x3FAA]  }
0x39: {  	_ = 	snop;
	(pc) =	sbr.ind lr, $3  }
0x3a: {  	_ = 	snop  }
0x3b: {  	_ = 	snop  }
0x3c: {  	p2 =	seq.s32 s10, $0x1;
	s10 =	sld [smem:$0x3FA9]  }
0x3d: {  	_ =	shalt  }
0x3e: {  	_ =	shalt  }
0x3f: {  	_ =	shalt  }
0x40: {  	_ =	shalt  }
0x41: {  	_ =	shalt  }
0x42: {  	_ =	shalt  }
0x43: {  	_ =	shalt  }
0x44: {  	_ =	shalt  }
0x45: {  	_ =	shalt  }
0x46: {  	_ =	shalt  }
0x47: {  	_ =	shalt  }
0x48: {  	_ =	shalt  }
0x49: {  	_ =	shalt  }
0x4a: {  	_ =	shalt  }
0x4b: {  	_ =	shalt  }
0x4c: {  	_ =	shalt  }
0x4d: {  	_ =	shalt  }
0x4e: {  	_ =	shalt  }
0x4f: {  	_ =	shalt  }
0x50: {  	_ =	shalt  }
0x51: {  	_ =	shalt  }
0x52: {  	_ =	shalt  }
0x53: {  	_ =	shalt  }
0x54: {  	_ =	shalt  }
0x55: {  	_ =	shalt  }
0x56: {  	_ =	shalt  }
0x57: {  	_ =	shalt  }
0x58: {  	_ =	shalt  }
0x59: {  	_ =	shalt  }
0x5a: {  	_ =	shalt  }
0x5b: {  	_ =	shalt  }
0x5c: {  	_ =	shalt  }
0x5d: {  	_ =	shalt  }
0x5e: {  	_ =	shalt  }
0x5f: {  	_ =	shalt  }
0x60: {  	_ =	shalt  }
0x61: {  	_ =	shalt  }
0x62: {  	_ =	shalt  }
0x63: {  	_ =	shalt  }
0x64: {  	_ =	shalt  }
0x65: {  	_ =	shalt  }
0x66: {  	_ =	shalt  }
0x67: {  	_ =	shalt  }
0x68: {  	_ =	shalt  }
0x69: {  	_ =	shalt  }
0x6a: {  	_ =	shalt  }
0x6b: {  	_ =	shalt  }
0x6c: {  	_ =	shalt  }
0x6d: {  	_ =	shalt  }
0x6e: {  	_ =	shalt  }
0x6f: {  	_ =	shalt  }
0x70: {  	_ =	shalt  }
0x71: {  	_ =	shalt  }
0x72: {  	_ =	shalt  }
0x73: {  	_ =	shalt  }
0x74: {  	_ =	shalt  }
0x75: {  	_ =	shalt  }
0x76: {  	_ =	shalt  }
0x77: {  	_ =	shalt  }
0x78: {  	_ =	shalt  }
0x79: {  	_ =	shalt  }
0x7a: {  	_ =	shalt  }
0x7b: {  	_ =	shalt  }
0x7c: {  	_ =	shalt  }
0x7d: {  	_ =	shalt  }
0x7e: {  	_ =	shalt  }
0x7f: {  	_ =	shalt  }
0x80: {  	_ =	shalt  }
0x81: {  	_ =	shalt  }
0x82: {  	_ =	shalt  }
0x83: {  	_ =	shalt  }
0x84: {  	_ =	shalt  }
0x85: {  	_ =	shalt  }
0x86: {  	_ =	shalt  }
0x87: {  	_ =	shalt  }
.Lfunc_end0:
.L_simem_size_0:
called_computation.1_lowered:
.L_overlay_start_0:
0x88: {  	s2 =	sld [smem:$0x3FD9]  }
0x89: {  	s3 =	sld [smem:$0x3FFE];
	_ =	sdelay $0x1  }
0x8a: {  	s1 =	srdreg.scid  }
0x8b: {  	s0 =	sand.u32 $0x1, s1  }
0x8c: {  	s17 =	sshll.u32 s0, $0xA;
	s2 =	sadd.s32 s3, s2  }
0x8d: {  	s2 =	sadd.s32 s2, s17  }
0x8e: {  	[smem:$0x3FB5] =	sst s2  }
0x8f: {  	_ = 	snop  }
0x90: {  	s18 =	sld [smem:$0x3FC8];
	(tm) =	ssettm $0x1  }
0x91: {  	s19 =	sld [smem:$0x3FFB];
	_ =	sdelay $0x3  }
0x92: {  	_ =	strace s19  }
0x93: {  	s2 =	sld [smem:$0x3FFC];
	_ =	sdelay $0x3  }
0x94: {  	_ =	strace s2  }
0x95: {  	s2 =	sld [smem:$0x3FFD];
	_ =	sdelay $0x3  }
0x96: {  	_ =	strace s2  }
0x97: {  	_ =	strace $0x8FFFFFFF  }
0x98: {  	s20 =	sld [smem:$0x3FDB];
	_ =	sdelay $0x1  }
0x99: {  	s4 =	simm.s32 $_scs_section_size  }
0x9a: {  	s5 =	simm.s32 $_size__tile_overlayer_lowered;
	s6 =	simm.s32 $_tile_overlayer_lowered  }
0x9b: {  	s7 =	simm.s32 $0x1BFF;
	s21 =	sshll.u32 s6, $0x1;
	s4 =	sadd.s32 s4, s20  }
0x9c: {  	s22 =	simm.s32 $0x0;
	s5 =	sshll.u32 s5, $0x1;
	s6 =	sadd.s32 s21, s4  }
0x9d: {  	[timem:s22], [sflag:s7] =	dma.local [hbm:s6], s5  }
0x9e: {  	_ =	swait.ge [sflag:s7], s5  }
0x9f: {  	s5 =	ssub.s32 $0x0, s5;
	[sflag:s7] =	ssyncset.done $0x0  }
0xa0: {  	[sflag:s7] =	ssyncadd.s32 s5;
	_ =	sdelay $0x1  }
0xa1: {  	s23 =	simm.s32 $0x1B8B  }
0xa2: {  	_ =	swait.ge [sflag:s23], $0x1  }
0xa3: {  	[sflag:s23] =	ssyncset.done $0x0  }
0xa4: {  	[sflag:s23] =	ssyncadd.s32 $0xFFFFFFFF  }
0xa5: {  	s5 =	sld [smem:$0x0]  }
0xa6: {  	s6 =	sand.u32 $0xFFFFFFFE, s1  }
0xa7: {  	p0 =	sne.s32 s1, s6  }
0xa8: {  	s6 =	sshll.u32 @p0 s6, $0xE  }
0xa9: {  	s6 =	sadd.s32 @p0 $0x11B8D, s6;
	s7 =	sshll.u32 @p0 s5, $0x11  }
0xaa: {  	s6 =	sor.u32 @p0 s7, s6  }
0xab: {  	[sflag:s6] =	ssyncadd.remote.s32 @p0 $0x1;
	_ =	sdelay $0x1  }
0xac: {  	s6 =	simm.s32 @p0 $0x1B8D  }
0xad: {  	_ =	swait.eq @p0 [sflag:s6], $0x1  }
0xae: {  	[sflag:s6] =	ssyncadd.s32 @p0 $0xFFFFFFFF  }
0xaf: {  	s7 =	sshll.u32 @!p0 s1, $0xE  }
0xb0: {  	s7 =	sor.u32 @!p0 $0x4000, s7;
	s6 =	simm.s32 @!p0 $0x1B8D  }
0xb1: {  	s5 =	sshll.u32 @!p0 s5, $0x11;
	s7 =	sadd.s32 @!p0 $0x11B8D, s7;
	_ =	swait.eq @!p0 [sflag:s6], $0x1  }
0xb2: {  	s5 =	sor.u32 @!p0 s5, s7;
	[sflag:s6] =	ssyncadd.s32 @!p0 $0xFFFFFFFF  }
0xb3: {  	s25 =	simm.s32 $0x1B8E;
	s24 =	sld [smem:$0x3FFE];
	[sflag:s5] =	ssyncadd.remote.s32 @!p0 $0x1  }
0xb4: {  	s26 =	simm.s32 $execute0_lowered;
	[smem:$0x3FD2] =	sst s25  }
0xb5: {  	s6 =	sshll.u32 s26, $0x1;
	_ =	strace $0x80000049;
	[dreg:$0x1] =	wrdreg $0xFFFFFFFF  }
0xb6: {  	s28 =	simm.s32 $_size_execute0_lowered;
	s4 =	sadd.s32 s4, s6;
	[dreg:$0x0] =	wrdreg $0x0  }
0xb7: {  	s6 =	sshll.u32 s28, $0x1;
	[dreg:$0x2] =	wrdreg s4  }
0xb8: {  	[dreg:$0x3] =	wrdreg s6  }
0xb9: {  	[dreg:$0x4] =	wrdreg $0xC0  }
0xba: {  	_ =	task [dreg:s22], $0x5FFFF  }
0xbb: {  	[dreg:$0x1] =	wrdreg $0xFFFFFFFF  }
0xbc: {  	[dreg:$0x0] =	wrdreg $0x60  }
0xbd: {  	[dreg:$0x2] =	wrdreg s24  }
0xbe: {  	[dreg:$0x3] =	wrdreg s18  }
0xbf: {  	[dreg:$0x4] =	wrdreg $0xA  }
0xc0: {  	_ =	task.clear_ibuf [dreg:s22], $0x5FFFF;
	_ =	strace $0x90000049  }
0xc1: {  	s29 =	simm.s32 $0xA;
	_ =	strace $0x8000004B  }
0xc2: {  	_ =	swait.ge [sflag:s29], $0x1  }
0xc3: {  	[sflag:s29] =	ssyncadd.s32 $0xFFFFFFFF  }
0xc4: {  	_ =	strace $0x9000004B  }
0xc5: {  	_ =	sfence  }
0xc6: {  	s30 =	sld [smem:$0x0];
	_ =	sdelay $0x2  }
0xc7: {  	s31 =	sshll.u32 s1, $0xD;
	s1 =	sshrl.u32 s1, $0x2  }
0xc8: {  	s4 =	sand.u32 $0x4000, s31;
	s1 =	sadd.s32 s1, s30  }
0xc9: {  	s0 =	sor.u32 s4, s0;
	s1 =	sshll.u32 s1, $0x11  }
0xca: {  	s0 =	sor.u32 s1, s0  }
0xcb: {  	s0 =	sadd.s32 $0x8F2B, s0  }
0xcc: {  	[sflag:s0] =	ssyncadd.remote.s32 $0x1  }
0xcd: {  	_ =	sfence.sel $0xFFFF  }
0xce: {  	[dreg:$0x0] =	wrdreg $0xFFFFFFFF;
	(pc) =	sbr.abs _section_cstart, $3  }
0xcf: {  	[dreg:$0x1] =	wrdreg $0xFFFFFFFF  }
0xd0: {  	_ =	task.clear_ibuf [dreg:s22], $0x2FFFF;
	_ =	strace $0x9FFFFFFF  }
0xd1: {  	(tm) =	ssettm $0x7FFFFFFF  }
tec
execute0_lowered:
.L_overlay_start_1:
0x0: {  	(tag) =	ssettag $0x1  }
0x1: {  	s4 =	rddreg [dreg:$0x0]  }
0x2: {  	s5 =	rddreg [dreg:$0x1]  }
0x3: {  	s0 =	rddreg [dreg:$0x2]  }
0x4: {  	s3 =	srdreg.scid;
	s2 =	simm.s32 $0x0;
	s1 =	stileid.u32  }
0x5: {  	s9 =	simm.s32 $0x2;
	s10 =	simm.s32 $0x8200;
	s11 =	simm.s32 $0x0  }
0x6: {  	s6 =	sand.u32 $0x1, s3;
	[smem:$0x7FF] =	sst s2;
	s30 =	sshll.u32 s1, $0xA  }
0x7: {  	s3 =	sadd.s32 $0xF84A00, s4;
	s7 =	sshll.u32 s6, $0x9;
	s6 =	ssub.s32 $0x2, s6  }
0x8: {  	_ =	strace $0x8000004A;
	s7 =	sor.u32 s7, s30;
	s31 =	sshrl.u32 s6, $0x1  }
0x9: {  	s8 =	sshll.u32 s7, $0x4;
	s7 =	sshrl.u32 s7, $0x3;
	s6 =	ssub.s32 s6, s31  }
0xa: {  	s8 =	sadd.s32 s8, s4;
	s4 =	sadd.s32 s5, s7;
	s6 =	smax.u32 s6, $0x1  }
0xb: {  	v0 =	vlaneseq.u32;
	s7 =	simm.s32 $0x3;
	s5 =	sadd.s32 $0x1EC6E00, s8;
	s8 =	simm.s32 $0x1  }
.LBB2_1:
0xc: {  	[tilespmem:s2], [sflag:$0x3] =	stream.linear.gather [hbm4b:s4+s2], $0x200, $0x38;
	[tilespmem:$0x18200] =	vst v63  }
0xd: {  	_ =	swait.ge [sflag:s7], $0x200  }
0xe: {  	s12 =	simm.s32 $0x7A00;
	[sflag:s7] =	ssyncset.done $0x0  }
0xf: {  	s13 =	simm.s32 $0x8280;
	s14 =	simm.s32 $0x0;
	[sflag:s7] =	ssyncadd.s32 $0xFFFFFE00  }
.LBB2_2:
0x10: {  	s15 =	sshll.u32 s14, $0x5  }
0x11: {  	v1 =	vld [tilespmem:s15+$0x0];
	_ =	sdelay $0x3  }
0x12: {  	s16 =	simm.s32 $0x0  }
0x13: {  	v2 =	vmov s16;
	v1 =	vshrl.u32 v1, $0x3  }
0x14: {  	vm0 =	veq.s32 v2, v0;
	v1 =	vor.u32 $0x80000000, v1  }
0x15: {  	s23 =	simm.s32 $0x1;
	v2 =	vnsel vm0, $0x80000000, v1  }
0x16: {  	(xrf0) =	vmax.scan.msk.u32 $0xffff, v2;
	v2 =	vmov s23  }
0x17: {  	vm8 =	veq.s32 v2, v0  }
0x18: {  	v2 =	vnsel vm8, $0x80000000, v1  }
0x19: {  	(xrf0) =	vmax.scan.msk.u32 $0xffff, v2;
	_ =	sdelay $0x4  }
0x1a: {  	v2, _, _ =	vpop (xrf0)  }
0x1b: {  	s24 =	simm.s32 $0x2;
	(v2sf) =	vpush v2, $0xF;
	v2, _, _ =	vpop (xrf0)  }
0x1c: {  	s25 =	simm.s32 $0x3;
	(v2sf) =	vpush v2, $0xF;
	v2 =	vmov s24  }
0x1d: {  	s17 =	simm.s32 $0x4;
	vm9 =	veq.s32 v2, v0;
	v2 =	vmov s25  }
0x1e: {  	s26 =	simm.s32 $0x5;
	v3 =	vnsel vm9, $0x80000000, v1;
	vm10 =	veq.s32 v2, v0;
	v2 =	vmov s17  }
0x1f: {  	s28 =	simm.s32 $0x6;
	(xrf0) =	vmax.scan.msk.u32 $0xffff, v3;
	vm11 =	veq.s32 v2, v0;
	v2 =	vmov s26  }
0x20: {  	vm12 =	veq.s32 v2, v0;
	v2 =	vmov s28  }
0x21: {  	v3 =	vnsel vm10, $0x80000000, v1;
	vm13 =	veq.s32 v2, v0  }
0x22: {  	(xrf0) =	vmax.scan.msk.u32 $0xffff, v3;
	v3 =	vnsel vm11, $0x80000000, v1;
	v2 =	vnsel vm13, $0x80000000, v1  }
0x23: {  	(xrf0) =	vmax.scan.msk.u32 $0xffff, v3;
	v3 =	vnsel vm12, $0x80000000, v1  }
0x24: {  	(xrf0) =	vmax.scan.msk.u32 $0xffff, v3  }
0x25: {  	(xrf0) =	vmax.scan.msk.u32 $0xffff, v2;
	v2, _, _ =	vpop (xrf0)  }
0x26: {  	s30 =	simm.s32 $0x7;
	(v2sf) =	vpush v2, $0xF  }
0x27: {  	v2 =	vmov s30  }
0x28: {  	v3, _, _ =	vpop (xrf0);
	vm14 =	veq.s32 v2, v0  }
0x29: {  	(v2sf) =	vpush v3, $0xF;
	v3 =	vnsel vm14, $0x80000000, v1  }
0x2a: {  	v4, _, _ =	vpop (xrf0)  }
0x2b: {  	s29 =	spop (v2sf);
	(v2sf) =	vpush v4, $0xF;
	v63, _, _ =	vpop (xrf0)  }
0x2c: {  	(xrf0) =	vmax.scan.msk.u32 $0xffff, v3;
	(v2sf) =	vpush v63, $0xF;
	v3, _, _ =	vpop (xrf0)  }
0x2d: {  	s19 =	spop (v2sf);
	(v2sf) =	vpush v3, $0xF;
	_ =	sdelay $0x2  }
0x2e: {  	s18 =	simm.s32 $0x8;
	s16 =	sshll.u32 s29, $0x7  }
0x2f: {  	v2 =	vmov s18;
	s16 =	sand.u32 $0x1FFFFF80, s16  }
0x30: {  	s31 =	simm.s32 $0x200;
	s17 =	simm.s32 $0xA;
	vm15 =	veq.s32 v2, v0;
	s16 =	sadd.s32 s3, s16  }
0x31: {  	v2 =	vnsel vm15, $0x80000000, v1;
	[tilespmem:s31], [sflag:$0x1] =	stream.linear.gather [hbm4b:s16+s2], $0x400, $0x38;
	[tilespmem:$0x18200] =	vst v63  }
0x32: {  	s18 =	simm.s32 $0x9;
	(xrf0) =	vmax.scan.msk.u32 $0xffff, v2;
	s16 =	simm.s32 $0x600;
	s19 =	sshll.u32 s19, $0x7  }
.LBB2_3:
0x33: {  	p0 =	slt.u32 s17, $0xE;
	v2 =	vmov s18;
	s18 =	spop (v2sf);
	s19 =	sand.u32 $0x1FFFFF80, s19  }
0x34: {  	vm0 =	veq.s32 v2, v0;
	s18 =	sshll.u32 s18, $0x7;
	s19 =	sadd.s32 s3, s19  }
0x35: {  	[tilespmem:s16], [sflag:$0x1] =	stream.linear.gather [hbm4b:s19+s2], $0x400, $0x38;
	[tilespmem:$0x18200] =	vst v63  }
.Ltmp0:
0x36: {  	v2 =	vnsel vm0, $0x80000000, v1;
	v3, _, _ =	vpop (xrf0);
	(pc) =	sbr.rel @p0 .LBB2_3-.Ltmp0, $4  }
0x37: {  	v4 =	vmov s17;
	s18 =	sand.u32 $0x1FFFFF80, s18;
	s16 =	sadd.s32 $0x800, s16;
	(xrf0) =	vmax.scan.msk.u32 $0xffff, v2;
	(v2sf) =	vpush v3, $0xF  }
0x38: {  	vm0 =	veq.s32 v4, v0;
	s19 =	sadd.s32 $0xFFFFFC00, s16;
	s18 =	sadd.s32 s3, s18;
	s20 =	spop (v2sf)  }
0x39: {  	v2 =	vnsel vm0, $0x80000000, v1;
	v3, _, _ =	vpop (xrf0);
	[tilespmem:s19], [sflag:$0x1] =	stream.linear.gather [hbm4b:s18+s2], $0x400, $0x38;
	[tilespmem:$0x18200] =	vst v63  }
0x3a: {  	s18 =	sadd.s32 $0x1, s17;
	s17 =	sadd.s32 $0x2, s17;
	s19 =	sshll.u32 s20, $0x7;
	(xrf0) =	vmax.scan.msk.u32 $0xffff, v2;
	(v2sf) =	vpush v3, $0xF  }
0x3b: {  	_ = 	snop  }
0x3c: {  	v2 =	vmov s18;
	s17 =	spop (v2sf);
	s22 =	sand.u32 $0x1FFFFF80, s19  }
0x3d: {  	s23 =	sadd.s32 $0x800, s16;
	vm0 =	veq.s32 v2, v0;
	s17 =	sshll.u32 s17, $0x7;
	s18 =	sadd.s32 s3, s22  }
0x3e: {  	v1 =	vnsel vm0, $0x80000000, v1;
	[tilespmem:s16], [sflag:$0x1] =	stream.linear.gather [hbm4b:s18+s2], $0x400, $0x38;
	[tilespmem:$0x18200] =	vst v63  }
0x3f: {  	s24 =	sadd.s32 $0xFFFFFC00, s23;
	s25 =	spop (v2sf);
	s17 =	sand.u32 $0x1FFFFF80, s17;
	v2, _, _ =	vpop (xrf0)  }
0x40: {  	s26 =	sshll.u32 s25, $0x7;
	s28 =	spop (v2sf);
	(xrf0) =	vmax.scan.msk.u32 $0xffff, v1;
	s17 =	sadd.s32 s3, s17;
	(v2sf) =	vpush v2, $0xF  }
0x41: {  	[tilespmem:s24], [sflag:$0x1] =	stream.linear.gather [hbm4b:s17+s2], $0x400, $0x38;
	v1, _, _ =	vpop (xrf0);
	[tilespmem:$0x18200] =	vst v63  }
0x42: {  	s18 =	sshll.u32 s28, $0x7;
	s17 =	sand.u32 $0x1FFFFF80, s26;
	(v2sf) =	vpush v1, $0xF  }
0x43: {  	s16 =	sadd.s32 $0x800, s23;
	s29 =	sand.u32 $0x1FFFFF80, s18;
	s17 =	sadd.s32 s3, s17  }
0x44: {  	[tilespmem:s23], [sflag:$0x1] =	stream.linear.gather [hbm4b:s17+s2], $0x400, $0x38;
	[tilespmem:$0x18200] =	vst v63  }
0x45: {  	s30 =	sadd.s32 $0xFFFFFC00, s16;
	s17 =	sadd.s32 s3, s29  }
0x46: {  	[tilespmem:s30], [sflag:$0x1] =	stream.linear.gather [hbm4b:s17+s2], $0x400, $0x38;
	[tilespmem:$0x18200] =	vst v63  }
0x47: {  	v1, _, _ =	vpop (xrf0);
	s31 =	spop (v2sf)  }
0x48: {  	(v2sf) =	vpush v1, $0xF;
	s20 =	sshll.u32 s31, $0x7  }
0x49: {  	s17 =	sand.u32 $0x1FFFFF80, s20;
	s21 =	spop (v2sf)  }
0x4a: {  	s17 =	sadd.s32 s3, s17;
	s18 =	sshll.u32 s21, $0x7  }
0x4b: {  	[tilespmem:s16], [sflag:$0x1] =	stream.linear.gather [hbm4b:s17+s2], $0x400, $0x38;
	[tilespmem:$0x18200] =	vst v63  }
0x4c: {  	s16 =	sadd.s32 $0x800, s16;
	s22 =	sand.u32 $0x1FFFFF80, s18  }
0x4d: {  	s23 =	sadd.s32 $0xFFFFFC00, s16;
	s17 =	sadd.s32 s3, s22  }
0x4e: {  	[tilespmem:s23], [sflag:$0x1] =	stream.linear.gather [hbm4b:s17+s2], $0x400, $0x38;
	[tilespmem:$0x18200] =	vst v63  }
0x4f: {  	s24 =	spop (v2sf)  }
0x50: {  	s25 =	sshll.u32 s24, $0x7  }
0x51: {  	s26 =	spop (v2sf);
	s17 =	sand.u32 $0x1FFFFF80, s25  }
0x52: {  	s18 =	sshll.u32 s26, $0x7;
	s17 =	sadd.s32 s3, s17  }
0x53: {  	[tilespmem:s16], [sflag:$0x1] =	stream.linear.gather [hbm4b:s17+s2], $0x400, $0x38;
	[tilespmem:$0x18200] =	vst v63  }
0x54: {  	s28 =	sand.u32 $0x1FFFFF80, s18;
	s16 =	sadd.s32 $0x800, s16  }
0x55: {  	p0 =	seq.s32 s14, $0x0;
	s29 =	sadd.s32 $0xFFFFFC00, s16;
	s17 =	sadd.s32 s3, s28  }
0x56: {  	[tilespmem:s29], [sflag:$0x1] =	stream.linear.gather [hbm4b:s17+s2], $0x400, $0x38;
	[tilespmem:$0x18200] =	vst v63  }
.Ltmp1:
0x57: {  	s30 =	spop (v2sf);
	(pc) =	sbr.rel @p0 .LBB2_8-.Ltmp1, $4  }
0x58: {  	s31 =	sshll.u32 s30, $0x7  }
0x59: {  	s17 =	sand.u32 $0x1FFFFF80, s31  }
0x5a: {  	s17 =	sadd.s32 s3, s17  }
0x5b: {  	[tilespmem:s16], [sflag:$0x1] =	stream.linear.gather [hbm4b:s17+s2], $0x400, $0x38;
	[tilespmem:$0x18200] =	vst v63  }
0x5c: {  	_ =	swait.ge [sflag:s9], $0x4000  }
0x5d: {  	[sflag:s9] =	ssyncset.done $0x0  }
0x5e: {  	[sflag:s9] =	ssyncadd.s32 $0xFFFFC000  }
0x5f: {  	v1 =	vld [tilespmem:s15+$0xFFFFFFF0];
	_ =	sdelay $0x3  }
0x60: {  	s16 =	simm.s32 $0x0  }
0x61: {  	v2 =	vmov s16;
	v1 =	vand.u32 $0x7, v1  }
0x62: {  	vm0 =	veq.s32 v2, v0;
	v1 =	vor.u32 $0x80000000, v1  }
0x63: {  	v2 =	vnsel vm0, $0x80000000, v1  }
0x64: {  	(xrf0) =	vmax.scan.msk.u32 $0xffff, v2;
	_ =	sdelay $0x5  }
0x65: {  	v2, _, _ =	vpop (xrf0)  }
0x66: {  	(v2sf) =	vpush v2, $0xF;
	_ =	sdelay $0xc  }
0x67: {  	s17 =	simm.s32 $0x1  }
0x68: {  	v3 =	vmov s17  }
0x69: {  	vm15 =	veq.s32 v3, v0;
	s31 =	spop (v2sf)  }
0x6a: {  	v3 =	vnsel vm15, $0x80000000, v1;
	s16 =	sshll.u32 s31, $0x9  }
0x6b: {  	(xrf0) =	vmax.scan.msk.u32 $0xffff, v3;
	s16 =	sshra.s32 s16, $0x2  }
0x6c: {  	s16 =	sadd.s32 $0x4630, s16  }
0x6d: {  	v2 =	vld [tilespmem:s16+$0xFFFFFBD0];
	_ =	sdelay $0x3  }
0x6e: {  	v3, _, _ =	vpop (xrf0)  }
0x6f: {  	(v2sf) =	vpush v3, $0xF;
	[tilespmem:s12+$0x0] =	vst v2  }
0x70: {  	v2 =	vld [tilespmem:s16+$0xFFFFFBE0];
	_ =	sdelay $0x4  }
0x71: {  	[tilespmem:s12+$0x10] =	vst v2  }
0x72: {  	v2 =	vld [tilespmem:s16+$0xFFFFFBF0];
	_ =	sdelay $0x4  }
0x73: {  	[tilespmem:s12+$0x20] =	vst v2  }
0x74: {  	s18 =	simm.s32 $0x2;
	v2 =	vld [tilespmem:s16+$0xFFFFFC00]  }
0x75: {  	s19 =	simm.s32 $0x4;
	s17 =	simm.s32 $0x4630;
	v3 =	vmov s18;
	s16 =	smov.u32 s12  }
.LBB2_6:
0x76: {  	p0 =	slt.u32 s19, $0xE;
	vm0 =	veq.s32 v3, v0;
	s20 =	spop (v2sf)  }
0x77: {  	v3 =	vnsel vm0, $0x80000000, v1;
	s20 =	sshll.u32 s20, $0x9  }
0x78: {  	(xrf0) =	vmax.scan.msk.u32 $0xffff, v3;
	s20 =	sshra.s32 s20, $0x2  }
0x79: {  	[tilespmem:s16+$0x30] =	vst v2;
	s20 =	sadd.s32 s20, s17  }
0x7a: {  	v2 =	vld [tilespmem:s20+$0xFFFFFFD0];
	_ =	sdelay $0x3  }
0x7b: {  	v3, _, _ =	vpop (xrf0)  }
0x7c: {  	(v2sf) =	vpush v3, $0xF;
	[tilespmem:s16+$0x80] =	vst v2  }
0x7d: {  	v2 =	vld [tilespmem:s20+$0xFFFFFFE0];
	_ =	sdelay $0x4  }
0x7e: {  	[tilespmem:s16+$0x90] =	vst v2  }
0x7f: {  	v2 =	vld [tilespmem:s20+$0xFFFFFFF0];
	_ =	sdelay $0x4  }
0x80: {  	[tilespmem:s16+$0xA0] =	vst v2  }
0x81: {  	s21 =	sadd.s32 $0x1, s18;
	s18 =	smov.u32 s19;
	v2 =	vld [tilespmem:s20+$0x0]  }
0x82: {  	v3 =	vmov s21  }
0x83: {  	vm0 =	veq.s32 v3, v0;
	s20 =	spop (v2sf)  }
0x84: {  	v3 =	vnsel vm0, $0x80000000, v1;
	s20 =	sshll.u32 s20, $0x9  }
0x85: {  	s17 =	sadd.s32 $0x800, s17;
	s20 =	sshra.s32 s20, $0x2;
	(xrf0) =	vmax.scan.msk.u32 $0xffff, v3  }
0x86: {  	s20 =	sadd.s32 s20, s17;
	[tilespmem:s16+$0xB0] =	vst v2  }
0x87: {  	v2 =	vld [tilespmem:s20+$0xFFFFFBD0];
	_ =	sdelay $0x3  }
0x88: {  	s16 =	sadd.s32 $0x100, s16;
	v3, _, _ =	vpop (xrf0)  }
0x89: {  	[tilespmem:s16+$0x0] =	vst v2;
	(v2sf) =	vpush v3, $0xF  }
0x8a: {  	v2 =	vld [tilespmem:s20+$0xFFFFFBE0];
	_ =	sdelay $0x4  }
0x8b: {  	[tilespmem:s16+$0x10] =	vst v2  }
0x8c: {  	v2 =	vld [tilespmem:s20+$0xFFFFFBF0];
	_ =	sdelay $0x2  }
.Ltmp2:
0x8d: {  	(pc) =	sbr.rel @p0 .LBB2_6-.Ltmp2, $4  }
0x8e: {  	_ = 	snop  }
0x8f: {  	[tilespmem:s16+$0x20] =	vst v2  }
0x90: {  	v2 =	vld [tilespmem:s20+$0xFFFFFC00]  }
0x91: {  	s19 =	sadd.s32 $0x2, s19;
	v3 =	vmov s18  }
0x92: {  	vm0 =	veq.s32 v3, v0;
	s19 =	spop (v2sf)  }
0x93: {  	v3 =	vnsel vm0, $0x80000000, v1;
	s19 =	sshll.u32 s19, $0x9  }
0x94: {  	(xrf0) =	vmax.scan.msk.u32 $0xffff, v3;
	s19 =	sshra.s32 s19, $0x2  }
0x95: {  	[tilespmem:s16+$0x30] =	vst v2;
	s19 =	sadd.s32 s19, s17  }
0x96: {  	v2 =	vld [tilespmem:s19+$0xFFFFFFD0];
	_ =	sdelay $0x3  }
0x97: {  	v3, _, _ =	vpop (xrf0)  }
0x98: {  	(v2sf) =	vpush v3, $0xF;
	[tilespmem:s16+$0x80] =	vst v2  }
0x99: {  	v2 =	vld [tilespmem:s19+$0xFFFFFFE0];
	_ =	sdelay $0x4  }
0x9a: {  	[tilespmem:s16+$0x90] =	vst v2  }
0x9b: {  	v2 =	vld [tilespmem:s19+$0xFFFFFFF0];
	_ =	sdelay $0x4  }
0x9c: {  	[tilespmem:s16+$0xA0] =	vst v2  }
0x9d: {  	s18 =	sadd.s32 $0x1, s18;
	v2 =	vld [tilespmem:s19+$0x0]  }
0x9e: {  	v3 =	vmov s18  }
0x9f: {  	vm15 =	veq.s32 v3, v0;
	s28 =	spop (v2sf)  }
0xa0: {  	v1 =	vnsel vm15, $0x80000000, v1;
	s18 =	sshll.u32 s28, $0x9  }
0xa1: {  	s29 =	sadd.s32 $0x800, s17;
	(xrf0) =	vmax.scan.msk.u32 $0xffff, v1;
	s18 =	sshra.s32 s18, $0x2  }
0xa2: {  	s18 =	sadd.s32 s18, s29;
	[tilespmem:s16+$0xB0] =	vst v2  }
0xa3: {  	v1 =	vld [tilespmem:s18+$0xFFFFFBD0];
	_ =	sdelay $0x3  }
0xa4: {  	s30 =	sadd.s32 $0x100, s16;
	v2, _, _ =	vpop (xrf0)  }
0xa5: {  	(v2sf) =	vpush v2, $0xF;
	[tilespmem:s30+$0x0] =	vst v1  }
0xa6: {  	v1 =	vld [tilespmem:s18+$0xFFFFFBE0];
	_ =	sdelay $0x4  }
0xa7: {  	[tilespmem:s30+$0x10] =	vst v1  }
0xa8: {  	v1 =	vld [tilespmem:s18+$0xFFFFFBF0];
	_ =	sdelay $0x4  }
0xa9: {  	[tilespmem:s30+$0x20] =	vst v1  }
0xaa: {  	v1 =	vld [tilespmem:s18+$0xFFFFFC00];
	_ =	sdelay $0x1  }
0xab: {  	s31 =	spop (v2sf)  }
0xac: {  	s18 =	sshll.u32 s31, $0x9  }
0xad: {  	s18 =	sshra.s32 s18, $0x2  }
0xae: {  	s17 =	sadd.s32 s18, s29;
	[tilespmem:s30+$0x30] =	vst v1  }
0xaf: {  	v1 =	vld [tilespmem:s17+$0xFFFFFFD0];
	_ =	sdelay $0x4  }
0xb0: {  	[tilespmem:s30+$0x80] =	vst v1  }
0xb1: {  	v1 =	vld [tilespmem:s17+$0xFFFFFFE0];
	_ =	sdelay $0x4  }
0xb2: {  	[tilespmem:s30+$0x90] =	vst v1  }
0xb3: {  	v1 =	vld [tilespmem:s17+$0xFFFFFFF0];
	_ =	sdelay $0x4  }
0xb4: {  	[tilespmem:s30+$0xA0] =	vst v1  }
0xb5: {  	v1 =	vld [tilespmem:s17+$0x0];
	_ =	sdelay $0x4  }
0xb6: {  	[tilespmem:s30+$0xB0] =	vst v1  }
.LBB2_8:
0xb7: {  	s16 =	sand.u32 $0x3FFFFFE0, s15  }
0xb8: {  	v1 =	vld [tilespmem:s16+$0x10];
	_ =	sdelay $0x3  }
0xb9: {  	s22 =	simm.s32 $0x0  }
0xba: {  	v2 =	vmov s22;
	v1 =	vshrl.u32 v1, $0x3  }
0xbb: {  	vm0 =	veq.s32 v2, v0;
	v1 =	vor.u32 $0x80000000, v1  }
0xbc: {  	s23 =	simm.s32 $0x1;
	v2 =	vnsel vm0, $0x80000000, v1  }
0xbd: {  	(xrf0) =	vmax.scan.msk.u32 $0xffff, v2;
	v2 =	vmov s23  }
0xbe: {  	vm8 =	veq.s32 v2, v0  }
0xbf: {  	v2 =	vnsel vm8, $0x80000000, v1  }
0xc0: {  	(xrf0) =	vmax.scan.msk.u32 $0xffff, v2;
	_ =	sdelay $0x4  }
0xc1: {  	v2, _, _ =	vpop (xrf0)  }
0xc2: {  	s24 =	simm.s32 $0x2;
	(v2sf) =	vpush v2, $0xF;
	v2, _, _ =	vpop (xrf0)  }
0xc3: {  	s25 =	simm.s32 $0x3;
	(v2sf) =	vpush v2, $0xF;
	v2 =	vmov s24  }
0xc4: {  	s17 =	simm.s32 $0x4;
	vm9 =	veq.s32 v2, v0;
	v2 =	vmov s25  }
0xc5: {  	s26 =	simm.s32 $0x5;
	v3 =	vnsel vm9, $0x80000000, v1;
	vm10 =	veq.s32 v2, v0;
	v2 =	vmov s17  }
0xc6: {  	s28 =	simm.s32 $0x6;
	(xrf0) =	vmax.scan.msk.u32 $0xffff, v3;
	vm11 =	veq.s32 v2, v0;
	v2 =	vmov s26  }
0xc7: {  	vm12 =	veq.s32 v2, v0;
	v2 =	vmov s28  }
0xc8: {  	v3 =	vnsel vm10, $0x80000000, v1;
	vm13 =	veq.s32 v2, v0  }
0xc9: {  	(xrf0) =	vmax.scan.msk.u32 $0xffff, v3;
	v3 =	vnsel vm11, $0x80000000, v1;
	v2 =	vnsel vm13, $0x80000000, v1  }
0xca: {  	(xrf0) =	vmax.scan.msk.u32 $0xffff, v3;
	v3 =	vnsel vm12, $0x80000000, v1  }
0xcb: {  	(xrf0) =	vmax.scan.msk.u32 $0xffff, v3  }
0xcc: {  	(xrf0) =	vmax.scan.msk.u32 $0xffff, v2;
	v2, _, _ =	vpop (xrf0)  }
0xcd: {  	s30 =	simm.s32 $0x7;
	(v2sf) =	vpush v2, $0xF  }
0xce: {  	v2 =	vmov s30  }
0xcf: {  	v3, _, _ =	vpop (xrf0);
	vm14 =	veq.s32 v2, v0  }
0xd0: {  	(v2sf) =	vpush v3, $0xF;
	v3 =	vnsel vm14, $0x80000000, v1  }
0xd1: {  	v4, _, _ =	vpop (xrf0)  }
0xd2: {  	s29 =	spop (v2sf);
	(v2sf) =	vpush v4, $0xF;
	v63, _, _ =	vpop (xrf0)  }
0xd3: {  	(xrf0) =	vmax.scan.msk.u32 $0xffff, v3;
	(v2sf) =	vpush v63, $0xF;
	v3, _, _ =	vpop (xrf0)  }
0xd4: {  	s19 =	spop (v2sf);
	(v2sf) =	vpush v3, $0xF;
	_ =	sdelay $0x2  }
0xd5: {  	s18 =	simm.s32 $0x8;
	s16 =	sshll.u32 s29, $0x7  }
0xd6: {  	v2 =	vmov s18;
	s16 =	sand.u32 $0x1FFFFF80, s16  }
0xd7: {  	s31 =	simm.s32 $0x4200;
	s17 =	simm.s32 $0xA;
	vm15 =	veq.s32 v2, v0;
	s16 =	sadd.s32 s3, s16  }
0xd8: {  	v2 =	vnsel vm15, $0x80000000, v1;
	[tilespmem:s31], [sflag:$0x2] =	stream.linear.gather [hbm4b:s16+s2], $0x400, $0x38;
	[tilespmem:$0x18200] =	vst v63  }
0xd9: {  	s18 =	simm.s32 $0x9;
	(xrf0) =	vmax.scan.msk.u32 $0xffff, v2;
	s16 =	simm.s32 $0x4600;
	s19 =	sshll.u32 s19, $0x7  }
.LBB2_9:
0xda: {  	p0 =	slt.u32 s17, $0xE;
	v2 =	vmov s18;
	s18 =	spop (v2sf);
	s19 =	sand.u32 $0x1FFFFF80, s19  }
0xdb: {  	vm0 =	veq.s32 v2, v0;
	s18 =	sshll.u32 s18, $0x7;
	s19 =	sadd.s32 s3, s19  }
0xdc: {  	[tilespmem:s16], [sflag:$0x2] =	stream.linear.gather [hbm4b:s19+s2], $0x400, $0x38;
	[tilespmem:$0x18200] =	vst v63  }
.Ltmp3:
0xdd: {  	v2 =	vnsel vm0, $0x80000000, v1;
	v3, _, _ =	vpop (xrf0);
	(pc) =	sbr.rel @p0 .LBB2_9-.Ltmp3, $4  }
0xde: {  	v4 =	vmov s17;
	s18 =	sand.u32 $0x1FFFFF80, s18;
	s16 =	sadd.s32 $0x800, s16;
	(xrf0) =	vmax.scan.msk.u32 $0xffff, v2;
	(v2sf) =	vpush v3, $0xF  }
0xdf: {  	vm0 =	veq.s32 v4, v0;
	s19 =	sadd.s32 $0xFFFFFC00, s16;
	s18 =	sadd.s32 s3, s18;
	s20 =	spop (v2sf)  }
0xe0: {  	v2 =	vnsel vm0, $0x80000000, v1;
	v3, _, _ =	vpop (xrf0);
	[tilespmem:s19], [sflag:$0x2] =	stream.linear.gather [hbm4b:s18+s2], $0x400, $0x38;
	[tilespmem:$0x18200] =	vst v63  }
0xe1: {  	s18 =	sadd.s32 $0x1, s17;
	s17 =	sadd.s32 $0x2, s17;
	s19 =	sshll.u32 s20, $0x7;
	(xrf0) =	vmax.scan.msk.u32 $0xffff, v2;
	(v2sf) =	vpush v3, $0xF  }
0xe2: {  	_ = 	snop  }
0xe3: {  	v2 =	vmov s18;
	s17 =	spop (v2sf);
	s20 =	sand.u32 $0x1FFFFF80, s19  }
0xe4: {  	s21 =	sadd.s32 $0x800, s16;
	vm0 =	veq.s32 v2, v0;
	s17 =	sshll.u32 s17, $0x7;
	s18 =	sadd.s32 s3, s20  }
0xe5: {  	v1 =	vnsel vm0, $0x80000000, v1;
	[tilespmem:s16], [sflag:$0x2] =	stream.linear.gather [hbm4b:s18+s2], $0x400, $0x38;
	[tilespmem:$0x18200] =	vst v63  }
0xe6: {  	s22 =	sadd.s32 $0xFFFFFC00, s21;
	s23 =	spop (v2sf);
	s17 =	sand.u32 $0x1FFFFF80, s17;
	v2, _, _ =	vpop (xrf0);
	(xrf0) =	vmax.scan.msk.u32 $0xffff, v1  }
0xe7: {  	s24 =	sshll.u32 s23, $0x7;
	s25 =	spop (v2sf);
	s17 =	sadd.s32 s3, s17;
	(v2sf) =	vpush v2, $0xF  }
0xe8: {  	[tilespmem:s22], [sflag:$0x2] =	stream.linear.gather [hbm4b:s17+s2], $0x400, $0x38;
	v1, _, _ =	vpop (xrf0);
	[tilespmem:$0x18200] =	vst v63  }
0xe9: {  	s18 =	sshll.u32 s25, $0x7;
	s17 =	sand.u32 $0x1FFFFF80, s24;
	(v2sf) =	vpush v1, $0xF  }
0xea: {  	s16 =	sadd.s32 $0x800, s21;
	s26 =	sand.u32 $0x1FFFFF80, s18;
	s17 =	sadd.s32 s3, s17  }
0xeb: {  	[tilespmem:s21], [sflag:$0x2] =	stream.linear.gather [hbm4b:s17+s2], $0x400, $0x38;
	[tilespmem:$0x18200] =	vst v63  }
0xec: {  	s28 =	sadd.s32 $0xFFFFFC00, s16;
	s17 =	sadd.s32 s3, s26;
	v1, _, _ =	vpop (xrf0)  }
0xed: {  	[tilespmem:s28], [sflag:$0x2] =	stream.linear.gather [hbm4b:s17+s2], $0x400, $0x38;
	(v2sf) =	vpush v1, $0xF;
	[tilespmem:$0x18200] =	vst v63  }
0xee: {  	s29 =	spop (v2sf)  }
0xef: {  	s30 =	sshll.u32 s29, $0x7  }
0xf0: {  	s17 =	sand.u32 $0x1FFFFF80, s30;
	s31 =	spop (v2sf)  }
0xf1: {  	s17 =	sadd.s32 s3, s17;
	s18 =	sshll.u32 s31, $0x7  }
0xf2: {  	[tilespmem:s16], [sflag:$0x2] =	stream.linear.gather [hbm4b:s17+s2], $0x400, $0x38;
	[tilespmem:$0x18200] =	vst v63  }
0xf3: {  	s16 =	sadd.s32 $0x800, s16;
	s19 =	sand.u32 $0x1FFFFF80, s18  }
0xf4: {  	s20 =	sadd.s32 $0xFFFFFC00, s16;
	s17 =	sadd.s32 s3, s19  }
0xf5: {  	[tilespmem:s20], [sflag:$0x2] =	stream.linear.gather [hbm4b:s17+s2], $0x400, $0x38;
	[tilespmem:$0x18200] =	vst v63  }
0xf6: {  	s21 =	spop (v2sf)  }
0xf7: {  	s22 =	sshll.u32 s21, $0x7  }
0xf8: {  	s23 =	spop (v2sf);
	s17 =	sand.u32 $0x1FFFFF80, s22  }
0xf9: {  	s18 =	sshll.u32 s23, $0x7;
	s17 =	sadd.s32 s3, s17  }
0xfa: {  	[tilespmem:s16], [sflag:$0x2] =	stream.linear.gather [hbm4b:s17+s2], $0x400, $0x38;
	[tilespmem:$0x18200] =	vst v63  }
0xfb: {  	s24 =	sand.u32 $0x1FFFFF80, s18;
	s16 =	sadd.s32 $0x800, s16  }
0xfc: {  	s25 =	sadd.s32 $0xFFFFFC00, s16;
	s17 =	sadd.s32 s3, s24;
	s26 =	spop (v2sf)  }
0xfd: {  	[tilespmem:s25], [sflag:$0x2] =	stream.linear.gather [hbm4b:s17+s2], $0x400, $0x38;
	[tilespmem:$0x18200] =	vst v63  }
0xfe: {  	s28 =	sshll.u32 s26, $0x7  }
0xff: {  	s17 =	sand.u32 $0x1FFFFF80, s28  }
0x100: {  	s17 =	sadd.s32 s3, s17  }
0x101: {  	[tilespmem:s16], [sflag:$0x2] =	stream.linear.gather [hbm4b:s17+s2], $0x400, $0x38;
	[tilespmem:$0x18200] =	vst v63  }
0x102: {  	_ =	swait.ge [sflag:s8], $0x4000  }
0x103: {  	[sflag:s8] =	ssyncset.done $0x0  }
0x104: {  	[sflag:s8] =	ssyncadd.s32 $0xFFFFC000  }
0x105: {  	v1 =	vld [tilespmem:s15+$0x0];
	_ =	sdelay $0x3  }
0x106: {  	s29 =	simm.s32 $0x0  }
0x107: {  	v2 =	vmov s29;
	v1 =	vand.u32 $0x7, v1  }
0x108: {  	vm14 =	veq.s32 v2, v0;
	v1 =	vor.u32 $0x80000000, v1  }
0x109: {  	v2 =	vnsel vm14, $0x80000000, v1  }
0x10a: {  	(xrf0) =	vmax.scan.msk.u32 $0xffff, v2;
	_ =	sdelay $0x5  }
0x10b: {  	v2, _, _ =	vpop (xrf0)  }
0x10c: {  	(v2sf) =	vpush v2, $0xF;
	_ =	sdelay $0xc  }
0x10d: {  	s31 =	simm.s32 $0x1  }
0x10e: {  	v3 =	vmov s31  }
0x10f: {  	vm15 =	veq.s32 v3, v0;
	s30 =	spop (v2sf)  }
0x110: {  	v3 =	vnsel vm15, $0x80000000, v1;
	s15 =	sshll.u32 s30, $0x9  }
0x111: {  	(xrf0) =	vmax.scan.msk.u32 $0xffff, v3;
	s15 =	sshra.s32 s15, $0x2  }
0x112: {  	s15 =	sadd.s32 $0x630, s15  }
0x113: {  	v2 =	vld [tilespmem:s15+$0xFFFFFBD0];
	_ =	sdelay $0x3  }
0x114: {  	v3, _, _ =	vpop (xrf0)  }
0x115: {  	(v2sf) =	vpush v3, $0xF;
	[tilespmem:s13+$0xFFFFFF80] =	vst v2  }
0x116: {  	v2 =	vld [tilespmem:s15+$0xFFFFFBE0];
	_ =	sdelay $0x4  }
0x117: {  	[tilespmem:s13+$0xFFFFFF90] =	vst v2  }
0x118: {  	v2 =	vld [tilespmem:s15+$0xFFFFFBF0];
	_ =	sdelay $0x4  }
0x119: {  	[tilespmem:s13+$0xFFFFFFA0] =	vst v2  }
0x11a: {  	s17 =	simm.s32 $0x2;
	v2 =	vld [tilespmem:s15+$0xFFFFFC00]  }
0x11b: {  	s18 =	simm.s32 $0x4;
	s16 =	simm.s32 $0x630;
	v3 =	vmov s17;
	s15 =	smov.u32 s13  }
.LBB2_11:
0x11c: {  	p0 =	slt.u32 s18, $0xE;
	vm0 =	veq.s32 v3, v0;
	s19 =	spop (v2sf)  }
0x11d: {  	v3 =	vnsel vm0, $0x80000000, v1;
	s19 =	sshll.u32 s19, $0x9  }
0x11e: {  	(xrf0) =	vmax.scan.msk.u32 $0xffff, v3;
	s19 =	sshra.s32 s19, $0x2  }
0x11f: {  	[tilespmem:s15+$0xFFFFFFB0] =	vst v2;
	s19 =	sadd.s32 s19, s16  }
0x120: {  	v2 =	vld [tilespmem:s19+$0xFFFFFFD0];
	_ =	sdelay $0x3  }
0x121: {  	v3, _, _ =	vpop (xrf0)  }
0x122: {  	(v2sf) =	vpush v3, $0xF;
	[tilespmem:s15+$0x0] =	vst v2  }
0x123: {  	v2 =	vld [tilespmem:s19+$0xFFFFFFE0];
	_ =	sdelay $0x4  }
0x124: {  	[tilespmem:s15+$0x10] =	vst v2  }
0x125: {  	v2 =	vld [tilespmem:s19+$0xFFFFFFF0];
	_ =	sdelay $0x4  }
0x126: {  	[tilespmem:s15+$0x20] =	vst v2  }
0x127: {  	s20 =	sadd.s32 $0x1, s17;
	s17 =	smov.u32 s18;
	v2 =	vld [tilespmem:s19+$0x0]  }
0x128: {  	v3 =	vmov s20  }
0x129: {  	vm0 =	veq.s32 v3, v0;
	s19 =	spop (v2sf)  }
0x12a: {  	v3 =	vnsel vm0, $0x80000000, v1;
	s19 =	sshll.u32 s19, $0x9  }
0x12b: {  	s16 =	sadd.s32 $0x800, s16;
	s19 =	sshra.s32 s19, $0x2;
	(xrf0) =	vmax.scan.msk.u32 $0xffff, v3  }
0x12c: {  	s19 =	sadd.s32 s19, s16;
	[tilespmem:s15+$0x30] =	vst v2  }
0x12d: {  	v2 =	vld [tilespmem:s19+$0xFFFFFBD0];
	_ =	sdelay $0x3  }
0x12e: {  	s15 =	sadd.s32 $0x100, s15;
	v3, _, _ =	vpop (xrf0)  }
0x12f: {  	[tilespmem:s15+$0xFFFFFF80] =	vst v2;
	(v2sf) =	vpush v3, $0xF  }
0x130: {  	v2 =	vld [tilespmem:s19+$0xFFFFFBE0];
	_ =	sdelay $0x4  }
0x131: {  	[tilespmem:s15+$0xFFFFFF90] =	vst v2  }
0x132: {  	v2 =	vld [tilespmem:s19+$0xFFFFFBF0];
	_ =	sdelay $0x2  }
.Ltmp4:
0x133: {  	(pc) =	sbr.rel @p0 .LBB2_11-.Ltmp4, $4  }
0x134: {  	_ = 	snop  }
0x135: {  	[tilespmem:s15+$0xFFFFFFA0] =	vst v2  }
0x136: {  	v2 =	vld [tilespmem:s19+$0xFFFFFC00]  }
0x137: {  	s18 =	sadd.s32 $0x2, s18;
	v3 =	vmov s17  }
0x138: {  	vm0 =	veq.s32 v3, v0;
	s18 =	spop (v2sf)  }
0x139: {  	v3 =	vnsel vm0, $0x80000000, v1;
	s18 =	sshll.u32 s18, $0x9  }
0x13a: {  	(xrf0) =	vmax.scan.msk.u32 $0xffff, v3;
	s18 =	sshra.s32 s18, $0x2  }
0x13b: {  	[tilespmem:s15+$0xFFFFFFB0] =	vst v2;
	s18 =	sadd.s32 s18, s16  }
0x13c: {  	v2 =	vld [tilespmem:s18+$0xFFFFFFD0];
	_ =	sdelay $0x3  }
0x13d: {  	v3, _, _ =	vpop (xrf0)  }
0x13e: {  	(v2sf) =	vpush v3, $0xF;
	[tilespmem:s15+$0x0] =	vst v2  }
0x13f: {  	v2 =	vld [tilespmem:s18+$0xFFFFFFE0];
	_ =	sdelay $0x4  }
0x140: {  	[tilespmem:s15+$0x10] =	vst v2  }
0x141: {  	v2 =	vld [tilespmem:s18+$0xFFFFFFF0];
	_ =	sdelay $0x4  }
0x142: {  	[tilespmem:s15+$0x20] =	vst v2  }
0x143: {  	s17 =	sadd.s32 $0x1, s17;
	v2 =	vld [tilespmem:s18+$0x0]  }
0x144: {  	v3 =	vmov s17  }
0x145: {  	vm15 =	veq.s32 v3, v0;
	s28 =	spop (v2sf)  }
0x146: {  	v1 =	vnsel vm15, $0x80000000, v1;
	s17 =	sshll.u32 s28, $0x9  }
0x147: {  	s29 =	sadd.s32 $0x800, s16;
	(xrf0) =	vmax.scan.msk.u32 $0xffff, v1;
	s17 =	sshra.s32 s17, $0x2  }
0x148: {  	s17 =	sadd.s32 s17, s29;
	[tilespmem:s15+$0x30] =	vst v2  }
0x149: {  	v1 =	vld [tilespmem:s17+$0xFFFFFBD0];
	_ =	sdelay $0x3  }
0x14a: {  	s30 =	sadd.s32 $0x100, s15;
	v2, _, _ =	vpop (xrf0)  }
0x14b: {  	(v2sf) =	vpush v2, $0xF;
	[tilespmem:s30+$0xFFFFFF80] =	vst v1  }
0x14c: {  	v1 =	vld [tilespmem:s17+$0xFFFFFBE0];
	_ =	sdelay $0x4  }
0x14d: {  	[tilespmem:s30+$0xFFFFFF90] =	vst v1  }
0x14e: {  	v1 =	vld [tilespmem:s17+$0xFFFFFBF0];
	_ =	sdelay $0x4  }
0x14f: {  	[tilespmem:s30+$0xFFFFFFA0] =	vst v1  }
0x150: {  	v1 =	vld [tilespmem:s17+$0xFFFFFC00];
	_ =	sdelay $0x1  }
0x151: {  	s31 =	spop (v2sf)  }
0x152: {  	s17 =	sshll.u32 s31, $0x9  }
0x153: {  	s17 =	sshra.s32 s17, $0x2  }
0x154: {  	s16 =	sadd.s32 s17, s29;
	[tilespmem:s30+$0xFFFFFFB0] =	vst v1  }
0x155: {  	v1 =	vld [tilespmem:s16+$0xFFFFFFD0];
	_ =	sdelay $0x4  }
0x156: {  	[tilespmem:s30+$0x0] =	vst v1  }
0x157: {  	v1 =	vld [tilespmem:s16+$0xFFFFFFE0];
	_ =	sdelay $0x4  }
0x158: {  	[tilespmem:s30+$0x10] =	vst v1  }
0x159: {  	v1 =	vld [tilespmem:s16+$0xFFFFFFF0];
	_ =	sdelay $0x4  }
0x15a: {  	s14 =	sadd.s32 $0x1, s14;
	[tilespmem:s30+$0x20] =	vst v1  }
0x15b: {  	p0 =	sne.s32 s14, $0x10;
	v1 =	vld [tilespmem:s16+$0x0]  }
.Ltmp5:
0x15c: {  	_ = 	snop;
	(pc) =	sbr.rel @p0 .LBB2_2-.Ltmp5, $2  }
0x15d: {  	_ =	sdelay $0x2  }
0x15e: {  	s12 =	sadd.s32 $0x1000, s12;
	s13 =	sadd.s32 $0x1000, s13;
	[tilespmem:s30+$0x30] =	vst v1  }
0x15f: {  	_ =	swait.ge [sflag:s9], $0x4000  }
0x160: {  	[sflag:s9] =	ssyncset.done $0x0  }
0x161: {  	[sflag:s9] =	ssyncadd.s32 $0xFFFFC000  }
0x162: {  	v1 =	vld [tilespmem:$0x1F0];
	_ =	sdelay $0x3  }
0x163: {  	s12 =	simm.s32 $0x0  }
0x164: {  	v2 =	vmov s12;
	v1 =	vand.u32 $0x7, v1  }
0x165: {  	vm0 =	veq.s32 v2, v0;
	v1 =	vor.u32 $0x80000000, v1  }
0x166: {  	v2 =	vnsel vm0, $0x80000000, v1  }
0x167: {  	(xrf0) =	vmax.scan.msk.u32 $0xffff, v2;
	_ =	sdelay $0x5  }
0x168: {  	v2, _, _ =	vpop (xrf0)  }
0x169: {  	(v2sf) =	vpush v2, $0xF;
	_ =	sdelay $0xc  }
0x16a: {  	s13 =	simm.s32 $0x1  }
0x16b: {  	v3 =	vmov s13  }
0x16c: {  	vm15 =	veq.s32 v3, v0;
	s31 =	spop (v2sf)  }
0x16d: {  	v3 =	vnsel vm15, $0x80000000, v1;
	s12 =	sshll.u32 s31, $0x9  }
0x16e: {  	(xrf0) =	vmax.scan.msk.u32 $0xffff, v3;
	s12 =	sshra.s32 s12, $0x2  }
0x16f: {  	s15 =	sadd.s32 $0x4630, s12  }
0x170: {  	v2 =	vld [tilespmem:s15+$0xFFFFFBD0];
	_ =	sdelay $0x3  }
0x171: {  	v3, _, _ =	vpop (xrf0);
	s12 =	simm.s32 $0x17A00  }
0x172: {  	(v2sf) =	vpush v3, $0xF;
	[tilespmem:s12+$0x0] =	vst v2  }
0x173: {  	v2 =	vld [tilespmem:s15+$0xFFFFFBE0];
	_ =	sdelay $0x4  }
0x174: {  	[tilespmem:s12+$0x10] =	vst v2  }
0x175: {  	v2 =	vld [tilespmem:s15+$0xFFFFFBF0];
	_ =	sdelay $0x4  }
0x176: {  	[tilespmem:s12+$0x20] =	vst v2  }
0x177: {  	s14 =	simm.s32 $0x2;
	v2 =	vld [tilespmem:s15+$0xFFFFFC00]  }
0x178: {  	s13 =	simm.s32 $0x4630;
	v3 =	vmov s14;
	s15 =	simm.s32 $0x4  }
.LBB2_14:
0x179: {  	p0 =	slt.u32 s15, $0xE;
	vm0 =	veq.s32 v3, v0;
	s16 =	spop (v2sf)  }
0x17a: {  	v3 =	vnsel vm0, $0x80000000, v1;
	s16 =	sshll.u32 s16, $0x9  }
0x17b: {  	(xrf0) =	vmax.scan.msk.u32 $0xffff, v3;
	s16 =	sshra.s32 s16, $0x2  }
0x17c: {  	[tilespmem:s12+$0x30] =	vst v2;
	s16 =	sadd.s32 s16, s13  }
0x17d: {  	v2 =	vld [tilespmem:s16+$0xFFFFFFD0];
	_ =	sdelay $0x3  }
0x17e: {  	v3, _, _ =	vpop (xrf0)  }
0x17f: {  	(v2sf) =	vpush v3, $0xF;
	[tilespmem:s12+$0x80] =	vst v2  }
0x180: {  	v2 =	vld [tilespmem:s16+$0xFFFFFFE0];
	_ =	sdelay $0x4  }
0x181: {  	[tilespmem:s12+$0x90] =	vst v2  }
0x182: {  	v2 =	vld [tilespmem:s16+$0xFFFFFFF0];
	_ =	sdelay $0x4  }
0x183: {  	[tilespmem:s12+$0xA0] =	vst v2  }
0x184: {  	s17 =	sadd.s32 $0x1, s14;
	s14 =	smov.u32 s15;
	v2 =	vld [tilespmem:s16+$0x0]  }
0x185: {  	v3 =	vmov s17  }
0x186: {  	vm0 =	veq.s32 v3, v0;
	s16 =	spop (v2sf)  }
0x187: {  	v3 =	vnsel vm0, $0x80000000, v1;
	s16 =	sshll.u32 s16, $0x9  }
0x188: {  	s13 =	sadd.s32 $0x800, s13;
	s16 =	sshra.s32 s16, $0x2;
	(xrf0) =	vmax.scan.msk.u32 $0xffff, v3  }
0x189: {  	s16 =	sadd.s32 s16, s13;
	[tilespmem:s12+$0xB0] =	vst v2  }
0x18a: {  	v2 =	vld [tilespmem:s16+$0xFFFFFBD0];
	_ =	sdelay $0x3  }
0x18b: {  	s12 =	sadd.s32 $0x100, s12;
	v3, _, _ =	vpop (xrf0)  }
0x18c: {  	[tilespmem:s12+$0x0] =	vst v2;
	(v2sf) =	vpush v3, $0xF  }
0x18d: {  	v2 =	vld [tilespmem:s16+$0xFFFFFBE0];
	_ =	sdelay $0x4  }
0x18e: {  	[tilespmem:s12+$0x10] =	vst v2  }
0x18f: {  	v2 =	vld [tilespmem:s16+$0xFFFFFBF0];
	_ =	sdelay $0x2  }
.Ltmp6:
0x190: {  	(pc) =	sbr.rel @p0 .LBB2_14-.Ltmp6, $4  }
0x191: {  	_ = 	snop  }
0x192: {  	[tilespmem:s12+$0x20] =	vst v2  }
0x193: {  	v2 =	vld [tilespmem:s16+$0xFFFFFC00]  }
0x194: {  	s15 =	sadd.s32 $0x2, s15;
	v3 =	vmov s14  }
0x195: {  	vm0 =	veq.s32 v3, v0;
	s15 =	spop (v2sf)  }
0x196: {  	v3 =	vnsel vm0, $0x80000000, v1;
	s15 =	sshll.u32 s15, $0x9  }
0x197: {  	(xrf0) =	vmax.scan.msk.u32 $0xffff, v3;
	s15 =	sshra.s32 s15, $0x2  }
0x198: {  	[tilespmem:s12+$0x30] =	vst v2;
	s15 =	sadd.s32 s15, s13  }
0x199: {  	v2 =	vld [tilespmem:s15+$0xFFFFFFD0];
	_ =	sdelay $0x3  }
0x19a: {  	v3, _, _ =	vpop (xrf0)  }
0x19b: {  	(v2sf) =	vpush v3, $0xF;
	[tilespmem:s12+$0x80] =	vst v2  }
0x19c: {  	v2 =	vld [tilespmem:s15+$0xFFFFFFE0];
	_ =	sdelay $0x4  }
0x19d: {  	[tilespmem:s12+$0x90] =	vst v2  }
0x19e: {  	v2 =	vld [tilespmem:s15+$0xFFFFFFF0];
	_ =	sdelay $0x4  }
0x19f: {  	[tilespmem:s12+$0xA0] =	vst v2  }
0x1a0: {  	s14 =	sadd.s32 $0x1, s14;
	v2 =	vld [tilespmem:s15+$0x0]  }
0x1a1: {  	v3 =	vmov s14  }
0x1a2: {  	vm15 =	veq.s32 v3, v0;
	s28 =	spop (v2sf)  }
0x1a3: {  	v1 =	vnsel vm15, $0x80000000, v1;
	s14 =	sshll.u32 s28, $0x9  }
0x1a4: {  	s29 =	sadd.s32 $0x800, s13;
	(xrf0) =	vmax.scan.msk.u32 $0xffff, v1;
	s14 =	sshra.s32 s14, $0x2  }
0x1a5: {  	s14 =	sadd.s32 s14, s29;
	[tilespmem:s12+$0xB0] =	vst v2  }
0x1a6: {  	v1 =	vld [tilespmem:s14+$0xFFFFFBD0];
	_ =	sdelay $0x3  }
0x1a7: {  	s30 =	sadd.s32 $0x100, s12;
	v2, _, _ =	vpop (xrf0)  }
0x1a8: {  	(v2sf) =	vpush v2, $0xF;
	[tilespmem:s30+$0x0] =	vst v1  }
0x1a9: {  	v1 =	vld [tilespmem:s14+$0xFFFFFBE0];
	_ =	sdelay $0x4  }
0x1aa: {  	[tilespmem:s30+$0x10] =	vst v1  }
0x1ab: {  	v1 =	vld [tilespmem:s14+$0xFFFFFBF0];
	_ =	sdelay $0x4  }
0x1ac: {  	[tilespmem:s30+$0x20] =	vst v1  }
0x1ad: {  	v1 =	vld [tilespmem:s14+$0xFFFFFC00];
	_ =	sdelay $0x1  }
0x1ae: {  	s31 =	spop (v2sf)  }
0x1af: {  	s14 =	sshll.u32 s31, $0x9  }
0x1b0: {  	s14 =	sshra.s32 s14, $0x2  }
0x1b1: {  	s13 =	sadd.s32 s14, s29;
	[tilespmem:s30+$0x30] =	vst v1  }
0x1b2: {  	v1 =	vld [tilespmem:s13+$0xFFFFFFD0];
	_ =	sdelay $0x4  }
0x1b3: {  	[tilespmem:s30+$0x80] =	vst v1  }
0x1b4: {  	v1 =	vld [tilespmem:s13+$0xFFFFFFE0];
	_ =	sdelay $0x4  }
0x1b5: {  	[tilespmem:s30+$0x90] =	vst v1  }
0x1b6: {  	v1 =	vld [tilespmem:s13+$0xFFFFFFF0];
	_ =	sdelay $0x4  }
0x1b7: {  	[tilespmem:s30+$0xA0] =	vst v1  }
0x1b8: {  	v1 =	vld [tilespmem:s13+$0x0];
	_ =	sdelay $0x2  }
0x1b9: {  	s11 =	sadd.s32 $0x1, s11  }
0x1ba: {  	p0 =	sne.s32 s11, s6  }
.Ltmp7:
0x1bb: {  	[tilespmem:s30+$0xB0] =	vst v1;
	(pc) =	sbr.rel @p0 .LBB2_1-.Ltmp7, $4  }
0x1bc: {  	[hbm4b:s5+s2] =	stream.linear.scatter [tilespmem:s10], [sflag:$0x3], $0x10000, $0x38;
	[tilespmem:$0x18200] =	vst v63  }
0x1bd: {  	_ =	swait.ge [sflag:s7], $0x10000  }
0x1be: {  	[sflag:s7] =	ssyncset.done $0x0  }
0x1bf: {  	[sflag:s7] =	ssyncadd.s32 $0xFFFF0000  }
0x1c0: {  	_ =	sfence.sel $0x180000  }
0x1c1: {  	[bflag:$0x0] =	sbarrier.arrive $0xFFFF  }
0x1c2: {  	p0 =	sne.s32 s1, $0x0;
	_ =	strace $0x9000004A  }
0x1c3: {  	s0 =	sadd.s32 @!p0 $0x100000, s0;
	[bflag:$0x2] =	sbarrier.arrive $0xFFFF  }
0x1c4: {  	[sflag:s0] =	ssyncadd.tile.s32 @!p0 $0x1;
	_ =	shalt  }
.Lfunc_end2:
_tile_overlayer_lowered:
.L_overlay_start_2:
0x1c5: {  	(tag) =	ssettag $0x2  }
0x1c6: {  	s0 =	rddreg [dreg:$0x0];
	s2 =	stileid.u32  }
0x1c7: {  	s1 =	rddreg [dreg:$0x1];
	p0 =	sne.s32 s2, $0x0  }
0x1c8: {  	s3 =	rddreg [dreg:$0x2];
	[bflag:$0x3] =	sbarrier.arrive $0xFFFF;
	s2 =	simm.s32 @!p0 $0x1C03  }
0x1c9: {  	[timem:s3], [sflag:s2] =	dma.local @!p0 [hbm:s0], s1  }
0x1ca: {  	s0 =	simm.s32 @!p0 $0x3  }
0x1cb: {  	_ =	swait.ge @!p0 [sflag:s0], s1  }
0x1cc: {  	s1 =	ssub.s32 @!p0 $0x0, s1;
	[sflag:s0] =	ssyncset.done @!p0 $0x0  }
0x1cd: {  	[sflag:s0] =	ssyncadd.s32 @!p0 s1  }
0x1ce: {  	[bflag:$0x3] =	sbarrier.arrive $0xFFFF  }
0x1cf: {  	_ =	shalt  }

</sc_bundles>
